<compile_context>
chip_gen: v7x
topology: tpu7x:2x2x1
jax: 0.10.2.dev20260603
libtpu: 0.0.44.dev20260713+nightly
codegen_flags: <defaults>
</compile_context>

<pallas_src>
import functools

import jax
import jax.numpy as jnp
from jax import lax
from jax.experimental import pallas as pl
from jax.experimental.pallas import tpu as pltpu
from jax.experimental.pallas import tpu_sc as plsc

N = 10000
E = 320000
NC = 2
NS = 16
NW = NC * NS
CH = 128
NROW = E // CH
CPW = NROW // NW
BLK = 6
NBLK = CPW // BLK
XTRA = NROW - NW * CPW
RA = 624
RB = N - (NS - 1) * RA
W = 48

_MESH = plsc.VectorSubcoreMesh(core_axis_name="c", subcore_axis_name="s")


def _sc_degrees(src2d, dst2d, zeros1):

    @functools.partial(
        pl.kernel,
        out_type=(
            jax.ShapeDtypeStruct((NC * N,), jnp.float32),
            jax.ShapeDtypeStruct((NC * N,), jnp.float32),
        ),
        mesh=_MESH,
        scratch_types=[
            pltpu.VMEM((BLK, CH), jnp.int32),
            pltpu.VMEM((BLK, CH), jnp.int32),
            pltpu.VMEM((CH,), jnp.float32),
            pltpu.VMEM((RB,), jnp.float32),
            pltpu.VMEM_SHARED((N,), jnp.float32),
            pltpu.VMEM_SHARED((N,), jnp.float32),
            pltpu.SemaphoreType.DMA,
            pltpu.SemaphoreType.DMA,
        ],
        compiler_params=pltpu.CompilerParams(use_tc_tiling_on_sc=False),
    )
    def k(src_hbm, dst_hbm, z_hbm, odeg_hbm, ideg_hbm,
          sidx, didx, ones_v, zv, oacc, iacc, semA, semB):
        cid = lax.axis_index("c")
        sid = lax.axis_index("s")
        wid = sid * NC + cid

        for j in range(CH // 16):
            ones_v[pl.ds(j * 16, 16)] = jnp.ones((16,), jnp.float32)

        pltpu.sync_copy(z_hbm, zv)

        @pl.when(sid < NS - 1)
        def _():
            pltpu.sync_copy(zv.at[pl.ds(0, RA)], oacc.at[pl.ds(sid * RA, RA)])
            pltpu.sync_copy(zv.at[pl.ds(0, RA)], iacc.at[pl.ds(sid * RA, RA)])

        @pl.when(sid == NS - 1)
        def _():
            pltpu.sync_copy(zv, oacc.at[pl.ds((NS - 1) * RA, RB)])
            pltpu.sync_copy(zv, iacc.at[pl.ds((NS - 1) * RA, RB)])

        plsc.subcore_barrier()

        c0 = wid * CPW

        def body(b, carry):
            @pl.when(b > 0)
            def _():
                pltpu.make_async_copy(ones_v, oacc.at[sidx.at[BLK - 1]], semA).wait()
                pltpu.make_async_copy(ones_v, iacc.at[didx.at[BLK - 1]], semB).wait()

            pltpu.sync_copy(src_hbm.at[pl.ds(c0 + b * BLK, BLK)], sidx)
            pltpu.sync_copy(dst_hbm.at[pl.ds(c0 + b * BLK, BLK)], didx)
            descs = {}
            for kk in range(BLK):
                if kk >= 1:
                    descs[kk - 1][0].wait()
                    descs[kk - 1][1].wait()
                descs[kk] = (
                    pltpu.async_copy(ones_v, oacc.at[sidx.at[kk]], semA, add=True),
                    pltpu.async_copy(ones_v, iacc.at[didx.at[kk]], semB, add=True),
                )
            return carry

        lax.fori_loop(0, NBLK, body, 0)
        pltpu.make_async_copy(ones_v, oacc.at[sidx.at[BLK - 1]], semA).wait()
        pltpu.make_async_copy(ones_v, iacc.at[didx.at[BLK - 1]], semB).wait()

        @pl.when(wid < XTRA)
        def _():
            pltpu.sync_copy(src_hbm.at[pl.ds(NW * CPW + wid, 1)], sidx.at[pl.ds(0, 1)])
            pltpu.sync_copy(dst_hbm.at[pl.ds(NW * CPW + wid, 1)], didx.at[pl.ds(0, 1)])
            pltpu.sync_copy(ones_v, oacc.at[sidx.at[0]], add=True)
            pltpu.sync_copy(ones_v, iacc.at[didx.at[0]], add=True)

        plsc.subcore_barrier()

        @pl.when(sid < NS - 1)
        def _():
            pltpu.sync_copy(oacc.at[pl.ds(sid * RA, RA)], zv.at[pl.ds(0, RA)])
            pltpu.sync_copy(zv.at[pl.ds(0, RA)], odeg_hbm.at[pl.ds(cid * N + sid * RA, RA)])
            pltpu.sync_copy(iacc.at[pl.ds(sid * RA, RA)], zv.at[pl.ds(0, RA)])
            pltpu.sync_copy(zv.at[pl.ds(0, RA)], ideg_hbm.at[pl.ds(cid * N + sid * RA, RA)])

        @pl.when(sid == NS - 1)
        def _():
            pltpu.sync_copy(oacc.at[pl.ds((NS - 1) * RA, RB)], zv)
            pltpu.sync_copy(zv, odeg_hbm.at[pl.ds(cid * N + (NS - 1) * RA, RB)])
            pltpu.sync_copy(iacc.at[pl.ds((NS - 1) * RA, RB)], zv)
            pltpu.sync_copy(zv, ideg_hbm.at[pl.ds(cid * N + (NS - 1) * RA, RB)])

    return k(src2d, dst2d, zeros1)


def _sc_edge_agg(table, src2d, dst2d, zeros2, d):

    @functools.partial(
        pl.kernel,
        out_type=jax.ShapeDtypeStruct((NC * N, d), jnp.float32),
        mesh=_MESH,
        scratch_types=[
            pltpu.VMEM((BLK, CH), jnp.int32),
            pltpu.VMEM((BLK, CH), jnp.int32),
            pltpu.VMEM((CH, d), jnp.float32),
            pltpu.VMEM((CH, d), jnp.float32),
            pltpu.VMEM((CH, d), jnp.float32),
            pltpu.VMEM_SHARED((N, d), jnp.float32),
            pltpu.SemaphoreType.DMA,
            pltpu.SemaphoreType.DMA,
            pltpu.SemaphoreType.DMA,
            pltpu.SemaphoreType.DMA,
            pltpu.SemaphoreType.DMA,
            pltpu.SemaphoreType.DMA,
        ],
        compiler_params=pltpu.CompilerParams(use_tc_tiling_on_sc=False),
    )
    def k(tab_hbm, src_hbm, dst_hbm, z_hbm, out_hbm,
          sidx, didx, rows0, rows1, rows2, acc,
          semG0, semG1, semG2, semS0, semS1, semS2):
        cid = lax.axis_index("c")
        sid = lax.axis_index("s")
        wid = sid * NC + cid
        rows = [rows0, rows1, rows2]
        semG = [semG0, semG1, semG2]
        semS = [semS0, semS1, semS2]

        pltpu.sync_copy(z_hbm, rows0)

        @pl.when(sid < NS - 1)
        def _():
            for j in range(4):
                pltpu.sync_copy(rows0, acc.at[pl.ds(sid * RA + j * CH, CH)])
            pltpu.sync_copy(rows0.at[pl.ds(0, RA - 4 * CH)],
                            acc.at[pl.ds(sid * RA + 4 * CH, RA - 4 * CH)])

        @pl.when(sid == NS - 1)
        def _():
            for j in range(5):
                pltpu.sync_copy(rows0, acc.at[pl.ds((NS - 1) * RA + j * CH, CH)])

        plsc.subcore_barrier()

        c0 = wid * CPW

        def body(b, carry):
            @pl.when(b > 0)
            def _():
                pltpu.make_async_copy(
                    rows[(BLK - 1) % 3], acc.at[didx.at[BLK - 1]], semS[(BLK - 1) % 3]).wait()

            pltpu.sync_copy(src_hbm.at[pl.ds(c0 + b * BLK, BLK)], sidx)
            pltpu.sync_copy(dst_hbm.at[pl.ds(c0 + b * BLK, BLK)], didx)
            descG = {}
            descS = {}
            for g in range(2):
                descG[g] = pltpu.async_copy(tab_hbm.at[sidx.at[g]], rows[g], semG[g])
            for kk in range(BLK):
                if kk >= 1:
                    descS[kk - 1].wait()
                if kk + 2 < BLK:
                    descG[kk + 2] = pltpu.async_copy(
                        tab_hbm.at[sidx.at[kk + 2]], rows[(kk + 2) % 3], semG[(kk + 2) % 3])
                descG[kk].wait()
                descS[kk] = pltpu.async_copy(
                    rows[kk % 3], acc.at[didx.at[kk]], semS[kk % 3], add=True)
            return carry

        lax.fori_loop(0, NBLK, body, 0)
        pltpu.make_async_copy(
            rows[(BLK - 1) % 3], acc.at[didx.at[BLK - 1]], semS[(BLK - 1) % 3]).wait()

        @pl.when(wid < XTRA)
        def _():
            pltpu.sync_copy(src_hbm.at[pl.ds(NW * CPW + wid, 1)], sidx.at[pl.ds(0, 1)])
            pltpu.sync_copy(dst_hbm.at[pl.ds(NW * CPW + wid, 1)], didx.at[pl.ds(0, 1)])
            pltpu.async_copy(tab_hbm.at[sidx.at[0]], rows0, semG0).wait()
            pltpu.sync_copy(rows0, acc.at[didx.at[0]], add=True)

        plsc.subcore_barrier()

        @pl.when(sid < NS - 1)
        def _():
            for j in range(4):
                pltpu.sync_copy(acc.at[pl.ds(sid * RA + j * CH, CH)], rows0)
                pltpu.sync_copy(rows0, out_hbm.at[pl.ds(cid * N + sid * RA + j * CH, CH)])
            pltpu.sync_copy(acc.at[pl.ds(sid * RA + 4 * CH, RA - 4 * CH)],
                            rows0.at[pl.ds(0, RA - 4 * CH)])
            pltpu.sync_copy(rows0.at[pl.ds(0, RA - 4 * CH)],
                            out_hbm.at[pl.ds(cid * N + sid * RA + 4 * CH, RA - 4 * CH)])

        @pl.when(sid == NS - 1)
        def _():
            for j in range(5):
                pltpu.sync_copy(acc.at[pl.ds((NS - 1) * RA + j * CH, CH)], rows0)
                pltpu.sync_copy(rows0, out_hbm.at[pl.ds(cid * N + (NS - 1) * RA + j * CH, CH)])

    return k(table, src2d, dst2d, zeros2)


_R = 2000


def _tc_prep(features, w1, od, idg):

    def body(x_ref, w_ref, od_ref, id_ref, hs_ref, ns_ref, nd_ref):
        ns = 1.0 / jnp.sqrt(jnp.maximum(od_ref[0] + od_ref[1], 1.0))
        nd = 1.0 / jnp.sqrt(jnp.maximum(id_ref[0] + id_ref[1], 1.0))
        ns_ref[...] = ns
        nd_ref[...] = nd
        hs_ref[...] = jnp.dot(x_ref[...] * ns, w_ref[...],
                              preferred_element_type=jnp.float32)

    return pl.pallas_call(
        body,
        grid=(N // _R,),
        in_specs=[
            pl.BlockSpec((_R, 128), lambda i: (i, 0)),
            pl.BlockSpec((128, 128), lambda i: (0, 0)),
            pl.BlockSpec((NC, _R, 1), lambda i: (0, i, 0)),
            pl.BlockSpec((NC, _R, 1), lambda i: (0, i, 0)),
        ],
        out_specs=[
            pl.BlockSpec((_R, 128), lambda i: (i, 0)),
            pl.BlockSpec((_R, 1), lambda i: (i, 0)),
            pl.BlockSpec((_R, 1), lambda i: (i, 0)),
        ],
        out_shape=[
            jax.ShapeDtypeStruct((N, 128), jnp.float32),
            jax.ShapeDtypeStruct((N, 1), jnp.float32),
            jax.ShapeDtypeStruct((N, 1), jnp.float32),
        ],
    )(features, w1, od, idg)


def _tc_mid(agg1, nd, b1, ns, w2):

    def body(p_ref, nd_ref, b_ref, ns_ref, w_ref, h1_ref, g2_ref):
        h1 = jnp.maximum((p_ref[0] + p_ref[1]) * nd_ref[...] + b_ref[...], 0.0)
        h1_ref[...] = h1
        g2_ref[...] = jnp.dot(h1 * ns_ref[...], w_ref[...],
                              preferred_element_type=jnp.float32)

    return pl.pallas_call(
        body,
        grid=(N // _R,),
        in_specs=[
            pl.BlockSpec((NC, _R, 128), lambda i: (0, i, 0)),
            pl.BlockSpec((_R, 1), lambda i: (i, 0)),
            pl.BlockSpec((1, 128), lambda i: (0, 0)),
            pl.BlockSpec((_R, 1), lambda i: (i, 0)),
            pl.BlockSpec((128, 16), lambda i: (0, 0)),
        ],
        out_specs=[
            pl.BlockSpec((_R, 128), lambda i: (i, 0)),
            pl.BlockSpec((_R, 16), lambda i: (i, 0)),
        ],
        out_shape=[
            jax.ShapeDtypeStruct((N, 128), jnp.float32),
            jax.ShapeDtypeStruct((N, 16), jnp.float32),
        ],
    )(agg1, nd, b1, ns, w2)


def _tc_out(agg2, nd, b2):
    def body(p_ref, nd_ref, b_ref, h2_ref):
        h2_ref[...] = (p_ref[0] + p_ref[1]) * nd_ref[...] + b_ref[...]

    return pl.pallas_call(
        body,
        grid=(N // _R,),
        in_specs=[
            pl.BlockSpec((NC, _R, 16), lambda i: (0, i, 0)),
            pl.BlockSpec((_R, 1), lambda i: (i, 0)),
            pl.BlockSpec((1, 16), lambda i: (0, 0)),
        ],
        out_specs=pl.BlockSpec((_R, 16), lambda i: (i, 0)),
        out_shape=jax.ShapeDtypeStruct((N, 16), jnp.float32),
    )(agg2, nd, b2)


def kernel(features, edge_index, W1, b1, W2, b2):
    src2d = edge_index[0].reshape(NROW, CH)
    dst2d = edge_index[1].reshape(NROW, CH)
    zeros1 = jnp.zeros((RB,), jnp.float32)
    zd1 = jnp.zeros((CH, 128), jnp.float32)
    zd2 = jnp.zeros((CH, 16), jnp.float32)

    odeg, ideg = _sc_degrees(src2d, dst2d, zeros1)
    hs1, ns, nd = _tc_prep(features, W1,
                           odeg.reshape(NC, N, 1), ideg.reshape(NC, N, 1))
    agg1 = _sc_edge_agg(hs1, src2d, dst2d, zd1, 128).reshape(NC, N, 128)
    h1, g2 = _tc_mid(agg1, nd, b1.reshape(1, 128), ns, W2)
    agg2 = _sc_edge_agg(g2, src2d, dst2d, zd2, 16).reshape(NC, N, 16)
    h2 = _tc_out(agg2, nd, b2.reshape(1, 16))
    return (h2, features, h1, h2)

# --- scband reference (transcript-rebuilt; emitter-appended) ---
"""Pipeline reference for scband-gcn-64974265254094 (READ-ONLY COPY).

The authoritative reference and input builder live on the scoring server;
editing this copy changes nothing except your own understanding.
"""

import jax, jax.numpy as jnp
import numpy as np

N = 10000
E = 320000
IN_FEATS = 128
N_HIDDEN = 128
N_CLASSES = 16


def setup_inputs(seed: int = 0) -> dict:
    key = jax.random.key(seed)
    k1, k2, k3, k4 = jax.random.split(key, 4)
    features = jax.random.normal(k1, (N, IN_FEATS), dtype=jnp.float32)
    edge_index = jax.random.randint(k2, (2, E), 0, N)
    # GraphConv weights, kaiming-normal init (fan_in mode, gain sqrt(2))
    W1 = jax.random.normal(k3, (IN_FEATS, N_HIDDEN), dtype=jnp.float32) * np.sqrt(2.0 / IN_FEATS)
    b1 = jnp.zeros((N_HIDDEN,), dtype=jnp.float32)
    W2 = jax.random.normal(k4, (N_HIDDEN, N_CLASSES), dtype=jnp.float32) * np.sqrt(2.0 / N_HIDDEN)
    b2 = jnp.zeros((N_CLASSES,), dtype=jnp.float32)
    return {"features": features, "edge_index": edge_index, "W1": W1, "b1": b1, "W2": W2, "b2": b2}


def _graph_conv(h, src, dst, norm_src, norm_dst, W, b, activation):
    # DGL GraphConv with norm='both': D_out^{-1/2} on src, sum-aggregate, D_in^{-1/2} on dst
    h = h * norm_src[:, None]
    msgs = jnp.take(h, src, axis=0)
    agg = jax.ops.segment_sum(msgs, dst, num_segments=N)
    agg = agg * norm_dst[:, None]
    out = agg @ W + b
    if activation:
        out = jax.nn.relu(out)
    return out


def reference(features, edge_index, W1, b1, W2, b2):
    src = edge_index[0]
    dst = edge_index[1]
    ones = jnp.ones((E,), dtype=jnp.float32)
    out_deg = jax.ops.segment_sum(ones, src, num_segments=N)
    in_deg = jax.ops.segment_sum(ones, dst, num_segments=N)
    norm_src = 1.0 / jnp.sqrt(jnp.clip(out_deg, 1.0))
    norm_dst = 1.0 / jnp.sqrt(jnp.clip(in_deg, 1.0))
    # layer 0 (activation=relu); dropout inactive (p=0.0 / eval mode)
    h1 = _graph_conv(features, src, dst, norm_src, norm_dst, W1, b1, True)
    # layer 1 (no activation)
    h2 = _graph_conv(h1, src, dst, norm_src, norm_dst, W2, b2, False)
    # forward returns (h, middle_feats=[features, h1, h2])
    return (h2, features, h1, h2)

if __name__ == "__main__":
    import jax
    _d = setup_inputs()
    print(jax.jit(kernel)(*tuple(_d.values())))

</pallas_src>

<mosaic_0001>
#map = affine_map<(d0, d1) -> (0, 0)>
module attributes {stable_mosaic.version = 14 : i64} {
  func.func @k(%arg0: i32, %arg1: i32, %arg2: memref<10000x16xf32, #tpu.memory_space<hbm>>, %arg3: memref<2500x128xi32, #tpu.memory_space<hbm>>, %arg4: memref<2500x128xi32, #tpu.memory_space<hbm>>, %arg5: memref<128x16xf32, #tpu.memory_space<hbm>>, %arg6: memref<20000x16xf32, #tpu.memory_space<hbm>>, %arg7: memref<6x128xi32, #tpu.memory_space<vmem>>, %arg8: memref<6x128xi32, #tpu.memory_space<vmem>>, %arg9: memref<128x16xf32, #tpu.memory_space<vmem>>, %arg10: memref<128x16xf32, #tpu.memory_space<vmem>>, %arg11: memref<128x16xf32, #tpu.memory_space<vmem>>, %arg12: memref<10000x16xf32, #tpu.memory_space<vmem_shared>>, %arg13: memref<!tpu.dma_semaphore, #tpu.memory_space<semaphore_mem>>, %arg14: memref<!tpu.dma_semaphore, #tpu.memory_space<semaphore_mem>>, %arg15: memref<!tpu.dma_semaphore, #tpu.memory_space<semaphore_mem>>, %arg16: memref<!tpu.dma_semaphore, #tpu.memory_space<semaphore_mem>>, %arg17: memref<!tpu.dma_semaphore, #tpu.memory_space<semaphore_mem>>, %arg18: memref<!tpu.dma_semaphore, #tpu.memory_space<semaphore_mem>>) attributes {dimension_semantics = [#tpu.dimension_semantics<core_parallel>, #tpu.dimension_semantics<subcore_parallel>], iteration_bounds = array<i64: 2, 16>, scalar_prefetch = 0 : i64, scratch_operands = 12 : i64, tpu.core_type = #tpu.core_type<sc_vector_subcore>, window_params = [{transform_indices = #map}, {transform_indices = #map}, {transform_indices = #map}, {transform_indices = #map}, {transform_indices = #map}]} {
    %mul3A = arith.constant 2 : i32
    %mul3A_0 = arith.muli %arg1, %mul3A : i32
    %add3A = arith.addi %mul3A_0, %arg0 : i32
    "tpu.region"() ({
      %run_scoped3A = tpu.sem_alloc : memref<!tpu.dma_semaphore, #tpu.memory_space<semaphore_mem>>
      tpu.enqueue_dma source(%arg5 : memref<128x16xf32, #tpu.memory_space<hbm>>) target(%arg9 : memref<128x16xf32, #tpu.memory_space<vmem>>) target_semaphore(%run_scoped3A : memref<!tpu.dma_semaphore, #tpu.memory_space<semaphore_mem>>)
      tpu.wait_dma2 semaphore(%run_scoped3A : memref<!tpu.dma_semaphore, #tpu.memory_space<semaphore_mem>>) src(%arg5 : memref<128x16xf32, #tpu.memory_space<hbm>>) dst(%arg9 : memref<128x16xf32, #tpu.memory_space<vmem>>)
      tpu.yield
    }) : () -> ()
    %lt3A = arith.constant 15 : i32
    %lt3A_1 = arith.cmpi slt, %arg1, %lt3A : i32
    %convert_element_type3A = arith.extui %lt3A_1 : i1 to i32
    %cond3A = arith.constant 0 : i32
    %cond3A_2 = arith.cmpi ne, %convert_element_type3A, %cond3A : i32
    scf.if %cond3A_2 {
      %mul3A_36 = arith.constant 624 : i32
      %mul3A_37 = arith.muli %arg1, %mul3A_36 : i32
      %add3A_38 = arith.constant 0 : i32
      %add3A_39 = arith.addi %mul3A_37, %add3A_38 : i32
      "tpu.region"() ({
        %run_scoped3A = tpu.sem_alloc : memref<!tpu.dma_semaphore, #tpu.memory_space<semaphore_mem>>
        %dma_start3A = arith.constant 0 : i32
        %dma_start3A_56 = tpu.memref_slice %arg12[%add3A_39, %dma_start3A] : memref<10000x16xf32, #tpu.memory_space<vmem_shared>> -> memref<128x16xf32, #tpu.memory_space<vmem_shared>>
        %dma_start3A_57 = arith.constant 0 : i32
        %dma_start3A_58 = tpu.memref_slice %arg12[%add3A_39, %dma_start3A_57] : memref<10000x16xf32, #tpu.memory_space<vmem_shared>> -> memref<128x16xf32, #tpu.memory_space<vmem_shared>>
        tpu.enqueue_dma source(%arg9 : memref<128x16xf32, #tpu.memory_space<vmem>>) target(%dma_start3A_58 : memref<128x16xf32, #tpu.memory_space<vmem_shared>>) target_semaphore(%run_scoped3A : memref<!tpu.dma_semaphore, #tpu.memory_space<semaphore_mem>>)
        %dma_wait3A_59 = arith.constant 0 : i32
        %dma_wait3A_60 = tpu.memref_slice %arg12[%add3A_39, %dma_wait3A_59] : memref<10000x16xf32, #tpu.memory_space<vmem_shared>> -> memref<128x16xf32, #tpu.memory_space<vmem_shared>>
        %dma_wait3A_61 = arith.constant 0 : i32
        %dma_wait3A_62 = tpu.memref_slice %arg12[%add3A_39, %dma_wait3A_61] : memref<10000x16xf32, #tpu.memory_space<vmem_shared>> -> memref<128x16xf32, #tpu.memory_space<vmem_shared>>
        tpu.wait_dma2 semaphore(%run_scoped3A : memref<!tpu.dma_semaphore, #tpu.memory_space<semaphore_mem>>) src(%arg9 : memref<128x16xf32, #tpu.memory_space<vmem>>) dst(%dma_wait3A_62 : memref<128x16xf32, #tpu.memory_space<vmem_shared>>)
        tpu.yield
      }) : () -> ()
      %mul3A_40 = arith.constant 624 : i32
      %mul3A_41 = arith.muli %arg1, %mul3A_40 : i32
      %add3A_42 = arith.constant 128 : i32
      %add3A_43 = arith.addi %mul3A_41, %add3A_42 : i32
      "tpu.region"() ({
        %run_scoped3A = tpu.sem_alloc : memref<!tpu.dma_semaphore, #tpu.memory_space<semaphore_mem>>
        %dma_start3A = arith.constant 0 : i32
        %dma_start3A_56 = tpu.memref_slice %arg12[%add3A_43, %dma_start3A] : memref<10000x16xf32, #tpu.memory_space<vmem_shared>> -> memref<128x16xf32, #tpu.memory_space<vmem_shared>>
        %dma_start3A_57 = arith.constant 0 : i32
        %dma_start3A_58 = tpu.memref_slice %arg12[%add3A_43, %dma_start3A_57] : memref<10000x16xf32, #tpu.memory_space<vmem_shared>> -> memref<128x16xf32, #tpu.memory_space<vmem_shared>>
        tpu.enqueue_dma source(%arg9 : memref<128x16xf32, #tpu.memory_space<vmem>>) target(%dma_start3A_58 : memref<128x16xf32, #tpu.memory_space<vmem_shared>>) target_semaphore(%run_scoped3A : memref<!tpu.dma_semaphore, #tpu.memory_space<semaphore_mem>>)
        %dma_wait3A_59 = arith.constant 0 : i32
        %dma_wait3A_60 = tpu.memref_slice %arg12[%add3A_43, %dma_wait3A_59] : memref<10000x16xf32, #tpu.memory_space<vmem_shared>> -> memref<128x16xf32, #tpu.memory_space<vmem_shared>>
        %dma_wait3A_61 = arith.constant 0 : i32
        %dma_wait3A_62 = tpu.memref_slice %arg12[%add3A_43, %dma_wait3A_61] : memref<10000x16xf32, #tpu.memory_space<vmem_shared>> -> memref<128x16xf32, #tpu.memory_space<vmem_shared>>
        tpu.wait_dma2 semaphore(%run_scoped3A : memref<!tpu.dma_semaphore, #tpu.memory_space<semaphore_mem>>) src(%arg9 : memref<128x16xf32, #tpu.memory_space<vmem>>) dst(%dma_wait3A_62 : memref<128x16xf32, #tpu.memory_space<vmem_shared>>)
        tpu.yield
      }) : () -> ()
      %mul3A_44 = arith.constant 624 : i32
      %mul3A_45 = arith.muli %arg1, %mul3A_44 : i32
      %add3A_46 = arith.constant 256 : i32
      %add3A_47 = arith.addi %mul3A_45, %add3A_46 : i32
      "tpu.region"() ({
        %run_scoped3A = tpu.sem_alloc : memref<!tpu.dma_semaphore, #tpu.memory_space<semaphore_mem>>
        %dma_start3A = arith.constant 0 : i32
        %dma_start3A_56 = tpu.memref_slice %arg12[%add3A_47, %dma_start3A] : memref<10000x16xf32, #tpu.memory_space<vmem_shared>> -> memref<128x16xf32, #tpu.memory_space<vmem_shared>>
        %dma_start3A_57 = arith.constant 0 : i32
        %dma_start3A_58 = tpu.memref_slice %arg12[%add3A_47, %dma_start3A_57] : memref<10000x16xf32, #tpu.memory_space<vmem_shared>> -> memref<128x16xf32, #tpu.memory_space<vmem_shared>>
        tpu.enqueue_dma source(%arg9 : memref<128x16xf32, #tpu.memory_space<vmem>>) target(%dma_start3A_58 : memref<128x16xf32, #tpu.memory_space<vmem_shared>>) target_semaphore(%run_scoped3A : memref<!tpu.dma_semaphore, #tpu.memory_space<semaphore_mem>>)
        %dma_wait3A_59 = arith.constant 0 : i32
        %dma_wait3A_60 = tpu.memref_slice %arg12[%add3A_47, %dma_wait3A_59] : memref<10000x16xf32, #tpu.memory_space<vmem_shared>> -> memref<128x16xf32, #tpu.memory_space<vmem_shared>>
        %dma_wait3A_61 = arith.constant 0 : i32
        %dma_wait3A_62 = tpu.memref_slice %arg12[%add3A_47, %dma_wait3A_61] : memref<10000x16xf32, #tpu.memory_space<vmem_shared>> -> memref<128x16xf32, #tpu.memory_space<vmem_shared>>
        tpu.wait_dma2 semaphore(%run_scoped3A : memref<!tpu.dma_semaphore, #tpu.memory_space<semaphore_mem>>) src(%arg9 : memref<128x16xf32, #tpu.memory_space<vmem>>) dst(%dma_wait3A_62 : memref<128x16xf32, #tpu.memory_space<vmem_shared>>)
        tpu.yield
      }) : () -> ()
      %mul3A_48 = arith.constant 624 : i32
      %mul3A_49 = arith.muli %arg1, %mul3A_48 : i32
      %add3A_50 = arith.constant 384 : i32
      %add3A_51 = arith.addi %mul3A_49, %add3A_50 : i32
      "tpu.region"() ({
        %run_scoped3A = tpu.sem_alloc : memref<!tpu.dma_semaphore, #tpu.memory_space<semaphore_mem>>
        %dma_start3A = arith.constant 0 : i32
        %dma_start3A_56 = tpu.memref_slice %arg12[%add3A_51, %dma_start3A] : memref<10000x16xf32, #tpu.memory_space<vmem_shared>> -> memref<128x16xf32, #tpu.memory_space<vmem_shared>>
        %dma_start3A_57 = arith.constant 0 : i32
        %dma_start3A_58 = tpu.memref_slice %arg12[%add3A_51, %dma_start3A_57] : memref<10000x16xf32, #tpu.memory_space<vmem_shared>> -> memref<128x16xf32, #tpu.memory_space<vmem_shared>>
        tpu.enqueue_dma source(%arg9 : memref<128x16xf32, #tpu.memory_space<vmem>>) target(%dma_start3A_58 : memref<128x16xf32, #tpu.memory_space<vmem_shared>>) target_semaphore(%run_scoped3A : memref<!tpu.dma_semaphore, #tpu.memory_space<semaphore_mem>>)
        %dma_wait3A_59 = arith.constant 0 : i32
        %dma_wait3A_60 = tpu.memref_slice %arg12[%add3A_51, %dma_wait3A_59] : memref<10000x16xf32, #tpu.memory_space<vmem_shared>> -> memref<128x16xf32, #tpu.memory_space<vmem_shared>>
        %dma_wait3A_61 = arith.constant 0 : i32
        %dma_wait3A_62 = tpu.memref_slice %arg12[%add3A_51, %dma_wait3A_61] : memref<10000x16xf32, #tpu.memory_space<vmem_shared>> -> memref<128x16xf32, #tpu.memory_space<vmem_shared>>
        tpu.wait_dma2 semaphore(%run_scoped3A : memref<!tpu.dma_semaphore, #tpu.memory_space<semaphore_mem>>) src(%arg9 : memref<128x16xf32, #tpu.memory_space<vmem>>) dst(%dma_wait3A_62 : memref<128x16xf32, #tpu.memory_space<vmem_shared>>)
        tpu.yield
      }) : () -> ()
      %mul3A_52 = arith.constant 624 : i32
      %mul3A_53 = arith.muli %arg1, %mul3A_52 : i32
      %add3A_54 = arith.constant 512 : i32
      %add3A_55 = arith.addi %mul3A_53, %add3A_54 : i32
      "tpu.region"() ({
        %run_scoped3A = tpu.sem_alloc : memref<!tpu.dma_semaphore, #tpu.memory_space<semaphore_mem>>
        %dma_start3A = arith.constant 0 : i32
        %dma_start3A_56 = arith.constant 0 : i32
        %dma_start3A_57 = tpu.memref_slice %arg9[%dma_start3A, %dma_start3A_56] : memref<128x16xf32, #tpu.memory_space<vmem>> -> memref<112x16xf32, #tpu.memory_space<vmem>>
        %dma_start3A_58 = arith.constant 0 : i32
        %dma_start3A_59 = tpu.memref_slice %arg12[%add3A_55, %dma_start3A_58] : memref<10000x16xf32, #tpu.memory_space<vmem_shared>> -> memref<112x16xf32, #tpu.memory_space<vmem_shared>>
        %dma_start3A_60 = arith.constant 0 : i32
        %dma_start3A_61 = tpu.memref_slice %arg12[%add3A_55, %dma_start3A_60] : memref<10000x16xf32, #tpu.memory_space<vmem_shared>> -> memref<112x16xf32, #tpu.memory_space<vmem_shared>>
        %dma_start3A_62 = arith.constant 0 : i32
        %dma_start3A_63 = arith.constant 0 : i32
        %dma_start3A_64 = tpu.memref_slice %arg9[%dma_start3A_62, %dma_start3A_63] : memref<128x16xf32, #tpu.memory_space<vmem>> -> memref<112x16xf32, #tpu.memory_space<vmem>>
        tpu.enqueue_dma source(%dma_start3A_64 : memref<112x16xf32, #tpu.memory_space<vmem>>) target(%dma_start3A_61 : memref<112x16xf32, #tpu.memory_space<vmem_shared>>) target_semaphore(%run_scoped3A : memref<!tpu.dma_semaphore, #tpu.memory_space<semaphore_mem>>)
        %dma_wait3A_65 = arith.constant 0 : i32
        %dma_wait3A_66 = arith.constant 0 : i32
        %dma_wait3A_67 = tpu.memref_slice %arg9[%dma_wait3A_65, %dma_wait3A_66] : memref<128x16xf32, #tpu.memory_space<vmem>> -> memref<112x16xf32, #tpu.memory_space<vmem>>
        %dma_wait3A_68 = arith.constant 0 : i32
        %dma_wait3A_69 = tpu.memref_slice %arg12[%add3A_55, %dma_wait3A_68] : memref<10000x16xf32, #tpu.memory_space<vmem_shared>> -> memref<112x16xf32, #tpu.memory_space<vmem_shared>>
        %dma_wait3A_70 = arith.constant 0 : i32
        %dma_wait3A_71 = tpu.memref_slice %arg12[%add3A_55, %dma_wait3A_70] : memref<10000x16xf32, #tpu.memory_space<vmem_shared>> -> memref<112x16xf32, #tpu.memory_space<vmem_shared>>
        %dma_wait3A_72 = arith.constant 0 : i32
        %dma_wait3A_73 = arith.constant 0 : i32
        %dma_wait3A_74 = tpu.memref_slice %arg9[%dma_wait3A_72, %dma_wait3A_73] : memref<128x16xf32, #tpu.memory_space<vmem>> -> memref<112x16xf32, #tpu.memory_space<vmem>>
        tpu.wait_dma2 semaphore(%run_scoped3A : memref<!tpu.dma_semaphore, #tpu.memory_space<semaphore_mem>>) src(%dma_wait3A_74 : memref<112x16xf32, #tpu.memory_space<vmem>>) dst(%dma_wait3A_71 : memref<112x16xf32, #tpu.memory_space<vmem_shared>>)
        tpu.yield
      }) : () -> ()
    } else {
    }
    %eq3A = arith.constant 15 : i32
    %eq3A_3 = arith.cmpi eq, %arg1, %eq3A : i32
    %convert_element_type3A_4 = arith.extui %eq3A_3 : i1 to i32
    %cond3A_5 = arith.constant 0 : i32
    %cond3A_6 = arith.cmpi ne, %convert_element_type3A_4, %cond3A_5 : i32
    scf.if %cond3A_6 {
      "tpu.region"() ({
        %run_scoped3A = tpu.sem_alloc : memref<!tpu.dma_semaphore, #tpu.memory_space<semaphore_mem>>
        %dma_start3A = arith.constant 9360 : i32
        %dma_start3A_36 = arith.constant 0 : i32
        %dma_start3A_37 = tpu.memref_slice %arg12[%dma_start3A, %dma_start3A_36] : memref<10000x16xf32, #tpu.memory_space<vmem_shared>> -> memref<128x16xf32, #tpu.memory_space<vmem_shared>>
        %dma_start3A_38 = arith.constant 9360 : i32
        %dma_start3A_39 = arith.constant 0 : i32
        %dma_start3A_40 = tpu.memref_slice %arg12[%dma_start3A_38, %dma_start3A_39] : memref<10000x16xf32, #tpu.memory_space<vmem_shared>> -> memref<128x16xf32, #tpu.memory_space<vmem_shared>>
        tpu.enqueue_dma source(%arg9 : memref<128x16xf32, #tpu.memory_space<vmem>>) target(%dma_start3A_40 : memref<128x16xf32, #tpu.memory_space<vmem_shared>>) target_semaphore(%run_scoped3A : memref<!tpu.dma_semaphore, #tpu.memory_space<semaphore_mem>>)
        %dma_wait3A_41 = arith.constant 9360 : i32
        %dma_wait3A_42 = arith.constant 0 : i32
        %dma_wait3A_43 = tpu.memref_slice %arg12[%dma_wait3A_41, %dma_wait3A_42] : memref<10000x16xf32, #tpu.memory_space<vmem_shared>> -> memref<128x16xf32, #tpu.memory_space<vmem_shared>>
        %dma_wait3A_44 = arith.constant 9360 : i32
        %dma_wait3A_45 = arith.constant 0 : i32
        %dma_wait3A_46 = tpu.memref_slice %arg12[%dma_wait3A_44, %dma_wait3A_45] : memref<10000x16xf32, #tpu.memory_space<vmem_shared>> -> memref<128x16xf32, #tpu.memory_space<vmem_shared>>
        tpu.wait_dma2 semaphore(%run_scoped3A : memref<!tpu.dma_semaphore, #tpu.memory_space<semaphore_mem>>) src(%arg9 : memref<128x16xf32, #tpu.memory_space<vmem>>) dst(%dma_wait3A_46 : memref<128x16xf32, #tpu.memory_space<vmem_shared>>)
        tpu.yield
      }) : () -> ()
      "tpu.region"() ({
        %run_scoped3A = tpu.sem_alloc : memref<!tpu.dma_semaphore, #tpu.memory_space<semaphore_mem>>
        %dma_start3A = arith.constant 9488 : i32
        %dma_start3A_36 = arith.constant 0 : i32
        %dma_start3A_37 = tpu.memref_slice %arg12[%dma_start3A, %dma_start3A_36] : memref<10000x16xf32, #tpu.memory_space<vmem_shared>> -> memref<128x16xf32, #tpu.memory_space<vmem_shared>>
        %dma_start3A_38 = arith.constant 9488 : i32
        %dma_start3A_39 = arith.constant 0 : i32
        %dma_start3A_40 = tpu.memref_slice %arg12[%dma_start3A_38, %dma_start3A_39] : memref<10000x16xf32, #tpu.memory_space<vmem_shared>> -> memref<128x16xf32, #tpu.memory_space<vmem_shared>>
        tpu.enqueue_dma source(%arg9 : memref<128x16xf32, #tpu.memory_space<vmem>>) target(%dma_start3A_40 : memref<128x16xf32, #tpu.memory_space<vmem_shared>>) target_semaphore(%run_scoped3A : memref<!tpu.dma_semaphore, #tpu.memory_space<semaphore_mem>>)
        %dma_wait3A_41 = arith.constant 9488 : i32
        %dma_wait3A_42 = arith.constant 0 : i32
        %dma_wait3A_43 = tpu.memref_slice %arg12[%dma_wait3A_41, %dma_wait3A_42] : memref<10000x16xf32, #tpu.memory_space<vmem_shared>> -> memref<128x16xf32, #tpu.memory_space<vmem_shared>>
        %dma_wait3A_44 = arith.constant 9488 : i32
        %dma_wait3A_45 = arith.constant 0 : i32
        %dma_wait3A_46 = tpu.memref_slice %arg12[%dma_wait3A_44, %dma_wait3A_45] : memref<10000x16xf32, #tpu.memory_space<vmem_shared>> -> memref<128x16xf32, #tpu.memory_space<vmem_shared>>
        tpu.wait_dma2 semaphore(%run_scoped3A : memref<!tpu.dma_semaphore, #tpu.memory_space<semaphore_mem>>) src(%arg9 : memref<128x16xf32, #tpu.memory_space<vmem>>) dst(%dma_wait3A_46 : memref<128x16xf32, #tpu.memory_space<vmem_shared>>)
        tpu.yield
      }) : () -> ()
      "tpu.region"() ({
        %run_scoped3A = tpu.sem_alloc : memref<!tpu.dma_semaphore, #tpu.memory_space<semaphore_mem>>
        %dma_start3A = arith.constant 9616 : i32
        %dma_start3A_36 = arith.constant 0 : i32
        %dma_start3A_37 = tpu.memref_slice %arg12[%dma_start3A, %dma_start3A_36] : memref<10000x16xf32, #tpu.memory_space<vmem_shared>> -> memref<128x16xf32, #tpu.memory_space<vmem_shared>>
        %dma_start3A_38 = arith.constant 9616 : i32
        %dma_start3A_39 = arith.constant 0 : i32
        %dma_start3A_40 = tpu.memref_slice %arg12[%dma_start3A_38, %dma_start3A_39] : memref<10000x16xf32, #tpu.memory_space<vmem_shared>> -> memref<128x16xf32, #tpu.memory_space<vmem_shared>>
        tpu.enqueue_dma source(%arg9 : memref<128x16xf32, #tpu.memory_space<vmem>>) target(%dma_start3A_40 : memref<128x16xf32, #tpu.memory_space<vmem_shared>>) target_semaphore(%run_scoped3A : memref<!tpu.dma_semaphore, #tpu.memory_space<semaphore_mem>>)
        %dma_wait3A_41 = arith.constant 9616 : i32
        %dma_wait3A_42 = arith.constant 0 : i32
        %dma_wait3A_43 = tpu.memref_slice %arg12[%dma_wait3A_41, %dma_wait3A_42] : memref<10000x16xf32, #tpu.memory_space<vmem_shared>> -> memref<128x16xf32, #tpu.memory_space<vmem_shared>>
        %dma_wait3A_44 = arith.constant 9616 : i32
        %dma_wait3A_45 = arith.constant 0 : i32
        %dma_wait3A_46 = tpu.memref_slice %arg12[%dma_wait3A_44, %dma_wait3A_45] : memref<10000x16xf32, #tpu.memory_space<vmem_shared>> -> memref<128x16xf32, #tpu.memory_space<vmem_shared>>
        tpu.wait_dma2 semaphore(%run_scoped3A : memref<!tpu.dma_semaphore, #tpu.memory_space<semaphore_mem>>) src(%arg9 : memref<128x16xf32, #tpu.memory_space<vmem>>) dst(%dma_wait3A_46 : memref<128x16xf32, #tpu.memory_space<vmem_shared>>)
        tpu.yield
      }) : () -> ()
      "tpu.region"() ({
        %run_scoped3A = tpu.sem_alloc : memref<!tpu.dma_semaphore, #tpu.memory_space<semaphore_mem>>
        %dma_start3A = arith.constant 9744 : i32
        %dma_start3A_36 = arith.constant 0 : i32
        %dma_start3A_37 = tpu.memref_slice %arg12[%dma_start3A, %dma_start3A_36] : memref<10000x16xf32, #tpu.memory_space<vmem_shared>> -> memref<128x16xf32, #tpu.memory_space<vmem_shared>>
        %dma_start3A_38 = arith.constant 9744 : i32
        %dma_start3A_39 = arith.constant 0 : i32
        %dma_start3A_40 = tpu.memref_slice %arg12[%dma_start3A_38, %dma_start3A_39] : memref<10000x16xf32, #tpu.memory_space<vmem_shared>> -> memref<128x16xf32, #tpu.memory_space<vmem_shared>>
        tpu.enqueue_dma source(%arg9 : memref<128x16xf32, #tpu.memory_space<vmem>>) target(%dma_start3A_40 : memref<128x16xf32, #tpu.memory_space<vmem_shared>>) target_semaphore(%run_scoped3A : memref<!tpu.dma_semaphore, #tpu.memory_space<semaphore_mem>>)
        %dma_wait3A_41 = arith.constant 9744 : i32
        %dma_wait3A_42 = arith.constant 0 : i32
        %dma_wait3A_43 = tpu.memref_slice %arg12[%dma_wait3A_41, %dma_wait3A_42] : memref<10000x16xf32, #tpu.memory_space<vmem_shared>> -> memref<128x16xf32, #tpu.memory_space<vmem_shared>>
        %dma_wait3A_44 = arith.constant 9744 : i32
        %dma_wait3A_45 = arith.constant 0 : i32
        %dma_wait3A_46 = tpu.memref_slice %arg12[%dma_wait3A_44, %dma_wait3A_45] : memref<10000x16xf32, #tpu.memory_space<vmem_shared>> -> memref<128x16xf32, #tpu.memory_space<vmem_shared>>
        tpu.wait_dma2 semaphore(%run_scoped3A : memref<!tpu.dma_semaphore, #tpu.memory_space<semaphore_mem>>) src(%arg9 : memref<128x16xf32, #tpu.memory_space<vmem>>) dst(%dma_wait3A_46 : memref<128x16xf32, #tpu.memory_space<vmem_shared>>)
        tpu.yield
      }) : () -> ()
      "tpu.region"() ({
        %run_scoped3A = tpu.sem_alloc : memref<!tpu.dma_semaphore, #tpu.memory_space<semaphore_mem>>
        %dma_start3A = arith.constant 9872 : i32
        %dma_start3A_36 = arith.constant 0 : i32
        %dma_start3A_37 = tpu.memref_slice %arg12[%dma_start3A, %dma_start3A_36] : memref<10000x16xf32, #tpu.memory_space<vmem_shared>> -> memref<128x16xf32, #tpu.memory_space<vmem_shared>>
        %dma_start3A_38 = arith.constant 9872 : i32
        %dma_start3A_39 = arith.constant 0 : i32
        %dma_start3A_40 = tpu.memref_slice %arg12[%dma_start3A_38, %dma_start3A_39] : memref<10000x16xf32, #tpu.memory_space<vmem_shared>> -> memref<128x16xf32, #tpu.memory_space<vmem_shared>>
        tpu.enqueue_dma source(%arg9 : memref<128x16xf32, #tpu.memory_space<vmem>>) target(%dma_start3A_40 : memref<128x16xf32, #tpu.memory_space<vmem_shared>>) target_semaphore(%run_scoped3A : memref<!tpu.dma_semaphore, #tpu.memory_space<semaphore_mem>>)
        %dma_wait3A_41 = arith.constant 9872 : i32
        %dma_wait3A_42 = arith.constant 0 : i32
        %dma_wait3A_43 = tpu.memref_slice %arg12[%dma_wait3A_41, %dma_wait3A_42] : memref<10000x16xf32, #tpu.memory_space<vmem_shared>> -> memref<128x16xf32, #tpu.memory_space<vmem_shared>>
        %dma_wait3A_44 = arith.constant 9872 : i32
        %dma_wait3A_45 = arith.constant 0 : i32
        %dma_wait3A_46 = tpu.memref_slice %arg12[%dma_wait3A_44, %dma_wait3A_45] : memref<10000x16xf32, #tpu.memory_space<vmem_shared>> -> memref<128x16xf32, #tpu.memory_space<vmem_shared>>
        tpu.wait_dma2 semaphore(%run_scoped3A : memref<!tpu.dma_semaphore, #tpu.memory_space<semaphore_mem>>) src(%arg9 : memref<128x16xf32, #tpu.memory_space<vmem>>) dst(%dma_wait3A_46 : memref<128x16xf32, #tpu.memory_space<vmem_shared>>)
        tpu.yield
      }) : () -> ()
    } else {
    }
    %barrier3A = arith.constant 0 : index
    tpu.barrier barrier_id(%barrier3A)
    %mul3A_7 = arith.constant 78 : i32
    %mul3A_8 = arith.muli %add3A, %mul3A_7 : i32
    %scan3A = arith.constant 0 : i32
    %scan3A_9 = arith.constant 0 : i32
    %scan3A_10 = arith.constant 13 : i32
    %scan3A_11 = arith.addi %scan3A_9, %scan3A_10 : i32
    %scan3A_12 = arith.constant 1 : i32
    scf.for %scan3A_36 = %scan3A_9 to %scan3A_11 step %scan3A_12  : i32 {
      %gt3A = arith.constant 0 : i32
      %gt3A_37 = arith.cmpi sgt, %scan3A_36, %gt3A : i32
      %convert_element_type3A_38 = arith.extui %gt3A_37 : i1 to i32
      %cond3A_39 = arith.constant 0 : i32
      %cond3A_40 = arith.cmpi ne, %convert_element_type3A_38, %cond3A_39 : i32
      scf.if %cond3A_40 {
        %dma_wait3A_207 = arith.constant 5 : i32
        %dma_wait3A_208 = arith.constant 0 : i32
        %dma_wait3A_209 = tpu.memref_slice %arg8[%dma_wait3A_207, %dma_wait3A_208] : memref<6x128xi32, #tpu.memory_space<vmem>> -> memref<1x128xi32, #tpu.memory_space<vmem>>
        %dma_wait3A_210 = tpu.memref_squeeze %dma_wait3A_209 : memref<1x128xi32, #tpu.memory_space<vmem>> -> memref<128xi32, #tpu.memory_space<vmem>>
        %dma_wait3A_211 = arith.constant 0 : i32
        %dma_wait3A_212 = arith.constant 0 : i32
        %dma_wait3A_213 = tpu.memref_slice %arg12[%dma_wait3A_211, %dma_wait3A_212] : memref<10000x16xf32, #tpu.memory_space<vmem_shared>> -> memref<10000x16xf32, #tpu.memory_space<vmem_shared>>
        tpu.wait_indirect_dma semaphore(%arg18 : memref<!tpu.dma_semaphore, #tpu.memory_space<semaphore_mem>>) src(%arg11 : memref<128x16xf32, #tpu.memory_space<vmem>>) dst(%dma_wait3A_213 : memref<10000x16xf32, #tpu.memory_space<vmem_shared>>)
      } else {
      }
      %mul3A_41 = arith.constant 6 : i32
      %mul3A_42 = arith.muli %scan3A_36, %mul3A_41 : i32
      %add3A_43 = arith.addi %mul3A_8, %mul3A_42 : i32
      "tpu.region"() ({
        %run_scoped3A = tpu.sem_alloc : memref<!tpu.dma_semaphore, #tpu.memory_space<semaphore_mem>>
        %dma_start3A_207 = arith.constant 0 : i32
        %dma_start3A_208 = tpu.memref_slice %arg3[%add3A_43, %dma_start3A_207] : memref<2500x128xi32, #tpu.memory_space<hbm>> -> memref<6x128xi32, #tpu.memory_space<hbm>>
        %dma_start3A_209 = arith.constant 0 : i32
        %dma_start3A_210 = tpu.memref_slice %arg3[%add3A_43, %dma_start3A_209] : memref<2500x128xi32, #tpu.memory_space<hbm>> -> memref<6x128xi32, #tpu.memory_space<hbm>>
        tpu.enqueue_dma source(%dma_start3A_210 : memref<6x128xi32, #tpu.memory_space<hbm>>) target(%arg7 : memref<6x128xi32, #tpu.memory_space<vmem>>) target_semaphore(%run_scoped3A : memref<!tpu.dma_semaphore, #tpu.memory_space<semaphore_mem>>)
        %dma_wait3A_211 = arith.constant 0 : i32
        %dma_wait3A_212 = tpu.memref_slice %arg3[%add3A_43, %dma_wait3A_211] : memref<2500x128xi32, #tpu.memory_space<hbm>> -> memref<6x128xi32, #tpu.memory_space<hbm>>
        %dma_wait3A_213 = arith.constant 0 : i32
        %dma_wait3A_214 = tpu.memref_slice %arg3[%add3A_43, %dma_wait3A_213] : memref<2500x128xi32, #tpu.memory_space<hbm>> -> memref<6x128xi32, #tpu.memory_space<hbm>>
        tpu.wait_dma2 semaphore(%run_scoped3A : memref<!tpu.dma_semaphore, #tpu.memory_space<semaphore_mem>>) src(%dma_wait3A_214 : memref<6x128xi32, #tpu.memory_space<hbm>>) dst(%arg7 : memref<6x128xi32, #tpu.memory_space<vmem>>)
        tpu.yield
      }) : () -> ()
      %mul3A_44 = arith.constant 6 : i32
      %mul3A_45 = arith.muli %scan3A_36, %mul3A_44 : i32
      %add3A_46 = arith.addi %mul3A_8, %mul3A_45 : i32
      "tpu.region"() ({
        %run_scoped3A = tpu.sem_alloc : memref<!tpu.dma_semaphore, #tpu.memory_space<semaphore_mem>>
        %dma_start3A_207 = arith.constant 0 : i32
        %dma_start3A_208 = tpu.memref_slice %arg4[%add3A_46, %dma_start3A_207] : memref<2500x128xi32, #tpu.memory_space<hbm>> -> memref<6x128xi32, #tpu.memory_space<hbm>>
        %dma_start3A_209 = arith.constant 0 : i32
        %dma_start3A_210 = tpu.memref_slice %arg4[%add3A_46, %dma_start3A_209] : memref<2500x128xi32, #tpu.memory_space<hbm>> -> memref<6x128xi32, #tpu.memory_space<hbm>>
        tpu.enqueue_dma source(%dma_start3A_210 : memref<6x128xi32, #tpu.memory_space<hbm>>) target(%arg8 : memref<6x128xi32, #tpu.memory_space<vmem>>) target_semaphore(%run_scoped3A : memref<!tpu.dma_semaphore, #tpu.memory_space<semaphore_mem>>)
        %dma_wait3A_211 = arith.constant 0 : i32
        %dma_wait3A_212 = tpu.memref_slice %arg4[%add3A_46, %dma_wait3A_211] : memref<2500x128xi32, #tpu.memory_space<hbm>> -> memref<6x128xi32, #tpu.memory_space<hbm>>
        %dma_wait3A_213 = arith.constant 0 : i32
        %dma_wait3A_214 = tpu.memref_slice %arg4[%add3A_46, %dma_wait3A_213] : memref<2500x128xi32, #tpu.memory_space<hbm>> -> memref<6x128xi32, #tpu.memory_space<hbm>>
        tpu.wait_dma2 semaphore(%run_scoped3A : memref<!tpu.dma_semaphore, #tpu.memory_space<semaphore_mem>>) src(%dma_wait3A_214 : memref<6x128xi32, #tpu.memory_space<hbm>>) dst(%arg8 : memref<6x128xi32, #tpu.memory_space<vmem>>)
        tpu.yield
      }) : () -> ()
      %dma_start3A = arith.constant 0 : i32
      %dma_start3A_47 = arith.constant 0 : i32
      %dma_start3A_48 = tpu.memref_slice %arg7[%dma_start3A, %dma_start3A_47] : memref<6x128xi32, #tpu.memory_space<vmem>> -> memref<1x128xi32, #tpu.memory_space<vmem>>
      %dma_start3A_49 = tpu.memref_squeeze %dma_start3A_48 : memref<1x128xi32, #tpu.memory_space<vmem>> -> memref<128xi32, #tpu.memory_space<vmem>>
      %dma_start3A_50 = arith.constant 0 : i32
      %dma_start3A_51 = arith.constant 0 : i32
      %dma_start3A_52 = tpu.memref_slice %arg2[%dma_start3A_50, %dma_start3A_51] : memref<10000x16xf32, #tpu.memory_space<hbm>> -> memref<10000x16xf32, #tpu.memory_space<hbm>>
      tpu.enqueue_indirect_dma source(%dma_start3A_52 : memref<10000x16xf32, #tpu.memory_space<hbm>>) target(%arg9 : memref<128x16xf32, #tpu.memory_space<vmem>>) offsets(%dma_start3A_49 : memref<128xi32, #tpu.memory_space<vmem>>) semaphore(%arg13 : memref<!tpu.dma_semaphore, #tpu.memory_space<semaphore_mem>>)
      %dma_start3A_53 = arith.constant 1 : i32
      %dma_start3A_54 = arith.constant 0 : i32
      %dma_start3A_55 = tpu.memref_slice %arg7[%dma_start3A_53, %dma_start3A_54] : memref<6x128xi32, #tpu.memory_space<vmem>> -> memref<1x128xi32, #tpu.memory_space<vmem>>
      %dma_start3A_56 = tpu.memref_squeeze %dma_start3A_55 : memref<1x128xi32, #tpu.memory_space<vmem>> -> memref<128xi32, #tpu.memory_space<vmem>>
      %dma_start3A_57 = arith.constant 0 : i32
      %dma_start3A_58 = arith.constant 0 : i32
      %dma_start3A_59 = tpu.memref_slice %arg2[%dma_start3A_57, %dma_start3A_58] : memref<10000x16xf32, #tpu.memory_space<hbm>> -> memref<10000x16xf32, #tpu.memory_space<hbm>>
      tpu.enqueue_indirect_dma source(%dma_start3A_59 : memref<10000x16xf32, #tpu.memory_space<hbm>>) target(%arg10 : memref<128x16xf32, #tpu.memory_space<vmem>>) offsets(%dma_start3A_56 : memref<128xi32, #tpu.memory_space<vmem>>) semaphore(%arg14 : memref<!tpu.dma_semaphore, #tpu.memory_space<semaphore_mem>>)
      %dma_start3A_60 = arith.constant 2 : i32
      %dma_start3A_61 = arith.constant 0 : i32
      %dma_start3A_62 = tpu.memref_slice %arg7[%dma_start3A_60, %dma_start3A_61] : memref<6x128xi32, #tpu.memory_space<vmem>> -> memref<1x128xi32, #tpu.memory_space<vmem>>
      %dma_start3A_63 = tpu.memref_squeeze %dma_start3A_62 : memref<1x128xi32, #tpu.memory_space<vmem>> -> memref<128xi32, #tpu.memory_space<vmem>>
      %dma_start3A_64 = arith.constant 0 : i32
      %dma_start3A_65 = arith.constant 0 : i32
      %dma_start3A_66 = tpu.memref_slice %arg2[%dma_start3A_64, %dma_start3A_65] : memref<10000x16xf32, #tpu.memory_space<hbm>> -> memref<10000x16xf32, #tpu.memory_space<hbm>>
      tpu.enqueue_indirect_dma source(%dma_start3A_66 : memref<10000x16xf32, #tpu.memory_space<hbm>>) target(%arg11 : memref<128x16xf32, #tpu.memory_space<vmem>>) offsets(%dma_start3A_63 : memref<128xi32, #tpu.memory_space<vmem>>) semaphore(%arg15 : memref<!tpu.dma_semaphore, #tpu.memory_space<semaphore_mem>>)
      %dma_wait3A_67 = arith.constant 0 : i32
      %dma_wait3A_68 = arith.constant 0 : i32
      %dma_wait3A_69 = tpu.memref_slice %arg7[%dma_wait3A_67, %dma_wait3A_68] : memref<6x128xi32, #tpu.memory_space<vmem>> -> memref<1x128xi32, #tpu.memory_space<vmem>>
      %dma_wait3A_70 = tpu.memref_squeeze %dma_wait3A_69 : memref<1x128xi32, #tpu.memory_space<vmem>> -> memref<128xi32, #tpu.memory_space<vmem>>
      %dma_wait3A_71 = arith.constant 0 : i32
      %dma_wait3A_72 = arith.constant 0 : i32
      %dma_wait3A_73 = tpu.memref_slice %arg2[%dma_wait3A_71, %dma_wait3A_72] : memref<10000x16xf32, #tpu.memory_space<hbm>> -> memref<10000x16xf32, #tpu.memory_space<hbm>>
      tpu.wait_indirect_dma semaphore(%arg13 : memref<!tpu.dma_semaphore, #tpu.memory_space<semaphore_mem>>) src(%dma_wait3A_73 : memref<10000x16xf32, #tpu.memory_space<hbm>>) dst(%arg9 : memref<128x16xf32, #tpu.memory_space<vmem>>)
      %dma_start3A_74 = arith.constant 0 : i32
      %dma_start3A_75 = arith.constant 0 : i32
      %dma_start3A_76 = tpu.memref_slice %arg8[%dma_start3A_74, %dma_start3A_75] : memref<6x128xi32, #tpu.memory_space<vmem>> -> memref<1x128xi32, #tpu.memory_space<vmem>>
      %dma_start3A_77 = tpu.memref_squeeze %dma_start3A_76 : memref<1x128xi32, #tpu.memory_space<vmem>> -> memref<128xi32, #tpu.memory_space<vmem>>
      %dma_start3A_78 = arith.constant 0 : i32
      %dma_start3A_79 = arith.constant 0 : i32
      %dma_start3A_80 = tpu.memref_slice %arg12[%dma_start3A_78, %dma_start3A_79] : memref<10000x16xf32, #tpu.memory_space<vmem_shared>> -> memref<10000x16xf32, #tpu.memory_space<vmem_shared>>
      tpu.enqueue_indirect_dma source(%arg9 : memref<128x16xf32, #tpu.memory_space<vmem>>) target(%dma_start3A_80 : memref<10000x16xf32, #tpu.memory_space<vmem_shared>>) offsets(%dma_start3A_77 : memref<128xi32, #tpu.memory_space<vmem>>) semaphore(%arg16 : memref<!tpu.dma_semaphore, #tpu.memory_space<semaphore_mem>>) {add = true}
      %dma_wait3A_81 = arith.constant 0 : i32
      %dma_wait3A_82 = arith.constant 0 : i32
      %dma_wait3A_83 = tpu.memref_slice %arg8[%dma_wait3A_81, %dma_wait3A_82] : memref<6x128xi32, #tpu.memory_space<vmem>> -> memref<1x128xi32, #tpu.memory_space<vmem>>
      %dma_wait3A_84 = tpu.memref_squeeze %dma_wait3A_83 : memref<1x128xi32, #tpu.memory_space<vmem>> -> memref<128xi32, #tpu.memory_space<vmem>>
      %dma_wait3A_85 = arith.constant 0 : i32
      %dma_wait3A_86 = arith.constant 0 : i32
      %dma_wait3A_87 = tpu.memref_slice %arg12[%dma_wait3A_85, %dma_wait3A_86] : memref<10000x16xf32, #tpu.memory_space<vmem_shared>> -> memref<10000x16xf32, #tpu.memory_space<vmem_shared>>
      tpu.wait_indirect_dma semaphore(%arg16 : memref<!tpu.dma_semaphore, #tpu.memory_space<semaphore_mem>>) src(%arg9 : memref<128x16xf32, #tpu.memory_space<vmem>>) dst(%dma_wait3A_87 : memref<10000x16xf32, #tpu.memory_space<vmem_shared>>)
      %dma_start3A_88 = arith.constant 3 : i32
      %dma_start3A_89 = arith.constant 0 : i32
      %dma_start3A_90 = tpu.memref_slice %arg7[%dma_start3A_88, %dma_start3A_89] : memref<6x128xi32, #tpu.memory_space<vmem>> -> memref<1x128xi32, #tpu.memory_space<vmem>>
      %dma_start3A_91 = tpu.memref_squeeze %dma_start3A_90 : memref<1x128xi32, #tpu.memory_space<vmem>> -> memref<128xi32, #tpu.memory_space<vmem>>
      %dma_start3A_92 = arith.constant 0 : i32
      %dma_start3A_93 = arith.constant 0 : i32
      %dma_start3A_94 = tpu.memref_slice %arg2[%dma_start3A_92, %dma_start3A_93] : memref<10000x16xf32, #tpu.memory_space<hbm>> -> memref<10000x16xf32, #tpu.memory_space<hbm>>
      tpu.enqueue_indirect_dma source(%dma_start3A_94 : memref<10000x16xf32, #tpu.memory_space<hbm>>) target(%arg9 : memref<128x16xf32, #tpu.memory_space<vmem>>) offsets(%dma_start3A_91 : memref<128xi32, #tpu.memory_space<vmem>>) semaphore(%arg13 : memref<!tpu.dma_semaphore, #tpu.memory_space<semaphore_mem>>)
      %dma_wait3A_95 = arith.constant 1 : i32
      %dma_wait3A_96 = arith.constant 0 : i32
      %dma_wait3A_97 = tpu.memref_slice %arg7[%dma_wait3A_95, %dma_wait3A_96] : memref<6x128xi32, #tpu.memory_space<vmem>> -> memref<1x128xi32, #tpu.memory_space<vmem>>
      %dma_wait3A_98 = tpu.memref_squeeze %dma_wait3A_97 : memref<1x128xi32, #tpu.memory_space<vmem>> -> memref<128xi32, #tpu.memory_space<vmem>>
      %dma_wait3A_99 = arith.constant 0 : i32
      %dma_wait3A_100 = arith.constant 0 : i32
      %dma_wait3A_101 = tpu.memref_slice %arg2[%dma_wait3A_99, %dma_wait3A_100] : memref<10000x16xf32, #tpu.memory_space<hbm>> -> memref<10000x16xf32, #tpu.memory_space<hbm>>
      tpu.wait_indirect_dma semaphore(%arg14 : memref<!tpu.dma_semaphore, #tpu.memory_space<semaphore_mem>>) src(%dma_wait3A_101 : memref<10000x16xf32, #tpu.memory_space<hbm>>) dst(%arg10 : memref<128x16xf32, #tpu.memory_space<vmem>>)
      %dma_start3A_102 = arith.constant 1 : i32
      %dma_start3A_103 = arith.constant 0 : i32
      %dma_start3A_104 = tpu.memref_slice %arg8[%dma_start3A_102, %dma_start3A_103] : memref<6x128xi32, #tpu.memory_space<vmem>> -> memref<1x128xi32, #tpu.memory_space<vmem>>
      %dma_start3A_105 = tpu.memref_squeeze %dma_start3A_104 : memref<1x128xi32, #tpu.memory_space<vmem>> -> memref<128xi32, #tpu.memory_space<vmem>>
      %dma_start3A_106 = arith.constant 0 : i32
      %dma_start3A_107 = arith.constant 0 : i32
      %dma_start3A_108 = tpu.memref_slice %arg12[%dma_start3A_106, %dma_start3A_107] : memref<10000x16xf32, #tpu.memory_space<vmem_shared>> -> memref<10000x16xf32, #tpu.memory_space<vmem_shared>>
      tpu.enqueue_indirect_dma source(%arg10 : memref<128x16xf32, #tpu.memory_space<vmem>>) target(%dma_start3A_108 : memref<10000x16xf32, #tpu.memory_space<vmem_shared>>) offsets(%dma_start3A_105 : memref<128xi32, #tpu.memory_space<vmem>>) semaphore(%arg17 : memref<!tpu.dma_semaphore, #tpu.memory_space<semaphore_mem>>) {add = true}
      %dma_wait3A_109 = arith.constant 1 : i32
      %dma_wait3A_110 = arith.constant 0 : i32
      %dma_wait3A_111 = tpu.memref_slice %arg8[%dma_wait3A_109, %dma_wait3A_110] : memref<6x128xi32, #tpu.memory_space<vmem>> -> memref<1x128xi32, #tpu.memory_space<vmem>>
      %dma_wait3A_112 = tpu.memref_squeeze %dma_wait3A_111 : memref<1x128xi32, #tpu.memory_space<vmem>> -> memref<128xi32, #tpu.memory_space<vmem>>
      %dma_wait3A_113 = arith.constant 0 : i32
      %dma_wait3A_114 = arith.constant 0 : i32
      %dma_wait3A_115 = tpu.memref_slice %arg12[%dma_wait3A_113, %dma_wait3A_114] : memref<10000x16xf32, #tpu.memory_space<vmem_shared>> -> memref<10000x16xf32, #tpu.memory_space<vmem_shared>>
      tpu.wait_indirect_dma semaphore(%arg17 : memref<!tpu.dma_semaphore, #tpu.memory_space<semaphore_mem>>) src(%arg10 : memref<128x16xf32, #tpu.memory_space<vmem>>) dst(%dma_wait3A_115 : memref<10000x16xf32, #tpu.memory_space<vmem_shared>>)
      %dma_start3A_116 = arith.constant 4 : i32
      %dma_start3A_117 = arith.constant 0 : i32
      %dma_start3A_118 = tpu.memref_slice %arg7[%dma_start3A_116, %dma_start3A_117] : memref<6x128xi32, #tpu.memory_space<vmem>> -> memref<1x128xi32, #tpu.memory_space<vmem>>
      %dma_start3A_119 = tpu.memref_squeeze %dma_start3A_118 : memref<1x128xi32, #tpu.memory_space<vmem>> -> memref<128xi32, #tpu.memory_space<vmem>>
      %dma_start3A_120 = arith.constant 0 : i32
      %dma_start3A_121 = arith.constant 0 : i32
      %dma_start3A_122 = tpu.memref_slice %arg2[%dma_start3A_120, %dma_start3A_121] : memref<10000x16xf32, #tpu.memory_space<hbm>> -> memref<10000x16xf32, #tpu.memory_space<hbm>>
      tpu.enqueue_indirect_dma source(%dma_start3A_122 : memref<10000x16xf32, #tpu.memory_space<hbm>>) target(%arg10 : memref<128x16xf32, #tpu.memory_space<vmem>>) offsets(%dma_start3A_119 : memref<128xi32, #tpu.memory_space<vmem>>) semaphore(%arg14 : memref<!tpu.dma_semaphore, #tpu.memory_space<semaphore_mem>>)
      %dma_wait3A_123 = arith.constant 2 : i32
      %dma_wait3A_124 = arith.constant 0 : i32
      %dma_wait3A_125 = tpu.memref_slice %arg7[%dma_wait3A_123, %dma_wait3A_124] : memref<6x128xi32, #tpu.memory_space<vmem>> -> memref<1x128xi32, #tpu.memory_space<vmem>>
      %dma_wait3A_126 = tpu.memref_squeeze %dma_wait3A_125 : memref<1x128xi32, #tpu.memory_space<vmem>> -> memref<128xi32, #tpu.memory_space<vmem>>
      %dma_wait3A_127 = arith.constant 0 : i32
      %dma_wait3A_128 = arith.constant 0 : i32
      %dma_wait3A_129 = tpu.memref_slice %arg2[%dma_wait3A_127, %dma_wait3A_128] : memref<10000x16xf32, #tpu.memory_space<hbm>> -> memref<10000x16xf32, #tpu.memory_space<hbm>>
      tpu.wait_indirect_dma semaphore(%arg15 : memref<!tpu.dma_semaphore, #tpu.memory_space<semaphore_mem>>) src(%dma_wait3A_129 : memref<10000x16xf32, #tpu.memory_space<hbm>>) dst(%arg11 : memref<128x16xf32, #tpu.memory_space<vmem>>)
      %dma_start3A_130 = arith.constant 2 : i32
      %dma_start3A_131 = arith.constant 0 : i32
      %dma_start3A_132 = tpu.memref_slice %arg8[%dma_start3A_130, %dma_start3A_131] : memref<6x128xi32, #tpu.memory_space<vmem>> -> memref<1x128xi32, #tpu.memory_space<vmem>>
      %dma_start3A_133 = tpu.memref_squeeze %dma_start3A_132 : memref<1x128xi32, #tpu.memory_space<vmem>> -> memref<128xi32, #tpu.memory_space<vmem>>
      %dma_start3A_134 = arith.constant 0 : i32
      %dma_start3A_135 = arith.constant 0 : i32
      %dma_start3A_136 = tpu.memref_slice %arg12[%dma_start3A_134, %dma_start3A_135] : memref<10000x16xf32, #tpu.memory_space<vmem_shared>> -> memref<10000x16xf32, #tpu.memory_space<vmem_shared>>
      tpu.enqueue_indirect_dma source(%arg11 : memref<128x16xf32, #tpu.memory_space<vmem>>) target(%dma_start3A_136 : memref<10000x16xf32, #tpu.memory_space<vmem_shared>>) offsets(%dma_start3A_133 : memref<128xi32, #tpu.memory_space<vmem>>) semaphore(%arg18 : memref<!tpu.dma_semaphore, #tpu.memory_space<semaphore_mem>>) {add = true}
      %dma_wait3A_137 = arith.constant 2 : i32
      %dma_wait3A_138 = arith.constant 0 : i32
      %dma_wait3A_139 = tpu.memref_slice %arg8[%dma_wait3A_137, %dma_wait3A_138] : memref<6x128xi32, #tpu.memory_space<vmem>> -> memref<1x128xi32, #tpu.memory_space<vmem>>
      %dma_wait3A_140 = tpu.memref_squeeze %dma_wait3A_139 : memref<1x128xi32, #tpu.memory_space<vmem>> -> memref<128xi32, #tpu.memory_space<vmem>>
      %dma_wait3A_141 = arith.constant 0 : i32
      %dma_wait3A_142 = arith.constant 0 : i32
      %dma_wait3A_143 = tpu.memref_slice %arg12[%dma_wait3A_141, %dma_wait3A_142] : memref<10000x16xf32, #tpu.memory_space<vmem_shared>> -> memref<10000x16xf32, #tpu.memory_space<vmem_shared>>
      tpu.wait_indirect_dma semaphore(%arg18 : memref<!tpu.dma_semaphore, #tpu.memory_space<semaphore_mem>>) src(%arg11 : memref<128x16xf32, #tpu.memory_space<vmem>>) dst(%dma_wait3A_143 : memref<10000x16xf32, #tpu.memory_space<vmem_shared>>)
      %dma_start3A_144 = arith.constant 5 : i32
      %dma_start3A_145 = arith.constant 0 : i32
      %dma_start3A_146 = tpu.memref_slice %arg7[%dma_start3A_144, %dma_start3A_145] : memref<6x128xi32, #tpu.memory_space<vmem>> -> memref<1x128xi32, #tpu.memory_space<vmem>>
      %dma_start3A_147 = tpu.memref_squeeze %dma_start3A_146 : memref<1x128xi32, #tpu.memory_space<vmem>> -> memref<128xi32, #tpu.memory_space<vmem>>
      %dma_start3A_148 = arith.constant 0 : i32
      %dma_start3A_149 = arith.constant 0 : i32
      %dma_start3A_150 = tpu.memref_slice %arg2[%dma_start3A_148, %dma_start3A_149] : memref<10000x16xf32, #tpu.memory_space<hbm>> -> memref<10000x16xf32, #tpu.memory_space<hbm>>
      tpu.enqueue_indirect_dma source(%dma_start3A_150 : memref<10000x16xf32, #tpu.memory_space<hbm>>) target(%arg11 : memref<128x16xf32, #tpu.memory_space<vmem>>) offsets(%dma_start3A_147 : memref<128xi32, #tpu.memory_space<vmem>>) semaphore(%arg15 : memref<!tpu.dma_semaphore, #tpu.memory_space<semaphore_mem>>)
      %dma_wait3A_151 = arith.constant 3 : i32
      %dma_wait3A_152 = arith.constant 0 : i32
      %dma_wait3A_153 = tpu.memref_slice %arg7[%dma_wait3A_151, %dma_wait3A_152] : memref<6x128xi32, #tpu.memory_space<vmem>> -> memref<1x128xi32, #tpu.memory_space<vmem>>
      %dma_wait3A_154 = tpu.memref_squeeze %dma_wait3A_153 : memref<1x128xi32, #tpu.memory_space<vmem>> -> memref<128xi32, #tpu.memory_space<vmem>>
      %dma_wait3A_155 = arith.constant 0 : i32
      %dma_wait3A_156 = arith.constant 0 : i32
      %dma_wait3A_157 = tpu.memref_slice %arg2[%dma_wait3A_155, %dma_wait3A_156] : memref<10000x16xf32, #tpu.memory_space<hbm>> -> memref<10000x16xf32, #tpu.memory_space<hbm>>
      tpu.wait_indirect_dma semaphore(%arg13 : memref<!tpu.dma_semaphore, #tpu.memory_space<semaphore_mem>>) src(%dma_wait3A_157 : memref<10000x16xf32, #tpu.memory_space<hbm>>) dst(%arg9 : memref<128x16xf32, #tpu.memory_space<vmem>>)
      %dma_start3A_158 = arith.constant 3 : i32
      %dma_start3A_159 = arith.constant 0 : i32
      %dma_start3A_160 = tpu.memref_slice %arg8[%dma_start3A_158, %dma_start3A_159] : memref<6x128xi32, #tpu.memory_space<vmem>> -> memref<1x128xi32, #tpu.memory_space<vmem>>
      %dma_start3A_161 = tpu.memref_squeeze %dma_start3A_160 : memref<1x128xi32, #tpu.memory_space<vmem>> -> memref<128xi32, #tpu.memory_space<vmem>>
      %dma_start3A_162 = arith.constant 0 : i32
      %dma_start3A_163 = arith.constant 0 : i32
      %dma_start3A_164 = tpu.memref_slice %arg12[%dma_start3A_162, %dma_start3A_163] : memref<10000x16xf32, #tpu.memory_space<vmem_shared>> -> memref<10000x16xf32, #tpu.memory_space<vmem_shared>>
      tpu.enqueue_indirect_dma source(%arg9 : memref<128x16xf32, #tpu.memory_space<vmem>>) target(%dma_start3A_164 : memref<10000x16xf32, #tpu.memory_space<vmem_shared>>) offsets(%dma_start3A_161 : memref<128xi32, #tpu.memory_space<vmem>>) semaphore(%arg16 : memref<!tpu.dma_semaphore, #tpu.memory_space<semaphore_mem>>) {add = true}
      %dma_wait3A_165 = arith.constant 3 : i32
      %dma_wait3A_166 = arith.constant 0 : i32
      %dma_wait3A_167 = tpu.memref_slice %arg8[%dma_wait3A_165, %dma_wait3A_166] : memref<6x128xi32, #tpu.memory_space<vmem>> -> memref<1x128xi32, #tpu.memory_space<vmem>>
      %dma_wait3A_168 = tpu.memref_squeeze %dma_wait3A_167 : memref<1x128xi32, #tpu.memory_space<vmem>> -> memref<128xi32, #tpu.memory_space<vmem>>
      %dma_wait3A_169 = arith.constant 0 : i32
      %dma_wait3A_170 = arith.constant 0 : i32
      %dma_wait3A_171 = tpu.memref_slice %arg12[%dma_wait3A_169, %dma_wait3A_170] : memref<10000x16xf32, #tpu.memory_space<vmem_shared>> -> memref<10000x16xf32, #tpu.memory_space<vmem_shared>>
      tpu.wait_indirect_dma semaphore(%arg16 : memref<!tpu.dma_semaphore, #tpu.memory_space<semaphore_mem>>) src(%arg9 : memref<128x16xf32, #tpu.memory_space<vmem>>) dst(%dma_wait3A_171 : memref<10000x16xf32, #tpu.memory_space<vmem_shared>>)
      %dma_wait3A_172 = arith.constant 4 : i32
      %dma_wait3A_173 = arith.constant 0 : i32
      %dma_wait3A_174 = tpu.memref_slice %arg7[%dma_wait3A_172, %dma_wait3A_173] : memref<6x128xi32, #tpu.memory_space<vmem>> -> memref<1x128xi32, #tpu.memory_space<vmem>>
      %dma_wait3A_175 = tpu.memref_squeeze %dma_wait3A_174 : memref<1x128xi32, #tpu.memory_space<vmem>> -> memref<128xi32, #tpu.memory_space<vmem>>
      %dma_wait3A_176 = arith.constant 0 : i32
      %dma_wait3A_177 = arith.constant 0 : i32
      %dma_wait3A_178 = tpu.memref_slice %arg2[%dma_wait3A_176, %dma_wait3A_177] : memref<10000x16xf32, #tpu.memory_space<hbm>> -> memref<10000x16xf32, #tpu.memory_space<hbm>>
      tpu.wait_indirect_dma semaphore(%arg14 : memref<!tpu.dma_semaphore, #tpu.memory_space<semaphore_mem>>) src(%dma_wait3A_178 : memref<10000x16xf32, #tpu.memory_space<hbm>>) dst(%arg10 : memref<128x16xf32, #tpu.memory_space<vmem>>)
      %dma_start3A_179 = arith.constant 4 : i32
      %dma_start3A_180 = arith.constant 0 : i32
      %dma_start3A_181 = tpu.memref_slice %arg8[%dma_start3A_179, %dma_start3A_180] : memref<6x128xi32, #tpu.memory_space<vmem>> -> memref<1x128xi32, #tpu.memory_space<vmem>>
      %dma_start3A_182 = tpu.memref_squeeze %dma_start3A_181 : memref<1x128xi32, #tpu.memory_space<vmem>> -> memref<128xi32, #tpu.memory_space<vmem>>
      %dma_start3A_183 = arith.constant 0 : i32
      %dma_start3A_184 = arith.constant 0 : i32
      %dma_start3A_185 = tpu.memref_slice %arg12[%dma_start3A_183, %dma_start3A_184] : memref<10000x16xf32, #tpu.memory_space<vmem_shared>> -> memref<10000x16xf32, #tpu.memory_space<vmem_shared>>
      tpu.enqueue_indirect_dma source(%arg10 : memref<128x16xf32, #tpu.memory_space<vmem>>) target(%dma_start3A_185 : memref<10000x16xf32, #tpu.memory_space<vmem_shared>>) offsets(%dma_start3A_182 : memref<128xi32, #tpu.memory_space<vmem>>) semaphore(%arg17 : memref<!tpu.dma_semaphore, #tpu.memory_space<semaphore_mem>>) {add = true}
      %dma_wait3A_186 = arith.constant 4 : i32
      %dma_wait3A_187 = arith.constant 0 : i32
      %dma_wait3A_188 = tpu.memref_slice %arg8[%dma_wait3A_186, %dma_wait3A_187] : memref<6x128xi32, #tpu.memory_space<vmem>> -> memref<1x128xi32, #tpu.memory_space<vmem>>
      %dma_wait3A_189 = tpu.memref_squeeze %dma_wait3A_188 : memref<1x128xi32, #tpu.memory_space<vmem>> -> memref<128xi32, #tpu.memory_space<vmem>>
      %dma_wait3A_190 = arith.constant 0 : i32
      %dma_wait3A_191 = arith.constant 0 : i32
      %dma_wait3A_192 = tpu.memref_slice %arg12[%dma_wait3A_190, %dma_wait3A_191] : memref<10000x16xf32, #tpu.memory_space<vmem_shared>> -> memref<10000x16xf32, #tpu.memory_space<vmem_shared>>
      tpu.wait_indirect_dma semaphore(%arg17 : memref<!tpu.dma_semaphore, #tpu.memory_space<semaphore_mem>>) src(%arg10 : memref<128x16xf32, #tpu.memory_space<vmem>>) dst(%dma_wait3A_192 : memref<10000x16xf32, #tpu.memory_space<vmem_shared>>)
      %dma_wait3A_193 = arith.constant 5 : i32
      %dma_wait3A_194 = arith.constant 0 : i32
      %dma_wait3A_195 = tpu.memref_slice %arg7[%dma_wait3A_193, %dma_wait3A_194] : memref<6x128xi32, #tpu.memory_space<vmem>> -> memref<1x128xi32, #tpu.memory_space<vmem>>
      %dma_wait3A_196 = tpu.memref_squeeze %dma_wait3A_195 : memref<1x128xi32, #tpu.memory_space<vmem>> -> memref<128xi32, #tpu.memory_space<vmem>>
      %dma_wait3A_197 = arith.constant 0 : i32
      %dma_wait3A_198 = arith.constant 0 : i32
      %dma_wait3A_199 = tpu.memref_slice %arg2[%dma_wait3A_197, %dma_wait3A_198] : memref<10000x16xf32, #tpu.memory_space<hbm>> -> memref<10000x16xf32, #tpu.memory_space<hbm>>
      tpu.wait_indirect_dma semaphore(%arg15 : memref<!tpu.dma_semaphore, #tpu.memory_space<semaphore_mem>>) src(%dma_wait3A_199 : memref<10000x16xf32, #tpu.memory_space<hbm>>) dst(%arg11 : memref<128x16xf32, #tpu.memory_space<vmem>>)
      %dma_start3A_200 = arith.constant 5 : i32
      %dma_start3A_201 = arith.constant 0 : i32
      %dma_start3A_202 = tpu.memref_slice %arg8[%dma_start3A_200, %dma_start3A_201] : memref<6x128xi32, #tpu.memory_space<vmem>> -> memref<1x128xi32, #tpu.memory_space<vmem>>
      %dma_start3A_203 = tpu.memref_squeeze %dma_start3A_202 : memref<1x128xi32, #tpu.memory_space<vmem>> -> memref<128xi32, #tpu.memory_space<vmem>>
      %dma_start3A_204 = arith.constant 0 : i32
      %dma_start3A_205 = arith.constant 0 : i32
      %dma_start3A_206 = tpu.memref_slice %arg12[%dma_start3A_204, %dma_start3A_205] : memref<10000x16xf32, #tpu.memory_space<vmem_shared>> -> memref<10000x16xf32, #tpu.memory_space<vmem_shared>>
      tpu.enqueue_indirect_dma source(%arg11 : memref<128x16xf32, #tpu.memory_space<vmem>>) target(%dma_start3A_206 : memref<10000x16xf32, #tpu.memory_space<vmem_shared>>) offsets(%dma_start3A_203 : memref<128xi32, #tpu.memory_space<vmem>>) semaphore(%arg18 : memref<!tpu.dma_semaphore, #tpu.memory_space<semaphore_mem>>) {add = true}
    }
    %scan3A_13 = arith.constant 13 : i32
    %dma_wait3A = arith.constant 5 : i32
    %dma_wait3A_14 = arith.constant 0 : i32
    %dma_wait3A_15 = tpu.memref_slice %arg8[%dma_wait3A, %dma_wait3A_14] : memref<6x128xi32, #tpu.memory_space<vmem>> -> memref<1x128xi32, #tpu.memory_space<vmem>>
    %dma_wait3A_16 = tpu.memref_squeeze %dma_wait3A_15 : memref<1x128xi32, #tpu.memory_space<vmem>> -> memref<128xi32, #tpu.memory_space<vmem>>
    %dma_wait3A_17 = arith.constant 0 : i32
    %dma_wait3A_18 = arith.constant 0 : i32
    %dma_wait3A_19 = tpu.memref_slice %arg12[%dma_wait3A_17, %dma_wait3A_18] : memref<10000x16xf32, #tpu.memory_space<vmem_shared>> -> memref<10000x16xf32, #tpu.memory_space<vmem_shared>>
    tpu.wait_indirect_dma semaphore(%arg18 : memref<!tpu.dma_semaphore, #tpu.memory_space<semaphore_mem>>) src(%arg11 : memref<128x16xf32, #tpu.memory_space<vmem>>) dst(%dma_wait3A_19 : memref<10000x16xf32, #tpu.memory_space<vmem_shared>>)
    %lt3A_20 = arith.constant 4 : i32
    %lt3A_21 = arith.cmpi slt, %add3A, %lt3A_20 : i32
    %convert_element_type3A_22 = arith.extui %lt3A_21 : i1 to i32
    %cond3A_23 = arith.constant 0 : i32
    %cond3A_24 = arith.cmpi ne, %convert_element_type3A_22, %cond3A_23 : i32
    scf.if %cond3A_24 {
      %add3A_36 = arith.constant 2496 : i32
      %add3A_37 = arith.addi %add3A_36, %add3A : i32
      "tpu.region"() ({
        %run_scoped3A_53 = tpu.sem_alloc : memref<!tpu.dma_semaphore, #tpu.memory_space<semaphore_mem>>
        %dma_start3A_54 = arith.constant 0 : i32
        %dma_start3A_55 = arith.constant 0 : i32
        %dma_start3A_56 = tpu.memref_slice %arg7[%dma_start3A_54, %dma_start3A_55] : memref<6x128xi32, #tpu.memory_space<vmem>> -> memref<1x128xi32, #tpu.memory_space<vmem>>
        %dma_start3A_57 = arith.constant 0 : i32
        %dma_start3A_58 = tpu.memref_slice %arg3[%add3A_37, %dma_start3A_57] : memref<2500x128xi32, #tpu.memory_space<hbm>> -> memref<1x128xi32, #tpu.memory_space<hbm>>
        %dma_start3A_59 = arith.constant 0 : i32
        %dma_start3A_60 = arith.constant 0 : i32
        %dma_start3A_61 = tpu.memref_slice %arg7[%dma_start3A_59, %dma_start3A_60] : memref<6x128xi32, #tpu.memory_space<vmem>> -> memref<1x128xi32, #tpu.memory_space<vmem>>
        %dma_start3A_62 = arith.constant 0 : i32
        %dma_start3A_63 = tpu.memref_slice %arg3[%add3A_37, %dma_start3A_62] : memref<2500x128xi32, #tpu.memory_space<hbm>> -> memref<1x128xi32, #tpu.memory_space<hbm>>
        tpu.enqueue_dma source(%dma_start3A_63 : memref<1x128xi32, #tpu.memory_space<hbm>>) target(%dma_start3A_61 : memref<1x128xi32, #tpu.memory_space<vmem>>) target_semaphore(%run_scoped3A_53 : memref<!tpu.dma_semaphore, #tpu.memory_space<semaphore_mem>>)
        %dma_wait3A_64 = arith.constant 0 : i32
        %dma_wait3A_65 = arith.constant 0 : i32
        %dma_wait3A_66 = tpu.memref_slice %arg7[%dma_wait3A_64, %dma_wait3A_65] : memref<6x128xi32, #tpu.memory_space<vmem>> -> memref<1x128xi32, #tpu.memory_space<vmem>>
        %dma_wait3A_67 = arith.constant 0 : i32
        %dma_wait3A_68 = tpu.memref_slice %arg3[%add3A_37, %dma_wait3A_67] : memref<2500x128xi32, #tpu.memory_space<hbm>> -> memref<1x128xi32, #tpu.memory_space<hbm>>
        %dma_wait3A_69 = arith.constant 0 : i32
        %dma_wait3A_70 = arith.constant 0 : i32
        %dma_wait3A_71 = tpu.memref_slice %arg7[%dma_wait3A_69, %dma_wait3A_70] : memref<6x128xi32, #tpu.memory_space<vmem>> -> memref<1x128xi32, #tpu.memory_space<vmem>>
        %dma_wait3A_72 = arith.constant 0 : i32
        %dma_wait3A_73 = tpu.memref_slice %arg3[%add3A_37, %dma_wait3A_72] : memref<2500x128xi32, #tpu.memory_space<hbm>> -> memref<1x128xi32, #tpu.memory_space<hbm>>
        tpu.wait_dma2 semaphore(%run_scoped3A_53 : memref<!tpu.dma_semaphore, #tpu.memory_space<semaphore_mem>>) src(%dma_wait3A_73 : memref<1x128xi32, #tpu.memory_space<hbm>>) dst(%dma_wait3A_71 : memref<1x128xi32, #tpu.memory_space<vmem>>)
        tpu.yield
      }) : () -> ()
      %add3A_38 = arith.constant 2496 : i32
      %add3A_39 = arith.addi %add3A_38, %add3A : i32
      "tpu.region"() ({
        %run_scoped3A_53 = tpu.sem_alloc : memref<!tpu.dma_semaphore, #tpu.memory_space<semaphore_mem>>
        %dma_start3A_54 = arith.constant 0 : i32
        %dma_start3A_55 = arith.constant 0 : i32
        %dma_start3A_56 = tpu.memref_slice %arg8[%dma_start3A_54, %dma_start3A_55] : memref<6x128xi32, #tpu.memory_space<vmem>> -> memref<1x128xi32, #tpu.memory_space<vmem>>
        %dma_start3A_57 = arith.constant 0 : i32
        %dma_start3A_58 = tpu.memref_slice %arg4[%add3A_39, %dma_start3A_57] : memref<2500x128xi32, #tpu.memory_space<hbm>> -> memref<1x128xi32, #tpu.memory_space<hbm>>
        %dma_start3A_59 = arith.constant 0 : i32
        %dma_start3A_60 = arith.constant 0 : i32
        %dma_start3A_61 = tpu.memref_slice %arg8[%dma_start3A_59, %dma_start3A_60] : memref<6x128xi32, #tpu.memory_space<vmem>> -> memref<1x128xi32, #tpu.memory_space<vmem>>
        %dma_start3A_62 = arith.constant 0 : i32
        %dma_start3A_63 = tpu.memref_slice %arg4[%add3A_39, %dma_start3A_62] : memref<2500x128xi32, #tpu.memory_space<hbm>> -> memref<1x128xi32, #tpu.memory_space<hbm>>
        tpu.enqueue_dma source(%dma_start3A_63 : memref<1x128xi32, #tpu.memory_space<hbm>>) target(%dma_start3A_61 : memref<1x128xi32, #tpu.memory_space<vmem>>) target_semaphore(%run_scoped3A_53 : memref<!tpu.dma_semaphore, #tpu.memory_space<semaphore_mem>>)
        %dma_wait3A_64 = arith.constant 0 : i32
        %dma_wait3A_65 = arith.constant 0 : i32
        %dma_wait3A_66 = tpu.memref_slice %arg8[%dma_wait3A_64, %dma_wait3A_65] : memref<6x128xi32, #tpu.memory_space<vmem>> -> memref<1x128xi32, #tpu.memory_space<vmem>>
        %dma_wait3A_67 = arith.constant 0 : i32
        %dma_wait3A_68 = tpu.memref_slice %arg4[%add3A_39, %dma_wait3A_67] : memref<2500x128xi32, #tpu.memory_space<hbm>> -> memref<1x128xi32, #tpu.memory_space<hbm>>
        %dma_wait3A_69 = arith.constant 0 : i32
        %dma_wait3A_70 = arith.constant 0 : i32
        %dma_wait3A_71 = tpu.memref_slice %arg8[%dma_wait3A_69, %dma_wait3A_70] : memref<6x128xi32, #tpu.memory_space<vmem>> -> memref<1x128xi32, #tpu.memory_space<vmem>>
        %dma_wait3A_72 = arith.constant 0 : i32
        %dma_wait3A_73 = tpu.memref_slice %arg4[%add3A_39, %dma_wait3A_72] : memref<2500x128xi32, #tpu.memory_space<hbm>> -> memref<1x128xi32, #tpu.memory_space<hbm>>
        tpu.wait_dma2 semaphore(%run_scoped3A_53 : memref<!tpu.dma_semaphore, #tpu.memory_space<semaphore_mem>>) src(%dma_wait3A_73 : memref<1x128xi32, #tpu.memory_space<hbm>>) dst(%dma_wait3A_71 : memref<1x128xi32, #tpu.memory_space<vmem>>)
        tpu.yield
      }) : () -> ()
      %dma_start3A = arith.constant 0 : i32
      %dma_start3A_40 = arith.constant 0 : i32
      %dma_start3A_41 = tpu.memref_slice %arg7[%dma_start3A, %dma_start3A_40] : memref<6x128xi32, #tpu.memory_space<vmem>> -> memref<1x128xi32, #tpu.memory_space<vmem>>
      %dma_start3A_42 = tpu.memref_squeeze %dma_start3A_41 : memref<1x128xi32, #tpu.memory_space<vmem>> -> memref<128xi32, #tpu.memory_space<vmem>>
      %dma_start3A_43 = arith.constant 0 : i32
      %dma_start3A_44 = arith.constant 0 : i32
      %dma_start3A_45 = tpu.memref_slice %arg2[%dma_start3A_43, %dma_start3A_44] : memref<10000x16xf32, #tpu.memory_space<hbm>> -> memref<10000x16xf32, #tpu.memory_space<hbm>>
      tpu.enqueue_indirect_dma source(%dma_start3A_45 : memref<10000x16xf32, #tpu.memory_space<hbm>>) target(%arg9 : memref<128x16xf32, #tpu.memory_space<vmem>>) offsets(%dma_start3A_42 : memref<128xi32, #tpu.memory_space<vmem>>) semaphore(%arg13 : memref<!tpu.dma_semaphore, #tpu.memory_space<semaphore_mem>>)
      %dma_wait3A_46 = arith.constant 0 : i32
      %dma_wait3A_47 = arith.constant 0 : i32
      %dma_wait3A_48 = tpu.memref_slice %arg7[%dma_wait3A_46, %dma_wait3A_47] : memref<6x128xi32, #tpu.memory_space<vmem>> -> memref<1x128xi32, #tpu.memory_space<vmem>>
      %dma_wait3A_49 = tpu.memref_squeeze %dma_wait3A_48 : memref<1x128xi32, #tpu.memory_space<vmem>> -> memref<128xi32, #tpu.memory_space<vmem>>
      %dma_wait3A_50 = arith.constant 0 : i32
      %dma_wait3A_51 = arith.constant 0 : i32
      %dma_wait3A_52 = tpu.memref_slice %arg2[%dma_wait3A_50, %dma_wait3A_51] : memref<10000x16xf32, #tpu.memory_space<hbm>> -> memref<10000x16xf32, #tpu.memory_space<hbm>>
      tpu.wait_indirect_dma semaphore(%arg13 : memref<!tpu.dma_semaphore, #tpu.memory_space<semaphore_mem>>) src(%dma_wait3A_52 : memref<10000x16xf32, #tpu.memory_space<hbm>>) dst(%arg9 : memref<128x16xf32, #tpu.memory_space<vmem>>)
      %run_scoped3A = arith.constant 0 : i32
      "tpu.region"() ({
        %run_scoped3A_53 = tpu.sem_alloc : memref<!tpu.dma_semaphore, #tpu.memory_space<semaphore_mem>>
        %dma_start3A_54 = arith.constant 0 : i32
        %dma_start3A_55 = tpu.memref_slice %arg8[%run_scoped3A, %dma_start3A_54] : memref<6x128xi32, #tpu.memory_space<vmem>> -> memref<1x128xi32, #tpu.memory_space<vmem>>
        %dma_start3A_56 = tpu.memref_squeeze %dma_start3A_55 : memref<1x128xi32, #tpu.memory_space<vmem>> -> memref<128xi32, #tpu.memory_space<vmem>>
        %dma_start3A_57 = arith.constant 0 : i32
        %dma_start3A_58 = arith.constant 0 : i32
        %dma_start3A_59 = tpu.memref_slice %arg12[%dma_start3A_57, %dma_start3A_58] : memref<10000x16xf32, #tpu.memory_space<vmem_shared>> -> memref<10000x16xf32, #tpu.memory_space<vmem_shared>>
        tpu.enqueue_indirect_dma source(%arg9 : memref<128x16xf32, #tpu.memory_space<vmem>>) target(%dma_start3A_59 : memref<10000x16xf32, #tpu.memory_space<vmem_shared>>) offsets(%dma_start3A_56 : memref<128xi32, #tpu.memory_space<vmem>>) semaphore(%run_scoped3A_53 : memref<!tpu.dma_semaphore, #tpu.memory_space<semaphore_mem>>) {add = true}
        %dma_wait3A_60 = arith.constant 0 : i32
        %dma_wait3A_61 = tpu.memref_slice %arg8[%run_scoped3A, %dma_wait3A_60] : memref<6x128xi32, #tpu.memory_space<vmem>> -> memref<1x128xi32, #tpu.memory_space<vmem>>
        %dma_wait3A_62 = tpu.memref_squeeze %dma_wait3A_61 : memref<1x128xi32, #tpu.memory_space<vmem>> -> memref<128xi32, #tpu.memory_space<vmem>>
        %dma_wait3A_63 = arith.constant 0 : i32
        %dma_wait3A_64 = arith.constant 0 : i32
        %dma_wait3A_65 = tpu.memref_slice %arg12[%dma_wait3A_63, %dma_wait3A_64] : memref<10000x16xf32, #tpu.memory_space<vmem_shared>> -> memref<10000x16xf32, #tpu.memory_space<vmem_shared>>
        tpu.wait_indirect_dma semaphore(%run_scoped3A_53 : memref<!tpu.dma_semaphore, #tpu.memory_space<semaphore_mem>>) src(%arg9 : memref<128x16xf32, #tpu.memory_space<vmem>>) dst(%dma_wait3A_65 : memref<10000x16xf32, #tpu.memory_space<vmem_shared>>)
        tpu.yield
      }) : () -> ()
    } else {
    }
    %barrier3A_25 = arith.constant 0 : index
    tpu.barrier barrier_id(%barrier3A_25)
    %lt3A_26 = arith.constant 15 : i32
    %lt3A_27 = arith.cmpi slt, %arg1, %lt3A_26 : i32
    %convert_element_type3A_28 = arith.extui %lt3A_27 : i1 to i32
    %cond3A_29 = arith.constant 0 : i32
    %cond3A_30 = arith.cmpi ne, %convert_element_type3A_28, %cond3A_29 : i32
    scf.if %cond3A_30 {
      %mul3A_36 = arith.constant 624 : i32
      %mul3A_37 = arith.muli %arg1, %mul3A_36 : i32
      %add3A_38 = arith.constant 0 : i32
      %add3A_39 = arith.addi %mul3A_37, %add3A_38 : i32
      "tpu.region"() ({
        %run_scoped3A = tpu.sem_alloc : memref<!tpu.dma_semaphore, #tpu.memory_space<semaphore_mem>>
        %dma_start3A = arith.constant 0 : i32
        %dma_start3A_91 = tpu.memref_slice %arg12[%add3A_39, %dma_start3A] : memref<10000x16xf32, #tpu.memory_space<vmem_shared>> -> memref<128x16xf32, #tpu.memory_space<vmem_shared>>
        %dma_start3A_92 = arith.constant 0 : i32
        %dma_start3A_93 = tpu.memref_slice %arg12[%add3A_39, %dma_start3A_92] : memref<10000x16xf32, #tpu.memory_space<vmem_shared>> -> memref<128x16xf32, #tpu.memory_space<vmem_shared>>
        tpu.enqueue_dma source(%dma_start3A_93 : memref<128x16xf32, #tpu.memory_space<vmem_shared>>) target(%arg9 : memref<128x16xf32, #tpu.memory_space<vmem>>) target_semaphore(%run_scoped3A : memref<!tpu.dma_semaphore, #tpu.memory_space<semaphore_mem>>)
        %dma_wait3A_94 = arith.constant 0 : i32
        %dma_wait3A_95 = tpu.memref_slice %arg12[%add3A_39, %dma_wait3A_94] : memref<10000x16xf32, #tpu.memory_space<vmem_shared>> -> memref<128x16xf32, #tpu.memory_space<vmem_shared>>
        %dma_wait3A_96 = arith.constant 0 : i32
        %dma_wait3A_97 = tpu.memref_slice %arg12[%add3A_39, %dma_wait3A_96] : memref<10000x16xf32, #tpu.memory_space<vmem_shared>> -> memref<128x16xf32, #tpu.memory_space<vmem_shared>>
        tpu.wait_dma2 semaphore(%run_scoped3A : memref<!tpu.dma_semaphore, #tpu.memory_space<semaphore_mem>>) src(%dma_wait3A_97 : memref<128x16xf32, #tpu.memory_space<vmem_shared>>) dst(%arg9 : memref<128x16xf32, #tpu.memory_space<vmem>>)
        tpu.yield
      }) : () -> ()
      %mul3A_40 = arith.constant 10000 : i32
      %mul3A_41 = arith.muli %arg0, %mul3A_40 : i32
      %mul3A_42 = arith.constant 624 : i32
      %mul3A_43 = arith.muli %arg1, %mul3A_42 : i32
      %add3A_44 = arith.addi %mul3A_41, %mul3A_43 : i32
      %add3A_45 = arith.constant 0 : i32
      %add3A_46 = arith.addi %add3A_44, %add3A_45 : i32
      "tpu.region"() ({
        %run_scoped3A = tpu.sem_alloc : memref<!tpu.dma_semaphore, #tpu.memory_space<semaphore_mem>>
        %dma_start3A = arith.constant 0 : i32
        %dma_start3A_91 = tpu.memref_slice %arg6[%add3A_46, %dma_start3A] : memref<20000x16xf32, #tpu.memory_space<hbm>> -> memref<128x16xf32, #tpu.memory_space<hbm>>
        %dma_start3A_92 = arith.constant 0 : i32
        %dma_start3A_93 = tpu.memref_slice %arg6[%add3A_46, %dma_start3A_92] : memref<20000x16xf32, #tpu.memory_space<hbm>> -> memref<128x16xf32, #tpu.memory_space<hbm>>
        tpu.enqueue_dma source(%arg9 : memref<128x16xf32, #tpu.memory_space<vmem>>) target(%dma_start3A_93 : memref<128x16xf32, #tpu.memory_space<hbm>>) target_semaphore(%run_scoped3A : memref<!tpu.dma_semaphore, #tpu.memory_space<semaphore_mem>>)
        %dma_wait3A_94 = arith.constant 0 : i32
        %dma_wait3A_95 = tpu.memref_slice %arg6[%add3A_46, %dma_wait3A_94] : memref<20000x16xf32, #tpu.memory_space<hbm>> -> memref<128x16xf32, #tpu.memory_space<hbm>>
        %dma_wait3A_96 = arith.constant 0 : i32
        %dma_wait3A_97 = tpu.memref_slice %arg6[%add3A_46, %dma_wait3A_96] : memref<20000x16xf32, #tpu.memory_space<hbm>> -> memref<128x16xf32, #tpu.memory_space<hbm>>
        tpu.wait_dma2 semaphore(%run_scoped3A : memref<!tpu.dma_semaphore, #tpu.memory_space<semaphore_mem>>) src(%arg9 : memref<128x16xf32, #tpu.memory_space<vmem>>) dst(%dma_wait3A_97 : memref<128x16xf32, #tpu.memory_space<hbm>>)
        tpu.yield
      }) : () -> ()
      %mul3A_47 = arith.constant 624 : i32
      %mul3A_48 = arith.muli %arg1, %mul3A_47 : i32
      %add3A_49 = arith.constant 128 : i32
      %add3A_50 = arith.addi %mul3A_48, %add3A_49 : i32
      "tpu.region"() ({
        %run_scoped3A = tpu.sem_alloc : memref<!tpu.dma_semaphore, #tpu.memory_space<semaphore_mem>>
        %dma_start3A = arith.constant 0 : i32
        %dma_start3A_91 = tpu.memref_slice %arg12[%add3A_50, %dma_start3A] : memref<10000x16xf32, #tpu.memory_space<vmem_shared>> -> memref<128x16xf32, #tpu.memory_space<vmem_shared>>
        %dma_start3A_92 = arith.constant 0 : i32
        %dma_start3A_93 = tpu.memref_slice %arg12[%add3A_50, %dma_start3A_92] : memref<10000x16xf32, #tpu.memory_space<vmem_shared>> -> memref<128x16xf32, #tpu.memory_space<vmem_shared>>
        tpu.enqueue_dma source(%dma_start3A_93 : memref<128x16xf32, #tpu.memory_space<vmem_shared>>) target(%arg9 : memref<128x16xf32, #tpu.memory_space<vmem>>) target_semaphore(%run_scoped3A : memref<!tpu.dma_semaphore, #tpu.memory_space<semaphore_mem>>)
        %dma_wait3A_94 = arith.constant 0 : i32
        %dma_wait3A_95 = tpu.memref_slice %arg12[%add3A_50, %dma_wait3A_94] : memref<10000x16xf32, #tpu.memory_space<vmem_shared>> -> memref<128x16xf32, #tpu.memory_space<vmem_shared>>
        %dma_wait3A_96 = arith.constant 0 : i32
        %dma_wait3A_97 = tpu.memref_slice %arg12[%add3A_50, %dma_wait3A_96] : memref<10000x16xf32, #tpu.memory_space<vmem_shared>> -> memref<128x16xf32, #tpu.memory_space<vmem_shared>>
        tpu.wait_dma2 semaphore(%run_scoped3A : memref<!tpu.dma_semaphore, #tpu.memory_space<semaphore_mem>>) src(%dma_wait3A_97 : memref<128x16xf32, #tpu.memory_space<vmem_shared>>) dst(%arg9 : memref<128x16xf32, #tpu.memory_space<vmem>>)
        tpu.yield
      }) : () -> ()
      %mul3A_51 = arith.constant 10000 : i32
      %mul3A_52 = arith.muli %arg0, %mul3A_51 : i32
      %mul3A_53 = arith.constant 624 : i32
      %mul3A_54 = arith.muli %arg1, %mul3A_53 : i32
      %add3A_55 = arith.addi %mul3A_52, %mul3A_54 : i32
      %add3A_56 = arith.constant 128 : i32
      %add3A_57 = arith.addi %add3A_55, %add3A_56 : i32
      "tpu.region"() ({
        %run_scoped3A = tpu.sem_alloc : memref<!tpu.dma_semaphore, #tpu.memory_space<semaphore_mem>>
        %dma_start3A = arith.constant 0 : i32
        %dma_start3A_91 = tpu.memref_slice %arg6[%add3A_57, %dma_start3A] : memref<20000x16xf32, #tpu.memory_space<hbm>> -> memref<128x16xf32, #tpu.memory_space<hbm>>
        %dma_start3A_92 = arith.constant 0 : i32
        %dma_start3A_93 = tpu.memref_slice %arg6[%add3A_57, %dma_start3A_92] : memref<20000x16xf32, #tpu.memory_space<hbm>> -> memref<128x16xf32, #tpu.memory_space<hbm>>
        tpu.enqueue_dma source(%arg9 : memref<128x16xf32, #tpu.memory_space<vmem>>) target(%dma_start3A_93 : memref<128x16xf32, #tpu.memory_space<hbm>>) target_semaphore(%run_scoped3A : memref<!tpu.dma_semaphore, #tpu.memory_space<semaphore_mem>>)
        %dma_wait3A_94 = arith.constant 0 : i32
        %dma_wait3A_95 = tpu.memref_slice %arg6[%add3A_57, %dma_wait3A_94] : memref<20000x16xf32, #tpu.memory_space<hbm>> -> memref<128x16xf32, #tpu.memory_space<hbm>>
        %dma_wait3A_96 = arith.constant 0 : i32
        %dma_wait3A_97 = tpu.memref_slice %arg6[%add3A_57, %dma_wait3A_96] : memref<20000x16xf32, #tpu.memory_space<hbm>> -> memref<128x16xf32, #tpu.memory_space<hbm>>
        tpu.wait_dma2 semaphore(%run_scoped3A : memref<!tpu.dma_semaphore, #tpu.memory_space<semaphore_mem>>) src(%arg9 : memref<128x16xf32, #tpu.memory_space<vmem>>) dst(%dma_wait3A_97 : memref<128x16xf32, #tpu.memory_space<hbm>>)
        tpu.yield
      }) : () -> ()
      %mul3A_58 = arith.constant 624 : i32
      %mul3A_59 = arith.muli %arg1, %mul3A_58 : i32
      %add3A_60 = arith.constant 256 : i32
      %add3A_61 = arith.addi %mul3A_59, %add3A_60 : i32
      "tpu.region"() ({
        %run_scoped3A = tpu.sem_alloc : memref<!tpu.dma_semaphore, #tpu.memory_space<semaphore_mem>>
        %dma_start3A = arith.constant 0 : i32
        %dma_start3A_91 = tpu.memref_slice %arg12[%add3A_61, %dma_start3A] : memref<10000x16xf32, #tpu.memory_space<vmem_shared>> -> memref<128x16xf32, #tpu.memory_space<vmem_shared>>
        %dma_start3A_92 = arith.constant 0 : i32
        %dma_start3A_93 = tpu.memref_slice %arg12[%add3A_61, %dma_start3A_92] : memref<10000x16xf32, #tpu.memory_space<vmem_shared>> -> memref<128x16xf32, #tpu.memory_space<vmem_shared>>
        tpu.enqueue_dma source(%dma_start3A_93 : memref<128x16xf32, #tpu.memory_space<vmem_shared>>) target(%arg9 : memref<128x16xf32, #tpu.memory_space<vmem>>) target_semaphore(%run_scoped3A : memref<!tpu.dma_semaphore, #tpu.memory_space<semaphore_mem>>)
        %dma_wait3A_94 = arith.constant 0 : i32
        %dma_wait3A_95 = tpu.memref_slice %arg12[%add3A_61, %dma_wait3A_94] : memref<10000x16xf32, #tpu.memory_space<vmem_shared>> -> memref<128x16xf32, #tpu.memory_space<vmem_shared>>
        %dma_wait3A_96 = arith.constant 0 : i32
        %dma_wait3A_97 = tpu.memref_slice %arg12[%add3A_61, %dma_wait3A_96] : memref<10000x16xf32, #tpu.memory_space<vmem_shared>> -> memref<128x16xf32, #tpu.memory_space<vmem_shared>>
        tpu.wait_dma2 semaphore(%run_scoped3A : memref<!tpu.dma_semaphore, #tpu.memory_space<semaphore_mem>>) src(%dma_wait3A_97 : memref<128x16xf32, #tpu.memory_space<vmem_shared>>) dst(%arg9 : memref<128x16xf32, #tpu.memory_space<vmem>>)
        tpu.yield
      }) : () -> ()
      %mul3A_62 = arith.constant 10000 : i32
      %mul3A_63 = arith.muli %arg0, %mul3A_62 : i32
      %mul3A_64 = arith.constant 624 : i32
      %mul3A_65 = arith.muli %arg1, %mul3A_64 : i32
      %add3A_66 = arith.addi %mul3A_63, %mul3A_65 : i32
      %add3A_67 = arith.constant 256 : i32
      %add3A_68 = arith.addi %add3A_66, %add3A_67 : i32
      "tpu.region"() ({
        %run_scoped3A = tpu.sem_alloc : memref<!tpu.dma_semaphore, #tpu.memory_space<semaphore_mem>>
        %dma_start3A = arith.constant 0 : i32
        %dma_start3A_91 = tpu.memref_slice %arg6[%add3A_68, %dma_start3A] : memref<20000x16xf32, #tpu.memory_space<hbm>> -> memref<128x16xf32, #tpu.memory_space<hbm>>
        %dma_start3A_92 = arith.constant 0 : i32
        %dma_start3A_93 = tpu.memref_slice %arg6[%add3A_68, %dma_start3A_92] : memref<20000x16xf32, #tpu.memory_space<hbm>> -> memref<128x16xf32, #tpu.memory_space<hbm>>
        tpu.enqueue_dma source(%arg9 : memref<128x16xf32, #tpu.memory_space<vmem>>) target(%dma_start3A_93 : memref<128x16xf32, #tpu.memory_space<hbm>>) target_semaphore(%run_scoped3A : memref<!tpu.dma_semaphore, #tpu.memory_space<semaphore_mem>>)
        %dma_wait3A_94 = arith.constant 0 : i32
        %dma_wait3A_95 = tpu.memref_slice %arg6[%add3A_68, %dma_wait3A_94] : memref<20000x16xf32, #tpu.memory_space<hbm>> -> memref<128x16xf32, #tpu.memory_space<hbm>>
        %dma_wait3A_96 = arith.constant 0 : i32
        %dma_wait3A_97 = tpu.memref_slice %arg6[%add3A_68, %dma_wait3A_96] : memref<20000x16xf32, #tpu.memory_space<hbm>> -> memref<128x16xf32, #tpu.memory_space<hbm>>
        tpu.wait_dma2 semaphore(%run_scoped3A : memref<!tpu.dma_semaphore, #tpu.memory_space<semaphore_mem>>) src(%arg9 : memref<128x16xf32, #tpu.memory_space<vmem>>) dst(%dma_wait3A_97 : memref<128x16xf32, #tpu.memory_space<hbm>>)
        tpu.yield
      }) : () -> ()
      %mul3A_69 = arith.constant 624 : i32
      %mul3A_70 = arith.muli %arg1, %mul3A_69 : i32
      %add3A_71 = arith.constant 384 : i32
      %add3A_72 = arith.addi %mul3A_70, %add3A_71 : i32
      "tpu.region"() ({
        %run_scoped3A = tpu.sem_alloc : memref<!tpu.dma_semaphore, #tpu.memory_space<semaphore_mem>>
        %dma_start3A = arith.constant 0 : i32
        %dma_start3A_91 = tpu.memref_slice %arg12[%add3A_72, %dma_start3A] : memref<10000x16xf32, #tpu.memory_space<vmem_shared>> -> memref<128x16xf32, #tpu.memory_space<vmem_shared>>
        %dma_start3A_92 = arith.constant 0 : i32
        %dma_start3A_93 = tpu.memref_slice %arg12[%add3A_72, %dma_start3A_92] : memref<10000x16xf32, #tpu.memory_space<vmem_shared>> -> memref<128x16xf32, #tpu.memory_space<vmem_shared>>
        tpu.enqueue_dma source(%dma_start3A_93 : memref<128x16xf32, #tpu.memory_space<vmem_shared>>) target(%arg9 : memref<128x16xf32, #tpu.memory_space<vmem>>) target_semaphore(%run_scoped3A : memref<!tpu.dma_semaphore, #tpu.memory_space<semaphore_mem>>)
        %dma_wait3A_94 = arith.constant 0 : i32
        %dma_wait3A_95 = tpu.memref_slice %arg12[%add3A_72, %dma_wait3A_94] : memref<10000x16xf32, #tpu.memory_space<vmem_shared>> -> memref<128x16xf32, #tpu.memory_space<vmem_shared>>
        %dma_wait3A_96 = arith.constant 0 : i32
        %dma_wait3A_97 = tpu.memref_slice %arg12[%add3A_72, %dma_wait3A_96] : memref<10000x16xf32, #tpu.memory_space<vmem_shared>> -> memref<128x16xf32, #tpu.memory_space<vmem_shared>>
        tpu.wait_dma2 semaphore(%run_scoped3A : memref<!tpu.dma_semaphore, #tpu.memory_space<semaphore_mem>>) src(%dma_wait3A_97 : memref<128x16xf32, #tpu.memory_space<vmem_shared>>) dst(%arg9 : memref<128x16xf32, #tpu.memory_space<vmem>>)
        tpu.yield
      }) : () -> ()
      %mul3A_73 = arith.constant 10000 : i32
      %mul3A_74 = arith.muli %arg0, %mul3A_73 : i32
      %mul3A_75 = arith.constant 624 : i32
      %mul3A_76 = arith.muli %arg1, %mul3A_75 : i32
      %add3A_77 = arith.addi %mul3A_74, %mul3A_76 : i32
      %add3A_78 = arith.constant 384 : i32
      %add3A_79 = arith.addi %add3A_77, %add3A_78 : i32
      "tpu.region"() ({
        %run_scoped3A = tpu.sem_alloc : memref<!tpu.dma_semaphore, #tpu.memory_space<semaphore_mem>>
        %dma_start3A = arith.constant 0 : i32
        %dma_start3A_91 = tpu.memref_slice %arg6[%add3A_79, %dma_start3A] : memref<20000x16xf32, #tpu.memory_space<hbm>> -> memref<128x16xf32, #tpu.memory_space<hbm>>
        %dma_start3A_92 = arith.constant 0 : i32
        %dma_start3A_93 = tpu.memref_slice %arg6[%add3A_79, %dma_start3A_92] : memref<20000x16xf32, #tpu.memory_space<hbm>> -> memref<128x16xf32, #tpu.memory_space<hbm>>
        tpu.enqueue_dma source(%arg9 : memref<128x16xf32, #tpu.memory_space<vmem>>) target(%dma_start3A_93 : memref<128x16xf32, #tpu.memory_space<hbm>>) target_semaphore(%run_scoped3A : memref<!tpu.dma_semaphore, #tpu.memory_space<semaphore_mem>>)
        %dma_wait3A_94 = arith.constant 0 : i32
        %dma_wait3A_95 = tpu.memref_slice %arg6[%add3A_79, %dma_wait3A_94] : memref<20000x16xf32, #tpu.memory_space<hbm>> -> memref<128x16xf32, #tpu.memory_space<hbm>>
        %dma_wait3A_96 = arith.constant 0 : i32
        %dma_wait3A_97 = tpu.memref_slice %arg6[%add3A_79, %dma_wait3A_96] : memref<20000x16xf32, #tpu.memory_space<hbm>> -> memref<128x16xf32, #tpu.memory_space<hbm>>
        tpu.wait_dma2 semaphore(%run_scoped3A : memref<!tpu.dma_semaphore, #tpu.memory_space<semaphore_mem>>) src(%arg9 : memref<128x16xf32, #tpu.memory_space<vmem>>) dst(%dma_wait3A_97 : memref<128x16xf32, #tpu.memory_space<hbm>>)
        tpu.yield
      }) : () -> ()
      %mul3A_80 = arith.constant 624 : i32
      %mul3A_81 = arith.muli %arg1, %mul3A_80 : i32
      %add3A_82 = arith.constant 512 : i32
      %add3A_83 = arith.addi %mul3A_81, %add3A_82 : i32
      "tpu.region"() ({
        %run_scoped3A = tpu.sem_alloc : memref<!tpu.dma_semaphore, #tpu.memory_space<semaphore_mem>>
        %dma_start3A = arith.constant 0 : i32
        %dma_start3A_91 = arith.constant 0 : i32
        %dma_start3A_92 = tpu.memref_slice %arg9[%dma_start3A, %dma_start3A_91] : memref<128x16xf32, #tpu.memory_space<vmem>> -> memref<112x16xf32, #tpu.memory_space<vmem>>
        %dma_start3A_93 = arith.constant 0 : i32
        %dma_start3A_94 = tpu.memref_slice %arg12[%add3A_83, %dma_start3A_93] : memref<10000x16xf32, #tpu.memory_space<vmem_shared>> -> memref<112x16xf32, #tpu.memory_space<vmem_shared>>
        %dma_start3A_95 = arith.constant 0 : i32
        %dma_start3A_96 = arith.constant 0 : i32
        %dma_start3A_97 = tpu.memref_slice %arg9[%dma_start3A_95, %dma_start3A_96] : memref<128x16xf32, #tpu.memory_space<vmem>> -> memref<112x16xf32, #tpu.memory_space<vmem>>
        %dma_start3A_98 = arith.constant 0 : i32
        %dma_start3A_99 = tpu.memref_slice %arg12[%add3A_83, %dma_start3A_98] : memref<10000x16xf32, #tpu.memory_space<vmem_shared>> -> memref<112x16xf32, #tpu.memory_space<vmem_shared>>
        tpu.enqueue_dma source(%dma_start3A_99 : memref<112x16xf32, #tpu.memory_space<vmem_shared>>) target(%dma_start3A_97 : memref<112x16xf32, #tpu.memory_space<vmem>>) target_semaphore(%run_scoped3A : memref<!tpu.dma_semaphore, #tpu.memory_space<semaphore_mem>>)
        %dma_wait3A_100 = arith.constant 0 : i32
        %dma_wait3A_101 = arith.constant 0 : i32
        %dma_wait3A_102 = tpu.memref_slice %arg9[%dma_wait3A_100, %dma_wait3A_101] : memref<128x16xf32, #tpu.memory_space<vmem>> -> memref<112x16xf32, #tpu.memory_space<vmem>>
        %dma_wait3A_103 = arith.constant 0 : i32
        %dma_wait3A_104 = tpu.memref_slice %arg12[%add3A_83, %dma_wait3A_103] : memref<10000x16xf32, #tpu.memory_space<vmem_shared>> -> memref<112x16xf32, #tpu.memory_space<vmem_shared>>
        %dma_wait3A_105 = arith.constant 0 : i32
        %dma_wait3A_106 = arith.constant 0 : i32
        %dma_wait3A_107 = tpu.memref_slice %arg9[%dma_wait3A_105, %dma_wait3A_106] : memref<128x16xf32, #tpu.memory_space<vmem>> -> memref<112x16xf32, #tpu.memory_space<vmem>>
        %dma_wait3A_108 = arith.constant 0 : i32
        %dma_wait3A_109 = tpu.memref_slice %arg12[%add3A_83, %dma_wait3A_108] : memref<10000x16xf32, #tpu.memory_space<vmem_shared>> -> memref<112x16xf32, #tpu.memory_space<vmem_shared>>
        tpu.wait_dma2 semaphore(%run_scoped3A : memref<!tpu.dma_semaphore, #tpu.memory_space<semaphore_mem>>) src(%dma_wait3A_109 : memref<112x16xf32, #tpu.memory_space<vmem_shared>>) dst(%dma_wait3A_107 : memref<112x16xf32, #tpu.memory_space<vmem>>)
        tpu.yield
      }) : () -> ()
      %mul3A_84 = arith.constant 10000 : i32
      %mul3A_85 = arith.muli %arg0, %mul3A_84 : i32
      %mul3A_86 = arith.constant 624 : i32
      %mul3A_87 = arith.muli %arg1, %mul3A_86 : i32
      %add3A_88 = arith.addi %mul3A_85, %mul3A_87 : i32
      %add3A_89 = arith.constant 512 : i32
      %add3A_90 = arith.addi %add3A_88, %add3A_89 : i32
      "tpu.region"() ({
        %run_scoped3A = tpu.sem_alloc : memref<!tpu.dma_semaphore, #tpu.memory_space<semaphore_mem>>
        %dma_start3A = arith.constant 0 : i32
        %dma_start3A_91 = arith.constant 0 : i32
        %dma_start3A_92 = tpu.memref_slice %arg9[%dma_start3A, %dma_start3A_91] : memref<128x16xf32, #tpu.memory_space<vmem>> -> memref<112x16xf32, #tpu.memory_space<vmem>>
        %dma_start3A_93 = arith.constant 0 : i32
        %dma_start3A_94 = tpu.memref_slice %arg6[%add3A_90, %dma_start3A_93] : memref<20000x16xf32, #tpu.memory_space<hbm>> -> memref<112x16xf32, #tpu.memory_space<hbm>>
        %dma_start3A_95 = arith.constant 0 : i32
        %dma_start3A_96 = tpu.memref_slice %arg6[%add3A_90, %dma_start3A_95] : memref<20000x16xf32, #tpu.memory_space<hbm>> -> memref<112x16xf32, #tpu.memory_space<hbm>>
        %dma_start3A_97 = arith.constant 0 : i32
        %dma_start3A_98 = arith.constant 0 : i32
        %dma_start3A_99 = tpu.memref_slice %arg9[%dma_start3A_97, %dma_start3A_98] : memref<128x16xf32, #tpu.memory_space<vmem>> -> memref<112x16xf32, #tpu.memory_space<vmem>>
        tpu.enqueue_dma source(%dma_start3A_99 : memref<112x16xf32, #tpu.memory_space<vmem>>) target(%dma_start3A_96 : memref<112x16xf32, #tpu.memory_space<hbm>>) target_semaphore(%run_scoped3A : memref<!tpu.dma_semaphore, #tpu.memory_space<semaphore_mem>>)
        %dma_wait3A_100 = arith.constant 0 : i32
        %dma_wait3A_101 = arith.constant 0 : i32
        %dma_wait3A_102 = tpu.memref_slice %arg9[%dma_wait3A_100, %dma_wait3A_101] : memref<128x16xf32, #tpu.memory_space<vmem>> -> memref<112x16xf32, #tpu.memory_space<vmem>>
        %dma_wait3A_103 = arith.constant 0 : i32
        %dma_wait3A_104 = tpu.memref_slice %arg6[%add3A_90, %dma_wait3A_103] : memref<20000x16xf32, #tpu.memory_space<hbm>> -> memref<112x16xf32, #tpu.memory_space<hbm>>
        %dma_wait3A_105 = arith.constant 0 : i32
        %dma_wait3A_106 = tpu.memref_slice %arg6[%add3A_90, %dma_wait3A_105] : memref<20000x16xf32, #tpu.memory_space<hbm>> -> memref<112x16xf32, #tpu.memory_space<hbm>>
        %dma_wait3A_107 = arith.constant 0 : i32
        %dma_wait3A_108 = arith.constant 0 : i32
        %dma_wait3A_109 = tpu.memref_slice %arg9[%dma_wait3A_107, %dma_wait3A_108] : memref<128x16xf32, #tpu.memory_space<vmem>> -> memref<112x16xf32, #tpu.memory_space<vmem>>
        tpu.wait_dma2 semaphore(%run_scoped3A : memref<!tpu.dma_semaphore, #tpu.memory_space<semaphore_mem>>) src(%dma_wait3A_109 : memref<112x16xf32, #tpu.memory_space<vmem>>) dst(%dma_wait3A_106 : memref<112x16xf32, #tpu.memory_space<hbm>>)
        tpu.yield
      }) : () -> ()
    } else {
    }
    %eq3A_31 = arith.constant 15 : i32
    %eq3A_32 = arith.cmpi eq, %arg1, %eq3A_31 : i32
    %convert_element_type3A_33 = arith.extui %eq3A_32 : i1 to i32
    %cond3A_34 = arith.constant 0 : i32
    %cond3A_35 = arith.cmpi ne, %convert_element_type3A_33, %cond3A_34 : i32
    scf.if %cond3A_35 {
      "tpu.region"() ({
        %run_scoped3A = tpu.sem_alloc : memref<!tpu.dma_semaphore, #tpu.memory_space<semaphore_mem>>
        %dma_start3A = arith.constant 9360 : i32
        %dma_start3A_66 = arith.constant 0 : i32
        %dma_start3A_67 = tpu.memref_slice %arg12[%dma_start3A, %dma_start3A_66] : memref<10000x16xf32, #tpu.memory_space<vmem_shared>> -> memref<128x16xf32, #tpu.memory_space<vmem_shared>>
        %dma_start3A_68 = arith.constant 9360 : i32
        %dma_start3A_69 = arith.constant 0 : i32
        %dma_start3A_70 = tpu.memref_slice %arg12[%dma_start3A_68, %dma_start3A_69] : memref<10000x16xf32, #tpu.memory_space<vmem_shared>> -> memref<128x16xf32, #tpu.memory_space<vmem_shared>>
        tpu.enqueue_dma source(%dma_start3A_70 : memref<128x16xf32, #tpu.memory_space<vmem_shared>>) target(%arg9 : memref<128x16xf32, #tpu.memory_space<vmem>>) target_semaphore(%run_scoped3A : memref<!tpu.dma_semaphore, #tpu.memory_space<semaphore_mem>>)
        %dma_wait3A_71 = arith.constant 9360 : i32
        %dma_wait3A_72 = arith.constant 0 : i32
        %dma_wait3A_73 = tpu.memref_slice %arg12[%dma_wait3A_71, %dma_wait3A_72] : memref<10000x16xf32, #tpu.memory_space<vmem_shared>> -> memref<128x16xf32, #tpu.memory_space<vmem_shared>>
        %dma_wait3A_74 = arith.constant 9360 : i32
        %dma_wait3A_75 = arith.constant 0 : i32
        %dma_wait3A_76 = tpu.memref_slice %arg12[%dma_wait3A_74, %dma_wait3A_75] : memref<10000x16xf32, #tpu.memory_space<vmem_shared>> -> memref<128x16xf32, #tpu.memory_space<vmem_shared>>
        tpu.wait_dma2 semaphore(%run_scoped3A : memref<!tpu.dma_semaphore, #tpu.memory_space<semaphore_mem>>) src(%dma_wait3A_76 : memref<128x16xf32, #tpu.memory_space<vmem_shared>>) dst(%arg9 : memref<128x16xf32, #tpu.memory_space<vmem>>)
        tpu.yield
      }) : () -> ()
      %mul3A_36 = arith.constant 10000 : i32
      %mul3A_37 = arith.muli %arg0, %mul3A_36 : i32
      %add3A_38 = arith.constant 9360 : i32
      %add3A_39 = arith.addi %mul3A_37, %add3A_38 : i32
      %add3A_40 = arith.constant 0 : i32
      %add3A_41 = arith.addi %add3A_39, %add3A_40 : i32
      "tpu.region"() ({
        %run_scoped3A = tpu.sem_alloc : memref<!tpu.dma_semaphore, #tpu.memory_space<semaphore_mem>>
        %dma_start3A = arith.constant 0 : i32
        %dma_start3A_66 = tpu.memref_slice %arg6[%add3A_41, %dma_start3A] : memref<20000x16xf32, #tpu.memory_space<hbm>> -> memref<128x16xf32, #tpu.memory_space<hbm>>
        %dma_start3A_67 = arith.constant 0 : i32
        %dma_start3A_68 = tpu.memref_slice %arg6[%add3A_41, %dma_start3A_67] : memref<20000x16xf32, #tpu.memory_space<hbm>> -> memref<128x16xf32, #tpu.memory_space<hbm>>
        tpu.enqueue_dma source(%arg9 : memref<128x16xf32, #tpu.memory_space<vmem>>) target(%dma_start3A_68 : memref<128x16xf32, #tpu.memory_space<hbm>>) target_semaphore(%run_scoped3A : memref<!tpu.dma_semaphore, #tpu.memory_space<semaphore_mem>>)
        %dma_wait3A_69 = arith.constant 0 : i32
        %dma_wait3A_70 = tpu.memref_slice %arg6[%add3A_41, %dma_wait3A_69] : memref<20000x16xf32, #tpu.memory_space<hbm>> -> memref<128x16xf32, #tpu.memory_space<hbm>>
        %dma_wait3A_71 = arith.constant 0 : i32
        %dma_wait3A_72 = tpu.memref_slice %arg6[%add3A_41, %dma_wait3A_71] : memref<20000x16xf32, #tpu.memory_space<hbm>> -> memref<128x16xf32, #tpu.memory_space<hbm>>
        tpu.wait_dma2 semaphore(%run_scoped3A : memref<!tpu.dma_semaphore, #tpu.memory_space<semaphore_mem>>) src(%arg9 : memref<128x16xf32, #tpu.memory_space<vmem>>) dst(%dma_wait3A_72 : memref<128x16xf32, #tpu.memory_space<hbm>>)
        tpu.yield
      }) : () -> ()
      "tpu.region"() ({
        %run_scoped3A = tpu.sem_alloc : memref<!tpu.dma_semaphore, #tpu.memory_space<semaphore_mem>>
        %dma_start3A = arith.constant 9488 : i32
        %dma_start3A_66 = arith.constant 0 : i32
        %dma_start3A_67 = tpu.memref_slice %arg12[%dma_start3A, %dma_start3A_66] : memref<10000x16xf32, #tpu.memory_space<vmem_shared>> -> memref<128x16xf32, #tpu.memory_space<vmem_shared>>
        %dma_start3A_68 = arith.constant 9488 : i32
        %dma_start3A_69 = arith.constant 0 : i32
        %dma_start3A_70 = tpu.memref_slice %arg12[%dma_start3A_68, %dma_start3A_69] : memref<10000x16xf32, #tpu.memory_space<vmem_shared>> -> memref<128x16xf32, #tpu.memory_space<vmem_shared>>
        tpu.enqueue_dma source(%dma_start3A_70 : memref<128x16xf32, #tpu.memory_space<vmem_shared>>) target(%arg9 : memref<128x16xf32, #tpu.memory_space<vmem>>) target_semaphore(%run_scoped3A : memref<!tpu.dma_semaphore, #tpu.memory_space<semaphore_mem>>)
        %dma_wait3A_71 = arith.constant 9488 : i32
        %dma_wait3A_72 = arith.constant 0 : i32
        %dma_wait3A_73 = tpu.memref_slice %arg12[%dma_wait3A_71, %dma_wait3A_72] : memref<10000x16xf32, #tpu.memory_space<vmem_shared>> -> memref<128x16xf32, #tpu.memory_space<vmem_shared>>
        %dma_wait3A_74 = arith.constant 9488 : i32
        %dma_wait3A_75 = arith.constant 0 : i32
        %dma_wait3A_76 = tpu.memref_slice %arg12[%dma_wait3A_74, %dma_wait3A_75] : memref<10000x16xf32, #tpu.memory_space<vmem_shared>> -> memref<128x16xf32, #tpu.memory_space<vmem_shared>>
        tpu.wait_dma2 semaphore(%run_scoped3A : memref<!tpu.dma_semaphore, #tpu.memory_space<semaphore_mem>>) src(%dma_wait3A_76 : memref<128x16xf32, #tpu.memory_space<vmem_shared>>) dst(%arg9 : memref<128x16xf32, #tpu.memory_space<vmem>>)
        tpu.yield
      }) : () -> ()
      %mul3A_42 = arith.constant 10000 : i32
      %mul3A_43 = arith.muli %arg0, %mul3A_42 : i32
      %add3A_44 = arith.constant 9360 : i32
      %add3A_45 = arith.addi %mul3A_43, %add3A_44 : i32
      %add3A_46 = arith.constant 128 : i32
      %add3A_47 = arith.addi %add3A_45, %add3A_46 : i32
      "tpu.region"() ({
        %run_scoped3A = tpu.sem_alloc : memref<!tpu.dma_semaphore, #tpu.memory_space<semaphore_mem>>
        %dma_start3A = arith.constant 0 : i32
        %dma_start3A_66 = tpu.memref_slice %arg6[%add3A_47, %dma_start3A] : memref<20000x16xf32, #tpu.memory_space<hbm>> -> memref<128x16xf32, #tpu.memory_space<hbm>>
        %dma_start3A_67 = arith.constant 0 : i32
        %dma_start3A_68 = tpu.memref_slice %arg6[%add3A_47, %dma_start3A_67] : memref<20000x16xf32, #tpu.memory_space<hbm>> -> memref<128x16xf32, #tpu.memory_space<hbm>>
        tpu.enqueue_dma source(%arg9 : memref<128x16xf32, #tpu.memory_space<vmem>>) target(%dma_start3A_68 : memref<128x16xf32, #tpu.memory_space<hbm>>) target_semaphore(%run_scoped3A : memref<!tpu.dma_semaphore, #tpu.memory_space<semaphore_mem>>)
        %dma_wait3A_69 = arith.constant 0 : i32
        %dma_wait3A_70 = tpu.memref_slice %arg6[%add3A_47, %dma_wait3A_69] : memref<20000x16xf32, #tpu.memory_space<hbm>> -> memref<128x16xf32, #tpu.memory_space<hbm>>
        %dma_wait3A_71 = arith.constant 0 : i32
        %dma_wait3A_72 = tpu.memref_slice %arg6[%add3A_47, %dma_wait3A_71] : memref<20000x16xf32, #tpu.memory_space<hbm>> -> memref<128x16xf32, #tpu.memory_space<hbm>>
        tpu.wait_dma2 semaphore(%run_scoped3A : memref<!tpu.dma_semaphore, #tpu.memory_space<semaphore_mem>>) src(%arg9 : memref<128x16xf32, #tpu.memory_space<vmem>>) dst(%dma_wait3A_72 : memref<128x16xf32, #tpu.memory_space<hbm>>)
        tpu.yield
      }) : () -> ()
      "tpu.region"() ({
        %run_scoped3A = tpu.sem_alloc : memref<!tpu.dma_semaphore, #tpu.memory_space<semaphore_mem>>
        %dma_start3A = arith.constant 9616 : i32
        %dma_start3A_66 = arith.constant 0 : i32
        %dma_start3A_67 = tpu.memref_slice %arg12[%dma_start3A, %dma_start3A_66] : memref<10000x16xf32, #tpu.memory_space<vmem_shared>> -> memref<128x16xf32, #tpu.memory_space<vmem_shared>>
        %dma_start3A_68 = arith.constant 9616 : i32
        %dma_start3A_69 = arith.constant 0 : i32
        %dma_start3A_70 = tpu.memref_slice %arg12[%dma_start3A_68, %dma_start3A_69] : memref<10000x16xf32, #tpu.memory_space<vmem_shared>> -> memref<128x16xf32, #tpu.memory_space<vmem_shared>>
        tpu.enqueue_dma source(%dma_start3A_70 : memref<128x16xf32, #tpu.memory_space<vmem_shared>>) target(%arg9 : memref<128x16xf32, #tpu.memory_space<vmem>>) target_semaphore(%run_scoped3A : memref<!tpu.dma_semaphore, #tpu.memory_space<semaphore_mem>>)
        %dma_wait3A_71 = arith.constant 9616 : i32
        %dma_wait3A_72 = arith.constant 0 : i32
        %dma_wait3A_73 = tpu.memref_slice %arg12[%dma_wait3A_71, %dma_wait3A_72] : memref<10000x16xf32, #tpu.memory_space<vmem_shared>> -> memref<128x16xf32, #tpu.memory_space<vmem_shared>>
        %dma_wait3A_74 = arith.constant 9616 : i32
        %dma_wait3A_75 = arith.constant 0 : i32
        %dma_wait3A_76 = tpu.memref_slice %arg12[%dma_wait3A_74, %dma_wait3A_75] : memref<10000x16xf32, #tpu.memory_space<vmem_shared>> -> memref<128x16xf32, #tpu.memory_space<vmem_shared>>
        tpu.wait_dma2 semaphore(%run_scoped3A : memref<!tpu.dma_semaphore, #tpu.memory_space<semaphore_mem>>) src(%dma_wait3A_76 : memref<128x16xf32, #tpu.memory_space<vmem_shared>>) dst(%arg9 : memref<128x16xf32, #tpu.memory_space<vmem>>)
        tpu.yield
      }) : () -> ()
      %mul3A_48 = arith.constant 10000 : i32
      %mul3A_49 = arith.muli %arg0, %mul3A_48 : i32
      %add3A_50 = arith.constant 9360 : i32
      %add3A_51 = arith.addi %mul3A_49, %add3A_50 : i32
      %add3A_52 = arith.constant 256 : i32
      %add3A_53 = arith.addi %add3A_51, %add3A_52 : i32
      "tpu.region"() ({
        %run_scoped3A = tpu.sem_alloc : memref<!tpu.dma_semaphore, #tpu.memory_space<semaphore_mem>>
        %dma_start3A = arith.constant 0 : i32
        %dma_start3A_66 = tpu.memref_slice %arg6[%add3A_53, %dma_start3A] : memref<20000x16xf32, #tpu.memory_space<hbm>> -> memref<128x16xf32, #tpu.memory_space<hbm>>
        %dma_start3A_67 = arith.constant 0 : i32
        %dma_start3A_68 = tpu.memref_slice %arg6[%add3A_53, %dma_start3A_67] : memref<20000x16xf32, #tpu.memory_space<hbm>> -> memref<128x16xf32, #tpu.memory_space<hbm>>
        tpu.enqueue_dma source(%arg9 : memref<128x16xf32, #tpu.memory_space<vmem>>) target(%dma_start3A_68 : memref<128x16xf32, #tpu.memory_space<hbm>>) target_semaphore(%run_scoped3A : memref<!tpu.dma_semaphore, #tpu.memory_space<semaphore_mem>>)
        %dma_wait3A_69 = arith.constant 0 : i32
        %dma_wait3A_70 = tpu.memref_slice %arg6[%add3A_53, %dma_wait3A_69] : memref<20000x16xf32, #tpu.memory_space<hbm>> -> memref<128x16xf32, #tpu.memory_space<hbm>>
        %dma_wait3A_71 = arith.constant 0 : i32
        %dma_wait3A_72 = tpu.memref_slice %arg6[%add3A_53, %dma_wait3A_71] : memref<20000x16xf32, #tpu.memory_space<hbm>> -> memref<128x16xf32, #tpu.memory_space<hbm>>
        tpu.wait_dma2 semaphore(%run_scoped3A : memref<!tpu.dma_semaphore, #tpu.memory_space<semaphore_mem>>) src(%arg9 : memref<128x16xf32, #tpu.memory_space<vmem>>) dst(%dma_wait3A_72 : memref<128x16xf32, #tpu.memory_space<hbm>>)
        tpu.yield
      }) : () -> ()
      "tpu.region"() ({
        %run_scoped3A = tpu.sem_alloc : memref<!tpu.dma_semaphore, #tpu.memory_space<semaphore_mem>>
        %dma_start3A = arith.constant 9744 : i32
        %dma_start3A_66 = arith.constant 0 : i32
        %dma_start3A_67 = tpu.memref_slice %arg12[%dma_start3A, %dma_start3A_66] : memref<10000x16xf32, #tpu.memory_space<vmem_shared>> -> memref<128x16xf32, #tpu.memory_space<vmem_shared>>
        %dma_start3A_68 = arith.constant 9744 : i32
        %dma_start3A_69 = arith.constant 0 : i32
        %dma_start3A_70 = tpu.memref_slice %arg12[%dma_start3A_68, %dma_start3A_69] : memref<10000x16xf32, #tpu.memory_space<vmem_shared>> -> memref<128x16xf32, #tpu.memory_space<vmem_shared>>
        tpu.enqueue_dma source(%dma_start3A_70 : memref<128x16xf32, #tpu.memory_space<vmem_shared>>) target(%arg9 : memref<128x16xf32, #tpu.memory_space<vmem>>) target_semaphore(%run_scoped3A : memref<!tpu.dma_semaphore, #tpu.memory_space<semaphore_mem>>)
        %dma_wait3A_71 = arith.constant 9744 : i32
        %dma_wait3A_72 = arith.constant 0 : i32
        %dma_wait3A_73 = tpu.memref_slice %arg12[%dma_wait3A_71, %dma_wait3A_72] : memref<10000x16xf32, #tpu.memory_space<vmem_shared>> -> memref<128x16xf32, #tpu.memory_space<vmem_shared>>
        %dma_wait3A_74 = arith.constant 9744 : i32
        %dma_wait3A_75 = arith.constant 0 : i32
        %dma_wait3A_76 = tpu.memref_slice %arg12[%dma_wait3A_74, %dma_wait3A_75] : memref<10000x16xf32, #tpu.memory_space<vmem_shared>> -> memref<128x16xf32, #tpu.memory_space<vmem_shared>>
        tpu.wait_dma2 semaphore(%run_scoped3A : memref<!tpu.dma_semaphore, #tpu.memory_space<semaphore_mem>>) src(%dma_wait3A_76 : memref<128x16xf32, #tpu.memory_space<vmem_shared>>) dst(%arg9 : memref<128x16xf32, #tpu.memory_space<vmem>>)
        tpu.yield
      }) : () -> ()
      %mul3A_54 = arith.constant 10000 : i32
      %mul3A_55 = arith.muli %arg0, %mul3A_54 : i32
      %add3A_56 = arith.constant 9360 : i32
      %add3A_57 = arith.addi %mul3A_55, %add3A_56 : i32
      %add3A_58 = arith.constant 384 : i32
      %add3A_59 = arith.addi %add3A_57, %add3A_58 : i32
      "tpu.region"() ({
        %run_scoped3A = tpu.sem_alloc : memref<!tpu.dma_semaphore, #tpu.memory_space<semaphore_mem>>
        %dma_start3A = arith.constant 0 : i32
        %dma_start3A_66 = tpu.memref_slice %arg6[%add3A_59, %dma_start3A] : memref<20000x16xf32, #tpu.memory_space<hbm>> -> memref<128x16xf32, #tpu.memory_space<hbm>>
        %dma_start3A_67 = arith.constant 0 : i32
        %dma_start3A_68 = tpu.memref_slice %arg6[%add3A_59, %dma_start3A_67] : memref<20000x16xf32, #tpu.memory_space<hbm>> -> memref<128x16xf32, #tpu.memory_space<hbm>>
        tpu.enqueue_dma source(%arg9 : memref<128x16xf32, #tpu.memory_space<vmem>>) target(%dma_start3A_68 : memref<128x16xf32, #tpu.memory_space<hbm>>) target_semaphore(%run_scoped3A : memref<!tpu.dma_semaphore, #tpu.memory_space<semaphore_mem>>)
        %dma_wait3A_69 = arith.constant 0 : i32
        %dma_wait3A_70 = tpu.memref_slice %arg6[%add3A_59, %dma_wait3A_69] : memref<20000x16xf32, #tpu.memory_space<hbm>> -> memref<128x16xf32, #tpu.memory_space<hbm>>
        %dma_wait3A_71 = arith.constant 0 : i32
        %dma_wait3A_72 = tpu.memref_slice %arg6[%add3A_59, %dma_wait3A_71] : memref<20000x16xf32, #tpu.memory_space<hbm>> -> memref<128x16xf32, #tpu.memory_space<hbm>>
        tpu.wait_dma2 semaphore(%run_scoped3A : memref<!tpu.dma_semaphore, #tpu.memory_space<semaphore_mem>>) src(%arg9 : memref<128x16xf32, #tpu.memory_space<vmem>>) dst(%dma_wait3A_72 : memref<128x16xf32, #tpu.memory_space<hbm>>)
        tpu.yield
      }) : () -> ()
      "tpu.region"() ({
        %run_scoped3A = tpu.sem_alloc : memref<!tpu.dma_semaphore, #tpu.memory_space<semaphore_mem>>
        %dma_start3A = arith.constant 9872 : i32
        %dma_start3A_66 = arith.constant 0 : i32
        %dma_start3A_67 = tpu.memref_slice %arg12[%dma_start3A, %dma_start3A_66] : memref<10000x16xf32, #tpu.memory_space<vmem_shared>> -> memref<128x16xf32, #tpu.memory_space<vmem_shared>>
        %dma_start3A_68 = arith.constant 9872 : i32
        %dma_start3A_69 = arith.constant 0 : i32
        %dma_start3A_70 = tpu.memref_slice %arg12[%dma_start3A_68, %dma_start3A_69] : memref<10000x16xf32, #tpu.memory_space<vmem_shared>> -> memref<128x16xf32, #tpu.memory_space<vmem_shared>>
        tpu.enqueue_dma source(%dma_start3A_70 : memref<128x16xf32, #tpu.memory_space<vmem_shared>>) target(%arg9 : memref<128x16xf32, #tpu.memory_space<vmem>>) target_semaphore(%run_scoped3A : memref<!tpu.dma_semaphore, #tpu.memory_space<semaphore_mem>>)
        %dma_wait3A_71 = arith.constant 9872 : i32
        %dma_wait3A_72 = arith.constant 0 : i32
        %dma_wait3A_73 = tpu.memref_slice %arg12[%dma_wait3A_71, %dma_wait3A_72] : memref<10000x16xf32, #tpu.memory_space<vmem_shared>> -> memref<128x16xf32, #tpu.memory_space<vmem_shared>>
        %dma_wait3A_74 = arith.constant 9872 : i32
        %dma_wait3A_75 = arith.constant 0 : i32
        %dma_wait3A_76 = tpu.memref_slice %arg12[%dma_wait3A_74, %dma_wait3A_75] : memref<10000x16xf32, #tpu.memory_space<vmem_shared>> -> memref<128x16xf32, #tpu.memory_space<vmem_shared>>
        tpu.wait_dma2 semaphore(%run_scoped3A : memref<!tpu.dma_semaphore, #tpu.memory_space<semaphore_mem>>) src(%dma_wait3A_76 : memref<128x16xf32, #tpu.memory_space<vmem_shared>>) dst(%arg9 : memref<128x16xf32, #tpu.memory_space<vmem>>)
        tpu.yield
      }) : () -> ()
      %mul3A_60 = arith.constant 10000 : i32
      %mul3A_61 = arith.muli %arg0, %mul3A_60 : i32
      %add3A_62 = arith.constant 9360 : i32
      %add3A_63 = arith.addi %mul3A_61, %add3A_62 : i32
      %add3A_64 = arith.constant 512 : i32
      %add3A_65 = arith.addi %add3A_63, %add3A_64 : i32
      "tpu.region"() ({
        %run_scoped3A = tpu.sem_alloc : memref<!tpu.dma_semaphore, #tpu.memory_space<semaphore_mem>>
        %dma_start3A = arith.constant 0 : i32
        %dma_start3A_66 = tpu.memref_slice %arg6[%add3A_65, %dma_start3A] : memref<20000x16xf32, #tpu.memory_space<hbm>> -> memref<128x16xf32, #tpu.memory_space<hbm>>
        %dma_start3A_67 = arith.constant 0 : i32
        %dma_start3A_68 = tpu.memref_slice %arg6[%add3A_65, %dma_start3A_67] : memref<20000x16xf32, #tpu.memory_space<hbm>> -> memref<128x16xf32, #tpu.memory_space<hbm>>
        tpu.enqueue_dma source(%arg9 : memref<128x16xf32, #tpu.memory_space<vmem>>) target(%dma_start3A_68 : memref<128x16xf32, #tpu.memory_space<hbm>>) target_semaphore(%run_scoped3A : memref<!tpu.dma_semaphore, #tpu.memory_space<semaphore_mem>>)
        %dma_wait3A_69 = arith.constant 0 : i32
        %dma_wait3A_70 = tpu.memref_slice %arg6[%add3A_65, %dma_wait3A_69] : memref<20000x16xf32, #tpu.memory_space<hbm>> -> memref<128x16xf32, #tpu.memory_space<hbm>>
        %dma_wait3A_71 = arith.constant 0 : i32
        %dma_wait3A_72 = tpu.memref_slice %arg6[%add3A_65, %dma_wait3A_71] : memref<20000x16xf32, #tpu.memory_space<hbm>> -> memref<128x16xf32, #tpu.memory_space<hbm>>
        tpu.wait_dma2 semaphore(%run_scoped3A : memref<!tpu.dma_semaphore, #tpu.memory_space<semaphore_mem>>) src(%arg9 : memref<128x16xf32, #tpu.memory_space<vmem>>) dst(%dma_wait3A_72 : memref<128x16xf32, #tpu.memory_space<hbm>>)
        tpu.yield
      }) : () -> ()
    } else {
    }
    return
  }
}

#map = affine_map<(d0, d1) -> (0, 0)>
module attributes {stable_mosaic.version = 14 : i64} {
  func.func @k(%arg0: i32, %arg1: i32, %arg2: memref<10000x128xf32, #tpu.memory_space<hbm>>, %arg3: memref<2500x128xi32, #tpu.memory_space<hbm>>, %arg4: memref<2500x128xi32, #tpu.memory_space<hbm>>, %arg5: memref<128x128xf32, #tpu.memory_space<hbm>>, %arg6: memref<20000x128xf32, #tpu.memory_space<hbm>>, %arg7: memref<6x128xi32, #tpu.memory_space<vmem>>, %arg8: memref<6x128xi32, #tpu.memory_space<vmem>>, %arg9: memref<128x128xf32, #tpu.memory_space<vmem>>, %arg10: memref<128x128xf32, #tpu.memory_space<vmem>>, %arg11: memref<128x128xf32, #tpu.memory_space<vmem>>, %arg12: memref<10000x128xf32, #tpu.memory_space<vmem_shared>>, %arg13: memref<!tpu.dma_semaphore, #tpu.memory_space<semaphore_mem>>, %arg14: memref<!tpu.dma_semaphore, #tpu.memory_space<semaphore_mem>>, %arg15: memref<!tpu.dma_semaphore, #tpu.memory_space<semaphore_mem>>, %arg16: memref<!tpu.dma_semaphore, #tpu.memory_space<semaphore_mem>>, %arg17: memref<!tpu.dma_semaphore, #tpu.memory_space<semaphore_mem>>, %arg18: memref<!tpu.dma_semaphore, #tpu.memory_space<semaphore_mem>>) attributes {dimension_semantics = [#tpu.dimension_semantics<core_parallel>, #tpu.dimension_semantics<subcore_parallel>], iteration_bounds = array<i64: 2, 16>, scalar_prefetch = 0 : i64, scratch_operands = 12 : i64, tpu.core_type = #tpu.core_type<sc_vector_subcore>, window_params = [{transform_indices = #map}, {transform_indices = #map}, {transform_indices = #map}, {transform_indices = #map}, {transform_indices = #map}]} {
    %mul3A = arith.constant 2 : i32
    %mul3A_0 = arith.muli %arg1, %mul3A : i32
    %add3A = arith.addi %mul3A_0, %arg0 : i32
    "tpu.region"() ({
      %run_scoped3A = tpu.sem_alloc : memref<!tpu.dma_semaphore, #tpu.memory_space<semaphore_mem>>
      tpu.enqueue_dma source(%arg5 : memref<128x128xf32, #tpu.memory_space<hbm>>) target(%arg9 : memref<128x128xf32, #tpu.memory_space<vmem>>) target_semaphore(%run_scoped3A : memref<!tpu.dma_semaphore, #tpu.memory_space<semaphore_mem>>)
      tpu.wait_dma2 semaphore(%run_scoped3A : memref<!tpu.dma_semaphore, #tpu.memory_space<semaphore_mem>>) src(%arg5 : memref<128x128xf32, #tpu.memory_space<hbm>>) dst(%arg9 : memref<128x128xf32, #tpu.memory_space<vmem>>)
      tpu.yield
    }) : () -> ()
    %lt3A = arith.constant 15 : i32
    %lt3A_1 = arith.cmpi slt, %arg1, %lt3A : i32
    %convert_element_type3A = arith.extui %lt3A_1 : i1 to i32
    %cond3A = arith.constant 0 : i32
    %cond3A_2 = arith.cmpi ne, %convert_element_type3A, %cond3A : i32
    scf.if %cond3A_2 {
      %mul3A_36 = arith.constant 624 : i32
      %mul3A_37 = arith.muli %arg1, %mul3A_36 : i32
      %add3A_38 = arith.constant 0 : i32
      %add3A_39 = arith.addi %mul3A_37, %add3A_38 : i32
      "tpu.region"() ({
        %run_scoped3A = tpu.sem_alloc : memref<!tpu.dma_semaphore, #tpu.memory_space<semaphore_mem>>
        %dma_start3A = arith.constant 0 : i32
        %dma_start3A_56 = tpu.memref_slice %arg12[%add3A_39, %dma_start3A] : memref<10000x128xf32, #tpu.memory_space<vmem_shared>> -> memref<128x128xf32, #tpu.memory_space<vmem_shared>>
        %dma_start3A_57 = arith.constant 0 : i32
        %dma_start3A_58 = tpu.memref_slice %arg12[%add3A_39, %dma_start3A_57] : memref<10000x128xf32, #tpu.memory_space<vmem_shared>> -> memref<128x128xf32, #tpu.memory_space<vmem_shared>>
        tpu.enqueue_dma source(%arg9 : memref<128x128xf32, #tpu.memory_space<vmem>>) target(%dma_start3A_58 : memref<128x128xf32, #tpu.memory_space<vmem_shared>>) target_semaphore(%run_scoped3A : memref<!tpu.dma_semaphore, #tpu.memory_space<semaphore_mem>>)
        %dma_wait3A_59 = arith.constant 0 : i32
        %dma_wait3A_60 = tpu.memref_slice %arg12[%add3A_39, %dma_wait3A_59] : memref<10000x128xf32, #tpu.memory_space<vmem_shared>> -> memref<128x128xf32, #tpu.memory_space<vmem_shared>>
        %dma_wait3A_61 = arith.constant 0 : i32
        %dma_wait3A_62 = tpu.memref_slice %arg12[%add3A_39, %dma_wait3A_61] : memref<10000x128xf32, #tpu.memory_space<vmem_shared>> -> memref<128x128xf32, #tpu.memory_space<vmem_shared>>
        tpu.wait_dma2 semaphore(%run_scoped3A : memref<!tpu.dma_semaphore, #tpu.memory_space<semaphore_mem>>) src(%arg9 : memref<128x128xf32, #tpu.memory_space<vmem>>) dst(%dma_wait3A_62 : memref<128x128xf32, #tpu.memory_space<vmem_shared>>)
        tpu.yield
      }) : () -> ()
      %mul3A_40 = arith.constant 624 : i32
      %mul3A_41 = arith.muli %arg1, %mul3A_40 : i32
      %add3A_42 = arith.constant 128 : i32
      %add3A_43 = arith.addi %mul3A_41, %add3A_42 : i32
      "tpu.region"() ({
        %run_scoped3A = tpu.sem_alloc : memref<!tpu.dma_semaphore, #tpu.memory_space<semaphore_mem>>
        %dma_start3A = arith.constant 0 : i32
        %dma_start3A_56 = tpu.memref_slice %arg12[%add3A_43, %dma_start3A] : memref<10000x128xf32, #tpu.memory_space<vmem_shared>> -> memref<128x128xf32, #tpu.memory_space<vmem_shared>>
        %dma_start3A_57 = arith.constant 0 : i32
        %dma_start3A_58 = tpu.memref_slice %arg12[%add3A_43, %dma_start3A_57] : memref<10000x128xf32, #tpu.memory_space<vmem_shared>> -> memref<128x128xf32, #tpu.memory_space<vmem_shared>>
        tpu.enqueue_dma source(%arg9 : memref<128x128xf32, #tpu.memory_space<vmem>>) target(%dma_start3A_58 : memref<128x128xf32, #tpu.memory_space<vmem_shared>>) target_semaphore(%run_scoped3A : memref<!tpu.dma_semaphore, #tpu.memory_space<semaphore_mem>>)
        %dma_wait3A_59 = arith.constant 0 : i32
        %dma_wait3A_60 = tpu.memref_slice %arg12[%add3A_43, %dma_wait3A_59] : memref<10000x128xf32, #tpu.memory_space<vmem_shared>> -> memref<128x128xf32, #tpu.memory_space<vmem_shared>>
        %dma_wait3A_61 = arith.constant 0 : i32
        %dma_wait3A_62 = tpu.memref_slice %arg12[%add3A_43, %dma_wait3A_61] : memref<10000x128xf32, #tpu.memory_space<vmem_shared>> -> memref<128x128xf32, #tpu.memory_space<vmem_shared>>
        tpu.wait_dma2 semaphore(%run_scoped3A : memref<!tpu.dma_semaphore, #tpu.memory_space<semaphore_mem>>) src(%arg9 : memref<128x128xf32, #tpu.memory_space<vmem>>) dst(%dma_wait3A_62 : memref<128x128xf32, #tpu.memory_space<vmem_shared>>)
        tpu.yield
      }) : () -> ()
      %mul3A_44 = arith.constant 624 : i32
      %mul3A_45 = arith.muli %arg1, %mul3A_44 : i32
      %add3A_46 = arith.constant 256 : i32
      %add3A_47 = arith.addi %mul3A_45, %add3A_46 : i32
      "tpu.region"() ({
        %run_scoped3A = tpu.sem_alloc : memref<!tpu.dma_semaphore, #tpu.memory_space<semaphore_mem>>
        %dma_start3A = arith.constant 0 : i32
        %dma_start3A_56 = tpu.memref_slice %arg12[%add3A_47, %dma_start3A] : memref<10000x128xf32, #tpu.memory_space<vmem_shared>> -> memref<128x128xf32, #tpu.memory_space<vmem_shared>>
        %dma_start3A_57 = arith.constant 0 : i32
        %dma_start3A_58 = tpu.memref_slice %arg12[%add3A_47, %dma_start3A_57] : memref<10000x128xf32, #tpu.memory_space<vmem_shared>> -> memref<128x128xf32, #tpu.memory_space<vmem_shared>>
        tpu.enqueue_dma source(%arg9 : memref<128x128xf32, #tpu.memory_space<vmem>>) target(%dma_start3A_58 : memref<128x128xf32, #tpu.memory_space<vmem_shared>>) target_semaphore(%run_scoped3A : memref<!tpu.dma_semaphore, #tpu.memory_space<semaphore_mem>>)
        %dma_wait3A_59 = arith.constant 0 : i32
        %dma_wait3A_60 = tpu.memref_slice %arg12[%add3A_47, %dma_wait3A_59] : memref<10000x128xf32, #tpu.memory_space<vmem_shared>> -> memref<128x128xf32, #tpu.memory_space<vmem_shared>>
        %dma_wait3A_61 = arith.constant 0 : i32
        %dma_wait3A_62 = tpu.memref_slice %arg12[%add3A_47, %dma_wait3A_61] : memref<10000x128xf32, #tpu.memory_space<vmem_shared>> -> memref<128x128xf32, #tpu.memory_space<vmem_shared>>
        tpu.wait_dma2 semaphore(%run_scoped3A : memref<!tpu.dma_semaphore, #tpu.memory_space<semaphore_mem>>) src(%arg9 : memref<128x128xf32, #tpu.memory_space<vmem>>) dst(%dma_wait3A_62 : memref<128x128xf32, #tpu.memory_space<vmem_shared>>)
        tpu.yield
      }) : () -> ()
      %mul3A_48 = arith.constant 624 : i32
      %mul3A_49 = arith.muli %arg1, %mul3A_48 : i32
      %add3A_50 = arith.constant 384 : i32
      %add3A_51 = arith.addi %mul3A_49, %add3A_50 : i32
      "tpu.region"() ({
        %run_scoped3A = tpu.sem_alloc : memref<!tpu.dma_semaphore, #tpu.memory_space<semaphore_mem>>
        %dma_start3A = arith.constant 0 : i32
        %dma_start3A_56 = tpu.memref_slice %arg12[%add3A_51, %dma_start3A] : memref<10000x128xf32, #tpu.memory_space<vmem_shared>> -> memref<128x128xf32, #tpu.memory_space<vmem_shared>>
        %dma_start3A_57 = arith.constant 0 : i32
        %dma_start3A_58 = tpu.memref_slice %arg12[%add3A_51, %dma_start3A_57] : memref<10000x128xf32, #tpu.memory_space<vmem_shared>> -> memref<128x128xf32, #tpu.memory_space<vmem_shared>>
        tpu.enqueue_dma source(%arg9 : memref<128x128xf32, #tpu.memory_space<vmem>>) target(%dma_start3A_58 : memref<128x128xf32, #tpu.memory_space<vmem_shared>>) target_semaphore(%run_scoped3A : memref<!tpu.dma_semaphore, #tpu.memory_space<semaphore_mem>>)
        %dma_wait3A_59 = arith.constant 0 : i32
        %dma_wait3A_60 = tpu.memref_slice %arg12[%add3A_51, %dma_wait3A_59] : memref<10000x128xf32, #tpu.memory_space<vmem_shared>> -> memref<128x128xf32, #tpu.memory_space<vmem_shared>>
        %dma_wait3A_61 = arith.constant 0 : i32
        %dma_wait3A_62 = tpu.memref_slice %arg12[%add3A_51, %dma_wait3A_61] : memref<10000x128xf32, #tpu.memory_space<vmem_shared>> -> memref<128x128xf32, #tpu.memory_space<vmem_shared>>
        tpu.wait_dma2 semaphore(%run_scoped3A : memref<!tpu.dma_semaphore, #tpu.memory_space<semaphore_mem>>) src(%arg9 : memref<128x128xf32, #tpu.memory_space<vmem>>) dst(%dma_wait3A_62 : memref<128x128xf32, #tpu.memory_space<vmem_shared>>)
        tpu.yield
      }) : () -> ()
      %mul3A_52 = arith.constant 624 : i32
      %mul3A_53 = arith.muli %arg1, %mul3A_52 : i32
      %add3A_54 = arith.constant 512 : i32
      %add3A_55 = arith.addi %mul3A_53, %add3A_54 : i32
      "tpu.region"() ({
        %run_scoped3A = tpu.sem_alloc : memref<!tpu.dma_semaphore, #tpu.memory_space<semaphore_mem>>
        %dma_start3A = arith.constant 0 : i32
        %dma_start3A_56 = arith.constant 0 : i32
        %dma_start3A_57 = tpu.memref_slice %arg9[%dma_start3A, %dma_start3A_56] : memref<128x128xf32, #tpu.memory_space<vmem>> -> memref<112x128xf32, #tpu.memory_space<vmem>>
        %dma_start3A_58 = arith.constant 0 : i32
        %dma_start3A_59 = tpu.memref_slice %arg12[%add3A_55, %dma_start3A_58] : memref<10000x128xf32, #tpu.memory_space<vmem_shared>> -> memref<112x128xf32, #tpu.memory_space<vmem_shared>>
        %dma_start3A_60 = arith.constant 0 : i32
        %dma_start3A_61 = tpu.memref_slice %arg12[%add3A_55, %dma_start3A_60] : memref<10000x128xf32, #tpu.memory_space<vmem_shared>> -> memref<112x128xf32, #tpu.memory_space<vmem_shared>>
        %dma_start3A_62 = arith.constant 0 : i32
        %dma_start3A_63 = arith.constant 0 : i32
        %dma_start3A_64 = tpu.memref_slice %arg9[%dma_start3A_62, %dma_start3A_63] : memref<128x128xf32, #tpu.memory_space<vmem>> -> memref<112x128xf32, #tpu.memory_space<vmem>>
        tpu.enqueue_dma source(%dma_start3A_64 : memref<112x128xf32, #tpu.memory_space<vmem>>) target(%dma_start3A_61 : memref<112x128xf32, #tpu.memory_space<vmem_shared>>) target_semaphore(%run_scoped3A : memref<!tpu.dma_semaphore, #tpu.memory_space<semaphore_mem>>)
        %dma_wait3A_65 = arith.constant 0 : i32
        %dma_wait3A_66 = arith.constant 0 : i32
        %dma_wait3A_67 = tpu.memref_slice %arg9[%dma_wait3A_65, %dma_wait3A_66] : memref<128x128xf32, #tpu.memory_space<vmem>> -> memref<112x128xf32, #tpu.memory_space<vmem>>
        %dma_wait3A_68 = arith.constant 0 : i32
        %dma_wait3A_69 = tpu.memref_slice %arg12[%add3A_55, %dma_wait3A_68] : memref<10000x128xf32, #tpu.memory_space<vmem_shared>> -> memref<112x128xf32, #tpu.memory_space<vmem_shared>>
        %dma_wait3A_70 = arith.constant 0 : i32
        %dma_wait3A_71 = tpu.memref_slice %arg12[%add3A_55, %dma_wait3A_70] : memref<10000x128xf32, #tpu.memory_space<vmem_shared>> -> memref<112x128xf32, #tpu.memory_space<vmem_shared>>
        %dma_wait3A_72 = arith.constant 0 : i32
        %dma_wait3A_73 = arith.constant 0 : i32
        %dma_wait3A_74 = tpu.memref_slice %arg9[%dma_wait3A_72, %dma_wait3A_73] : memref<128x128xf32, #tpu.memory_space<vmem>> -> memref<112x128xf32, #tpu.memory_space<vmem>>
        tpu.wait_dma2 semaphore(%run_scoped3A : memref<!tpu.dma_semaphore, #tpu.memory_space<semaphore_mem>>) src(%dma_wait3A_74 : memref<112x128xf32, #tpu.memory_space<vmem>>) dst(%dma_wait3A_71 : memref<112x128xf32, #tpu.memory_space<vmem_shared>>)
        tpu.yield
      }) : () -> ()
    } else {
    }
    %eq3A = arith.constant 15 : i32
    %eq3A_3 = arith.cmpi eq, %arg1, %eq3A : i32
    %convert_element_type3A_4 = arith.extui %eq3A_3 : i1 to i32
    %cond3A_5 = arith.constant 0 : i32
    %cond3A_6 = arith.cmpi ne, %convert_element_type3A_4, %cond3A_5 : i32
    scf.if %cond3A_6 {
      "tpu.region"() ({
        %run_scoped3A = tpu.sem_alloc : memref<!tpu.dma_semaphore, #tpu.memory_space<semaphore_mem>>
        %dma_start3A = arith.constant 9360 : i32
        %dma_start3A_36 = arith.constant 0 : i32
        %dma_start3A_37 = tpu.memref_slice %arg12[%dma_start3A, %dma_start3A_36] : memref<10000x128xf32, #tpu.memory_space<vmem_shared>> -> memref<128x128xf32, #tpu.memory_space<vmem_shared>>
        %dma_start3A_38 = arith.constant 9360 : i32
        %dma_start3A_39 = arith.constant 0 : i32
        %dma_start3A_40 = tpu.memref_slice %arg12[%dma_start3A_38, %dma_start3A_39] : memref<10000x128xf32, #tpu.memory_space<vmem_shared>> -> memref<128x128xf32, #tpu.memory_space<vmem_shared>>
        tpu.enqueue_dma source(%arg9 : memref<128x128xf32, #tpu.memory_space<vmem>>) target(%dma_start3A_40 : memref<128x128xf32, #tpu.memory_space<vmem_shared>>) target_semaphore(%run_scoped3A : memref<!tpu.dma_semaphore, #tpu.memory_space<semaphore_mem>>)
        %dma_wait3A_41 = arith.constant 9360 : i32
        %dma_wait3A_42 = arith.constant 0 : i32
        %dma_wait3A_43 = tpu.memref_slice %arg12[%dma_wait3A_41, %dma_wait3A_42] : memref<10000x128xf32, #tpu.memory_space<vmem_shared>> -> memref<128x128xf32, #tpu.memory_space<vmem_shared>>
        %dma_wait3A_44 = arith.constant 9360 : i32
        %dma_wait3A_45 = arith.constant 0 : i32
        %dma_wait3A_46 = tpu.memref_slice %arg12[%dma_wait3A_44, %dma_wait3A_45] : memref<10000x128xf32, #tpu.memory_space<vmem_shared>> -> memref<128x128xf32, #tpu.memory_space<vmem_shared>>
        tpu.wait_dma2 semaphore(%run_scoped3A : memref<!tpu.dma_semaphore, #tpu.memory_space<semaphore_mem>>) src(%arg9 : memref<128x128xf32, #tpu.memory_space<vmem>>) dst(%dma_wait3A_46 : memref<128x128xf32, #tpu.memory_space<vmem_shared>>)
        tpu.yield
      }) : () -> ()
      "tpu.region"() ({
        %run_scoped3A = tpu.sem_alloc : memref<!tpu.dma_semaphore, #tpu.memory_space<semaphore_mem>>
        %dma_start3A = arith.constant 9488 : i32
        %dma_start3A_36 = arith.constant 0 : i32
        %dma_start3A_37 = tpu.memref_slice %arg12[%dma_start3A, %dma_start3A_36] : memref<10000x128xf32, #tpu.memory_space<vmem_shared>> -> memref<128x128xf32, #tpu.memory_space<vmem_shared>>
        %dma_start3A_38 = arith.constant 9488 : i32
        %dma_start3A_39 = arith.constant 0 : i32
        %dma_start3A_40 = tpu.memref_slice %arg12[%dma_start3A_38, %dma_start3A_39] : memref<10000x128xf32, #tpu.memory_space<vmem_shared>> -> memref<128x128xf32, #tpu.memory_space<vmem_shared>>
        tpu.enqueue_dma source(%arg9 : memref<128x128xf32, #tpu.memory_space<vmem>>) target(%dma_start3A_40 : memref<128x128xf32, #tpu.memory_space<vmem_shared>>) target_semaphore(%run_scoped3A : memref<!tpu.dma_semaphore, #tpu.memory_space<semaphore_mem>>)
        %dma_wait3A_41 = arith.constant 9488 : i32
        %dma_wait3A_42 = arith.constant 0 : i32
        %dma_wait3A_43 = tpu.memref_slice %arg12[%dma_wait3A_41, %dma_wait3A_42] : memref<10000x128xf32, #tpu.memory_space<vmem_shared>> -> memref<128x128xf32, #tpu.memory_space<vmem_shared>>
        %dma_wait3A_44 = arith.constant 9488 : i32
        %dma_wait3A_45 = arith.constant 0 : i32
        %dma_wait3A_46 = tpu.memref_slice %arg12[%dma_wait3A_44, %dma_wait3A_45] : memref<10000x128xf32, #tpu.memory_space<vmem_shared>> -> memref<128x128xf32, #tpu.memory_space<vmem_shared>>
        tpu.wait_dma2 semaphore(%run_scoped3A : memref<!tpu.dma_semaphore, #tpu.memory_space<semaphore_mem>>) src(%arg9 : memref<128x128xf32, #tpu.memory_space<vmem>>) dst(%dma_wait3A_46 : memref<128x128xf32, #tpu.memory_space<vmem_shared>>)
        tpu.yield
      }) : () -> ()
      "tpu.region"() ({
        %run_scoped3A = tpu.sem_alloc : memref<!tpu.dma_semaphore, #tpu.memory_space<semaphore_mem>>
        %dma_start3A = arith.constant 9616 : i32
        %dma_start3A_36 = arith.constant 0 : i32
        %dma_start3A_37 = tpu.memref_slice %arg12[%dma_start3A, %dma_start3A_36] : memref<10000x128xf32, #tpu.memory_space<vmem_shared>> -> memref<128x128xf32, #tpu.memory_space<vmem_shared>>
        %dma_start3A_38 = arith.constant 9616 : i32
        %dma_start3A_39 = arith.constant 0 : i32
        %dma_start3A_40 = tpu.memref_slice %arg12[%dma_start3A_38, %dma_start3A_39] : memref<10000x128xf32, #tpu.memory_space<vmem_shared>> -> memref<128x128xf32, #tpu.memory_space<vmem_shared>>
        tpu.enqueue_dma source(%arg9 : memref<128x128xf32, #tpu.memory_space<vmem>>) target(%dma_start3A_40 : memref<128x128xf32, #tpu.memory_space<vmem_shared>>) target_semaphore(%run_scoped3A : memref<!tpu.dma_semaphore, #tpu.memory_space<semaphore_mem>>)
        %dma_wait3A_41 = arith.constant 9616 : i32
        %dma_wait3A_42 = arith.constant 0 : i32
        %dma_wait3A_43 = tpu.memref_slice %arg12[%dma_wait3A_41, %dma_wait3A_42] : memref<10000x128xf32, #tpu.memory_space<vmem_shared>> -> memref<128x128xf32, #tpu.memory_space<vmem_shared>>
        %dma_wait3A_44 = arith.constant 9616 : i32
        %dma_wait3A_45 = arith.constant 0 : i32
        %dma_wait3A_46 = tpu.memref_slice %arg12[%dma_wait3A_44, %dma_wait3A_45] : memref<10000x128xf32, #tpu.memory_space<vmem_shared>> -> memref<128x128xf32, #tpu.memory_space<vmem_shared>>
        tpu.wait_dma2 semaphore(%run_scoped3A : memref<!tpu.dma_semaphore, #tpu.memory_space<semaphore_mem>>) src(%arg9 : memref<128x128xf32, #tpu.memory_space<vmem>>) dst(%dma_wait3A_46 : memref<128x128xf32, #tpu.memory_space<vmem_shared>>)
        tpu.yield
      }) : () -> ()
      "tpu.region"() ({
        %run_scoped3A = tpu.sem_alloc : memref<!tpu.dma_semaphore, #tpu.memory_space<semaphore_mem>>
        %dma_start3A = arith.constant 9744 : i32
        %dma_start3A_36 = arith.constant 0 : i32
        %dma_start3A_37 = tpu.memref_slice %arg12[%dma_start3A, %dma_start3A_36] : memref<10000x128xf32, #tpu.memory_space<vmem_shared>> -> memref<128x128xf32, #tpu.memory_space<vmem_shared>>
        %dma_start3A_38 = arith.constant 9744 : i32
        %dma_start3A_39 = arith.constant 0 : i32
        %dma_start3A_40 = tpu.memref_slice %arg12[%dma_start3A_38, %dma_start3A_39] : memref<10000x128xf32, #tpu.memory_space<vmem_shared>> -> memref<128x128xf32, #tpu.memory_space<vmem_shared>>
        tpu.enqueue_dma source(%arg9 : memref<128x128xf32, #tpu.memory_space<vmem>>) target(%dma_start3A_40 : memref<128x128xf32, #tpu.memory_space<vmem_shared>>) target_semaphore(%run_scoped3A : memref<!tpu.dma_semaphore, #tpu.memory_space<semaphore_mem>>)
        %dma_wait3A_41 = arith.constant 9744 : i32
        %dma_wait3A_42 = arith.constant 0 : i32
        %dma_wait3A_43 = tpu.memref_slice %arg12[%dma_wait3A_41, %dma_wait3A_42] : memref<10000x128xf32, #tpu.memory_space<vmem_shared>> -> memref<128x128xf32, #tpu.memory_space<vmem_shared>>
        %dma_wait3A_44 = arith.constant 9744 : i32
        %dma_wait3A_45 = arith.constant 0 : i32
        %dma_wait3A_46 = tpu.memref_slice %arg12[%dma_wait3A_44, %dma_wait3A_45] : memref<10000x128xf32, #tpu.memory_space<vmem_shared>> -> memref<128x128xf32, #tpu.memory_space<vmem_shared>>
        tpu.wait_dma2 semaphore(%run_scoped3A : memref<!tpu.dma_semaphore, #tpu.memory_space<semaphore_mem>>) src(%arg9 : memref<128x128xf32, #tpu.memory_space<vmem>>) dst(%dma_wait3A_46 : memref<128x128xf32, #tpu.memory_space<vmem_shared>>)
        tpu.yield
      }) : () -> ()
      "tpu.region"() ({
        %run_scoped3A = tpu.sem_alloc : memref<!tpu.dma_semaphore, #tpu.memory_space<semaphore_mem>>
        %dma_start3A = arith.constant 9872 : i32
        %dma_start3A_36 = arith.constant 0 : i32
        %dma_start3A_37 = tpu.memref_slice %arg12[%dma_start3A, %dma_start3A_36] : memref<10000x128xf32, #tpu.memory_space<vmem_shared>> -> memref<128x128xf32, #tpu.memory_space<vmem_shared>>
        %dma_start3A_38 = arith.constant 9872 : i32
        %dma_start3A_39 = arith.constant 0 : i32
        %dma_start3A_40 = tpu.memref_slice %arg12[%dma_start3A_38, %dma_start3A_39] : memref<10000x128xf32, #tpu.memory_space<vmem_shared>> -> memref<128x128xf32, #tpu.memory_space<vmem_shared>>
        tpu.enqueue_dma source(%arg9 : memref<128x128xf32, #tpu.memory_space<vmem>>) target(%dma_start3A_40 : memref<128x128xf32, #tpu.memory_space<vmem_shared>>) target_semaphore(%run_scoped3A : memref<!tpu.dma_semaphore, #tpu.memory_space<semaphore_mem>>)
        %dma_wait3A_41 = arith.constant 9872 : i32
        %dma_wait3A_42 = arith.constant 0 : i32
        %dma_wait3A_43 = tpu.memref_slice %arg12[%dma_wait3A_41, %dma_wait3A_42] : memref<10000x128xf32, #tpu.memory_space<vmem_shared>> -> memref<128x128xf32, #tpu.memory_space<vmem_shared>>
        %dma_wait3A_44 = arith.constant 9872 : i32
        %dma_wait3A_45 = arith.constant 0 : i32
        %dma_wait3A_46 = tpu.memref_slice %arg12[%dma_wait3A_44, %dma_wait3A_45] : memref<10000x128xf32, #tpu.memory_space<vmem_shared>> -> memref<128x128xf32, #tpu.memory_space<vmem_shared>>
        tpu.wait_dma2 semaphore(%run_scoped3A : memref<!tpu.dma_semaphore, #tpu.memory_space<semaphore_mem>>) src(%arg9 : memref<128x128xf32, #tpu.memory_space<vmem>>) dst(%dma_wait3A_46 : memref<128x128xf32, #tpu.memory_space<vmem_shared>>)
        tpu.yield
      }) : () -> ()
    } else {
    }
    %barrier3A = arith.constant 0 : index
    tpu.barrier barrier_id(%barrier3A)
    %mul3A_7 = arith.constant 78 : i32
    %mul3A_8 = arith.muli %add3A, %mul3A_7 : i32
    %scan3A = arith.constant 0 : i32
    %scan3A_9 = arith.constant 0 : i32
    %scan3A_10 = arith.constant 13 : i32
    %scan3A_11 = arith.addi %scan3A_9, %scan3A_10 : i32
    %scan3A_12 = arith.constant 1 : i32
    scf.for %scan3A_36 = %scan3A_9 to %scan3A_11 step %scan3A_12  : i32 {
      %gt3A = arith.constant 0 : i32
      %gt3A_37 = arith.cmpi sgt, %scan3A_36, %gt3A : i32
      %convert_element_type3A_38 = arith.extui %gt3A_37 : i1 to i32
      %cond3A_39 = arith.constant 0 : i32
      %cond3A_40 = arith.cmpi ne, %convert_element_type3A_38, %cond3A_39 : i32
      scf.if %cond3A_40 {
        %dma_wait3A_207 = arith.constant 5 : i32
        %dma_wait3A_208 = arith.constant 0 : i32
        %dma_wait3A_209 = tpu.memref_slice %arg8[%dma_wait3A_207, %dma_wait3A_208] : memref<6x128xi32, #tpu.memory_space<vmem>> -> memref<1x128xi32, #tpu.memory_space<vmem>>
        %dma_wait3A_210 = tpu.memref_squeeze %dma_wait3A_209 : memref<1x128xi32, #tpu.memory_space<vmem>> -> memref<128xi32, #tpu.memory_space<vmem>>
        %dma_wait3A_211 = arith.constant 0 : i32
        %dma_wait3A_212 = arith.constant 0 : i32
        %dma_wait3A_213 = tpu.memref_slice %arg12[%dma_wait3A_211, %dma_wait3A_212] : memref<10000x128xf32, #tpu.memory_space<vmem_shared>> -> memref<10000x128xf32, #tpu.memory_space<vmem_shared>>
        tpu.wait_indirect_dma semaphore(%arg18 : memref<!tpu.dma_semaphore, #tpu.memory_space<semaphore_mem>>) src(%arg11 : memref<128x128xf32, #tpu.memory_space<vmem>>) dst(%dma_wait3A_213 : memref<10000x128xf32, #tpu.memory_space<vmem_shared>>)
      } else {
      }
      %mul3A_41 = arith.constant 6 : i32
      %mul3A_42 = arith.muli %scan3A_36, %mul3A_41 : i32
      %add3A_43 = arith.addi %mul3A_8, %mul3A_42 : i32
      "tpu.region"() ({
        %run_scoped3A = tpu.sem_alloc : memref<!tpu.dma_semaphore, #tpu.memory_space<semaphore_mem>>
        %dma_start3A_207 = arith.constant 0 : i32
        %dma_start3A_208 = tpu.memref_slice %arg3[%add3A_43, %dma_start3A_207] : memref<2500x128xi32, #tpu.memory_space<hbm>> -> memref<6x128xi32, #tpu.memory_space<hbm>>
        %dma_start3A_209 = arith.constant 0 : i32
        %dma_start3A_210 = tpu.memref_slice %arg3[%add3A_43, %dma_start3A_209] : memref<2500x128xi32, #tpu.memory_space<hbm>> -> memref<6x128xi32, #tpu.memory_space<hbm>>
        tpu.enqueue_dma source(%dma_start3A_210 : memref<6x128xi32, #tpu.memory_space<hbm>>) target(%arg7 : memref<6x128xi32, #tpu.memory_space<vmem>>) target_semaphore(%run_scoped3A : memref<!tpu.dma_semaphore, #tpu.memory_space<semaphore_mem>>)
        %dma_wait3A_211 = arith.constant 0 : i32
        %dma_wait3A_212 = tpu.memref_slice %arg3[%add3A_43, %dma_wait3A_211] : memref<2500x128xi32, #tpu.memory_space<hbm>> -> memref<6x128xi32, #tpu.memory_space<hbm>>
        %dma_wait3A_213 = arith.constant 0 : i32
        %dma_wait3A_214 = tpu.memref_slice %arg3[%add3A_43, %dma_wait3A_213] : memref<2500x128xi32, #tpu.memory_space<hbm>> -> memref<6x128xi32, #tpu.memory_space<hbm>>
        tpu.wait_dma2 semaphore(%run_scoped3A : memref<!tpu.dma_semaphore, #tpu.memory_space<semaphore_mem>>) src(%dma_wait3A_214 : memref<6x128xi32, #tpu.memory_space<hbm>>) dst(%arg7 : memref<6x128xi32, #tpu.memory_space<vmem>>)
        tpu.yield
      }) : () -> ()
      %mul3A_44 = arith.constant 6 : i32
      %mul3A_45 = arith.muli %scan3A_36, %mul3A_44 : i32
      %add3A_46 = arith.addi %mul3A_8, %mul3A_45 : i32
      "tpu.region"() ({
        %run_scoped3A = tpu.sem_alloc : memref<!tpu.dma_semaphore, #tpu.memory_space<semaphore_mem>>
        %dma_start3A_207 = arith.constant 0 : i32
        %dma_start3A_208 = tpu.memref_slice %arg4[%add3A_46, %dma_start3A_207] : memref<2500x128xi32, #tpu.memory_space<hbm>> -> memref<6x128xi32, #tpu.memory_space<hbm>>
        %dma_start3A_209 = arith.constant 0 : i32
        %dma_start3A_210 = tpu.memref_slice %arg4[%add3A_46, %dma_start3A_209] : memref<2500x128xi32, #tpu.memory_space<hbm>> -> memref<6x128xi32, #tpu.memory_space<hbm>>
        tpu.enqueue_dma source(%dma_start3A_210 : memref<6x128xi32, #tpu.memory_space<hbm>>) target(%arg8 : memref<6x128xi32, #tpu.memory_space<vmem>>) target_semaphore(%run_scoped3A : memref<!tpu.dma_semaphore, #tpu.memory_space<semaphore_mem>>)
        %dma_wait3A_211 = arith.constant 0 : i32
        %dma_wait3A_212 = tpu.memref_slice %arg4[%add3A_46, %dma_wait3A_211] : memref<2500x128xi32, #tpu.memory_space<hbm>> -> memref<6x128xi32, #tpu.memory_space<hbm>>
        %dma_wait3A_213 = arith.constant 0 : i32
        %dma_wait3A_214 = tpu.memref_slice %arg4[%add3A_46, %dma_wait3A_213] : memref<2500x128xi32, #tpu.memory_space<hbm>> -> memref<6x128xi32, #tpu.memory_space<hbm>>
        tpu.wait_dma2 semaphore(%run_scoped3A : memref<!tpu.dma_semaphore, #tpu.memory_space<semaphore_mem>>) src(%dma_wait3A_214 : memref<6x128xi32, #tpu.memory_space<hbm>>) dst(%arg8 : memref<6x128xi32, #tpu.memory_space<vmem>>)
        tpu.yield
      }) : () -> ()
      %dma_start3A = arith.constant 0 : i32
      %dma_start3A_47 = arith.constant 0 : i32
      %dma_start3A_48 = tpu.memref_slice %arg7[%dma_start3A, %dma_start3A_47] : memref<6x128xi32, #tpu.memory_space<vmem>> -> memref<1x128xi32, #tpu.memory_space<vmem>>
      %dma_start3A_49 = tpu.memref_squeeze %dma_start3A_48 : memref<1x128xi32, #tpu.memory_space<vmem>> -> memref<128xi32, #tpu.memory_space<vmem>>
      %dma_start3A_50 = arith.constant 0 : i32
      %dma_start3A_51 = arith.constant 0 : i32
      %dma_start3A_52 = tpu.memref_slice %arg2[%dma_start3A_50, %dma_start3A_51] : memref<10000x128xf32, #tpu.memory_space<hbm>> -> memref<10000x128xf32, #tpu.memory_space<hbm>>
      tpu.enqueue_indirect_dma source(%dma_start3A_52 : memref<10000x128xf32, #tpu.memory_space<hbm>>) target(%arg9 : memref<128x128xf32, #tpu.memory_space<vmem>>) offsets(%dma_start3A_49 : memref<128xi32, #tpu.memory_space<vmem>>) semaphore(%arg13 : memref<!tpu.dma_semaphore, #tpu.memory_space<semaphore_mem>>)
      %dma_start3A_53 = arith.constant 1 : i32
      %dma_start3A_54 = arith.constant 0 : i32
      %dma_start3A_55 = tpu.memref_slice %arg7[%dma_start3A_53, %dma_start3A_54] : memref<6x128xi32, #tpu.memory_space<vmem>> -> memref<1x128xi32, #tpu.memory_space<vmem>>
      %dma_start3A_56 = tpu.memref_squeeze %dma_start3A_55 : memref<1x128xi32, #tpu.memory_space<vmem>> -> memref<128xi32, #tpu.memory_space<vmem>>
      %dma_start3A_57 = arith.constant 0 : i32
      %dma_start3A_58 = arith.constant 0 : i32
      %dma_start3A_59 = tpu.memref_slice %arg2[%dma_start3A_57, %dma_start3A_58] : memref<10000x128xf32, #tpu.memory_space<hbm>> -> memref<10000x128xf32, #tpu.memory_space<hbm>>
      tpu.enqueue_indirect_dma source(%dma_start3A_59 : memref<10000x128xf32, #tpu.memory_space<hbm>>) target(%arg10 : memref<128x128xf32, #tpu.memory_space<vmem>>) offsets(%dma_start3A_56 : memref<128xi32, #tpu.memory_space<vmem>>) semaphore(%arg14 : memref<!tpu.dma_semaphore, #tpu.memory_space<semaphore_mem>>)
      %dma_start3A_60 = arith.constant 2 : i32
      %dma_start3A_61 = arith.constant 0 : i32
      %dma_start3A_62 = tpu.memref_slice %arg7[%dma_start3A_60, %dma_start3A_61] : memref<6x128xi32, #tpu.memory_space<vmem>> -> memref<1x128xi32, #tpu.memory_space<vmem>>
      %dma_start3A_63 = tpu.memref_squeeze %dma_start3A_62 : memref<1x128xi32, #tpu.memory_space<vmem>> -> memref<128xi32, #tpu.memory_space<vmem>>
      %dma_start3A_64 = arith.constant 0 : i32
      %dma_start3A_65 = arith.constant 0 : i32
      %dma_start3A_66 = tpu.memref_slice %arg2[%dma_start3A_64, %dma_start3A_65] : memref<10000x128xf32, #tpu.memory_space<hbm>> -> memref<10000x128xf32, #tpu.memory_space<hbm>>
      tpu.enqueue_indirect_dma source(%dma_start3A_66 : memref<10000x128xf32, #tpu.memory_space<hbm>>) target(%arg11 : memref<128x128xf32, #tpu.memory_space<vmem>>) offsets(%dma_start3A_63 : memref<128xi32, #tpu.memory_space<vmem>>) semaphore(%arg15 : memref<!tpu.dma_semaphore, #tpu.memory_space<semaphore_mem>>)
      %dma_wait3A_67 = arith.constant 0 : i32
      %dma_wait3A_68 = arith.constant 0 : i32
      %dma_wait3A_69 = tpu.memref_slice %arg7[%dma_wait3A_67, %dma_wait3A_68] : memref<6x128xi32, #tpu.memory_space<vmem>> -> memref<1x128xi32, #tpu.memory_space<vmem>>
      %dma_wait3A_70 = tpu.memref_squeeze %dma_wait3A_69 : memref<1x128xi32, #tpu.memory_space<vmem>> -> memref<128xi32, #tpu.memory_space<vmem>>
      %dma_wait3A_71 = arith.constant 0 : i32
      %dma_wait3A_72 = arith.constant 0 : i32
      %dma_wait3A_73 = tpu.memref_slice %arg2[%dma_wait3A_71, %dma_wait3A_72] : memref<10000x128xf32, #tpu.memory_space<hbm>> -> memref<10000x128xf32, #tpu.memory_space<hbm>>
      tpu.wait_indirect_dma semaphore(%arg13 : memref<!tpu.dma_semaphore, #tpu.memory_space<semaphore_mem>>) src(%dma_wait3A_73 : memref<10000x128xf32, #tpu.memory_space<hbm>>) dst(%arg9 : memref<128x128xf32, #tpu.memory_space<vmem>>)
      %dma_start3A_74 = arith.constant 0 : i32
      %dma_start3A_75 = arith.constant 0 : i32
      %dma_start3A_76 = tpu.memref_slice %arg8[%dma_start3A_74, %dma_start3A_75] : memref<6x128xi32, #tpu.memory_space<vmem>> -> memref<1x128xi32, #tpu.memory_space<vmem>>
      %dma_start3A_77 = tpu.memref_squeeze %dma_start3A_76 : memref<1x128xi32, #tpu.memory_space<vmem>> -> memref<128xi32, #tpu.memory_space<vmem>>
      %dma_start3A_78 = arith.constant 0 : i32
      %dma_start3A_79 = arith.constant 0 : i32
      %dma_start3A_80 = tpu.memref_slice %arg12[%dma_start3A_78, %dma_start3A_79] : memref<10000x128xf32, #tpu.memory_space<vmem_shared>> -> memref<10000x128xf32, #tpu.memory_space<vmem_shared>>
      tpu.enqueue_indirect_dma source(%arg9 : memref<128x128xf32, #tpu.memory_space<vmem>>) target(%dma_start3A_80 : memref<10000x128xf32, #tpu.memory_space<vmem_shared>>) offsets(%dma_start3A_77 : memref<128xi32, #tpu.memory_space<vmem>>) semaphore(%arg16 : memref<!tpu.dma_semaphore, #tpu.memory_space<semaphore_mem>>) {add = true}
      %dma_wait3A_81 = arith.constant 0 : i32
      %dma_wait3A_82 = arith.constant 0 : i32
      %dma_wait3A_83 = tpu.memref_slice %arg8[%dma_wait3A_81, %dma_wait3A_82] : memref<6x128xi32, #tpu.memory_space<vmem>> -> memref<1x128xi32, #tpu.memory_space<vmem>>
      %dma_wait3A_84 = tpu.memref_squeeze %dma_wait3A_83 : memref<1x128xi32, #tpu.memory_space<vmem>> -> memref<128xi32, #tpu.memory_space<vmem>>
      %dma_wait3A_85 = arith.constant 0 : i32
      %dma_wait3A_86 = arith.constant 0 : i32
      %dma_wait3A_87 = tpu.memref_slice %arg12[%dma_wait3A_85, %dma_wait3A_86] : memref<10000x128xf32, #tpu.memory_space<vmem_shared>> -> memref<10000x128xf32, #tpu.memory_space<vmem_shared>>
      tpu.wait_indirect_dma semaphore(%arg16 : memref<!tpu.dma_semaphore, #tpu.memory_space<semaphore_mem>>) src(%arg9 : memref<128x128xf32, #tpu.memory_space<vmem>>) dst(%dma_wait3A_87 : memref<10000x128xf32, #tpu.memory_space<vmem_shared>>)
      %dma_start3A_88 = arith.constant 3 : i32
      %dma_start3A_89 = arith.constant 0 : i32
      %dma_start3A_90 = tpu.memref_slice %arg7[%dma_start3A_88, %dma_start3A_89] : memref<6x128xi32, #tpu.memory_space<vmem>> -> memref<1x128xi32, #tpu.memory_space<vmem>>
      %dma_start3A_91 = tpu.memref_squeeze %dma_start3A_90 : memref<1x128xi32, #tpu.memory_space<vmem>> -> memref<128xi32, #tpu.memory_space<vmem>>
      %dma_start3A_92 = arith.constant 0 : i32
      %dma_start3A_93 = arith.constant 0 : i32
      %dma_start3A_94 = tpu.memref_slice %arg2[%dma_start3A_92, %dma_start3A_93] : memref<10000x128xf32, #tpu.memory_space<hbm>> -> memref<10000x128xf32, #tpu.memory_space<hbm>>
      tpu.enqueue_indirect_dma source(%dma_start3A_94 : memref<10000x128xf32, #tpu.memory_space<hbm>>) target(%arg9 : memref<128x128xf32, #tpu.memory_space<vmem>>) offsets(%dma_start3A_91 : memref<128xi32, #tpu.memory_space<vmem>>) semaphore(%arg13 : memref<!tpu.dma_semaphore, #tpu.memory_space<semaphore_mem>>)
      %dma_wait3A_95 = arith.constant 1 : i32
      %dma_wait3A_96 = arith.constant 0 : i32
      %dma_wait3A_97 = tpu.memref_slice %arg7[%dma_wait3A_95, %dma_wait3A_96] : memref<6x128xi32, #tpu.memory_space<vmem>> -> memref<1x128xi32, #tpu.memory_space<vmem>>
      %dma_wait3A_98 = tpu.memref_squeeze %dma_wait3A_97 : memref<1x128xi32, #tpu.memory_space<vmem>> -> memref<128xi32, #tpu.memory_space<vmem>>
      %dma_wait3A_99 = arith.constant 0 : i32
      %dma_wait3A_100 = arith.constant 0 : i32
      %dma_wait3A_101 = tpu.memref_slice %arg2[%dma_wait3A_99, %dma_wait3A_100] : memref<10000x128xf32, #tpu.memory_space<hbm>> -> memref<10000x128xf32, #tpu.memory_space<hbm>>
      tpu.wait_indirect_dma semaphore(%arg14 : memref<!tpu.dma_semaphore, #tpu.memory_space<semaphore_mem>>) src(%dma_wait3A_101 : memref<10000x128xf32, #tpu.memory_space<hbm>>) dst(%arg10 : memref<128x128xf32, #tpu.memory_space<vmem>>)
      %dma_start3A_102 = arith.constant 1 : i32
      %dma_start3A_103 = arith.constant 0 : i32
      %dma_start3A_104 = tpu.memref_slice %arg8[%dma_start3A_102, %dma_start3A_103] : memref<6x128xi32, #tpu.memory_space<vmem>> -> memref<1x128xi32, #tpu.memory_space<vmem>>
      %dma_start3A_105 = tpu.memref_squeeze %dma_start3A_104 : memref<1x128xi32, #tpu.memory_space<vmem>> -> memref<128xi32, #tpu.memory_space<vmem>>
      %dma_start3A_106 = arith.constant 0 : i32
      %dma_start3A_107 = arith.constant 0 : i32
      %dma_start3A_108 = tpu.memref_slice %arg12[%dma_start3A_106, %dma_start3A_107] : memref<10000x128xf32, #tpu.memory_space<vmem_shared>> -> memref<10000x128xf32, #tpu.memory_space<vmem_shared>>
      tpu.enqueue_indirect_dma source(%arg10 : memref<128x128xf32, #tpu.memory_space<vmem>>) target(%dma_start3A_108 : memref<10000x128xf32, #tpu.memory_space<vmem_shared>>) offsets(%dma_start3A_105 : memref<128xi32, #tpu.memory_space<vmem>>) semaphore(%arg17 : memref<!tpu.dma_semaphore, #tpu.memory_space<semaphore_mem>>) {add = true}
      %dma_wait3A_109 = arith.constant 1 : i32
      %dma_wait3A_110 = arith.constant 0 : i32
      %dma_wait3A_111 = tpu.memref_slice %arg8[%dma_wait3A_109, %dma_wait3A_110] : memref<6x128xi32, #tpu.memory_space<vmem>> -> memref<1x128xi32, #tpu.memory_space<vmem>>
      %dma_wait3A_112 = tpu.memref_squeeze %dma_wait3A_111 : memref<1x128xi32, #tpu.memory_space<vmem>> -> memref<128xi32, #tpu.memory_space<vmem>>
      %dma_wait3A_113 = arith.constant 0 : i32
      %dma_wait3A_114 = arith.constant 0 : i32
      %dma_wait3A_115 = tpu.memref_slice %arg12[%dma_wait3A_113, %dma_wait3A_114] : memref<10000x128xf32, #tpu.memory_space<vmem_shared>> -> memref<10000x128xf32, #tpu.memory_space<vmem_shared>>
      tpu.wait_indirect_dma semaphore(%arg17 : memref<!tpu.dma_semaphore, #tpu.memory_space<semaphore_mem>>) src(%arg10 : memref<128x128xf32, #tpu.memory_space<vmem>>) dst(%dma_wait3A_115 : memref<10000x128xf32, #tpu.memory_space<vmem_shared>>)
      %dma_start3A_116 = arith.constant 4 : i32
      %dma_start3A_117 = arith.constant 0 : i32
      %dma_start3A_118 = tpu.memref_slice %arg7[%dma_start3A_116, %dma_start3A_117] : memref<6x128xi32, #tpu.memory_space<vmem>> -> memref<1x128xi32, #tpu.memory_space<vmem>>
      %dma_start3A_119 = tpu.memref_squeeze %dma_start3A_118 : memref<1x128xi32, #tpu.memory_space<vmem>> -> memref<128xi32, #tpu.memory_space<vmem>>
      %dma_start3A_120 = arith.constant 0 : i32
      %dma_start3A_121 = arith.constant 0 : i32
      %dma_start3A_122 = tpu.memref_slice %arg2[%dma_start3A_120, %dma_start3A_121] : memref<10000x128xf32, #tpu.memory_space<hbm>> -> memref<10000x128xf32, #tpu.memory_space<hbm>>
      tpu.enqueue_indirect_dma source(%dma_start3A_122 : memref<10000x128xf32, #tpu.memory_space<hbm>>) target(%arg10 : memref<128x128xf32, #tpu.memory_space<vmem>>) offsets(%dma_start3A_119 : memref<128xi32, #tpu.memory_space<vmem>>) semaphore(%arg14 : memref<!tpu.dma_semaphore, #tpu.memory_space<semaphore_mem>>)
      %dma_wait3A_123 = arith.constant 2 : i32
      %dma_wait3A_124 = arith.constant 0 : i32
      %dma_wait3A_125 = tpu.memref_slice %arg7[%dma_wait3A_123, %dma_wait3A_124] : memref<6x128xi32, #tpu.memory_space<vmem>> -> memref<1x128xi32, #tpu.memory_space<vmem>>
      %dma_wait3A_126 = tpu.memref_squeeze %dma_wait3A_125 : memref<1x128xi32, #tpu.memory_space<vmem>> -> memref<128xi32, #tpu.memory_space<vmem>>
      %dma_wait3A_127 = arith.constant 0 : i32
      %dma_wait3A_128 = arith.constant 0 : i32
      %dma_wait3A_129 = tpu.memref_slice %arg2[%dma_wait3A_127, %dma_wait3A_128] : memref<10000x128xf32, #tpu.memory_space<hbm>> -> memref<10000x128xf32, #tpu.memory_space<hbm>>
      tpu.wait_indirect_dma semaphore(%arg15 : memref<!tpu.dma_semaphore, #tpu.memory_space<semaphore_mem>>) src(%dma_wait3A_129 : memref<10000x128xf32, #tpu.memory_space<hbm>>) dst(%arg11 : memref<128x128xf32, #tpu.memory_space<vmem>>)
      %dma_start3A_130 = arith.constant 2 : i32
      %dma_start3A_131 = arith.constant 0 : i32
      %dma_start3A_132 = tpu.memref_slice %arg8[%dma_start3A_130, %dma_start3A_131] : memref<6x128xi32, #tpu.memory_space<vmem>> -> memref<1x128xi32, #tpu.memory_space<vmem>>
      %dma_start3A_133 = tpu.memref_squeeze %dma_start3A_132 : memref<1x128xi32, #tpu.memory_space<vmem>> -> memref<128xi32, #tpu.memory_space<vmem>>
      %dma_start3A_134 = arith.constant 0 : i32
      %dma_start3A_135 = arith.constant 0 : i32
      %dma_start3A_136 = tpu.memref_slice %arg12[%dma_start3A_134, %dma_start3A_135] : memref<10000x128xf32, #tpu.memory_space<vmem_shared>> -> memref<10000x128xf32, #tpu.memory_space<vmem_shared>>
      tpu.enqueue_indirect_dma source(%arg11 : memref<128x128xf32, #tpu.memory_space<vmem>>) target(%dma_start3A_136 : memref<10000x128xf32, #tpu.memory_space<vmem_shared>>) offsets(%dma_start3A_133 : memref<128xi32, #tpu.memory_space<vmem>>) semaphore(%arg18 : memref<!tpu.dma_semaphore, #tpu.memory_space<semaphore_mem>>) {add = true}
      %dma_wait3A_137 = arith.constant 2 : i32
      %dma_wait3A_138 = arith.constant 0 : i32
      %dma_wait3A_139 = tpu.memref_slice %arg8[%dma_wait3A_137, %dma_wait3A_138] : memref<6x128xi32, #tpu.memory_space<vmem>> -> memref<1x128xi32, #tpu.memory_space<vmem>>
      %dma_wait3A_140 = tpu.memref_squeeze %dma_wait3A_139 : memref<1x128xi32, #tpu.memory_space<vmem>> -> memref<128xi32, #tpu.memory_space<vmem>>
      %dma_wait3A_141 = arith.constant 0 : i32
      %dma_wait3A_142 = arith.constant 0 : i32
      %dma_wait3A_143 = tpu.memref_slice %arg12[%dma_wait3A_141, %dma_wait3A_142] : memref<10000x128xf32, #tpu.memory_space<vmem_shared>> -> memref<10000x128xf32, #tpu.memory_space<vmem_shared>>
      tpu.wait_indirect_dma semaphore(%arg18 : memref<!tpu.dma_semaphore, #tpu.memory_space<semaphore_mem>>) src(%arg11 : memref<128x128xf32, #tpu.memory_space<vmem>>) dst(%dma_wait3A_143 : memref<10000x128xf32, #tpu.memory_space<vmem_shared>>)
      %dma_start3A_144 = arith.constant 5 : i32
      %dma_start3A_145 = arith.constant 0 : i32
      %dma_start3A_146 = tpu.memref_slice %arg7[%dma_start3A_144, %dma_start3A_145] : memref<6x128xi32, #tpu.memory_space<vmem>> -> memref<1x128xi32, #tpu.memory_space<vmem>>
      %dma_start3A_147 = tpu.memref_squeeze %dma_start3A_146 : memref<1x128xi32, #tpu.memory_space<vmem>> -> memref<128xi32, #tpu.memory_space<vmem>>
      %dma_start3A_148 = arith.constant 0 : i32
      %dma_start3A_149 = arith.constant 0 : i32
      %dma_start3A_150 = tpu.memref_slice %arg2[%dma_start3A_148, %dma_start3A_149] : memref<10000x128xf32, #tpu.memory_space<hbm>> -> memref<10000x128xf32, #tpu.memory_space<hbm>>
      tpu.enqueue_indirect_dma source(%dma_start3A_150 : memref<10000x128xf32, #tpu.memory_space<hbm>>) target(%arg11 : memref<128x128xf32, #tpu.memory_space<vmem>>) offsets(%dma_start3A_147 : memref<128xi32, #tpu.memory_space<vmem>>) semaphore(%arg15 : memref<!tpu.dma_semaphore, #tpu.memory_space<semaphore_mem>>)
      %dma_wait3A_151 = arith.constant 3 : i32
      %dma_wait3A_152 = arith.constant 0 : i32
      %dma_wait3A_153 = tpu.memref_slice %arg7[%dma_wait3A_151, %dma_wait3A_152] : memref<6x128xi32, #tpu.memory_space<vmem>> -> memref<1x128xi32, #tpu.memory_space<vmem>>
      %dma_wait3A_154 = tpu.memref_squeeze %dma_wait3A_153 : memref<1x128xi32, #tpu.memory_space<vmem>> -> memref<128xi32, #tpu.memory_space<vmem>>
      %dma_wait3A_155 = arith.constant 0 : i32
      %dma_wait3A_156 = arith.constant 0 : i32
      %dma_wait3A_157 = tpu.memref_slice %arg2[%dma_wait3A_155, %dma_wait3A_156] : memref<10000x128xf32, #tpu.memory_space<hbm>> -> memref<10000x128xf32, #tpu.memory_space<hbm>>
      tpu.wait_indirect_dma semaphore(%arg13 : memref<!tpu.dma_semaphore, #tpu.memory_space<semaphore_mem>>) src(%dma_wait3A_157 : memref<10000x128xf32, #tpu.memory_space<hbm>>) dst(%arg9 : memref<128x128xf32, #tpu.memory_space<vmem>>)
      %dma_start3A_158 = arith.constant 3 : i32
      %dma_start3A_159 = arith.constant 0 : i32
      %dma_start3A_160 = tpu.memref_slice %arg8[%dma_start3A_158, %dma_start3A_159] : memref<6x128xi32, #tpu.memory_space<vmem>> -> memref<1x128xi32, #tpu.memory_space<vmem>>
      %dma_start3A_161 = tpu.memref_squeeze %dma_start3A_160 : memref<1x128xi32, #tpu.memory_space<vmem>> -> memref<128xi32, #tpu.memory_space<vmem>>
      %dma_start3A_162 = arith.constant 0 : i32
      %dma_start3A_163 = arith.constant 0 : i32
      %dma_start3A_164 = tpu.memref_slice %arg12[%dma_start3A_162, %dma_start3A_163] : memref<10000x128xf32, #tpu.memory_space<vmem_shared>> -> memref<10000x128xf32, #tpu.memory_space<vmem_shared>>
      tpu.enqueue_indirect_dma source(%arg9 : memref<128x128xf32, #tpu.memory_space<vmem>>) target(%dma_start3A_164 : memref<10000x128xf32, #tpu.memory_space<vmem_shared>>) offsets(%dma_start3A_161 : memref<128xi32, #tpu.memory_space<vmem>>) semaphore(%arg16 : memref<!tpu.dma_semaphore, #tpu.memory_space<semaphore_mem>>) {add = true}
      %dma_wait3A_165 = arith.constant 3 : i32
      %dma_wait3A_166 = arith.constant 0 : i32
      %dma_wait3A_167 = tpu.memref_slice %arg8[%dma_wait3A_165, %dma_wait3A_166] : memref<6x128xi32, #tpu.memory_space<vmem>> -> memref<1x128xi32, #tpu.memory_space<vmem>>
      %dma_wait3A_168 = tpu.memref_squeeze %dma_wait3A_167 : memref<1x128xi32, #tpu.memory_space<vmem>> -> memref<128xi32, #tpu.memory_space<vmem>>
      %dma_wait3A_169 = arith.constant 0 : i32
      %dma_wait3A_170 = arith.constant 0 : i32
      %dma_wait3A_171 = tpu.memref_slice %arg12[%dma_wait3A_169, %dma_wait3A_170] : memref<10000x128xf32, #tpu.memory_space<vmem_shared>> -> memref<10000x128xf32, #tpu.memory_space<vmem_shared>>
      tpu.wait_indirect_dma semaphore(%arg16 : memref<!tpu.dma_semaphore, #tpu.memory_space<semaphore_mem>>) src(%arg9 : memref<128x128xf32, #tpu.memory_space<vmem>>) dst(%dma_wait3A_171 : memref<10000x128xf32, #tpu.memory_space<vmem_shared>>)
      %dma_wait3A_172 = arith.constant 4 : i32
      %dma_wait3A_173 = arith.constant 0 : i32
      %dma_wait3A_174 = tpu.memref_slice %arg7[%dma_wait3A_172, %dma_wait3A_173] : memref<6x128xi32, #tpu.memory_space<vmem>> -> memref<1x128xi32, #tpu.memory_space<vmem>>
      %dma_wait3A_175 = tpu.memref_squeeze %dma_wait3A_174 : memref<1x128xi32, #tpu.memory_space<vmem>> -> memref<128xi32, #tpu.memory_space<vmem>>
      %dma_wait3A_176 = arith.constant 0 : i32
      %dma_wait3A_177 = arith.constant 0 : i32
      %dma_wait3A_178 = tpu.memref_slice %arg2[%dma_wait3A_176, %dma_wait3A_177] : memref<10000x128xf32, #tpu.memory_space<hbm>> -> memref<10000x128xf32, #tpu.memory_space<hbm>>
      tpu.wait_indirect_dma semaphore(%arg14 : memref<!tpu.dma_semaphore, #tpu.memory_space<semaphore_mem>>) src(%dma_wait3A_178 : memref<10000x128xf32, #tpu.memory_space<hbm>>) dst(%arg10 : memref<128x128xf32, #tpu.memory_space<vmem>>)
      %dma_start3A_179 = arith.constant 4 : i32
      %dma_start3A_180 = arith.constant 0 : i32
      %dma_start3A_181 = tpu.memref_slice %arg8[%dma_start3A_179, %dma_start3A_180] : memref<6x128xi32, #tpu.memory_space<vmem>> -> memref<1x128xi32, #tpu.memory_space<vmem>>
      %dma_start3A_182 = tpu.memref_squeeze %dma_start3A_181 : memref<1x128xi32, #tpu.memory_space<vmem>> -> memref<128xi32, #tpu.memory_space<vmem>>
      %dma_start3A_183 = arith.constant 0 : i32
      %dma_start3A_184 = arith.constant 0 : i32
      %dma_start3A_185 = tpu.memref_slice %arg12[%dma_start3A_183, %dma_start3A_184] : memref<10000x128xf32, #tpu.memory_space<vmem_shared>> -> memref<10000x128xf32, #tpu.memory_space<vmem_shared>>
      tpu.enqueue_indirect_dma source(%arg10 : memref<128x128xf32, #tpu.memory_space<vmem>>) target(%dma_start3A_185 : memref<10000x128xf32, #tpu.memory_space<vmem_shared>>) offsets(%dma_start3A_182 : memref<128xi32, #tpu.memory_space<vmem>>) semaphore(%arg17 : memref<!tpu.dma_semaphore, #tpu.memory_space<semaphore_mem>>) {add = true}
      %dma_wait3A_186 = arith.constant 4 : i32
      %dma_wait3A_187 = arith.constant 0 : i32
      %dma_wait3A_188 = tpu.memref_slice %arg8[%dma_wait3A_186, %dma_wait3A_187] : memref<6x128xi32, #tpu.memory_space<vmem>> -> memref<1x128xi32, #tpu.memory_space<vmem>>
      %dma_wait3A_189 = tpu.memref_squeeze %dma_wait3A_188 : memref<1x128xi32, #tpu.memory_space<vmem>> -> memref<128xi32, #tpu.memory_space<vmem>>
      %dma_wait3A_190 = arith.constant 0 : i32
      %dma_wait3A_191 = arith.constant 0 : i32
      %dma_wait3A_192 = tpu.memref_slice %arg12[%dma_wait3A_190, %dma_wait3A_191] : memref<10000x128xf32, #tpu.memory_space<vmem_shared>> -> memref<10000x128xf32, #tpu.memory_space<vmem_shared>>
      tpu.wait_indirect_dma semaphore(%arg17 : memref<!tpu.dma_semaphore, #tpu.memory_space<semaphore_mem>>) src(%arg10 : memref<128x128xf32, #tpu.memory_space<vmem>>) dst(%dma_wait3A_192 : memref<10000x128xf32, #tpu.memory_space<vmem_shared>>)
      %dma_wait3A_193 = arith.constant 5 : i32
      %dma_wait3A_194 = arith.constant 0 : i32
      %dma_wait3A_195 = tpu.memref_slice %arg7[%dma_wait3A_193, %dma_wait3A_194] : memref<6x128xi32, #tpu.memory_space<vmem>> -> memref<1x128xi32, #tpu.memory_space<vmem>>
      %dma_wait3A_196 = tpu.memref_squeeze %dma_wait3A_195 : memref<1x128xi32, #tpu.memory_space<vmem>> -> memref<128xi32, #tpu.memory_space<vmem>>
      %dma_wait3A_197 = arith.constant 0 : i32
      %dma_wait3A_198 = arith.constant 0 : i32
      %dma_wait3A_199 = tpu.memref_slice %arg2[%dma_wait3A_197, %dma_wait3A_198] : memref<10000x128xf32, #tpu.memory_space<hbm>> -> memref<10000x128xf32, #tpu.memory_space<hbm>>
      tpu.wait_indirect_dma semaphore(%arg15 : memref<!tpu.dma_semaphore, #tpu.memory_space<semaphore_mem>>) src(%dma_wait3A_199 : memref<10000x128xf32, #tpu.memory_space<hbm>>) dst(%arg11 : memref<128x128xf32, #tpu.memory_space<vmem>>)
      %dma_start3A_200 = arith.constant 5 : i32
      %dma_start3A_201 = arith.constant 0 : i32
      %dma_start3A_202 = tpu.memref_slice %arg8[%dma_start3A_200, %dma_start3A_201] : memref<6x128xi32, #tpu.memory_space<vmem>> -> memref<1x128xi32, #tpu.memory_space<vmem>>
      %dma_start3A_203 = tpu.memref_squeeze %dma_start3A_202 : memref<1x128xi32, #tpu.memory_space<vmem>> -> memref<128xi32, #tpu.memory_space<vmem>>
      %dma_start3A_204 = arith.constant 0 : i32
      %dma_start3A_205 = arith.constant 0 : i32
      %dma_start3A_206 = tpu.memref_slice %arg12[%dma_start3A_204, %dma_start3A_205] : memref<10000x128xf32, #tpu.memory_space<vmem_shared>> -> memref<10000x128xf32, #tpu.memory_space<vmem_shared>>
      tpu.enqueue_indirect_dma source(%arg11 : memref<128x128xf32, #tpu.memory_space<vmem>>) target(%dma_start3A_206 : memref<10000x128xf32, #tpu.memory_space<vmem_shared>>) offsets(%dma_start3A_203 : memref<128xi32, #tpu.memory_space<vmem>>) semaphore(%arg18 : memref<!tpu.dma_semaphore, #tpu.memory_space<semaphore_mem>>) {add = true}
    }
    %scan3A_13 = arith.constant 13 : i32
    %dma_wait3A = arith.constant 5 : i32
    %dma_wait3A_14 = arith.constant 0 : i32
    %dma_wait3A_15 = tpu.memref_slice %arg8[%dma_wait3A, %dma_wait3A_14] : memref<6x128xi32, #tpu.memory_space<vmem>> -> memref<1x128xi32, #tpu.memory_space<vmem>>
    %dma_wait3A_16 = tpu.memref_squeeze %dma_wait3A_15 : memref<1x128xi32, #tpu.memory_space<vmem>> -> memref<128xi32, #tpu.memory_space<vmem>>
    %dma_wait3A_17 = arith.constant 0 : i32
    %dma_wait3A_18 = arith.constant 0 : i32
    %dma_wait3A_19 = tpu.memref_slice %arg12[%dma_wait3A_17, %dma_wait3A_18] : memref<10000x128xf32, #tpu.memory_space<vmem_shared>> -> memref<10000x128xf32, #tpu.memory_space<vmem_shared>>
    tpu.wait_indirect_dma semaphore(%arg18 : memref<!tpu.dma_semaphore, #tpu.memory_space<semaphore_mem>>) src(%arg11 : memref<128x128xf32, #tpu.memory_space<vmem>>) dst(%dma_wait3A_19 : memref<10000x128xf32, #tpu.memory_space<vmem_shared>>)
    %lt3A_20 = arith.constant 4 : i32
    %lt3A_21 = arith.cmpi slt, %add3A, %lt3A_20 : i32
    %convert_element_type3A_22 = arith.extui %lt3A_21 : i1 to i32
    %cond3A_23 = arith.constant 0 : i32
    %cond3A_24 = arith.cmpi ne, %convert_element_type3A_22, %cond3A_23 : i32
    scf.if %cond3A_24 {
      %add3A_36 = arith.constant 2496 : i32
      %add3A_37 = arith.addi %add3A_36, %add3A : i32
      "tpu.region"() ({
        %run_scoped3A_53 = tpu.sem_alloc : memref<!tpu.dma_semaphore, #tpu.memory_space<semaphore_mem>>
        %dma_start3A_54 = arith.constant 0 : i32
        %dma_start3A_55 = arith.constant 0 : i32
        %dma_start3A_56 = tpu.memref_slice %arg7[%dma_start3A_54, %dma_start3A_55] : memref<6x128xi32, #tpu.memory_space<vmem>> -> memref<1x128xi32, #tpu.memory_space<vmem>>
        %dma_start3A_57 = arith.constant 0 : i32
        %dma_start3A_58 = tpu.memref_slice %arg3[%add3A_37, %dma_start3A_57] : memref<2500x128xi32, #tpu.memory_space<hbm>> -> memref<1x128xi32, #tpu.memory_space<hbm>>
        %dma_start3A_59 = arith.constant 0 : i32
        %dma_start3A_60 = arith.constant 0 : i32
        %dma_start3A_61 = tpu.memref_slice %arg7[%dma_start3A_59, %dma_start3A_60] : memref<6x128xi32, #tpu.memory_space<vmem>> -> memref<1x128xi32, #tpu.memory_space<vmem>>
        %dma_start3A_62 = arith.constant 0 : i32
        %dma_start3A_63 = tpu.memref_slice %arg3[%add3A_37, %dma_start3A_62] : memref<2500x128xi32, #tpu.memory_space<hbm>> -> memref<1x128xi32, #tpu.memory_space<hbm>>
        tpu.enqueue_dma source(%dma_start3A_63 : memref<1x128xi32, #tpu.memory_space<hbm>>) target(%dma_start3A_61 : memref<1x128xi32, #tpu.memory_space<vmem>>) target_semaphore(%run_scoped3A_53 : memref<!tpu.dma_semaphore, #tpu.memory_space<semaphore_mem>>)
        %dma_wait3A_64 = arith.constant 0 : i32
        %dma_wait3A_65 = arith.constant 0 : i32
        %dma_wait3A_66 = tpu.memref_slice %arg7[%dma_wait3A_64, %dma_wait3A_65] : memref<6x128xi32, #tpu.memory_space<vmem>> -> memref<1x128xi32, #tpu.memory_space<vmem>>
        %dma_wait3A_67 = arith.constant 0 : i32
        %dma_wait3A_68 = tpu.memref_slice %arg3[%add3A_37, %dma_wait3A_67] : memref<2500x128xi32, #tpu.memory_space<hbm>> -> memref<1x128xi32, #tpu.memory_space<hbm>>
        %dma_wait3A_69 = arith.constant 0 : i32
        %dma_wait3A_70 = arith.constant 0 : i32
        %dma_wait3A_71 = tpu.memref_slice %arg7[%dma_wait3A_69, %dma_wait3A_70] : memref<6x128xi32, #tpu.memory_space<vmem>> -> memref<1x128xi32, #tpu.memory_space<vmem>>
        %dma_wait3A_72 = arith.constant 0 : i32
        %dma_wait3A_73 = tpu.memref_slice %arg3[%add3A_37, %dma_wait3A_72] : memref<2500x128xi32, #tpu.memory_space<hbm>> -> memref<1x128xi32, #tpu.memory_space<hbm>>
        tpu.wait_dma2 semaphore(%run_scoped3A_53 : memref<!tpu.dma_semaphore, #tpu.memory_space<semaphore_mem>>) src(%dma_wait3A_73 : memref<1x128xi32, #tpu.memory_space<hbm>>) dst(%dma_wait3A_71 : memref<1x128xi32, #tpu.memory_space<vmem>>)
        tpu.yield
      }) : () -> ()
      %add3A_38 = arith.constant 2496 : i32
      %add3A_39 = arith.addi %add3A_38, %add3A : i32
      "tpu.region"() ({
        %run_scoped3A_53 = tpu.sem_alloc : memref<!tpu.dma_semaphore, #tpu.memory_space<semaphore_mem>>
        %dma_start3A_54 = arith.constant 0 : i32
        %dma_start3A_55 = arith.constant 0 : i32
        %dma_start3A_56 = tpu.memref_slice %arg8[%dma_start3A_54, %dma_start3A_55] : memref<6x128xi32, #tpu.memory_space<vmem>> -> memref<1x128xi32, #tpu.memory_space<vmem>>
        %dma_start3A_57 = arith.constant 0 : i32
        %dma_start3A_58 = tpu.memref_slice %arg4[%add3A_39, %dma_start3A_57] : memref<2500x128xi32, #tpu.memory_space<hbm>> -> memref<1x128xi32, #tpu.memory_space<hbm>>
        %dma_start3A_59 = arith.constant 0 : i32
        %dma_start3A_60 = arith.constant 0 : i32
        %dma_start3A_61 = tpu.memref_slice %arg8[%dma_start3A_59, %dma_start3A_60] : memref<6x128xi32, #tpu.memory_space<vmem>> -> memref<1x128xi32, #tpu.memory_space<vmem>>
        %dma_start3A_62 = arith.constant 0 : i32
        %dma_start3A_63 = tpu.memref_slice %arg4[%add3A_39, %dma_start3A_62] : memref<2500x128xi32, #tpu.memory_space<hbm>> -> memref<1x128xi32, #tpu.memory_space<hbm>>
        tpu.enqueue_dma source(%dma_start3A_63 : memref<1x128xi32, #tpu.memory_space<hbm>>) target(%dma_start3A_61 : memref<1x128xi32, #tpu.memory_space<vmem>>) target_semaphore(%run_scoped3A_53 : memref<!tpu.dma_semaphore, #tpu.memory_space<semaphore_mem>>)
        %dma_wait3A_64 = arith.constant 0 : i32
        %dma_wait3A_65 = arith.constant 0 : i32
        %dma_wait3A_66 = tpu.memref_slice %arg8[%dma_wait3A_64, %dma_wait3A_65] : memref<6x128xi32, #tpu.memory_space<vmem>> -> memref<1x128xi32, #tpu.memory_space<vmem>>
        %dma_wait3A_67 = arith.constant 0 : i32
        %dma_wait3A_68 = tpu.memref_slice %arg4[%add3A_39, %dma_wait3A_67] : memref<2500x128xi32, #tpu.memory_space<hbm>> -> memref<1x128xi32, #tpu.memory_space<hbm>>
        %dma_wait3A_69 = arith.constant 0 : i32
        %dma_wait3A_70 = arith.constant 0 : i32
        %dma_wait3A_71 = tpu.memref_slice %arg8[%dma_wait3A_69, %dma_wait3A_70] : memref<6x128xi32, #tpu.memory_space<vmem>> -> memref<1x128xi32, #tpu.memory_space<vmem>>
        %dma_wait3A_72 = arith.constant 0 : i32
        %dma_wait3A_73 = tpu.memref_slice %arg4[%add3A_39, %dma_wait3A_72] : memref<2500x128xi32, #tpu.memory_space<hbm>> -> memref<1x128xi32, #tpu.memory_space<hbm>>
        tpu.wait_dma2 semaphore(%run_scoped3A_53 : memref<!tpu.dma_semaphore, #tpu.memory_space<semaphore_mem>>) src(%dma_wait3A_73 : memref<1x128xi32, #tpu.memory_space<hbm>>) dst(%dma_wait3A_71 : memref<1x128xi32, #tpu.memory_space<vmem>>)
        tpu.yield
      }) : () -> ()
      %dma_start3A = arith.constant 0 : i32
      %dma_start3A_40 = arith.constant 0 : i32
      %dma_start3A_41 = tpu.memref_slice %arg7[%dma_start3A, %dma_start3A_40] : memref<6x128xi32, #tpu.memory_space<vmem>> -> memref<1x128xi32, #tpu.memory_space<vmem>>
      %dma_start3A_42 = tpu.memref_squeeze %dma_start3A_41 : memref<1x128xi32, #tpu.memory_space<vmem>> -> memref<128xi32, #tpu.memory_space<vmem>>
      %dma_start3A_43 = arith.constant 0 : i32
      %dma_start3A_44 = arith.constant 0 : i32
      %dma_start3A_45 = tpu.memref_slice %arg2[%dma_start3A_43, %dma_start3A_44] : memref<10000x128xf32, #tpu.memory_space<hbm>> -> memref<10000x128xf32, #tpu.memory_space<hbm>>
      tpu.enqueue_indirect_dma source(%dma_start3A_45 : memref<10000x128xf32, #tpu.memory_space<hbm>>) target(%arg9 : memref<128x128xf32, #tpu.memory_space<vmem>>) offsets(%dma_start3A_42 : memref<128xi32, #tpu.memory_space<vmem>>) semaphore(%arg13 : memref<!tpu.dma_semaphore, #tpu.memory_space<semaphore_mem>>)
      %dma_wait3A_46 = arith.constant 0 : i32
      %dma_wait3A_47 = arith.constant 0 : i32
      %dma_wait3A_48 = tpu.memref_slice %arg7[%dma_wait3A_46, %dma_wait3A_47] : memref<6x128xi32, #tpu.memory_space<vmem>> -> memref<1x128xi32, #tpu.memory_space<vmem>>
      %dma_wait3A_49 = tpu.memref_squeeze %dma_wait3A_48 : memref<1x128xi32, #tpu.memory_space<vmem>> -> memref<128xi32, #tpu.memory_space<vmem>>
      %dma_wait3A_50 = arith.constant 0 : i32
      %dma_wait3A_51 = arith.constant 0 : i32
      %dma_wait3A_52 = tpu.memref_slice %arg2[%dma_wait3A_50, %dma_wait3A_51] : memref<10000x128xf32, #tpu.memory_space<hbm>> -> memref<10000x128xf32, #tpu.memory_space<hbm>>
      tpu.wait_indirect_dma semaphore(%arg13 : memref<!tpu.dma_semaphore, #tpu.memory_space<semaphore_mem>>) src(%dma_wait3A_52 : memref<10000x128xf32, #tpu.memory_space<hbm>>) dst(%arg9 : memref<128x128xf32, #tpu.memory_space<vmem>>)
      %run_scoped3A = arith.constant 0 : i32
      "tpu.region"() ({
        %run_scoped3A_53 = tpu.sem_alloc : memref<!tpu.dma_semaphore, #tpu.memory_space<semaphore_mem>>
        %dma_start3A_54 = arith.constant 0 : i32
        %dma_start3A_55 = tpu.memref_slice %arg8[%run_scoped3A, %dma_start3A_54] : memref<6x128xi32, #tpu.memory_space<vmem>> -> memref<1x128xi32, #tpu.memory_space<vmem>>
        %dma_start3A_56 = tpu.memref_squeeze %dma_start3A_55 : memref<1x128xi32, #tpu.memory_space<vmem>> -> memref<128xi32, #tpu.memory_space<vmem>>
        %dma_start3A_57 = arith.constant 0 : i32
        %dma_start3A_58 = arith.constant 0 : i32
        %dma_start3A_59 = tpu.memref_slice %arg12[%dma_start3A_57, %dma_start3A_58] : memref<10000x128xf32, #tpu.memory_space<vmem_shared>> -> memref<10000x128xf32, #tpu.memory_space<vmem_shared>>
        tpu.enqueue_indirect_dma source(%arg9 : memref<128x128xf32, #tpu.memory_space<vmem>>) target(%dma_start3A_59 : memref<10000x128xf32, #tpu.memory_space<vmem_shared>>) offsets(%dma_start3A_56 : memref<128xi32, #tpu.memory_space<vmem>>) semaphore(%run_scoped3A_53 : memref<!tpu.dma_semaphore, #tpu.memory_space<semaphore_mem>>) {add = true}
        %dma_wait3A_60 = arith.constant 0 : i32
        %dma_wait3A_61 = tpu.memref_slice %arg8[%run_scoped3A, %dma_wait3A_60] : memref<6x128xi32, #tpu.memory_space<vmem>> -> memref<1x128xi32, #tpu.memory_space<vmem>>
        %dma_wait3A_62 = tpu.memref_squeeze %dma_wait3A_61 : memref<1x128xi32, #tpu.memory_space<vmem>> -> memref<128xi32, #tpu.memory_space<vmem>>
        %dma_wait3A_63 = arith.constant 0 : i32
        %dma_wait3A_64 = arith.constant 0 : i32
        %dma_wait3A_65 = tpu.memref_slice %arg12[%dma_wait3A_63, %dma_wait3A_64] : memref<10000x128xf32, #tpu.memory_space<vmem_shared>> -> memref<10000x128xf32, #tpu.memory_space<vmem_shared>>
        tpu.wait_indirect_dma semaphore(%run_scoped3A_53 : memref<!tpu.dma_semaphore, #tpu.memory_space<semaphore_mem>>) src(%arg9 : memref<128x128xf32, #tpu.memory_space<vmem>>) dst(%dma_wait3A_65 : memref<10000x128xf32, #tpu.memory_space<vmem_shared>>)
        tpu.yield
      }) : () -> ()
    } else {
    }
    %barrier3A_25 = arith.constant 0 : index
    tpu.barrier barrier_id(%barrier3A_25)
    %lt3A_26 = arith.constant 15 : i32
    %lt3A_27 = arith.cmpi slt, %arg1, %lt3A_26 : i32
    %convert_element_type3A_28 = arith.extui %lt3A_27 : i1 to i32
    %cond3A_29 = arith.constant 0 : i32
    %cond3A_30 = arith.cmpi ne, %convert_element_type3A_28, %cond3A_29 : i32
    scf.if %cond3A_30 {
      %mul3A_36 = arith.constant 624 : i32
      %mul3A_37 = arith.muli %arg1, %mul3A_36 : i32
      %add3A_38 = arith.constant 0 : i32
      %add3A_39 = arith.addi %mul3A_37, %add3A_38 : i32
      "tpu.region"() ({
        %run_scoped3A = tpu.sem_alloc : memref<!tpu.dma_semaphore, #tpu.memory_space<semaphore_mem>>
        %dma_start3A = arith.constant 0 : i32
        %dma_start3A_91 = tpu.memref_slice %arg12[%add3A_39, %dma_start3A] : memref<10000x128xf32, #tpu.memory_space<vmem_shared>> -> memref<128x128xf32, #tpu.memory_space<vmem_shared>>
        %dma_start3A_92 = arith.constant 0 : i32
        %dma_start3A_93 = tpu.memref_slice %arg12[%add3A_39, %dma_start3A_92] : memref<10000x128xf32, #tpu.memory_space<vmem_shared>> -> memref<128x128xf32, #tpu.memory_space<vmem_shared>>
        tpu.enqueue_dma source(%dma_start3A_93 : memref<128x128xf32, #tpu.memory_space<vmem_shared>>) target(%arg9 : memref<128x128xf32, #tpu.memory_space<vmem>>) target_semaphore(%run_scoped3A : memref<!tpu.dma_semaphore, #tpu.memory_space<semaphore_mem>>)
        %dma_wait3A_94 = arith.constant 0 : i32
        %dma_wait3A_95 = tpu.memref_slice %arg12[%add3A_39, %dma_wait3A_94] : memref<10000x128xf32, #tpu.memory_space<vmem_shared>> -> memref<128x128xf32, #tpu.memory_space<vmem_shared>>
        %dma_wait3A_96 = arith.constant 0 : i32
        %dma_wait3A_97 = tpu.memref_slice %arg12[%add3A_39, %dma_wait3A_96] : memref<10000x128xf32, #tpu.memory_space<vmem_shared>> -> memref<128x128xf32, #tpu.memory_space<vmem_shared>>
        tpu.wait_dma2 semaphore(%run_scoped3A : memref<!tpu.dma_semaphore, #tpu.memory_space<semaphore_mem>>) src(%dma_wait3A_97 : memref<128x128xf32, #tpu.memory_space<vmem_shared>>) dst(%arg9 : memref<128x128xf32, #tpu.memory_space<vmem>>)
        tpu.yield
      }) : () -> ()
      %mul3A_40 = arith.constant 10000 : i32
      %mul3A_41 = arith.muli %arg0, %mul3A_40 : i32
      %mul3A_42 = arith.constant 624 : i32
      %mul3A_43 = arith.muli %arg1, %mul3A_42 : i32
      %add3A_44 = arith.addi %mul3A_41, %mul3A_43 : i32
      %add3A_45 = arith.constant 0 : i32
      %add3A_46 = arith.addi %add3A_44, %add3A_45 : i32
      "tpu.region"() ({
        %run_scoped3A = tpu.sem_alloc : memref<!tpu.dma_semaphore, #tpu.memory_space<semaphore_mem>>
        %dma_start3A = arith.constant 0 : i32
        %dma_start3A_91 = tpu.memref_slice %arg6[%add3A_46, %dma_start3A] : memref<20000x128xf32, #tpu.memory_space<hbm>> -> memref<128x128xf32, #tpu.memory_space<hbm>>
        %dma_start3A_92 = arith.constant 0 : i32
        %dma_start3A_93 = tpu.memref_slice %arg6[%add3A_46, %dma_start3A_92] : memref<20000x128xf32, #tpu.memory_space<hbm>> -> memref<128x128xf32, #tpu.memory_space<hbm>>
        tpu.enqueue_dma source(%arg9 : memref<128x128xf32, #tpu.memory_space<vmem>>) target(%dma_start3A_93 : memref<128x128xf32, #tpu.memory_space<hbm>>) target_semaphore(%run_scoped3A : memref<!tpu.dma_semaphore, #tpu.memory_space<semaphore_mem>>)
        %dma_wait3A_94 = arith.constant 0 : i32
        %dma_wait3A_95 = tpu.memref_slice %arg6[%add3A_46, %dma_wait3A_94] : memref<20000x128xf32, #tpu.memory_space<hbm>> -> memref<128x128xf32, #tpu.memory_space<hbm>>
        %dma_wait3A_96 = arith.constant 0 : i32
        %dma_wait3A_97 = tpu.memref_slice %arg6[%add3A_46, %dma_wait3A_96] : memref<20000x128xf32, #tpu.memory_space<hbm>> -> memref<128x128xf32, #tpu.memory_space<hbm>>
        tpu.wait_dma2 semaphore(%run_scoped3A : memref<!tpu.dma_semaphore, #tpu.memory_space<semaphore_mem>>) src(%arg9 : memref<128x128xf32, #tpu.memory_space<vmem>>) dst(%dma_wait3A_97 : memref<128x128xf32, #tpu.memory_space<hbm>>)
        tpu.yield
      }) : () -> ()
      %mul3A_47 = arith.constant 624 : i32
      %mul3A_48 = arith.muli %arg1, %mul3A_47 : i32
      %add3A_49 = arith.constant 128 : i32
      %add3A_50 = arith.addi %mul3A_48, %add3A_49 : i32
      "tpu.region"() ({
        %run_scoped3A = tpu.sem_alloc : memref<!tpu.dma_semaphore, #tpu.memory_space<semaphore_mem>>
        %dma_start3A = arith.constant 0 : i32
        %dma_start3A_91 = tpu.memref_slice %arg12[%add3A_50, %dma_start3A] : memref<10000x128xf32, #tpu.memory_space<vmem_shared>> -> memref<128x128xf32, #tpu.memory_space<vmem_shared>>
        %dma_start3A_92 = arith.constant 0 : i32
        %dma_start3A_93 = tpu.memref_slice %arg12[%add3A_50, %dma_start3A_92] : memref<10000x128xf32, #tpu.memory_space<vmem_shared>> -> memref<128x128xf32, #tpu.memory_space<vmem_shared>>
        tpu.enqueue_dma source(%dma_start3A_93 : memref<128x128xf32, #tpu.memory_space<vmem_shared>>) target(%arg9 : memref<128x128xf32, #tpu.memory_space<vmem>>) target_semaphore(%run_scoped3A : memref<!tpu.dma_semaphore, #tpu.memory_space<semaphore_mem>>)
        %dma_wait3A_94 = arith.constant 0 : i32
        %dma_wait3A_95 = tpu.memref_slice %arg12[%add3A_50, %dma_wait3A_94] : memref<10000x128xf32, #tpu.memory_space<vmem_shared>> -> memref<128x128xf32, #tpu.memory_space<vmem_shared>>
        %dma_wait3A_96 = arith.constant 0 : i32
        %dma_wait3A_97 = tpu.memref_slice %arg12[%add3A_50, %dma_wait3A_96] : memref<10000x128xf32, #tpu.memory_space<vmem_shared>> -> memref<128x128xf32, #tpu.memory_space<vmem_shared>>
        tpu.wait_dma2 semaphore(%run_scoped3A : memref<!tpu.dma_semaphore, #tpu.memory_space<semaphore_mem>>) src(%dma_wait3A_97 : memref<128x128xf32, #tpu.memory_space<vmem_shared>>) dst(%arg9 : memref<128x128xf32, #tpu.memory_space<vmem>>)
        tpu.yield
      }) : () -> ()
      %mul3A_51 = arith.constant 10000 : i32
      %mul3A_52 = arith.muli %arg0, %mul3A_51 : i32
      %mul3A_53 = arith.constant 624 : i32
      %mul3A_54 = arith.muli %arg1, %mul3A_53 : i32
      %add3A_55 = arith.addi %mul3A_52, %mul3A_54 : i32
      %add3A_56 = arith.constant 128 : i32
      %add3A_57 = arith.addi %add3A_55, %add3A_56 : i32
      "tpu.region"() ({
        %run_scoped3A = tpu.sem_alloc : memref<!tpu.dma_semaphore, #tpu.memory_space<semaphore_mem>>
        %dma_start3A = arith.constant 0 : i32
        %dma_start3A_91 = tpu.memref_slice %arg6[%add3A_57, %dma_start3A] : memref<20000x128xf32, #tpu.memory_space<hbm>> -> memref<128x128xf32, #tpu.memory_space<hbm>>
        %dma_start3A_92 = arith.constant 0 : i32
        %dma_start3A_93 = tpu.memref_slice %arg6[%add3A_57, %dma_start3A_92] : memref<20000x128xf32, #tpu.memory_space<hbm>> -> memref<128x128xf32, #tpu.memory_space<hbm>>
        tpu.enqueue_dma source(%arg9 : memref<128x128xf32, #tpu.memory_space<vmem>>) target(%dma_start3A_93 : memref<128x128xf32, #tpu.memory_space<hbm>>) target_semaphore(%run_scoped3A : memref<!tpu.dma_semaphore, #tpu.memory_space<semaphore_mem>>)
        %dma_wait3A_94 = arith.constant 0 : i32
        %dma_wait3A_95 = tpu.memref_slice %arg6[%add3A_57, %dma_wait3A_94] : memref<20000x128xf32, #tpu.memory_space<hbm>> -> memref<128x128xf32, #tpu.memory_space<hbm>>
        %dma_wait3A_96 = arith.constant 0 : i32
        %dma_wait3A_97 = tpu.memref_slice %arg6[%add3A_57, %dma_wait3A_96] : memref<20000x128xf32, #tpu.memory_space<hbm>> -> memref<128x128xf32, #tpu.memory_space<hbm>>
        tpu.wait_dma2 semaphore(%run_scoped3A : memref<!tpu.dma_semaphore, #tpu.memory_space<semaphore_mem>>) src(%arg9 : memref<128x128xf32, #tpu.memory_space<vmem>>) dst(%dma_wait3A_97 : memref<128x128xf32, #tpu.memory_space<hbm>>)
        tpu.yield
      }) : () -> ()
      %mul3A_58 = arith.constant 624 : i32
      %mul3A_59 = arith.muli %arg1, %mul3A_58 : i32
      %add3A_60 = arith.constant 256 : i32
      %add3A_61 = arith.addi %mul3A_59, %add3A_60 : i32
      "tpu.region"() ({
        %run_scoped3A = tpu.sem_alloc : memref<!tpu.dma_semaphore, #tpu.memory_space<semaphore_mem>>
        %dma_start3A = arith.constant 0 : i32
        %dma_start3A_91 = tpu.memref_slice %arg12[%add3A_61, %dma_start3A] : memref<10000x128xf32, #tpu.memory_space<vmem_shared>> -> memref<128x128xf32, #tpu.memory_space<vmem_shared>>
        %dma_start3A_92 = arith.constant 0 : i32
        %dma_start3A_93 = tpu.memref_slice %arg12[%add3A_61, %dma_start3A_92] : memref<10000x128xf32, #tpu.memory_space<vmem_shared>> -> memref<128x128xf32, #tpu.memory_space<vmem_shared>>
        tpu.enqueue_dma source(%dma_start3A_93 : memref<128x128xf32, #tpu.memory_space<vmem_shared>>) target(%arg9 : memref<128x128xf32, #tpu.memory_space<vmem>>) target_semaphore(%run_scoped3A : memref<!tpu.dma_semaphore, #tpu.memory_space<semaphore_mem>>)
        %dma_wait3A_94 = arith.constant 0 : i32
        %dma_wait3A_95 = tpu.memref_slice %arg12[%add3A_61, %dma_wait3A_94] : memref<10000x128xf32, #tpu.memory_space<vmem_shared>> -> memref<128x128xf32, #tpu.memory_space<vmem_shared>>
        %dma_wait3A_96 = arith.constant 0 : i32
        %dma_wait3A_97 = tpu.memref_slice %arg12[%add3A_61, %dma_wait3A_96] : memref<10000x128xf32, #tpu.memory_space<vmem_shared>> -> memref<128x128xf32, #tpu.memory_space<vmem_shared>>
        tpu.wait_dma2 semaphore(%run_scoped3A : memref<!tpu.dma_semaphore, #tpu.memory_space<semaphore_mem>>) src(%dma_wait3A_97 : memref<128x128xf32, #tpu.memory_space<vmem_shared>>) dst(%arg9 : memref<128x128xf32, #tpu.memory_space<vmem>>)
        tpu.yield
      }) : () -> ()
      %mul3A_62 = arith.constant 10000 : i32
      %mul3A_63 = arith.muli %arg0, %mul3A_62 : i32
      %mul3A_64 = arith.constant 624 : i32
      %mul3A_65 = arith.muli %arg1, %mul3A_64 : i32
      %add3A_66 = arith.addi %mul3A_63, %mul3A_65 : i32
      %add3A_67 = arith.constant 256 : i32
      %add3A_68 = arith.addi %add3A_66, %add3A_67 : i32
      "tpu.region"() ({
        %run_scoped3A = tpu.sem_alloc : memref<!tpu.dma_semaphore, #tpu.memory_space<semaphore_mem>>
        %dma_start3A = arith.constant 0 : i32
        %dma_start3A_91 = tpu.memref_slice %arg6[%add3A_68, %dma_start3A] : memref<20000x128xf32, #tpu.memory_space<hbm>> -> memref<128x128xf32, #tpu.memory_space<hbm>>
        %dma_start3A_92 = arith.constant 0 : i32
        %dma_start3A_93 = tpu.memref_slice %arg6[%add3A_68, %dma_start3A_92] : memref<20000x128xf32, #tpu.memory_space<hbm>> -> memref<128x128xf32, #tpu.memory_space<hbm>>
        tpu.enqueue_dma source(%arg9 : memref<128x128xf32, #tpu.memory_space<vmem>>) target(%dma_start3A_93 : memref<128x128xf32, #tpu.memory_space<hbm>>) target_semaphore(%run_scoped3A : memref<!tpu.dma_semaphore, #tpu.memory_space<semaphore_mem>>)
        %dma_wait3A_94 = arith.constant 0 : i32
        %dma_wait3A_95 = tpu.memref_slice %arg6[%add3A_68, %dma_wait3A_94] : memref<20000x128xf32, #tpu.memory_space<hbm>> -> memref<128x128xf32, #tpu.memory_space<hbm>>
        %dma_wait3A_96 = arith.constant 0 : i32
        %dma_wait3A_97 = tpu.memref_slice %arg6[%add3A_68, %dma_wait3A_96] : memref<20000x128xf32, #tpu.memory_space<hbm>> -> memref<128x128xf32, #tpu.memory_space<hbm>>
        tpu.wait_dma2 semaphore(%run_scoped3A : memref<!tpu.dma_semaphore, #tpu.memory_space<semaphore_mem>>) src(%arg9 : memref<128x128xf32, #tpu.memory_space<vmem>>) dst(%dma_wait3A_97 : memref<128x128xf32, #tpu.memory_space<hbm>>)
        tpu.yield
      }) : () -> ()
      %mul3A_69 = arith.constant 624 : i32
      %mul3A_70 = arith.muli %arg1, %mul3A_69 : i32
      %add3A_71 = arith.constant 384 : i32
      %add3A_72 = arith.addi %mul3A_70, %add3A_71 : i32
      "tpu.region"() ({
        %run_scoped3A = tpu.sem_alloc : memref<!tpu.dma_semaphore, #tpu.memory_space<semaphore_mem>>
        %dma_start3A = arith.constant 0 : i32
        %dma_start3A_91 = tpu.memref_slice %arg12[%add3A_72, %dma_start3A] : memref<10000x128xf32, #tpu.memory_space<vmem_shared>> -> memref<128x128xf32, #tpu.memory_space<vmem_shared>>
        %dma_start3A_92 = arith.constant 0 : i32
        %dma_start3A_93 = tpu.memref_slice %arg12[%add3A_72, %dma_start3A_92] : memref<10000x128xf32, #tpu.memory_space<vmem_shared>> -> memref<128x128xf32, #tpu.memory_space<vmem_shared>>
        tpu.enqueue_dma source(%dma_start3A_93 : memref<128x128xf32, #tpu.memory_space<vmem_shared>>) target(%arg9 : memref<128x128xf32, #tpu.memory_space<vmem>>) target_semaphore(%run_scoped3A : memref<!tpu.dma_semaphore, #tpu.memory_space<semaphore_mem>>)
        %dma_wait3A_94 = arith.constant 0 : i32
        %dma_wait3A_95 = tpu.memref_slice %arg12[%add3A_72, %dma_wait3A_94] : memref<10000x128xf32, #tpu.memory_space<vmem_shared>> -> memref<128x128xf32, #tpu.memory_space<vmem_shared>>
        %dma_wait3A_96 = arith.constant 0 : i32
        %dma_wait3A_97 = tpu.memref_slice %arg12[%add3A_72, %dma_wait3A_96] : memref<10000x128xf32, #tpu.memory_space<vmem_shared>> -> memref<128x128xf32, #tpu.memory_space<vmem_shared>>
        tpu.wait_dma2 semaphore(%run_scoped3A : memref<!tpu.dma_semaphore, #tpu.memory_space<semaphore_mem>>) src(%dma_wait3A_97 : memref<128x128xf32, #tpu.memory_space<vmem_shared>>) dst(%arg9 : memref<128x128xf32, #tpu.memory_space<vmem>>)
        tpu.yield
      }) : () -> ()
      %mul3A_73 = arith.constant 10000 : i32
      %mul3A_74 = arith.muli %arg0, %mul3A_73 : i32
      %mul3A_75 = arith.constant 624 : i32
      %mul3A_76 = arith.muli %arg1, %mul3A_75 : i32
      %add3A_77 = arith.addi %mul3A_74, %mul3A_76 : i32
      %add3A_78 = arith.constant 384 : i32
      %add3A_79 = arith.addi %add3A_77, %add3A_78 : i32
      "tpu.region"() ({
        %run_scoped3A = tpu.sem_alloc : memref<!tpu.dma_semaphore, #tpu.memory_space<semaphore_mem>>
        %dma_start3A = arith.constant 0 : i32
        %dma_start3A_91 = tpu.memref_slice %arg6[%add3A_79, %dma_start3A] : memref<20000x128xf32, #tpu.memory_space<hbm>> -> memref<128x128xf32, #tpu.memory_space<hbm>>
        %dma_start3A_92 = arith.constant 0 : i32
        %dma_start3A_93 = tpu.memref_slice %arg6[%add3A_79, %dma_start3A_92] : memref<20000x128xf32, #tpu.memory_space<hbm>> -> memref<128x128xf32, #tpu.memory_space<hbm>>
        tpu.enqueue_dma source(%arg9 : memref<128x128xf32, #tpu.memory_space<vmem>>) target(%dma_start3A_93 : memref<128x128xf32, #tpu.memory_space<hbm>>) target_semaphore(%run_scoped3A : memref<!tpu.dma_semaphore, #tpu.memory_space<semaphore_mem>>)
        %dma_wait3A_94 = arith.constant 0 : i32
        %dma_wait3A_95 = tpu.memref_slice %arg6[%add3A_79, %dma_wait3A_94] : memref<20000x128xf32, #tpu.memory_space<hbm>> -> memref<128x128xf32, #tpu.memory_space<hbm>>
        %dma_wait3A_96 = arith.constant 0 : i32
        %dma_wait3A_97 = tpu.memref_slice %arg6[%add3A_79, %dma_wait3A_96] : memref<20000x128xf32, #tpu.memory_space<hbm>> -> memref<128x128xf32, #tpu.memory_space<hbm>>
        tpu.wait_dma2 semaphore(%run_scoped3A : memref<!tpu.dma_semaphore, #tpu.memory_space<semaphore_mem>>) src(%arg9 : memref<128x128xf32, #tpu.memory_space<vmem>>) dst(%dma_wait3A_97 : memref<128x128xf32, #tpu.memory_space<hbm>>)
        tpu.yield
      }) : () -> ()
      %mul3A_80 = arith.constant 624 : i32
      %mul3A_81 = arith.muli %arg1, %mul3A_80 : i32
      %add3A_82 = arith.constant 512 : i32
      %add3A_83 = arith.addi %mul3A_81, %add3A_82 : i32
      "tpu.region"() ({
        %run_scoped3A = tpu.sem_alloc : memref<!tpu.dma_semaphore, #tpu.memory_space<semaphore_mem>>
        %dma_start3A = arith.constant 0 : i32
        %dma_start3A_91 = arith.constant 0 : i32
        %dma_start3A_92 = tpu.memref_slice %arg9[%dma_start3A, %dma_start3A_91] : memref<128x128xf32, #tpu.memory_space<vmem>> -> memref<112x128xf32, #tpu.memory_space<vmem>>
        %dma_start3A_93 = arith.constant 0 : i32
        %dma_start3A_94 = tpu.memref_slice %arg12[%add3A_83, %dma_start3A_93] : memref<10000x128xf32, #tpu.memory_space<vmem_shared>> -> memref<112x128xf32, #tpu.memory_space<vmem_shared>>
        %dma_start3A_95 = arith.constant 0 : i32
        %dma_start3A_96 = arith.constant 0 : i32
        %dma_start3A_97 = tpu.memref_slice %arg9[%dma_start3A_95, %dma_start3A_96] : memref<128x128xf32, #tpu.memory_space<vmem>> -> memref<112x128xf32, #tpu.memory_space<vmem>>
        %dma_start3A_98 = arith.constant 0 : i32
        %dma_start3A_99 = tpu.memref_slice %arg12[%add3A_83, %dma_start3A_98] : memref<10000x128xf32, #tpu.memory_space<vmem_shared>> -> memref<112x128xf32, #tpu.memory_space<vmem_shared>>
        tpu.enqueue_dma source(%dma_start3A_99 : memref<112x128xf32, #tpu.memory_space<vmem_shared>>) target(%dma_start3A_97 : memref<112x128xf32, #tpu.memory_space<vmem>>) target_semaphore(%run_scoped3A : memref<!tpu.dma_semaphore, #tpu.memory_space<semaphore_mem>>)
        %dma_wait3A_100 = arith.constant 0 : i32
        %dma_wait3A_101 = arith.constant 0 : i32
        %dma_wait3A_102 = tpu.memref_slice %arg9[%dma_wait3A_100, %dma_wait3A_101] : memref<128x128xf32, #tpu.memory_space<vmem>> -> memref<112x128xf32, #tpu.memory_space<vmem>>
        %dma_wait3A_103 = arith.constant 0 : i32
        %dma_wait3A_104 = tpu.memref_slice %arg12[%add3A_83, %dma_wait3A_103] : memref<10000x128xf32, #tpu.memory_space<vmem_shared>> -> memref<112x128xf32, #tpu.memory_space<vmem_shared>>
        %dma_wait3A_105 = arith.constant 0 : i32
        %dma_wait3A_106 = arith.constant 0 : i32
        %dma_wait3A_107 = tpu.memref_slice %arg9[%dma_wait3A_105, %dma_wait3A_106] : memref<128x128xf32, #tpu.memory_space<vmem>> -> memref<112x128xf32, #tpu.memory_space<vmem>>
        %dma_wait3A_108 = arith.constant 0 : i32
        %dma_wait3A_109 = tpu.memref_slice %arg12[%add3A_83, %dma_wait3A_108] : memref<10000x128xf32, #tpu.memory_space<vmem_shared>> -> memref<112x128xf32, #tpu.memory_space<vmem_shared>>
        tpu.wait_dma2 semaphore(%run_scoped3A : memref<!tpu.dma_semaphore, #tpu.memory_space<semaphore_mem>>) src(%dma_wait3A_109 : memref<112x128xf32, #tpu.memory_space<vmem_shared>>) dst(%dma_wait3A_107 : memref<112x128xf32, #tpu.memory_space<vmem>>)
        tpu.yield
      }) : () -> ()
      %mul3A_84 = arith.constant 10000 : i32
      %mul3A_85 = arith.muli %arg0, %mul3A_84 : i32
      %mul3A_86 = arith.constant 624 : i32
      %mul3A_87 = arith.muli %arg1, %mul3A_86 : i32
      %add3A_88 = arith.addi %mul3A_85, %mul3A_87 : i32
      %add3A_89 = arith.constant 512 : i32
      %add3A_90 = arith.addi %add3A_88, %add3A_89 : i32
      "tpu.region"() ({
        %run_scoped3A = tpu.sem_alloc : memref<!tpu.dma_semaphore, #tpu.memory_space<semaphore_mem>>
        %dma_start3A = arith.constant 0 : i32
        %dma_start3A_91 = arith.constant 0 : i32
        %dma_start3A_92 = tpu.memref_slice %arg9[%dma_start3A, %dma_start3A_91] : memref<128x128xf32, #tpu.memory_space<vmem>> -> memref<112x128xf32, #tpu.memory_space<vmem>>
        %dma_start3A_93 = arith.constant 0 : i32
        %dma_start3A_94 = tpu.memref_slice %arg6[%add3A_90, %dma_start3A_93] : memref<20000x128xf32, #tpu.memory_space<hbm>> -> memref<112x128xf32, #tpu.memory_space<hbm>>
        %dma_start3A_95 = arith.constant 0 : i32
        %dma_start3A_96 = tpu.memref_slice %arg6[%add3A_90, %dma_start3A_95] : memref<20000x128xf32, #tpu.memory_space<hbm>> -> memref<112x128xf32, #tpu.memory_space<hbm>>
        %dma_start3A_97 = arith.constant 0 : i32
        %dma_start3A_98 = arith.constant 0 : i32
        %dma_start3A_99 = tpu.memref_slice %arg9[%dma_start3A_97, %dma_start3A_98] : memref<128x128xf32, #tpu.memory_space<vmem>> -> memref<112x128xf32, #tpu.memory_space<vmem>>
        tpu.enqueue_dma source(%dma_start3A_99 : memref<112x128xf32, #tpu.memory_space<vmem>>) target(%dma_start3A_96 : memref<112x128xf32, #tpu.memory_space<hbm>>) target_semaphore(%run_scoped3A : memref<!tpu.dma_semaphore, #tpu.memory_space<semaphore_mem>>)
        %dma_wait3A_100 = arith.constant 0 : i32
        %dma_wait3A_101 = arith.constant 0 : i32
        %dma_wait3A_102 = tpu.memref_slice %arg9[%dma_wait3A_100, %dma_wait3A_101] : memref<128x128xf32, #tpu.memory_space<vmem>> -> memref<112x128xf32, #tpu.memory_space<vmem>>
        %dma_wait3A_103 = arith.constant 0 : i32
        %dma_wait3A_104 = tpu.memref_slice %arg6[%add3A_90, %dma_wait3A_103] : memref<20000x128xf32, #tpu.memory_space<hbm>> -> memref<112x128xf32, #tpu.memory_space<hbm>>
        %dma_wait3A_105 = arith.constant 0 : i32
        %dma_wait3A_106 = tpu.memref_slice %arg6[%add3A_90, %dma_wait3A_105] : memref<20000x128xf32, #tpu.memory_space<hbm>> -> memref<112x128xf32, #tpu.memory_space<hbm>>
        %dma_wait3A_107 = arith.constant 0 : i32
        %dma_wait3A_108 = arith.constant 0 : i32
        %dma_wait3A_109 = tpu.memref_slice %arg9[%dma_wait3A_107, %dma_wait3A_108] : memref<128x128xf32, #tpu.memory_space<vmem>> -> memref<112x128xf32, #tpu.memory_space<vmem>>
        tpu.wait_dma2 semaphore(%run_scoped3A : memref<!tpu.dma_semaphore, #tpu.memory_space<semaphore_mem>>) src(%dma_wait3A_109 : memref<112x128xf32, #tpu.memory_space<vmem>>) dst(%dma_wait3A_106 : memref<112x128xf32, #tpu.memory_space<hbm>>)
        tpu.yield
      }) : () -> ()
    } else {
    }
    %eq3A_31 = arith.constant 15 : i32
    %eq3A_32 = arith.cmpi eq, %arg1, %eq3A_31 : i32
    %convert_element_type3A_33 = arith.extui %eq3A_32 : i1 to i32
    %cond3A_34 = arith.constant 0 : i32
    %cond3A_35 = arith.cmpi ne, %convert_element_type3A_33, %cond3A_34 : i32
    scf.if %cond3A_35 {
      "tpu.region"() ({
        %run_scoped3A = tpu.sem_alloc : memref<!tpu.dma_semaphore, #tpu.memory_space<semaphore_mem>>
        %dma_start3A = arith.constant 9360 : i32
        %dma_start3A_66 = arith.constant 0 : i32
        %dma_start3A_67 = tpu.memref_slice %arg12[%dma_start3A, %dma_start3A_66] : memref<10000x128xf32, #tpu.memory_space<vmem_shared>> -> memref<128x128xf32, #tpu.memory_space<vmem_shared>>
        %dma_start3A_68 = arith.constant 9360 : i32
        %dma_start3A_69 = arith.constant 0 : i32
        %dma_start3A_70 = tpu.memref_slice %arg12[%dma_start3A_68, %dma_start3A_69] : memref<10000x128xf32, #tpu.memory_space<vmem_shared>> -> memref<128x128xf32, #tpu.memory_space<vmem_shared>>
        tpu.enqueue_dma source(%dma_start3A_70 : memref<128x128xf32, #tpu.memory_space<vmem_shared>>) target(%arg9 : memref<128x128xf32, #tpu.memory_space<vmem>>) target_semaphore(%run_scoped3A : memref<!tpu.dma_semaphore, #tpu.memory_space<semaphore_mem>>)
        %dma_wait3A_71 = arith.constant 9360 : i32
        %dma_wait3A_72 = arith.constant 0 : i32
        %dma_wait3A_73 = tpu.memref_slice %arg12[%dma_wait3A_71, %dma_wait3A_72] : memref<10000x128xf32, #tpu.memory_space<vmem_shared>> -> memref<128x128xf32, #tpu.memory_space<vmem_shared>>
        %dma_wait3A_74 = arith.constant 9360 : i32
        %dma_wait3A_75 = arith.constant 0 : i32
        %dma_wait3A_76 = tpu.memref_slice %arg12[%dma_wait3A_74, %dma_wait3A_75] : memref<10000x128xf32, #tpu.memory_space<vmem_shared>> -> memref<128x128xf32, #tpu.memory_space<vmem_shared>>
        tpu.wait_dma2 semaphore(%run_scoped3A : memref<!tpu.dma_semaphore, #tpu.memory_space<semaphore_mem>>) src(%dma_wait3A_76 : memref<128x128xf32, #tpu.memory_space<vmem_shared>>) dst(%arg9 : memref<128x128xf32, #tpu.memory_space<vmem>>)
        tpu.yield
      }) : () -> ()
      %mul3A_36 = arith.constant 10000 : i32
      %mul3A_37 = arith.muli %arg0, %mul3A_36 : i32
      %add3A_38 = arith.constant 9360 : i32
      %add3A_39 = arith.addi %mul3A_37, %add3A_38 : i32
      %add3A_40 = arith.constant 0 : i32
      %add3A_41 = arith.addi %add3A_39, %add3A_40 : i32
      "tpu.region"() ({
        %run_scoped3A = tpu.sem_alloc : memref<!tpu.dma_semaphore, #tpu.memory_space<semaphore_mem>>
        %dma_start3A = arith.constant 0 : i32
        %dma_start3A_66 = tpu.memref_slice %arg6[%add3A_41, %dma_start3A] : memref<20000x128xf32, #tpu.memory_space<hbm>> -> memref<128x128xf32, #tpu.memory_space<hbm>>
        %dma_start3A_67 = arith.constant 0 : i32
        %dma_start3A_68 = tpu.memref_slice %arg6[%add3A_41, %dma_start3A_67] : memref<20000x128xf32, #tpu.memory_space<hbm>> -> memref<128x128xf32, #tpu.memory_space<hbm>>
        tpu.enqueue_dma source(%arg9 : memref<128x128xf32, #tpu.memory_space<vmem>>) target(%dma_start3A_68 : memref<128x128xf32, #tpu.memory_space<hbm>>) target_semaphore(%run_scoped3A : memref<!tpu.dma_semaphore, #tpu.memory_space<semaphore_mem>>)
        %dma_wait3A_69 = arith.constant 0 : i32
        %dma_wait3A_70 = tpu.memref_slice %arg6[%add3A_41, %dma_wait3A_69] : memref<20000x128xf32, #tpu.memory_space<hbm>> -> memref<128x128xf32, #tpu.memory_space<hbm>>
        %dma_wait3A_71 = arith.constant 0 : i32
        %dma_wait3A_72 = tpu.memref_slice %arg6[%add3A_41, %dma_wait3A_71] : memref<20000x128xf32, #tpu.memory_space<hbm>> -> memref<128x128xf32, #tpu.memory_space<hbm>>
        tpu.wait_dma2 semaphore(%run_scoped3A : memref<!tpu.dma_semaphore, #tpu.memory_space<semaphore_mem>>) src(%arg9 : memref<128x128xf32, #tpu.memory_space<vmem>>) dst(%dma_wait3A_72 : memref<128x128xf32, #tpu.memory_space<hbm>>)
        tpu.yield
      }) : () -> ()
      "tpu.region"() ({
        %run_scoped3A = tpu.sem_alloc : memref<!tpu.dma_semaphore, #tpu.memory_space<semaphore_mem>>
        %dma_start3A = arith.constant 9488 : i32
        %dma_start3A_66 = arith.constant 0 : i32
        %dma_start3A_67 = tpu.memref_slice %arg12[%dma_start3A, %dma_start3A_66] : memref<10000x128xf32, #tpu.memory_space<vmem_shared>> -> memref<128x128xf32, #tpu.memory_space<vmem_shared>>
        %dma_start3A_68 = arith.constant 9488 : i32
        %dma_start3A_69 = arith.constant 0 : i32
        %dma_start3A_70 = tpu.memref_slice %arg12[%dma_start3A_68, %dma_start3A_69] : memref<10000x128xf32, #tpu.memory_space<vmem_shared>> -> memref<128x128xf32, #tpu.memory_space<vmem_shared>>
        tpu.enqueue_dma source(%dma_start3A_70 : memref<128x128xf32, #tpu.memory_space<vmem_shared>>) target(%arg9 : memref<128x128xf32, #tpu.memory_space<vmem>>) target_semaphore(%run_scoped3A : memref<!tpu.dma_semaphore, #tpu.memory_space<semaphore_mem>>)
        %dma_wait3A_71 = arith.constant 9488 : i32
        %dma_wait3A_72 = arith.constant 0 : i32
        %dma_wait3A_73 = tpu.memref_slice %arg12[%dma_wait3A_71, %dma_wait3A_72] : memref<10000x128xf32, #tpu.memory_space<vmem_shared>> -> memref<128x128xf32, #tpu.memory_space<vmem_shared>>
        %dma_wait3A_74 = arith.constant 9488 : i32
        %dma_wait3A_75 = arith.constant 0 : i32
        %dma_wait3A_76 = tpu.memref_slice %arg12[%dma_wait3A_74, %dma_wait3A_75] : memref<10000x128xf32, #tpu.memory_space<vmem_shared>> -> memref<128x128xf32, #tpu.memory_space<vmem_shared>>
        tpu.wait_dma2 semaphore(%run_scoped3A : memref<!tpu.dma_semaphore, #tpu.memory_space<semaphore_mem>>) src(%dma_wait3A_76 : memref<128x128xf32, #tpu.memory_space<vmem_shared>>) dst(%arg9 : memref<128x128xf32, #tpu.memory_space<vmem>>)
        tpu.yield
      }) : () -> ()
      %mul3A_42 = arith.constant 10000 : i32
      %mul3A_43 = arith.muli %arg0, %mul3A_42 : i32
      %add3A_44 = arith.constant 9360 : i32
      %add3A_45 = arith.addi %mul3A_43, %add3A_44 : i32
      %add3A_46 = arith.constant 128 : i32
      %add3A_47 = arith.addi %add3A_45, %add3A_46 : i32
      "tpu.region"() ({
        %run_scoped3A = tpu.sem_alloc : memref<!tpu.dma_semaphore, #tpu.memory_space<semaphore_mem>>
        %dma_start3A = arith.constant 0 : i32
        %dma_start3A_66 = tpu.memref_slice %arg6[%add3A_47, %dma_start3A] : memref<20000x128xf32, #tpu.memory_space<hbm>> -> memref<128x128xf32, #tpu.memory_space<hbm>>
        %dma_start3A_67 = arith.constant 0 : i32
        %dma_start3A_68 = tpu.memref_slice %arg6[%add3A_47, %dma_start3A_67] : memref<20000x128xf32, #tpu.memory_space<hbm>> -> memref<128x128xf32, #tpu.memory_space<hbm>>
        tpu.enqueue_dma source(%arg9 : memref<128x128xf32, #tpu.memory_space<vmem>>) target(%dma_start3A_68 : memref<128x128xf32, #tpu.memory_space<hbm>>) target_semaphore(%run_scoped3A : memref<!tpu.dma_semaphore, #tpu.memory_space<semaphore_mem>>)
        %dma_wait3A_69 = arith.constant 0 : i32
        %dma_wait3A_70 = tpu.memref_slice %arg6[%add3A_47, %dma_wait3A_69] : memref<20000x128xf32, #tpu.memory_space<hbm>> -> memref<128x128xf32, #tpu.memory_space<hbm>>
        %dma_wait3A_71 = arith.constant 0 : i32
        %dma_wait3A_72 = tpu.memref_slice %arg6[%add3A_47, %dma_wait3A_71] : memref<20000x128xf32, #tpu.memory_space<hbm>> -> memref<128x128xf32, #tpu.memory_space<hbm>>
        tpu.wait_dma2 semaphore(%run_scoped3A : memref<!tpu.dma_semaphore, #tpu.memory_space<semaphore_mem>>) src(%arg9 : memref<128x128xf32, #tpu.memory_space<vmem>>) dst(%dma_wait3A_72 : memref<128x128xf32, #tpu.memory_space<hbm>>)
        tpu.yield
      }) : () -> ()
      "tpu.region"() ({
        %run_scoped3A = tpu.sem_alloc : memref<!tpu.dma_semaphore, #tpu.memory_space<semaphore_mem>>
        %dma_start3A = arith.constant 9616 : i32
        %dma_start3A_66 = arith.constant 0 : i32
        %dma_start3A_67 = tpu.memref_slice %arg12[%dma_start3A, %dma_start3A_66] : memref<10000x128xf32, #tpu.memory_space<vmem_shared>> -> memref<128x128xf32, #tpu.memory_space<vmem_shared>>
        %dma_start3A_68 = arith.constant 9616 : i32
        %dma_start3A_69 = arith.constant 0 : i32
        %dma_start3A_70 = tpu.memref_slice %arg12[%dma_start3A_68, %dma_start3A_69] : memref<10000x128xf32, #tpu.memory_space<vmem_shared>> -> memref<128x128xf32, #tpu.memory_space<vmem_shared>>
        tpu.enqueue_dma source(%dma_start3A_70 : memref<128x128xf32, #tpu.memory_space<vmem_shared>>) target(%arg9 : memref<128x128xf32, #tpu.memory_space<vmem>>) target_semaphore(%run_scoped3A : memref<!tpu.dma_semaphore, #tpu.memory_space<semaphore_mem>>)
        %dma_wait3A_71 = arith.constant 9616 : i32
        %dma_wait3A_72 = arith.constant 0 : i32
        %dma_wait3A_73 = tpu.memref_slice %arg12[%dma_wait3A_71, %dma_wait3A_72] : memref<10000x128xf32, #tpu.memory_space<vmem_shared>> -> memref<128x128xf32, #tpu.memory_space<vmem_shared>>
        %dma_wait3A_74 = arith.constant 9616 : i32
        %dma_wait3A_75 = arith.constant 0 : i32
        %dma_wait3A_76 = tpu.memref_slice %arg12[%dma_wait3A_74, %dma_wait3A_75] : memref<10000x128xf32, #tpu.memory_space<vmem_shared>> -> memref<128x128xf32, #tpu.memory_space<vmem_shared>>
        tpu.wait_dma2 semaphore(%run_scoped3A : memref<!tpu.dma_semaphore, #tpu.memory_space<semaphore_mem>>) src(%dma_wait3A_76 : memref<128x128xf32, #tpu.memory_space<vmem_shared>>) dst(%arg9 : memref<128x128xf32, #tpu.memory_space<vmem>>)
        tpu.yield
      }) : () -> ()
      %mul3A_48 = arith.constant 10000 : i32
      %mul3A_49 = arith.muli %arg0, %mul3A_48 : i32
      %add3A_50 = arith.constant 9360 : i32
      %add3A_51 = arith.addi %mul3A_49, %add3A_50 : i32
      %add3A_52 = arith.constant 256 : i32
      %add3A_53 = arith.addi %add3A_51, %add3A_52 : i32
      "tpu.region"() ({
        %run_scoped3A = tpu.sem_alloc : memref<!tpu.dma_semaphore, #tpu.memory_space<semaphore_mem>>
        %dma_start3A = arith.constant 0 : i32
        %dma_start3A_66 = tpu.memref_slice %arg6[%add3A_53, %dma_start3A] : memref<20000x128xf32, #tpu.memory_space<hbm>> -> memref<128x128xf32, #tpu.memory_space<hbm>>
        %dma_start3A_67 = arith.constant 0 : i32
        %dma_start3A_68 = tpu.memref_slice %arg6[%add3A_53, %dma_start3A_67] : memref<20000x128xf32, #tpu.memory_space<hbm>> -> memref<128x128xf32, #tpu.memory_space<hbm>>
        tpu.enqueue_dma source(%arg9 : memref<128x128xf32, #tpu.memory_space<vmem>>) target(%dma_start3A_68 : memref<128x128xf32, #tpu.memory_space<hbm>>) target_semaphore(%run_scoped3A : memref<!tpu.dma_semaphore, #tpu.memory_space<semaphore_mem>>)
        %dma_wait3A_69 = arith.constant 0 : i32
        %dma_wait3A_70 = tpu.memref_slice %arg6[%add3A_53, %dma_wait3A_69] : memref<20000x128xf32, #tpu.memory_space<hbm>> -> memref<128x128xf32, #tpu.memory_space<hbm>>
        %dma_wait3A_71 = arith.constant 0 : i32
        %dma_wait3A_72 = tpu.memref_slice %arg6[%add3A_53, %dma_wait3A_71] : memref<20000x128xf32, #tpu.memory_space<hbm>> -> memref<128x128xf32, #tpu.memory_space<hbm>>
        tpu.wait_dma2 semaphore(%run_scoped3A : memref<!tpu.dma_semaphore, #tpu.memory_space<semaphore_mem>>) src(%arg9 : memref<128x128xf32, #tpu.memory_space<vmem>>) dst(%dma_wait3A_72 : memref<128x128xf32, #tpu.memory_space<hbm>>)
        tpu.yield
      }) : () -> ()
      "tpu.region"() ({
        %run_scoped3A = tpu.sem_alloc : memref<!tpu.dma_semaphore, #tpu.memory_space<semaphore_mem>>
        %dma_start3A = arith.constant 9744 : i32
        %dma_start3A_66 = arith.constant 0 : i32
        %dma_start3A_67 = tpu.memref_slice %arg12[%dma_start3A, %dma_start3A_66] : memref<10000x128xf32, #tpu.memory_space<vmem_shared>> -> memref<128x128xf32, #tpu.memory_space<vmem_shared>>
        %dma_start3A_68 = arith.constant 9744 : i32
        %dma_start3A_69 = arith.constant 0 : i32
        %dma_start3A_70 = tpu.memref_slice %arg12[%dma_start3A_68, %dma_start3A_69] : memref<10000x128xf32, #tpu.memory_space<vmem_shared>> -> memref<128x128xf32, #tpu.memory_space<vmem_shared>>
        tpu.enqueue_dma source(%dma_start3A_70 : memref<128x128xf32, #tpu.memory_space<vmem_shared>>) target(%arg9 : memref<128x128xf32, #tpu.memory_space<vmem>>) target_semaphore(%run_scoped3A : memref<!tpu.dma_semaphore, #tpu.memory_space<semaphore_mem>>)
        %dma_wait3A_71 = arith.constant 9744 : i32
        %dma_wait3A_72 = arith.constant 0 : i32
        %dma_wait3A_73 = tpu.memref_slice %arg12[%dma_wait3A_71, %dma_wait3A_72] : memref<10000x128xf32, #tpu.memory_space<vmem_shared>> -> memref<128x128xf32, #tpu.memory_space<vmem_shared>>
        %dma_wait3A_74 = arith.constant 9744 : i32
        %dma_wait3A_75 = arith.constant 0 : i32
        %dma_wait3A_76 = tpu.memref_slice %arg12[%dma_wait3A_74, %dma_wait3A_75] : memref<10000x128xf32, #tpu.memory_space<vmem_shared>> -> memref<128x128xf32, #tpu.memory_space<vmem_shared>>
        tpu.wait_dma2 semaphore(%run_scoped3A : memref<!tpu.dma_semaphore, #tpu.memory_space<semaphore_mem>>) src(%dma_wait3A_76 : memref<128x128xf32, #tpu.memory_space<vmem_shared>>) dst(%arg9 : memref<128x128xf32, #tpu.memory_space<vmem>>)
        tpu.yield
      }) : () -> ()
      %mul3A_54 = arith.constant 10000 : i32
      %mul3A_55 = arith.muli %arg0, %mul3A_54 : i32
      %add3A_56 = arith.constant 9360 : i32
      %add3A_57 = arith.addi %mul3A_55, %add3A_56 : i32
      %add3A_58 = arith.constant 384 : i32
      %add3A_59 = arith.addi %add3A_57, %add3A_58 : i32
      "tpu.region"() ({
        %run_scoped3A = tpu.sem_alloc : memref<!tpu.dma_semaphore, #tpu.memory_space<semaphore_mem>>
        %dma_start3A = arith.constant 0 : i32
        %dma_start3A_66 = tpu.memref_slice %arg6[%add3A_59, %dma_start3A] : memref<20000x128xf32, #tpu.memory_space<hbm>> -> memref<128x128xf32, #tpu.memory_space<hbm>>
        %dma_start3A_67 = arith.constant 0 : i32
        %dma_start3A_68 = tpu.memref_slice %arg6[%add3A_59, %dma_start3A_67] : memref<20000x128xf32, #tpu.memory_space<hbm>> -> memref<128x128xf32, #tpu.memory_space<hbm>>
        tpu.enqueue_dma source(%arg9 : memref<128x128xf32, #tpu.memory_space<vmem>>) target(%dma_start3A_68 : memref<128x128xf32, #tpu.memory_space<hbm>>) target_semaphore(%run_scoped3A : memref<!tpu.dma_semaphore, #tpu.memory_space<semaphore_mem>>)
        %dma_wait3A_69 = arith.constant 0 : i32
        %dma_wait3A_70 = tpu.memref_slice %arg6[%add3A_59, %dma_wait3A_69] : memref<20000x128xf32, #tpu.memory_space<hbm>> -> memref<128x128xf32, #tpu.memory_space<hbm>>
        %dma_wait3A_71 = arith.constant 0 : i32
        %dma_wait3A_72 = tpu.memref_slice %arg6[%add3A_59, %dma_wait3A_71] : memref<20000x128xf32, #tpu.memory_space<hbm>> -> memref<128x128xf32, #tpu.memory_space<hbm>>
        tpu.wait_dma2 semaphore(%run_scoped3A : memref<!tpu.dma_semaphore, #tpu.memory_space<semaphore_mem>>) src(%arg9 : memref<128x128xf32, #tpu.memory_space<vmem>>) dst(%dma_wait3A_72 : memref<128x128xf32, #tpu.memory_space<hbm>>)
        tpu.yield
      }) : () -> ()
      "tpu.region"() ({
        %run_scoped3A = tpu.sem_alloc : memref<!tpu.dma_semaphore, #tpu.memory_space<semaphore_mem>>
        %dma_start3A = arith.constant 9872 : i32
        %dma_start3A_66 = arith.constant 0 : i32
        %dma_start3A_67 = tpu.memref_slice %arg12[%dma_start3A, %dma_start3A_66] : memref<10000x128xf32, #tpu.memory_space<vmem_shared>> -> memref<128x128xf32, #tpu.memory_space<vmem_shared>>
        %dma_start3A_68 = arith.constant 9872 : i32
        %dma_start3A_69 = arith.constant 0 : i32
        %dma_start3A_70 = tpu.memref_slice %arg12[%dma_start3A_68, %dma_start3A_69] : memref<10000x128xf32, #tpu.memory_space<vmem_shared>> -> memref<128x128xf32, #tpu.memory_space<vmem_shared>>
        tpu.enqueue_dma source(%dma_start3A_70 : memref<128x128xf32, #tpu.memory_space<vmem_shared>>) target(%arg9 : memref<128x128xf32, #tpu.memory_space<vmem>>) target_semaphore(%run_scoped3A : memref<!tpu.dma_semaphore, #tpu.memory_space<semaphore_mem>>)
        %dma_wait3A_71 = arith.constant 9872 : i32
        %dma_wait3A_72 = arith.constant 0 : i32
        %dma_wait3A_73 = tpu.memref_slice %arg12[%dma_wait3A_71, %dma_wait3A_72] : memref<10000x128xf32, #tpu.memory_space<vmem_shared>> -> memref<128x128xf32, #tpu.memory_space<vmem_shared>>
        %dma_wait3A_74 = arith.constant 9872 : i32
        %dma_wait3A_75 = arith.constant 0 : i32
        %dma_wait3A_76 = tpu.memref_slice %arg12[%dma_wait3A_74, %dma_wait3A_75] : memref<10000x128xf32, #tpu.memory_space<vmem_shared>> -> memref<128x128xf32, #tpu.memory_space<vmem_shared>>
        tpu.wait_dma2 semaphore(%run_scoped3A : memref<!tpu.dma_semaphore, #tpu.memory_space<semaphore_mem>>) src(%dma_wait3A_76 : memref<128x128xf32, #tpu.memory_space<vmem_shared>>) dst(%arg9 : memref<128x128xf32, #tpu.memory_space<vmem>>)
        tpu.yield
      }) : () -> ()
      %mul3A_60 = arith.constant 10000 : i32
      %mul3A_61 = arith.muli %arg0, %mul3A_60 : i32
      %add3A_62 = arith.constant 9360 : i32
      %add3A_63 = arith.addi %mul3A_61, %add3A_62 : i32
      %add3A_64 = arith.constant 512 : i32
      %add3A_65 = arith.addi %add3A_63, %add3A_64 : i32
      "tpu.region"() ({
        %run_scoped3A = tpu.sem_alloc : memref<!tpu.dma_semaphore, #tpu.memory_space<semaphore_mem>>
        %dma_start3A = arith.constant 0 : i32
        %dma_start3A_66 = tpu.memref_slice %arg6[%add3A_65, %dma_start3A] : memref<20000x128xf32, #tpu.memory_space<hbm>> -> memref<128x128xf32, #tpu.memory_space<hbm>>
        %dma_start3A_67 = arith.constant 0 : i32
        %dma_start3A_68 = tpu.memref_slice %arg6[%add3A_65, %dma_start3A_67] : memref<20000x128xf32, #tpu.memory_space<hbm>> -> memref<128x128xf32, #tpu.memory_space<hbm>>
        tpu.enqueue_dma source(%arg9 : memref<128x128xf32, #tpu.memory_space<vmem>>) target(%dma_start3A_68 : memref<128x128xf32, #tpu.memory_space<hbm>>) target_semaphore(%run_scoped3A : memref<!tpu.dma_semaphore, #tpu.memory_space<semaphore_mem>>)
        %dma_wait3A_69 = arith.constant 0 : i32
        %dma_wait3A_70 = tpu.memref_slice %arg6[%add3A_65, %dma_wait3A_69] : memref<20000x128xf32, #tpu.memory_space<hbm>> -> memref<128x128xf32, #tpu.memory_space<hbm>>
        %dma_wait3A_71 = arith.constant 0 : i32
        %dma_wait3A_72 = tpu.memref_slice %arg6[%add3A_65, %dma_wait3A_71] : memref<20000x128xf32, #tpu.memory_space<hbm>> -> memref<128x128xf32, #tpu.memory_space<hbm>>
        tpu.wait_dma2 semaphore(%run_scoped3A : memref<!tpu.dma_semaphore, #tpu.memory_space<semaphore_mem>>) src(%arg9 : memref<128x128xf32, #tpu.memory_space<vmem>>) dst(%dma_wait3A_72 : memref<128x128xf32, #tpu.memory_space<hbm>>)
        tpu.yield
      }) : () -> ()
    } else {
    }
    return
  }
}

#map = affine_map<(d0, d1) -> (0, 0)>
#map1 = affine_map<(d0, d1) -> (0)>
module attributes {stable_mosaic.version = 14 : i64} {
  func.func @k(%arg0: i32, %arg1: i32, %arg2: memref<2500x128xi32, #tpu.memory_space<hbm>>, %arg3: memref<2500x128xi32, #tpu.memory_space<hbm>>, %arg4: memref<640xf32, #tpu.memory_space<hbm>>, %arg5: memref<20000xf32, #tpu.memory_space<hbm>>, %arg6: memref<20000xf32, #tpu.memory_space<hbm>>, %arg7: memref<6x128xi32, #tpu.memory_space<vmem>>, %arg8: memref<6x128xi32, #tpu.memory_space<vmem>>, %arg9: memref<128xf32, #tpu.memory_space<vmem>>, %arg10: memref<640xf32, #tpu.memory_space<vmem>>, %arg11: memref<10000xf32, #tpu.memory_space<vmem_shared>>, %arg12: memref<10000xf32, #tpu.memory_space<vmem_shared>>, %arg13: memref<!tpu.dma_semaphore, #tpu.memory_space<semaphore_mem>>, %arg14: memref<!tpu.dma_semaphore, #tpu.memory_space<semaphore_mem>>) attributes {dimension_semantics = [#tpu.dimension_semantics<core_parallel>, #tpu.dimension_semantics<subcore_parallel>], iteration_bounds = array<i64: 2, 16>, scalar_prefetch = 0 : i64, scratch_operands = 8 : i64, tpu.core_type = #tpu.core_type<sc_vector_subcore>, window_params = [{transform_indices = #map}, {transform_indices = #map}, {transform_indices = #map1}, {transform_indices = #map1}, {transform_indices = #map1}]} {
    %mul3A = arith.constant 2 : i32
    %mul3A_0 = arith.muli %arg1, %mul3A : i32
    %add3A = arith.addi %mul3A_0, %arg0 : i32
    %broadcast_in_dim3A = arith.constant 1.000000e+00 : f32
    %broadcast_in_dim3A_1 = vector.broadcast %broadcast_in_dim3A : f32 to vector<16xf32>
    %swap3A = arith.constant 0 : index
    %swap3A_2 = tpu.vector_load %arg9[%swap3A] {strides = array<i32>} : memref<128xf32, #tpu.memory_space<vmem>>, vector<16xf32>,
    %swap3A_3 = vector.shape_cast %swap3A_2 : vector<16xf32> to vector<16xf32>
    %swap3A_4 = vector.shape_cast %broadcast_in_dim3A_1 : vector<16xf32> to vector<16xf32>
    tpu.vector_store %arg9[%swap3A], %swap3A_4 {strides = array<i32>} : memref<128xf32, #tpu.memory_space<vmem>>, vector<16xf32>,
    %broadcast_in_dim3A_5 = arith.constant 1.000000e+00 : f32
    %broadcast_in_dim3A_6 = vector.broadcast %broadcast_in_dim3A_5 : f32 to vector<16xf32>
    %swap3A_7 = arith.constant 16 : index
    %swap3A_8 = tpu.vector_load %arg9[%swap3A_7] {strides = array<i32>} : memref<128xf32, #tpu.memory_space<vmem>>, vector<16xf32>,
    %swap3A_9 = vector.shape_cast %swap3A_8 : vector<16xf32> to vector<16xf32>
    %swap3A_10 = vector.shape_cast %broadcast_in_dim3A_6 : vector<16xf32> to vector<16xf32>
    tpu.vector_store %arg9[%swap3A_7], %swap3A_10 {strides = array<i32>} : memref<128xf32, #tpu.memory_space<vmem>>, vector<16xf32>,
    %broadcast_in_dim3A_11 = arith.constant 1.000000e+00 : f32
    %broadcast_in_dim3A_12 = vector.broadcast %broadcast_in_dim3A_11 : f32 to vector<16xf32>
    %swap3A_13 = arith.constant 32 : index
    %swap3A_14 = tpu.vector_load %arg9[%swap3A_13] {strides = array<i32>} : memref<128xf32, #tpu.memory_space<vmem>>, vector<16xf32>,
    %swap3A_15 = vector.shape_cast %swap3A_14 : vector<16xf32> to vector<16xf32>
    %swap3A_16 = vector.shape_cast %broadcast_in_dim3A_12 : vector<16xf32> to vector<16xf32>
    tpu.vector_store %arg9[%swap3A_13], %swap3A_16 {strides = array<i32>} : memref<128xf32, #tpu.memory_space<vmem>>, vector<16xf32>,
    %broadcast_in_dim3A_17 = arith.constant 1.000000e+00 : f32
    %broadcast_in_dim3A_18 = vector.broadcast %broadcast_in_dim3A_17 : f32 to vector<16xf32>
    %swap3A_19 = arith.constant 48 : index
    %swap3A_20 = tpu.vector_load %arg9[%swap3A_19] {strides = array<i32>} : memref<128xf32, #tpu.memory_space<vmem>>, vector<16xf32>,
    %swap3A_21 = vector.shape_cast %swap3A_20 : vector<16xf32> to vector<16xf32>
    %swap3A_22 = vector.shape_cast %broadcast_in_dim3A_18 : vector<16xf32> to vector<16xf32>
    tpu.vector_store %arg9[%swap3A_19], %swap3A_22 {strides = array<i32>} : memref<128xf32, #tpu.memory_space<vmem>>, vector<16xf32>,
    %broadcast_in_dim3A_23 = arith.constant 1.000000e+00 : f32
    %broadcast_in_dim3A_24 = vector.broadcast %broadcast_in_dim3A_23 : f32 to vector<16xf32>
    %swap3A_25 = arith.constant 64 : index
    %swap3A_26 = tpu.vector_load %arg9[%swap3A_25] {strides = array<i32>} : memref<128xf32, #tpu.memory_space<vmem>>, vector<16xf32>,
    %swap3A_27 = vector.shape_cast %swap3A_26 : vector<16xf32> to vector<16xf32>
    %swap3A_28 = vector.shape_cast %broadcast_in_dim3A_24 : vector<16xf32> to vector<16xf32>
    tpu.vector_store %arg9[%swap3A_25], %swap3A_28 {strides = array<i32>} : memref<128xf32, #tpu.memory_space<vmem>>, vector<16xf32>,
    %broadcast_in_dim3A_29 = arith.constant 1.000000e+00 : f32
    %broadcast_in_dim3A_30 = vector.broadcast %broadcast_in_dim3A_29 : f32 to vector<16xf32>
    %swap3A_31 = arith.constant 80 : index
    %swap3A_32 = tpu.vector_load %arg9[%swap3A_31] {strides = array<i32>} : memref<128xf32, #tpu.memory_space<vmem>>, vector<16xf32>,
    %swap3A_33 = vector.shape_cast %swap3A_32 : vector<16xf32> to vector<16xf32>
    %swap3A_34 = vector.shape_cast %broadcast_in_dim3A_30 : vector<16xf32> to vector<16xf32>
    tpu.vector_store %arg9[%swap3A_31], %swap3A_34 {strides = array<i32>} : memref<128xf32, #tpu.memory_space<vmem>>, vector<16xf32>,
    %broadcast_in_dim3A_35 = arith.constant 1.000000e+00 : f32
    %broadcast_in_dim3A_36 = vector.broadcast %broadcast_in_dim3A_35 : f32 to vector<16xf32>
    %swap3A_37 = arith.constant 96 : index
    %swap3A_38 = tpu.vector_load %arg9[%swap3A_37] {strides = array<i32>} : memref<128xf32, #tpu.memory_space<vmem>>, vector<16xf32>,
    %swap3A_39 = vector.shape_cast %swap3A_38 : vector<16xf32> to vector<16xf32>
    %swap3A_40 = vector.shape_cast %broadcast_in_dim3A_36 : vector<16xf32> to vector<16xf32>
    tpu.vector_store %arg9[%swap3A_37], %swap3A_40 {strides = array<i32>} : memref<128xf32, #tpu.memory_space<vmem>>, vector<16xf32>,
    %broadcast_in_dim3A_41 = arith.constant 1.000000e+00 : f32
    %broadcast_in_dim3A_42 = vector.broadcast %broadcast_in_dim3A_41 : f32 to vector<16xf32>
    %swap3A_43 = arith.constant 112 : index
    %swap3A_44 = tpu.vector_load %arg9[%swap3A_43] {strides = array<i32>} : memref<128xf32, #tpu.memory_space<vmem>>, vector<16xf32>,
    %swap3A_45 = vector.shape_cast %swap3A_44 : vector<16xf32> to vector<16xf32>
    %swap3A_46 = vector.shape_cast %broadcast_in_dim3A_42 : vector<16xf32> to vector<16xf32>
    tpu.vector_store %arg9[%swap3A_43], %swap3A_46 {strides = array<i32>} : memref<128xf32, #tpu.memory_space<vmem>>, vector<16xf32>,
    "tpu.region"() ({
      %run_scoped3A = tpu.sem_alloc : memref<!tpu.dma_semaphore, #tpu.memory_space<semaphore_mem>>
      tpu.enqueue_dma source(%arg4 : memref<640xf32, #tpu.memory_space<hbm>>) target(%arg10 : memref<640xf32, #tpu.memory_space<vmem>>) target_semaphore(%run_scoped3A : memref<!tpu.dma_semaphore, #tpu.memory_space<semaphore_mem>>)
      tpu.wait_dma2 semaphore(%run_scoped3A : memref<!tpu.dma_semaphore, #tpu.memory_space<semaphore_mem>>) src(%arg4 : memref<640xf32, #tpu.memory_space<hbm>>) dst(%arg10 : memref<640xf32, #tpu.memory_space<vmem>>)
      tpu.yield
    }) : () -> ()
    %lt3A = arith.constant 15 : i32
    %lt3A_47 = arith.cmpi slt, %arg1, %lt3A : i32
    %convert_element_type3A = arith.extui %lt3A_47 : i1 to i32
    %cond3A = arith.constant 0 : i32
    %cond3A_48 = arith.cmpi ne, %convert_element_type3A, %cond3A : i32
    scf.if %cond3A_48 {
      %mul3A_87 = arith.constant 624 : i32
      %mul3A_88 = arith.muli %arg1, %mul3A_87 : i32
      "tpu.region"() ({
        %run_scoped3A = tpu.sem_alloc : memref<!tpu.dma_semaphore, #tpu.memory_space<semaphore_mem>>
        %dma_start3A = arith.constant 0 : i32
        %dma_start3A_91 = tpu.memref_slice %arg10[%dma_start3A] : memref<640xf32, #tpu.memory_space<vmem>> -> memref<624xf32, #tpu.memory_space<vmem>>
        %dma_start3A_92 = tpu.memref_slice %arg11[%mul3A_88] : memref<10000xf32, #tpu.memory_space<vmem_shared>> -> memref<624xf32, #tpu.memory_space<vmem_shared>>
        %dma_start3A_93 = tpu.memref_slice %arg11[%mul3A_88] : memref<10000xf32, #tpu.memory_space<vmem_shared>> -> memref<624xf32, #tpu.memory_space<vmem_shared>>
        %dma_start3A_94 = arith.constant 0 : i32
        %dma_start3A_95 = tpu.memref_slice %arg10[%dma_start3A_94] : memref<640xf32, #tpu.memory_space<vmem>> -> memref<624xf32, #tpu.memory_space<vmem>>
        tpu.enqueue_dma source(%dma_start3A_95 : memref<624xf32, #tpu.memory_space<vmem>>) target(%dma_start3A_93 : memref<624xf32, #tpu.memory_space<vmem_shared>>) target_semaphore(%run_scoped3A : memref<!tpu.dma_semaphore, #tpu.memory_space<semaphore_mem>>)
        %dma_wait3A_96 = arith.constant 0 : i32
        %dma_wait3A_97 = tpu.memref_slice %arg10[%dma_wait3A_96] : memref<640xf32, #tpu.memory_space<vmem>> -> memref<624xf32, #tpu.memory_space<vmem>>
        %dma_wait3A_98 = tpu.memref_slice %arg11[%mul3A_88] : memref<10000xf32, #tpu.memory_space<vmem_shared>> -> memref<624xf32, #tpu.memory_space<vmem_shared>>
        %dma_wait3A_99 = tpu.memref_slice %arg11[%mul3A_88] : memref<10000xf32, #tpu.memory_space<vmem_shared>> -> memref<624xf32, #tpu.memory_space<vmem_shared>>
        %dma_wait3A_100 = arith.constant 0 : i32
        %dma_wait3A_101 = tpu.memref_slice %arg10[%dma_wait3A_100] : memref<640xf32, #tpu.memory_space<vmem>> -> memref<624xf32, #tpu.memory_space<vmem>>
        tpu.wait_dma2 semaphore(%run_scoped3A : memref<!tpu.dma_semaphore, #tpu.memory_space<semaphore_mem>>) src(%dma_wait3A_101 : memref<624xf32, #tpu.memory_space<vmem>>) dst(%dma_wait3A_99 : memref<624xf32, #tpu.memory_space<vmem_shared>>)
        tpu.yield
      }) : () -> ()
      %mul3A_89 = arith.constant 624 : i32
      %mul3A_90 = arith.muli %arg1, %mul3A_89 : i32
      "tpu.region"() ({
        %run_scoped3A = tpu.sem_alloc : memref<!tpu.dma_semaphore, #tpu.memory_space<semaphore_mem>>
        %dma_start3A = arith.constant 0 : i32
        %dma_start3A_91 = tpu.memref_slice %arg10[%dma_start3A] : memref<640xf32, #tpu.memory_space<vmem>> -> memref<624xf32, #tpu.memory_space<vmem>>
        %dma_start3A_92 = tpu.memref_slice %arg12[%mul3A_90] : memref<10000xf32, #tpu.memory_space<vmem_shared>> -> memref<624xf32, #tpu.memory_space<vmem_shared>>
        %dma_start3A_93 = tpu.memref_slice %arg12[%mul3A_90] : memref<10000xf32, #tpu.memory_space<vmem_shared>> -> memref<624xf32, #tpu.memory_space<vmem_shared>>
        %dma_start3A_94 = arith.constant 0 : i32
        %dma_start3A_95 = tpu.memref_slice %arg10[%dma_start3A_94] : memref<640xf32, #tpu.memory_space<vmem>> -> memref<624xf32, #tpu.memory_space<vmem>>
        tpu.enqueue_dma source(%dma_start3A_95 : memref<624xf32, #tpu.memory_space<vmem>>) target(%dma_start3A_93 : memref<624xf32, #tpu.memory_space<vmem_shared>>) target_semaphore(%run_scoped3A : memref<!tpu.dma_semaphore, #tpu.memory_space<semaphore_mem>>)
        %dma_wait3A_96 = arith.constant 0 : i32
        %dma_wait3A_97 = tpu.memref_slice %arg10[%dma_wait3A_96] : memref<640xf32, #tpu.memory_space<vmem>> -> memref<624xf32, #tpu.memory_space<vmem>>
        %dma_wait3A_98 = tpu.memref_slice %arg12[%mul3A_90] : memref<10000xf32, #tpu.memory_space<vmem_shared>> -> memref<624xf32, #tpu.memory_space<vmem_shared>>
        %dma_wait3A_99 = tpu.memref_slice %arg12[%mul3A_90] : memref<10000xf32, #tpu.memory_space<vmem_shared>> -> memref<624xf32, #tpu.memory_space<vmem_shared>>
        %dma_wait3A_100 = arith.constant 0 : i32
        %dma_wait3A_101 = tpu.memref_slice %arg10[%dma_wait3A_100] : memref<640xf32, #tpu.memory_space<vmem>> -> memref<624xf32, #tpu.memory_space<vmem>>
        tpu.wait_dma2 semaphore(%run_scoped3A : memref<!tpu.dma_semaphore, #tpu.memory_space<semaphore_mem>>) src(%dma_wait3A_101 : memref<624xf32, #tpu.memory_space<vmem>>) dst(%dma_wait3A_99 : memref<624xf32, #tpu.memory_space<vmem_shared>>)
        tpu.yield
      }) : () -> ()
    } else {
    }
    %eq3A = arith.constant 15 : i32
    %eq3A_49 = arith.cmpi eq, %arg1, %eq3A : i32
    %convert_element_type3A_50 = arith.extui %eq3A_49 : i1 to i32
    %cond3A_51 = arith.constant 0 : i32
    %cond3A_52 = arith.cmpi ne, %convert_element_type3A_50, %cond3A_51 : i32
    scf.if %cond3A_52 {
      "tpu.region"() ({
        %run_scoped3A = tpu.sem_alloc : memref<!tpu.dma_semaphore, #tpu.memory_space<semaphore_mem>>
        %dma_start3A = arith.constant 9360 : i32
        %dma_start3A_87 = tpu.memref_slice %arg11[%dma_start3A] : memref<10000xf32, #tpu.memory_space<vmem_shared>> -> memref<640xf32, #tpu.memory_space<vmem_shared>>
        %dma_start3A_88 = arith.constant 9360 : i32
        %dma_start3A_89 = tpu.memref_slice %arg11[%dma_start3A_88] : memref<10000xf32, #tpu.memory_space<vmem_shared>> -> memref<640xf32, #tpu.memory_space<vmem_shared>>
        tpu.enqueue_dma source(%arg10 : memref<640xf32, #tpu.memory_space<vmem>>) target(%dma_start3A_89 : memref<640xf32, #tpu.memory_space<vmem_shared>>) target_semaphore(%run_scoped3A : memref<!tpu.dma_semaphore, #tpu.memory_space<semaphore_mem>>)
        %dma_wait3A_90 = arith.constant 9360 : i32
        %dma_wait3A_91 = tpu.memref_slice %arg11[%dma_wait3A_90] : memref<10000xf32, #tpu.memory_space<vmem_shared>> -> memref<640xf32, #tpu.memory_space<vmem_shared>>
        %dma_wait3A_92 = arith.constant 9360 : i32
        %dma_wait3A_93 = tpu.memref_slice %arg11[%dma_wait3A_92] : memref<10000xf32, #tpu.memory_space<vmem_shared>> -> memref<640xf32, #tpu.memory_space<vmem_shared>>
        tpu.wait_dma2 semaphore(%run_scoped3A : memref<!tpu.dma_semaphore, #tpu.memory_space<semaphore_mem>>) src(%arg10 : memref<640xf32, #tpu.memory_space<vmem>>) dst(%dma_wait3A_93 : memref<640xf32, #tpu.memory_space<vmem_shared>>)
        tpu.yield
      }) : () -> ()
      "tpu.region"() ({
        %run_scoped3A = tpu.sem_alloc : memref<!tpu.dma_semaphore, #tpu.memory_space<semaphore_mem>>
        %dma_start3A = arith.constant 9360 : i32
        %dma_start3A_87 = tpu.memref_slice %arg12[%dma_start3A] : memref<10000xf32, #tpu.memory_space<vmem_shared>> -> memref<640xf32, #tpu.memory_space<vmem_shared>>
        %dma_start3A_88 = arith.constant 9360 : i32
        %dma_start3A_89 = tpu.memref_slice %arg12[%dma_start3A_88] : memref<10000xf32, #tpu.memory_space<vmem_shared>> -> memref<640xf32, #tpu.memory_space<vmem_shared>>
        tpu.enqueue_dma source(%arg10 : memref<640xf32, #tpu.memory_space<vmem>>) target(%dma_start3A_89 : memref<640xf32, #tpu.memory_space<vmem_shared>>) target_semaphore(%run_scoped3A : memref<!tpu.dma_semaphore, #tpu.memory_space<semaphore_mem>>)
        %dma_wait3A_90 = arith.constant 9360 : i32
        %dma_wait3A_91 = tpu.memref_slice %arg12[%dma_wait3A_90] : memref<10000xf32, #tpu.memory_space<vmem_shared>> -> memref<640xf32, #tpu.memory_space<vmem_shared>>
        %dma_wait3A_92 = arith.constant 9360 : i32
        %dma_wait3A_93 = tpu.memref_slice %arg12[%dma_wait3A_92] : memref<10000xf32, #tpu.memory_space<vmem_shared>> -> memref<640xf32, #tpu.memory_space<vmem_shared>>
        tpu.wait_dma2 semaphore(%run_scoped3A : memref<!tpu.dma_semaphore, #tpu.memory_space<semaphore_mem>>) src(%arg10 : memref<640xf32, #tpu.memory_space<vmem>>) dst(%dma_wait3A_93 : memref<640xf32, #tpu.memory_space<vmem_shared>>)
        tpu.yield
      }) : () -> ()
    } else {
    }
    %barrier3A = arith.constant 0 : index
    tpu.barrier barrier_id(%barrier3A)
    %mul3A_53 = arith.constant 78 : i32
    %mul3A_54 = arith.muli %add3A, %mul3A_53 : i32
    %scan3A = arith.constant 0 : i32
    %scan3A_55 = arith.constant 0 : i32
    %scan3A_56 = arith.constant 13 : i32
    %scan3A_57 = arith.addi %scan3A_55, %scan3A_56 : i32
    %scan3A_58 = arith.constant 1 : i32
    scf.for %scan3A_87 = %scan3A_55 to %scan3A_57 step %scan3A_58  : i32 {
      %gt3A = arith.constant 0 : i32
      %gt3A_88 = arith.cmpi sgt, %scan3A_87, %gt3A : i32
      %convert_element_type3A_89 = arith.extui %gt3A_88 : i1 to i32
      %cond3A_90 = arith.constant 0 : i32
      %cond3A_91 = arith.cmpi ne, %convert_element_type3A_89, %cond3A_90 : i32
      scf.if %cond3A_91 {
        %dma_wait3A_229 = arith.constant 5 : i32
        %dma_wait3A_230 = arith.constant 0 : i32
        %dma_wait3A_231 = tpu.memref_slice %arg7[%dma_wait3A_229, %dma_wait3A_230] : memref<6x128xi32, #tpu.memory_space<vmem>> -> memref<1x128xi32, #tpu.memory_space<vmem>>
        %dma_wait3A_232 = tpu.memref_squeeze %dma_wait3A_231 : memref<1x128xi32, #tpu.memory_space<vmem>> -> memref<128xi32, #tpu.memory_space<vmem>>
        %dma_wait3A_233 = arith.constant 0 : i32
        %dma_wait3A_234 = tpu.memref_slice %arg11[%dma_wait3A_233] : memref<10000xf32, #tpu.memory_space<vmem_shared>> -> memref<10000xf32, #tpu.memory_space<vmem_shared>>
        tpu.wait_indirect_dma semaphore(%arg13 : memref<!tpu.dma_semaphore, #tpu.memory_space<semaphore_mem>>) src(%arg9 : memref<128xf32, #tpu.memory_space<vmem>>) dst(%dma_wait3A_234 : memref<10000xf32, #tpu.memory_space<vmem_shared>>)
        %dma_wait3A_235 = arith.constant 5 : i32
        %dma_wait3A_236 = arith.constant 0 : i32
        %dma_wait3A_237 = tpu.memref_slice %arg8[%dma_wait3A_235, %dma_wait3A_236] : memref<6x128xi32, #tpu.memory_space<vmem>> -> memref<1x128xi32, #tpu.memory_space<vmem>>
        %dma_wait3A_238 = tpu.memref_squeeze %dma_wait3A_237 : memref<1x128xi32, #tpu.memory_space<vmem>> -> memref<128xi32, #tpu.memory_space<vmem>>
        %dma_wait3A_239 = arith.constant 0 : i32
        %dma_wait3A_240 = tpu.memref_slice %arg12[%dma_wait3A_239] : memref<10000xf32, #tpu.memory_space<vmem_shared>> -> memref<10000xf32, #tpu.memory_space<vmem_shared>>
        tpu.wait_indirect_dma semaphore(%arg14 : memref<!tpu.dma_semaphore, #tpu.memory_space<semaphore_mem>>) src(%arg9 : memref<128xf32, #tpu.memory_space<vmem>>) dst(%dma_wait3A_240 : memref<10000xf32, #tpu.memory_space<vmem_shared>>)
      } else {
      }
      %mul3A_92 = arith.constant 6 : i32
      %mul3A_93 = arith.muli %scan3A_87, %mul3A_92 : i32
      %add3A_94 = arith.addi %mul3A_54, %mul3A_93 : i32
      "tpu.region"() ({
        %run_scoped3A = tpu.sem_alloc : memref<!tpu.dma_semaphore, #tpu.memory_space<semaphore_mem>>
        %dma_start3A_229 = arith.constant 0 : i32
        %dma_start3A_230 = tpu.memref_slice %arg2[%add3A_94, %dma_start3A_229] : memref<2500x128xi32, #tpu.memory_space<hbm>> -> memref<6x128xi32, #tpu.memory_space<hbm>>
        %dma_start3A_231 = arith.constant 0 : i32
        %dma_start3A_232 = tpu.memref_slice %arg2[%add3A_94, %dma_start3A_231] : memref<2500x128xi32, #tpu.memory_space<hbm>> -> memref<6x128xi32, #tpu.memory_space<hbm>>
        tpu.enqueue_dma source(%dma_start3A_232 : memref<6x128xi32, #tpu.memory_space<hbm>>) target(%arg7 : memref<6x128xi32, #tpu.memory_space<vmem>>) target_semaphore(%run_scoped3A : memref<!tpu.dma_semaphore, #tpu.memory_space<semaphore_mem>>)
        %dma_wait3A_233 = arith.constant 0 : i32
        %dma_wait3A_234 = tpu.memref_slice %arg2[%add3A_94, %dma_wait3A_233] : memref<2500x128xi32, #tpu.memory_space<hbm>> -> memref<6x128xi32, #tpu.memory_space<hbm>>
        %dma_wait3A_235 = arith.constant 0 : i32
        %dma_wait3A_236 = tpu.memref_slice %arg2[%add3A_94, %dma_wait3A_235] : memref<2500x128xi32, #tpu.memory_space<hbm>> -> memref<6x128xi32, #tpu.memory_space<hbm>>
        tpu.wait_dma2 semaphore(%run_scoped3A : memref<!tpu.dma_semaphore, #tpu.memory_space<semaphore_mem>>) src(%dma_wait3A_236 : memref<6x128xi32, #tpu.memory_space<hbm>>) dst(%arg7 : memref<6x128xi32, #tpu.memory_space<vmem>>)
        tpu.yield
      }) : () -> ()
      %mul3A_95 = arith.constant 6 : i32
      %mul3A_96 = arith.muli %scan3A_87, %mul3A_95 : i32
      %add3A_97 = arith.addi %mul3A_54, %mul3A_96 : i32
      "tpu.region"() ({
        %run_scoped3A = tpu.sem_alloc : memref<!tpu.dma_semaphore, #tpu.memory_space<semaphore_mem>>
        %dma_start3A_229 = arith.constant 0 : i32
        %dma_start3A_230 = tpu.memref_slice %arg3[%add3A_97, %dma_start3A_229] : memref<2500x128xi32, #tpu.memory_space<hbm>> -> memref<6x128xi32, #tpu.memory_space<hbm>>
        %dma_start3A_231 = arith.constant 0 : i32
        %dma_start3A_232 = tpu.memref_slice %arg3[%add3A_97, %dma_start3A_231] : memref<2500x128xi32, #tpu.memory_space<hbm>> -> memref<6x128xi32, #tpu.memory_space<hbm>>
        tpu.enqueue_dma source(%dma_start3A_232 : memref<6x128xi32, #tpu.memory_space<hbm>>) target(%arg8 : memref<6x128xi32, #tpu.memory_space<vmem>>) target_semaphore(%run_scoped3A : memref<!tpu.dma_semaphore, #tpu.memory_space<semaphore_mem>>)
        %dma_wait3A_233 = arith.constant 0 : i32
        %dma_wait3A_234 = tpu.memref_slice %arg3[%add3A_97, %dma_wait3A_233] : memref<2500x128xi32, #tpu.memory_space<hbm>> -> memref<6x128xi32, #tpu.memory_space<hbm>>
        %dma_wait3A_235 = arith.constant 0 : i32
        %dma_wait3A_236 = tpu.memref_slice %arg3[%add3A_97, %dma_wait3A_235] : memref<2500x128xi32, #tpu.memory_space<hbm>> -> memref<6x128xi32, #tpu.memory_space<hbm>>
        tpu.wait_dma2 semaphore(%run_scoped3A : memref<!tpu.dma_semaphore, #tpu.memory_space<semaphore_mem>>) src(%dma_wait3A_236 : memref<6x128xi32, #tpu.memory_space<hbm>>) dst(%arg8 : memref<6x128xi32, #tpu.memory_space<vmem>>)
        tpu.yield
      }) : () -> ()
      %dma_start3A = arith.constant 0 : i32
      %dma_start3A_98 = arith.constant 0 : i32
      %dma_start3A_99 = tpu.memref_slice %arg7[%dma_start3A, %dma_start3A_98] : memref<6x128xi32, #tpu.memory_space<vmem>> -> memref<1x128xi32, #tpu.memory_space<vmem>>
      %dma_start3A_100 = tpu.memref_squeeze %dma_start3A_99 : memref<1x128xi32, #tpu.memory_space<vmem>> -> memref<128xi32, #tpu.memory_space<vmem>>
      %dma_start3A_101 = arith.constant 0 : i32
      %dma_start3A_102 = tpu.memref_slice %arg11[%dma_start3A_101] : memref<10000xf32, #tpu.memory_space<vmem_shared>> -> memref<10000xf32, #tpu.memory_space<vmem_shared>>
      tpu.enqueue_indirect_dma source(%arg9 : memref<128xf32, #tpu.memory_space<vmem>>) target(%dma_start3A_102 : memref<10000xf32, #tpu.memory_space<vmem_shared>>) offsets(%dma_start3A_100 : memref<128xi32, #tpu.memory_space<vmem>>) semaphore(%arg13 : memref<!tpu.dma_semaphore, #tpu.memory_space<semaphore_mem>>) {add = true}
      %dma_start3A_103 = arith.constant 0 : i32
      %dma_start3A_104 = arith.constant 0 : i32
      %dma_start3A_105 = tpu.memref_slice %arg8[%dma_start3A_103, %dma_start3A_104] : memref<6x128xi32, #tpu.memory_space<vmem>> -> memref<1x128xi32, #tpu.memory_space<vmem>>
      %dma_start3A_106 = tpu.memref_squeeze %dma_start3A_105 : memref<1x128xi32, #tpu.memory_space<vmem>> -> memref<128xi32, #tpu.memory_space<vmem>>
      %dma_start3A_107 = arith.constant 0 : i32
      %dma_start3A_108 = tpu.memref_slice %arg12[%dma_start3A_107] : memref<10000xf32, #tpu.memory_space<vmem_shared>> -> memref<10000xf32, #tpu.memory_space<vmem_shared>>
      tpu.enqueue_indirect_dma source(%arg9 : memref<128xf32, #tpu.memory_space<vmem>>) target(%dma_start3A_108 : memref<10000xf32, #tpu.memory_space<vmem_shared>>) offsets(%dma_start3A_106 : memref<128xi32, #tpu.memory_space<vmem>>) semaphore(%arg14 : memref<!tpu.dma_semaphore, #tpu.memory_space<semaphore_mem>>) {add = true}
      %dma_wait3A_109 = arith.constant 0 : i32
      %dma_wait3A_110 = arith.constant 0 : i32
      %dma_wait3A_111 = tpu.memref_slice %arg7[%dma_wait3A_109, %dma_wait3A_110] : memref<6x128xi32, #tpu.memory_space<vmem>> -> memref<1x128xi32, #tpu.memory_space<vmem>>
      %dma_wait3A_112 = tpu.memref_squeeze %dma_wait3A_111 : memref<1x128xi32, #tpu.memory_space<vmem>> -> memref<128xi32, #tpu.memory_space<vmem>>
      %dma_wait3A_113 = arith.constant 0 : i32
      %dma_wait3A_114 = tpu.memref_slice %arg11[%dma_wait3A_113] : memref<10000xf32, #tpu.memory_space<vmem_shared>> -> memref<10000xf32, #tpu.memory_space<vmem_shared>>
      tpu.wait_indirect_dma semaphore(%arg13 : memref<!tpu.dma_semaphore, #tpu.memory_space<semaphore_mem>>) src(%arg9 : memref<128xf32, #tpu.memory_space<vmem>>) dst(%dma_wait3A_114 : memref<10000xf32, #tpu.memory_space<vmem_shared>>)
      %dma_wait3A_115 = arith.constant 0 : i32
      %dma_wait3A_116 = arith.constant 0 : i32
      %dma_wait3A_117 = tpu.memref_slice %arg8[%dma_wait3A_115, %dma_wait3A_116] : memref<6x128xi32, #tpu.memory_space<vmem>> -> memref<1x128xi32, #tpu.memory_space<vmem>>
      %dma_wait3A_118 = tpu.memref_squeeze %dma_wait3A_117 : memref<1x128xi32, #tpu.memory_space<vmem>> -> memref<128xi32, #tpu.memory_space<vmem>>
      %dma_wait3A_119 = arith.constant 0 : i32
      %dma_wait3A_120 = tpu.memref_slice %arg12[%dma_wait3A_119] : memref<10000xf32, #tpu.memory_space<vmem_shared>> -> memref<10000xf32, #tpu.memory_space<vmem_shared>>
      tpu.wait_indirect_dma semaphore(%arg14 : memref<!tpu.dma_semaphore, #tpu.memory_space<semaphore_mem>>) src(%arg9 : memref<128xf32, #tpu.memory_space<vmem>>) dst(%dma_wait3A_120 : memref<10000xf32, #tpu.memory_space<vmem_shared>>)
      %dma_start3A_121 = arith.constant 1 : i32
      %dma_start3A_122 = arith.constant 0 : i32
      %dma_start3A_123 = tpu.memref_slice %arg7[%dma_start3A_121, %dma_start3A_122] : memref<6x128xi32, #tpu.memory_space<vmem>> -> memref<1x128xi32, #tpu.memory_space<vmem>>
      %dma_start3A_124 = tpu.memref_squeeze %dma_start3A_123 : memref<1x128xi32, #tpu.memory_space<vmem>> -> memref<128xi32, #tpu.memory_space<vmem>>
      %dma_start3A_125 = arith.constant 0 : i32
      %dma_start3A_126 = tpu.memref_slice %arg11[%dma_start3A_125] : memref<10000xf32, #tpu.memory_space<vmem_shared>> -> memref<10000xf32, #tpu.memory_space<vmem_shared>>
      tpu.enqueue_indirect_dma source(%arg9 : memref<128xf32, #tpu.memory_space<vmem>>) target(%dma_start3A_126 : memref<10000xf32, #tpu.memory_space<vmem_shared>>) offsets(%dma_start3A_124 : memref<128xi32, #tpu.memory_space<vmem>>) semaphore(%arg13 : memref<!tpu.dma_semaphore, #tpu.memory_space<semaphore_mem>>) {add = true}
      %dma_start3A_127 = arith.constant 1 : i32
      %dma_start3A_128 = arith.constant 0 : i32
      %dma_start3A_129 = tpu.memref_slice %arg8[%dma_start3A_127, %dma_start3A_128] : memref<6x128xi32, #tpu.memory_space<vmem>> -> memref<1x128xi32, #tpu.memory_space<vmem>>
      %dma_start3A_130 = tpu.memref_squeeze %dma_start3A_129 : memref<1x128xi32, #tpu.memory_space<vmem>> -> memref<128xi32, #tpu.memory_space<vmem>>
      %dma_start3A_131 = arith.constant 0 : i32
      %dma_start3A_132 = tpu.memref_slice %arg12[%dma_start3A_131] : memref<10000xf32, #tpu.memory_space<vmem_shared>> -> memref<10000xf32, #tpu.memory_space<vmem_shared>>
      tpu.enqueue_indirect_dma source(%arg9 : memref<128xf32, #tpu.memory_space<vmem>>) target(%dma_start3A_132 : memref<10000xf32, #tpu.memory_space<vmem_shared>>) offsets(%dma_start3A_130 : memref<128xi32, #tpu.memory_space<vmem>>) semaphore(%arg14 : memref<!tpu.dma_semaphore, #tpu.memory_space<semaphore_mem>>) {add = true}
      %dma_wait3A_133 = arith.constant 1 : i32
      %dma_wait3A_134 = arith.constant 0 : i32
      %dma_wait3A_135 = tpu.memref_slice %arg7[%dma_wait3A_133, %dma_wait3A_134] : memref<6x128xi32, #tpu.memory_space<vmem>> -> memref<1x128xi32, #tpu.memory_space<vmem>>
      %dma_wait3A_136 = tpu.memref_squeeze %dma_wait3A_135 : memref<1x128xi32, #tpu.memory_space<vmem>> -> memref<128xi32, #tpu.memory_space<vmem>>
      %dma_wait3A_137 = arith.constant 0 : i32
      %dma_wait3A_138 = tpu.memref_slice %arg11[%dma_wait3A_137] : memref<10000xf32, #tpu.memory_space<vmem_shared>> -> memref<10000xf32, #tpu.memory_space<vmem_shared>>
      tpu.wait_indirect_dma semaphore(%arg13 : memref<!tpu.dma_semaphore, #tpu.memory_space<semaphore_mem>>) src(%arg9 : memref<128xf32, #tpu.memory_space<vmem>>) dst(%dma_wait3A_138 : memref<10000xf32, #tpu.memory_space<vmem_shared>>)
      %dma_wait3A_139 = arith.constant 1 : i32
      %dma_wait3A_140 = arith.constant 0 : i32
      %dma_wait3A_141 = tpu.memref_slice %arg8[%dma_wait3A_139, %dma_wait3A_140] : memref<6x128xi32, #tpu.memory_space<vmem>> -> memref<1x128xi32, #tpu.memory_space<vmem>>
      %dma_wait3A_142 = tpu.memref_squeeze %dma_wait3A_141 : memref<1x128xi32, #tpu.memory_space<vmem>> -> memref<128xi32, #tpu.memory_space<vmem>>
      %dma_wait3A_143 = arith.constant 0 : i32
      %dma_wait3A_144 = tpu.memref_slice %arg12[%dma_wait3A_143] : memref<10000xf32, #tpu.memory_space<vmem_shared>> -> memref<10000xf32, #tpu.memory_space<vmem_shared>>
      tpu.wait_indirect_dma semaphore(%arg14 : memref<!tpu.dma_semaphore, #tpu.memory_space<semaphore_mem>>) src(%arg9 : memref<128xf32, #tpu.memory_space<vmem>>) dst(%dma_wait3A_144 : memref<10000xf32, #tpu.memory_space<vmem_shared>>)
      %dma_start3A_145 = arith.constant 2 : i32
      %dma_start3A_146 = arith.constant 0 : i32
      %dma_start3A_147 = tpu.memref_slice %arg7[%dma_start3A_145, %dma_start3A_146] : memref<6x128xi32, #tpu.memory_space<vmem>> -> memref<1x128xi32, #tpu.memory_space<vmem>>
      %dma_start3A_148 = tpu.memref_squeeze %dma_start3A_147 : memref<1x128xi32, #tpu.memory_space<vmem>> -> memref<128xi32, #tpu.memory_space<vmem>>
      %dma_start3A_149 = arith.constant 0 : i32
      %dma_start3A_150 = tpu.memref_slice %arg11[%dma_start3A_149] : memref<10000xf32, #tpu.memory_space<vmem_shared>> -> memref<10000xf32, #tpu.memory_space<vmem_shared>>
      tpu.enqueue_indirect_dma source(%arg9 : memref<128xf32, #tpu.memory_space<vmem>>) target(%dma_start3A_150 : memref<10000xf32, #tpu.memory_space<vmem_shared>>) offsets(%dma_start3A_148 : memref<128xi32, #tpu.memory_space<vmem>>) semaphore(%arg13 : memref<!tpu.dma_semaphore, #tpu.memory_space<semaphore_mem>>) {add = true}
      %dma_start3A_151 = arith.constant 2 : i32
      %dma_start3A_152 = arith.constant 0 : i32
      %dma_start3A_153 = tpu.memref_slice %arg8[%dma_start3A_151, %dma_start3A_152] : memref<6x128xi32, #tpu.memory_space<vmem>> -> memref<1x128xi32, #tpu.memory_space<vmem>>
      %dma_start3A_154 = tpu.memref_squeeze %dma_start3A_153 : memref<1x128xi32, #tpu.memory_space<vmem>> -> memref<128xi32, #tpu.memory_space<vmem>>
      %dma_start3A_155 = arith.constant 0 : i32
      %dma_start3A_156 = tpu.memref_slice %arg12[%dma_start3A_155] : memref<10000xf32, #tpu.memory_space<vmem_shared>> -> memref<10000xf32, #tpu.memory_space<vmem_shared>>
      tpu.enqueue_indirect_dma source(%arg9 : memref<128xf32, #tpu.memory_space<vmem>>) target(%dma_start3A_156 : memref<10000xf32, #tpu.memory_space<vmem_shared>>) offsets(%dma_start3A_154 : memref<128xi32, #tpu.memory_space<vmem>>) semaphore(%arg14 : memref<!tpu.dma_semaphore, #tpu.memory_space<semaphore_mem>>) {add = true}
      %dma_wait3A_157 = arith.constant 2 : i32
      %dma_wait3A_158 = arith.constant 0 : i32
      %dma_wait3A_159 = tpu.memref_slice %arg7[%dma_wait3A_157, %dma_wait3A_158] : memref<6x128xi32, #tpu.memory_space<vmem>> -> memref<1x128xi32, #tpu.memory_space<vmem>>
      %dma_wait3A_160 = tpu.memref_squeeze %dma_wait3A_159 : memref<1x128xi32, #tpu.memory_space<vmem>> -> memref<128xi32, #tpu.memory_space<vmem>>
      %dma_wait3A_161 = arith.constant 0 : i32
      %dma_wait3A_162 = tpu.memref_slice %arg11[%dma_wait3A_161] : memref<10000xf32, #tpu.memory_space<vmem_shared>> -> memref<10000xf32, #tpu.memory_space<vmem_shared>>
      tpu.wait_indirect_dma semaphore(%arg13 : memref<!tpu.dma_semaphore, #tpu.memory_space<semaphore_mem>>) src(%arg9 : memref<128xf32, #tpu.memory_space<vmem>>) dst(%dma_wait3A_162 : memref<10000xf32, #tpu.memory_space<vmem_shared>>)
      %dma_wait3A_163 = arith.constant 2 : i32
      %dma_wait3A_164 = arith.constant 0 : i32
      %dma_wait3A_165 = tpu.memref_slice %arg8[%dma_wait3A_163, %dma_wait3A_164] : memref<6x128xi32, #tpu.memory_space<vmem>> -> memref<1x128xi32, #tpu.memory_space<vmem>>
      %dma_wait3A_166 = tpu.memref_squeeze %dma_wait3A_165 : memref<1x128xi32, #tpu.memory_space<vmem>> -> memref<128xi32, #tpu.memory_space<vmem>>
      %dma_wait3A_167 = arith.constant 0 : i32
      %dma_wait3A_168 = tpu.memref_slice %arg12[%dma_wait3A_167] : memref<10000xf32, #tpu.memory_space<vmem_shared>> -> memref<10000xf32, #tpu.memory_space<vmem_shared>>
      tpu.wait_indirect_dma semaphore(%arg14 : memref<!tpu.dma_semaphore, #tpu.memory_space<semaphore_mem>>) src(%arg9 : memref<128xf32, #tpu.memory_space<vmem>>) dst(%dma_wait3A_168 : memref<10000xf32, #tpu.memory_space<vmem_shared>>)
      %dma_start3A_169 = arith.constant 3 : i32
      %dma_start3A_170 = arith.constant 0 : i32
      %dma_start3A_171 = tpu.memref_slice %arg7[%dma_start3A_169, %dma_start3A_170] : memref<6x128xi32, #tpu.memory_space<vmem>> -> memref<1x128xi32, #tpu.memory_space<vmem>>
      %dma_start3A_172 = tpu.memref_squeeze %dma_start3A_171 : memref<1x128xi32, #tpu.memory_space<vmem>> -> memref<128xi32, #tpu.memory_space<vmem>>
      %dma_start3A_173 = arith.constant 0 : i32
      %dma_start3A_174 = tpu.memref_slice %arg11[%dma_start3A_173] : memref<10000xf32, #tpu.memory_space<vmem_shared>> -> memref<10000xf32, #tpu.memory_space<vmem_shared>>
      tpu.enqueue_indirect_dma source(%arg9 : memref<128xf32, #tpu.memory_space<vmem>>) target(%dma_start3A_174 : memref<10000xf32, #tpu.memory_space<vmem_shared>>) offsets(%dma_start3A_172 : memref<128xi32, #tpu.memory_space<vmem>>) semaphore(%arg13 : memref<!tpu.dma_semaphore, #tpu.memory_space<semaphore_mem>>) {add = true}
      %dma_start3A_175 = arith.constant 3 : i32
      %dma_start3A_176 = arith.constant 0 : i32
      %dma_start3A_177 = tpu.memref_slice %arg8[%dma_start3A_175, %dma_start3A_176] : memref<6x128xi32, #tpu.memory_space<vmem>> -> memref<1x128xi32, #tpu.memory_space<vmem>>
      %dma_start3A_178 = tpu.memref_squeeze %dma_start3A_177 : memref<1x128xi32, #tpu.memory_space<vmem>> -> memref<128xi32, #tpu.memory_space<vmem>>
      %dma_start3A_179 = arith.constant 0 : i32
      %dma_start3A_180 = tpu.memref_slice %arg12[%dma_start3A_179] : memref<10000xf32, #tpu.memory_space<vmem_shared>> -> memref<10000xf32, #tpu.memory_space<vmem_shared>>
      tpu.enqueue_indirect_dma source(%arg9 : memref<128xf32, #tpu.memory_space<vmem>>) target(%dma_start3A_180 : memref<10000xf32, #tpu.memory_space<vmem_shared>>) offsets(%dma_start3A_178 : memref<128xi32, #tpu.memory_space<vmem>>) semaphore(%arg14 : memref<!tpu.dma_semaphore, #tpu.memory_space<semaphore_mem>>) {add = true}
      %dma_wait3A_181 = arith.constant 3 : i32
      %dma_wait3A_182 = arith.constant 0 : i32
      %dma_wait3A_183 = tpu.memref_slice %arg7[%dma_wait3A_181, %dma_wait3A_182] : memref<6x128xi32, #tpu.memory_space<vmem>> -> memref<1x128xi32, #tpu.memory_space<vmem>>
      %dma_wait3A_184 = tpu.memref_squeeze %dma_wait3A_183 : memref<1x128xi32, #tpu.memory_space<vmem>> -> memref<128xi32, #tpu.memory_space<vmem>>
      %dma_wait3A_185 = arith.constant 0 : i32
      %dma_wait3A_186 = tpu.memref_slice %arg11[%dma_wait3A_185] : memref<10000xf32, #tpu.memory_space<vmem_shared>> -> memref<10000xf32, #tpu.memory_space<vmem_shared>>
      tpu.wait_indirect_dma semaphore(%arg13 : memref<!tpu.dma_semaphore, #tpu.memory_space<semaphore_mem>>) src(%arg9 : memref<128xf32, #tpu.memory_space<vmem>>) dst(%dma_wait3A_186 : memref<10000xf32, #tpu.memory_space<vmem_shared>>)
      %dma_wait3A_187 = arith.constant 3 : i32
      %dma_wait3A_188 = arith.constant 0 : i32
      %dma_wait3A_189 = tpu.memref_slice %arg8[%dma_wait3A_187, %dma_wait3A_188] : memref<6x128xi32, #tpu.memory_space<vmem>> -> memref<1x128xi32, #tpu.memory_space<vmem>>
      %dma_wait3A_190 = tpu.memref_squeeze %dma_wait3A_189 : memref<1x128xi32, #tpu.memory_space<vmem>> -> memref<128xi32, #tpu.memory_space<vmem>>
      %dma_wait3A_191 = arith.constant 0 : i32
      %dma_wait3A_192 = tpu.memref_slice %arg12[%dma_wait3A_191] : memref<10000xf32, #tpu.memory_space<vmem_shared>> -> memref<10000xf32, #tpu.memory_space<vmem_shared>>
      tpu.wait_indirect_dma semaphore(%arg14 : memref<!tpu.dma_semaphore, #tpu.memory_space<semaphore_mem>>) src(%arg9 : memref<128xf32, #tpu.memory_space<vmem>>) dst(%dma_wait3A_192 : memref<10000xf32, #tpu.memory_space<vmem_shared>>)
      %dma_start3A_193 = arith.constant 4 : i32
      %dma_start3A_194 = arith.constant 0 : i32
      %dma_start3A_195 = tpu.memref_slice %arg7[%dma_start3A_193, %dma_start3A_194] : memref<6x128xi32, #tpu.memory_space<vmem>> -> memref<1x128xi32, #tpu.memory_space<vmem>>
      %dma_start3A_196 = tpu.memref_squeeze %dma_start3A_195 : memref<1x128xi32, #tpu.memory_space<vmem>> -> memref<128xi32, #tpu.memory_space<vmem>>
      %dma_start3A_197 = arith.constant 0 : i32
      %dma_start3A_198 = tpu.memref_slice %arg11[%dma_start3A_197] : memref<10000xf32, #tpu.memory_space<vmem_shared>> -> memref<10000xf32, #tpu.memory_space<vmem_shared>>
      tpu.enqueue_indirect_dma source(%arg9 : memref<128xf32, #tpu.memory_space<vmem>>) target(%dma_start3A_198 : memref<10000xf32, #tpu.memory_space<vmem_shared>>) offsets(%dma_start3A_196 : memref<128xi32, #tpu.memory_space<vmem>>) semaphore(%arg13 : memref<!tpu.dma_semaphore, #tpu.memory_space<semaphore_mem>>) {add = true}
      %dma_start3A_199 = arith.constant 4 : i32
      %dma_start3A_200 = arith.constant 0 : i32
      %dma_start3A_201 = tpu.memref_slice %arg8[%dma_start3A_199, %dma_start3A_200] : memref<6x128xi32, #tpu.memory_space<vmem>> -> memref<1x128xi32, #tpu.memory_space<vmem>>
      %dma_start3A_202 = tpu.memref_squeeze %dma_start3A_201 : memref<1x128xi32, #tpu.memory_space<vmem>> -> memref<128xi32, #tpu.memory_space<vmem>>
      %dma_start3A_203 = arith.constant 0 : i32
      %dma_start3A_204 = tpu.memref_slice %arg12[%dma_start3A_203] : memref<10000xf32, #tpu.memory_space<vmem_shared>> -> memref<10000xf32, #tpu.memory_space<vmem_shared>>
      tpu.enqueue_indirect_dma source(%arg9 : memref<128xf32, #tpu.memory_space<vmem>>) target(%dma_start3A_204 : memref<10000xf32, #tpu.memory_space<vmem_shared>>) offsets(%dma_start3A_202 : memref<128xi32, #tpu.memory_space<vmem>>) semaphore(%arg14 : memref<!tpu.dma_semaphore, #tpu.memory_space<semaphore_mem>>) {add = true}
      %dma_wait3A_205 = arith.constant 4 : i32
      %dma_wait3A_206 = arith.constant 0 : i32
      %dma_wait3A_207 = tpu.memref_slice %arg7[%dma_wait3A_205, %dma_wait3A_206] : memref<6x128xi32, #tpu.memory_space<vmem>> -> memref<1x128xi32, #tpu.memory_space<vmem>>
      %dma_wait3A_208 = tpu.memref_squeeze %dma_wait3A_207 : memref<1x128xi32, #tpu.memory_space<vmem>> -> memref<128xi32, #tpu.memory_space<vmem>>
      %dma_wait3A_209 = arith.constant 0 : i32
      %dma_wait3A_210 = tpu.memref_slice %arg11[%dma_wait3A_209] : memref<10000xf32, #tpu.memory_space<vmem_shared>> -> memref<10000xf32, #tpu.memory_space<vmem_shared>>
      tpu.wait_indirect_dma semaphore(%arg13 : memref<!tpu.dma_semaphore, #tpu.memory_space<semaphore_mem>>) src(%arg9 : memref<128xf32, #tpu.memory_space<vmem>>) dst(%dma_wait3A_210 : memref<10000xf32, #tpu.memory_space<vmem_shared>>)
      %dma_wait3A_211 = arith.constant 4 : i32
      %dma_wait3A_212 = arith.constant 0 : i32
      %dma_wait3A_213 = tpu.memref_slice %arg8[%dma_wait3A_211, %dma_wait3A_212] : memref<6x128xi32, #tpu.memory_space<vmem>> -> memref<1x128xi32, #tpu.memory_space<vmem>>
      %dma_wait3A_214 = tpu.memref_squeeze %dma_wait3A_213 : memref<1x128xi32, #tpu.memory_space<vmem>> -> memref<128xi32, #tpu.memory_space<vmem>>
      %dma_wait3A_215 = arith.constant 0 : i32
      %dma_wait3A_216 = tpu.memref_slice %arg12[%dma_wait3A_215] : memref<10000xf32, #tpu.memory_space<vmem_shared>> -> memref<10000xf32, #tpu.memory_space<vmem_shared>>
      tpu.wait_indirect_dma semaphore(%arg14 : memref<!tpu.dma_semaphore, #tpu.memory_space<semaphore_mem>>) src(%arg9 : memref<128xf32, #tpu.memory_space<vmem>>) dst(%dma_wait3A_216 : memref<10000xf32, #tpu.memory_space<vmem_shared>>)
      %dma_start3A_217 = arith.constant 5 : i32
      %dma_start3A_218 = arith.constant 0 : i32
      %dma_start3A_219 = tpu.memref_slice %arg7[%dma_start3A_217, %dma_start3A_218] : memref<6x128xi32, #tpu.memory_space<vmem>> -> memref<1x128xi32, #tpu.memory_space<vmem>>
      %dma_start3A_220 = tpu.memref_squeeze %dma_start3A_219 : memref<1x128xi32, #tpu.memory_space<vmem>> -> memref<128xi32, #tpu.memory_space<vmem>>
      %dma_start3A_221 = arith.constant 0 : i32
      %dma_start3A_222 = tpu.memref_slice %arg11[%dma_start3A_221] : memref<10000xf32, #tpu.memory_space<vmem_shared>> -> memref<10000xf32, #tpu.memory_space<vmem_shared>>
      tpu.enqueue_indirect_dma source(%arg9 : memref<128xf32, #tpu.memory_space<vmem>>) target(%dma_start3A_222 : memref<10000xf32, #tpu.memory_space<vmem_shared>>) offsets(%dma_start3A_220 : memref<128xi32, #tpu.memory_space<vmem>>) semaphore(%arg13 : memref<!tpu.dma_semaphore, #tpu.memory_space<semaphore_mem>>) {add = true}
      %dma_start3A_223 = arith.constant 5 : i32
      %dma_start3A_224 = arith.constant 0 : i32
      %dma_start3A_225 = tpu.memref_slice %arg8[%dma_start3A_223, %dma_start3A_224] : memref<6x128xi32, #tpu.memory_space<vmem>> -> memref<1x128xi32, #tpu.memory_space<vmem>>
      %dma_start3A_226 = tpu.memref_squeeze %dma_start3A_225 : memref<1x128xi32, #tpu.memory_space<vmem>> -> memref<128xi32, #tpu.memory_space<vmem>>
      %dma_start3A_227 = arith.constant 0 : i32
      %dma_start3A_228 = tpu.memref_slice %arg12[%dma_start3A_227] : memref<10000xf32, #tpu.memory_space<vmem_shared>> -> memref<10000xf32, #tpu.memory_space<vmem_shared>>
      tpu.enqueue_indirect_dma source(%arg9 : memref<128xf32, #tpu.memory_space<vmem>>) target(%dma_start3A_228 : memref<10000xf32, #tpu.memory_space<vmem_shared>>) offsets(%dma_start3A_226 : memref<128xi32, #tpu.memory_space<vmem>>) semaphore(%arg14 : memref<!tpu.dma_semaphore, #tpu.memory_space<semaphore_mem>>) {add = true}
    }
    %scan3A_59 = arith.constant 13 : i32
    %dma_wait3A = arith.constant 5 : i32
    %dma_wait3A_60 = arith.constant 0 : i32
    %dma_wait3A_61 = tpu.memref_slice %arg7[%dma_wait3A, %dma_wait3A_60] : memref<6x128xi32, #tpu.memory_space<vmem>> -> memref<1x128xi32, #tpu.memory_space<vmem>>
    %dma_wait3A_62 = tpu.memref_squeeze %dma_wait3A_61 : memref<1x128xi32, #tpu.memory_space<vmem>> -> memref<128xi32, #tpu.memory_space<vmem>>
    %dma_wait3A_63 = arith.constant 0 : i32
    %dma_wait3A_64 = tpu.memref_slice %arg11[%dma_wait3A_63] : memref<10000xf32, #tpu.memory_space<vmem_shared>> -> memref<10000xf32, #tpu.memory_space<vmem_shared>>
    tpu.wait_indirect_dma semaphore(%arg13 : memref<!tpu.dma_semaphore, #tpu.memory_space<semaphore_mem>>) src(%arg9 : memref<128xf32, #tpu.memory_space<vmem>>) dst(%dma_wait3A_64 : memref<10000xf32, #tpu.memory_space<vmem_shared>>)
    %dma_wait3A_65 = arith.constant 5 : i32
    %dma_wait3A_66 = arith.constant 0 : i32
    %dma_wait3A_67 = tpu.memref_slice %arg8[%dma_wait3A_65, %dma_wait3A_66] : memref<6x128xi32, #tpu.memory_space<vmem>> -> memref<1x128xi32, #tpu.memory_space<vmem>>
    %dma_wait3A_68 = tpu.memref_squeeze %dma_wait3A_67 : memref<1x128xi32, #tpu.memory_space<vmem>> -> memref<128xi32, #tpu.memory_space<vmem>>
    %dma_wait3A_69 = arith.constant 0 : i32
    %dma_wait3A_70 = tpu.memref_slice %arg12[%dma_wait3A_69] : memref<10000xf32, #tpu.memory_space<vmem_shared>> -> memref<10000xf32, #tpu.memory_space<vmem_shared>>
    tpu.wait_indirect_dma semaphore(%arg14 : memref<!tpu.dma_semaphore, #tpu.memory_space<semaphore_mem>>) src(%arg9 : memref<128xf32, #tpu.memory_space<vmem>>) dst(%dma_wait3A_70 : memref<10000xf32, #tpu.memory_space<vmem_shared>>)
    %lt3A_71 = arith.constant 4 : i32
    %lt3A_72 = arith.cmpi slt, %add3A, %lt3A_71 : i32
    %convert_element_type3A_73 = arith.extui %lt3A_72 : i1 to i32
    %cond3A_74 = arith.constant 0 : i32
    %cond3A_75 = arith.cmpi ne, %convert_element_type3A_73, %cond3A_74 : i32
    scf.if %cond3A_75 {
      %add3A_87 = arith.constant 2496 : i32
      %add3A_88 = arith.addi %add3A_87, %add3A : i32
      "tpu.region"() ({
        %run_scoped3A_92 = tpu.sem_alloc : memref<!tpu.dma_semaphore, #tpu.memory_space<semaphore_mem>>
        %dma_start3A = arith.constant 0 : i32
        %dma_start3A_93 = arith.constant 0 : i32
        %dma_start3A_94 = tpu.memref_slice %arg7[%dma_start3A, %dma_start3A_93] : memref<6x128xi32, #tpu.memory_space<vmem>> -> memref<1x128xi32, #tpu.memory_space<vmem>>
        %dma_start3A_95 = arith.constant 0 : i32
        %dma_start3A_96 = tpu.memref_slice %arg2[%add3A_88, %dma_start3A_95] : memref<2500x128xi32, #tpu.memory_space<hbm>> -> memref<1x128xi32, #tpu.memory_space<hbm>>
        %dma_start3A_97 = arith.constant 0 : i32
        %dma_start3A_98 = arith.constant 0 : i32
        %dma_start3A_99 = tpu.memref_slice %arg7[%dma_start3A_97, %dma_start3A_98] : memref<6x128xi32, #tpu.memory_space<vmem>> -> memref<1x128xi32, #tpu.memory_space<vmem>>
        %dma_start3A_100 = arith.constant 0 : i32
        %dma_start3A_101 = tpu.memref_slice %arg2[%add3A_88, %dma_start3A_100] : memref<2500x128xi32, #tpu.memory_space<hbm>> -> memref<1x128xi32, #tpu.memory_space<hbm>>
        tpu.enqueue_dma source(%dma_start3A_101 : memref<1x128xi32, #tpu.memory_space<hbm>>) target(%dma_start3A_99 : memref<1x128xi32, #tpu.memory_space<vmem>>) target_semaphore(%run_scoped3A_92 : memref<!tpu.dma_semaphore, #tpu.memory_space<semaphore_mem>>)
        %dma_wait3A_102 = arith.constant 0 : i32
        %dma_wait3A_103 = arith.constant 0 : i32
        %dma_wait3A_104 = tpu.memref_slice %arg7[%dma_wait3A_102, %dma_wait3A_103] : memref<6x128xi32, #tpu.memory_space<vmem>> -> memref<1x128xi32, #tpu.memory_space<vmem>>
        %dma_wait3A_105 = arith.constant 0 : i32
        %dma_wait3A_106 = tpu.memref_slice %arg2[%add3A_88, %dma_wait3A_105] : memref<2500x128xi32, #tpu.memory_space<hbm>> -> memref<1x128xi32, #tpu.memory_space<hbm>>
        %dma_wait3A_107 = arith.constant 0 : i32
        %dma_wait3A_108 = arith.constant 0 : i32
        %dma_wait3A_109 = tpu.memref_slice %arg7[%dma_wait3A_107, %dma_wait3A_108] : memref<6x128xi32, #tpu.memory_space<vmem>> -> memref<1x128xi32, #tpu.memory_space<vmem>>
        %dma_wait3A_110 = arith.constant 0 : i32
        %dma_wait3A_111 = tpu.memref_slice %arg2[%add3A_88, %dma_wait3A_110] : memref<2500x128xi32, #tpu.memory_space<hbm>> -> memref<1x128xi32, #tpu.memory_space<hbm>>
        tpu.wait_dma2 semaphore(%run_scoped3A_92 : memref<!tpu.dma_semaphore, #tpu.memory_space<semaphore_mem>>) src(%dma_wait3A_111 : memref<1x128xi32, #tpu.memory_space<hbm>>) dst(%dma_wait3A_109 : memref<1x128xi32, #tpu.memory_space<vmem>>)
        tpu.yield
      }) : () -> ()
      %add3A_89 = arith.constant 2496 : i32
      %add3A_90 = arith.addi %add3A_89, %add3A : i32
      "tpu.region"() ({
        %run_scoped3A_92 = tpu.sem_alloc : memref<!tpu.dma_semaphore, #tpu.memory_space<semaphore_mem>>
        %dma_start3A = arith.constant 0 : i32
        %dma_start3A_93 = arith.constant 0 : i32
        %dma_start3A_94 = tpu.memref_slice %arg8[%dma_start3A, %dma_start3A_93] : memref<6x128xi32, #tpu.memory_space<vmem>> -> memref<1x128xi32, #tpu.memory_space<vmem>>
        %dma_start3A_95 = arith.constant 0 : i32
        %dma_start3A_96 = tpu.memref_slice %arg3[%add3A_90, %dma_start3A_95] : memref<2500x128xi32, #tpu.memory_space<hbm>> -> memref<1x128xi32, #tpu.memory_space<hbm>>
        %dma_start3A_97 = arith.constant 0 : i32
        %dma_start3A_98 = arith.constant 0 : i32
        %dma_start3A_99 = tpu.memref_slice %arg8[%dma_start3A_97, %dma_start3A_98] : memref<6x128xi32, #tpu.memory_space<vmem>> -> memref<1x128xi32, #tpu.memory_space<vmem>>
        %dma_start3A_100 = arith.constant 0 : i32
        %dma_start3A_101 = tpu.memref_slice %arg3[%add3A_90, %dma_start3A_100] : memref<2500x128xi32, #tpu.memory_space<hbm>> -> memref<1x128xi32, #tpu.memory_space<hbm>>
        tpu.enqueue_dma source(%dma_start3A_101 : memref<1x128xi32, #tpu.memory_space<hbm>>) target(%dma_start3A_99 : memref<1x128xi32, #tpu.memory_space<vmem>>) target_semaphore(%run_scoped3A_92 : memref<!tpu.dma_semaphore, #tpu.memory_space<semaphore_mem>>)
        %dma_wait3A_102 = arith.constant 0 : i32
        %dma_wait3A_103 = arith.constant 0 : i32
        %dma_wait3A_104 = tpu.memref_slice %arg8[%dma_wait3A_102, %dma_wait3A_103] : memref<6x128xi32, #tpu.memory_space<vmem>> -> memref<1x128xi32, #tpu.memory_space<vmem>>
        %dma_wait3A_105 = arith.constant 0 : i32
        %dma_wait3A_106 = tpu.memref_slice %arg3[%add3A_90, %dma_wait3A_105] : memref<2500x128xi32, #tpu.memory_space<hbm>> -> memref<1x128xi32, #tpu.memory_space<hbm>>
        %dma_wait3A_107 = arith.constant 0 : i32
        %dma_wait3A_108 = arith.constant 0 : i32
        %dma_wait3A_109 = tpu.memref_slice %arg8[%dma_wait3A_107, %dma_wait3A_108] : memref<6x128xi32, #tpu.memory_space<vmem>> -> memref<1x128xi32, #tpu.memory_space<vmem>>
        %dma_wait3A_110 = arith.constant 0 : i32
        %dma_wait3A_111 = tpu.memref_slice %arg3[%add3A_90, %dma_wait3A_110] : memref<2500x128xi32, #tpu.memory_space<hbm>> -> memref<1x128xi32, #tpu.memory_space<hbm>>
        tpu.wait_dma2 semaphore(%run_scoped3A_92 : memref<!tpu.dma_semaphore, #tpu.memory_space<semaphore_mem>>) src(%dma_wait3A_111 : memref<1x128xi32, #tpu.memory_space<hbm>>) dst(%dma_wait3A_109 : memref<1x128xi32, #tpu.memory_space<vmem>>)
        tpu.yield
      }) : () -> ()
      %run_scoped3A = arith.constant 0 : i32
      "tpu.region"() ({
        %run_scoped3A_92 = tpu.sem_alloc : memref<!tpu.dma_semaphore, #tpu.memory_space<semaphore_mem>>
        %dma_start3A = arith.constant 0 : i32
        %dma_start3A_93 = tpu.memref_slice %arg7[%run_scoped3A, %dma_start3A] : memref<6x128xi32, #tpu.memory_space<vmem>> -> memref<1x128xi32, #tpu.memory_space<vmem>>
        %dma_start3A_94 = tpu.memref_squeeze %dma_start3A_93 : memref<1x128xi32, #tpu.memory_space<vmem>> -> memref<128xi32, #tpu.memory_space<vmem>>
        %dma_start3A_95 = arith.constant 0 : i32
        %dma_start3A_96 = tpu.memref_slice %arg11[%dma_start3A_95] : memref<10000xf32, #tpu.memory_space<vmem_shared>> -> memref<10000xf32, #tpu.memory_space<vmem_shared>>
        tpu.enqueue_indirect_dma source(%arg9 : memref<128xf32, #tpu.memory_space<vmem>>) target(%dma_start3A_96 : memref<10000xf32, #tpu.memory_space<vmem_shared>>) offsets(%dma_start3A_94 : memref<128xi32, #tpu.memory_space<vmem>>) semaphore(%run_scoped3A_92 : memref<!tpu.dma_semaphore, #tpu.memory_space<semaphore_mem>>) {add = true}
        %dma_wait3A_97 = arith.constant 0 : i32
        %dma_wait3A_98 = tpu.memref_slice %arg7[%run_scoped3A, %dma_wait3A_97] : memref<6x128xi32, #tpu.memory_space<vmem>> -> memref<1x128xi32, #tpu.memory_space<vmem>>
        %dma_wait3A_99 = tpu.memref_squeeze %dma_wait3A_98 : memref<1x128xi32, #tpu.memory_space<vmem>> -> memref<128xi32, #tpu.memory_space<vmem>>
        %dma_wait3A_100 = arith.constant 0 : i32
        %dma_wait3A_101 = tpu.memref_slice %arg11[%dma_wait3A_100] : memref<10000xf32, #tpu.memory_space<vmem_shared>> -> memref<10000xf32, #tpu.memory_space<vmem_shared>>
        tpu.wait_indirect_dma semaphore(%run_scoped3A_92 : memref<!tpu.dma_semaphore, #tpu.memory_space<semaphore_mem>>) src(%arg9 : memref<128xf32, #tpu.memory_space<vmem>>) dst(%dma_wait3A_101 : memref<10000xf32, #tpu.memory_space<vmem_shared>>)
        tpu.yield
      }) : () -> ()
      %run_scoped3A_91 = arith.constant 0 : i32
      "tpu.region"() ({
        %run_scoped3A_92 = tpu.sem_alloc : memref<!tpu.dma_semaphore, #tpu.memory_space<semaphore_mem>>
        %dma_start3A = arith.constant 0 : i32
        %dma_start3A_93 = tpu.memref_slice %arg8[%run_scoped3A_91, %dma_start3A] : memref<6x128xi32, #tpu.memory_space<vmem>> -> memref<1x128xi32, #tpu.memory_space<vmem>>
        %dma_start3A_94 = tpu.memref_squeeze %dma_start3A_93 : memref<1x128xi32, #tpu.memory_space<vmem>> -> memref<128xi32, #tpu.memory_space<vmem>>
        %dma_start3A_95 = arith.constant 0 : i32
        %dma_start3A_96 = tpu.memref_slice %arg12[%dma_start3A_95] : memref<10000xf32, #tpu.memory_space<vmem_shared>> -> memref<10000xf32, #tpu.memory_space<vmem_shared>>
        tpu.enqueue_indirect_dma source(%arg9 : memref<128xf32, #tpu.memory_space<vmem>>) target(%dma_start3A_96 : memref<10000xf32, #tpu.memory_space<vmem_shared>>) offsets(%dma_start3A_94 : memref<128xi32, #tpu.memory_space<vmem>>) semaphore(%run_scoped3A_92 : memref<!tpu.dma_semaphore, #tpu.memory_space<semaphore_mem>>) {add = true}
        %dma_wait3A_97 = arith.constant 0 : i32
        %dma_wait3A_98 = tpu.memref_slice %arg8[%run_scoped3A_91, %dma_wait3A_97] : memref<6x128xi32, #tpu.memory_space<vmem>> -> memref<1x128xi32, #tpu.memory_space<vmem>>
        %dma_wait3A_99 = tpu.memref_squeeze %dma_wait3A_98 : memref<1x128xi32, #tpu.memory_space<vmem>> -> memref<128xi32, #tpu.memory_space<vmem>>
        %dma_wait3A_100 = arith.constant 0 : i32
        %dma_wait3A_101 = tpu.memref_slice %arg12[%dma_wait3A_100] : memref<10000xf32, #tpu.memory_space<vmem_shared>> -> memref<10000xf32, #tpu.memory_space<vmem_shared>>
        tpu.wait_indirect_dma semaphore(%run_scoped3A_92 : memref<!tpu.dma_semaphore, #tpu.memory_space<semaphore_mem>>) src(%arg9 : memref<128xf32, #tpu.memory_space<vmem>>) dst(%dma_wait3A_101 : memref<10000xf32, #tpu.memory_space<vmem_shared>>)
        tpu.yield
      }) : () -> ()
    } else {
    }
    %barrier3A_76 = arith.constant 0 : index
    tpu.barrier barrier_id(%barrier3A_76)
    %lt3A_77 = arith.constant 15 : i32
    %lt3A_78 = arith.cmpi slt, %arg1, %lt3A_77 : i32
    %convert_element_type3A_79 = arith.extui %lt3A_78 : i1 to i32
    %cond3A_80 = arith.constant 0 : i32
    %cond3A_81 = arith.cmpi ne, %convert_element_type3A_79, %cond3A_80 : i32
    scf.if %cond3A_81 {
      %mul3A_87 = arith.constant 624 : i32
      %mul3A_88 = arith.muli %arg1, %mul3A_87 : i32
      "tpu.region"() ({
        %run_scoped3A = tpu.sem_alloc : memref<!tpu.dma_semaphore, #tpu.memory_space<semaphore_mem>>
        %dma_start3A = arith.constant 0 : i32
        %dma_start3A_101 = tpu.memref_slice %arg10[%dma_start3A] : memref<640xf32, #tpu.memory_space<vmem>> -> memref<624xf32, #tpu.memory_space<vmem>>
        %dma_start3A_102 = tpu.memref_slice %arg11[%mul3A_88] : memref<10000xf32, #tpu.memory_space<vmem_shared>> -> memref<624xf32, #tpu.memory_space<vmem_shared>>
        %dma_start3A_103 = arith.constant 0 : i32
        %dma_start3A_104 = tpu.memref_slice %arg10[%dma_start3A_103] : memref<640xf32, #tpu.memory_space<vmem>> -> memref<624xf32, #tpu.memory_space<vmem>>
        %dma_start3A_105 = tpu.memref_slice %arg11[%mul3A_88] : memref<10000xf32, #tpu.memory_space<vmem_shared>> -> memref<624xf32, #tpu.memory_space<vmem_shared>>
        tpu.enqueue_dma source(%dma_start3A_105 : memref<624xf32, #tpu.memory_space<vmem_shared>>) target(%dma_start3A_104 : memref<624xf32, #tpu.memory_space<vmem>>) target_semaphore(%run_scoped3A : memref<!tpu.dma_semaphore, #tpu.memory_space<semaphore_mem>>)
        %dma_wait3A_106 = arith.constant 0 : i32
        %dma_wait3A_107 = tpu.memref_slice %arg10[%dma_wait3A_106] : memref<640xf32, #tpu.memory_space<vmem>> -> memref<624xf32, #tpu.memory_space<vmem>>
        %dma_wait3A_108 = tpu.memref_slice %arg11[%mul3A_88] : memref<10000xf32, #tpu.memory_space<vmem_shared>> -> memref<624xf32, #tpu.memory_space<vmem_shared>>
        %dma_wait3A_109 = arith.constant 0 : i32
        %dma_wait3A_110 = tpu.memref_slice %arg10[%dma_wait3A_109] : memref<640xf32, #tpu.memory_space<vmem>> -> memref<624xf32, #tpu.memory_space<vmem>>
        %dma_wait3A_111 = tpu.memref_slice %arg11[%mul3A_88] : memref<10000xf32, #tpu.memory_space<vmem_shared>> -> memref<624xf32, #tpu.memory_space<vmem_shared>>
        tpu.wait_dma2 semaphore(%run_scoped3A : memref<!tpu.dma_semaphore, #tpu.memory_space<semaphore_mem>>) src(%dma_wait3A_111 : memref<624xf32, #tpu.memory_space<vmem_shared>>) dst(%dma_wait3A_110 : memref<624xf32, #tpu.memory_space<vmem>>)
        tpu.yield
      }) : () -> ()
      %mul3A_89 = arith.constant 10000 : i32
      %mul3A_90 = arith.muli %arg0, %mul3A_89 : i32
      %mul3A_91 = arith.constant 624 : i32
      %mul3A_92 = arith.muli %arg1, %mul3A_91 : i32
      %add3A_93 = arith.addi %mul3A_90, %mul3A_92 : i32
      "tpu.region"() ({
        %run_scoped3A = tpu.sem_alloc : memref<!tpu.dma_semaphore, #tpu.memory_space<semaphore_mem>>
        %dma_start3A = arith.constant 0 : i32
        %dma_start3A_101 = tpu.memref_slice %arg10[%dma_start3A] : memref<640xf32, #tpu.memory_space<vmem>> -> memref<624xf32, #tpu.memory_space<vmem>>
        %dma_start3A_102 = tpu.memref_slice %arg5[%add3A_93] : memref<20000xf32, #tpu.memory_space<hbm>> -> memref<624xf32, #tpu.memory_space<hbm>>
        %dma_start3A_103 = tpu.memref_slice %arg5[%add3A_93] : memref<20000xf32, #tpu.memory_space<hbm>> -> memref<624xf32, #tpu.memory_space<hbm>>
        %dma_start3A_104 = arith.constant 0 : i32
        %dma_start3A_105 = tpu.memref_slice %arg10[%dma_start3A_104] : memref<640xf32, #tpu.memory_space<vmem>> -> memref<624xf32, #tpu.memory_space<vmem>>
        tpu.enqueue_dma source(%dma_start3A_105 : memref<624xf32, #tpu.memory_space<vmem>>) target(%dma_start3A_103 : memref<624xf32, #tpu.memory_space<hbm>>) target_semaphore(%run_scoped3A : memref<!tpu.dma_semaphore, #tpu.memory_space<semaphore_mem>>)
        %dma_wait3A_106 = arith.constant 0 : i32
        %dma_wait3A_107 = tpu.memref_slice %arg10[%dma_wait3A_106] : memref<640xf32, #tpu.memory_space<vmem>> -> memref<624xf32, #tpu.memory_space<vmem>>
        %dma_wait3A_108 = tpu.memref_slice %arg5[%add3A_93] : memref<20000xf32, #tpu.memory_space<hbm>> -> memref<624xf32, #tpu.memory_space<hbm>>
        %dma_wait3A_109 = tpu.memref_slice %arg5[%add3A_93] : memref<20000xf32, #tpu.memory_space<hbm>> -> memref<624xf32, #tpu.memory_space<hbm>>
        %dma_wait3A_110 = arith.constant 0 : i32
        %dma_wait3A_111 = tpu.memref_slice %arg10[%dma_wait3A_110] : memref<640xf32, #tpu.memory_space<vmem>> -> memref<624xf32, #tpu.memory_space<vmem>>
        tpu.wait_dma2 semaphore(%run_scoped3A : memref<!tpu.dma_semaphore, #tpu.memory_space<semaphore_mem>>) src(%dma_wait3A_111 : memref<624xf32, #tpu.memory_space<vmem>>) dst(%dma_wait3A_109 : memref<624xf32, #tpu.memory_space<hbm>>)
        tpu.yield
      }) : () -> ()
      %mul3A_94 = arith.constant 624 : i32
      %mul3A_95 = arith.muli %arg1, %mul3A_94 : i32
      "tpu.region"() ({
        %run_scoped3A = tpu.sem_alloc : memref<!tpu.dma_semaphore, #tpu.memory_space<semaphore_mem>>
        %dma_start3A = arith.constant 0 : i32
        %dma_start3A_101 = tpu.memref_slice %arg10[%dma_start3A] : memref<640xf32, #tpu.memory_space<vmem>> -> memref<624xf32, #tpu.memory_space<vmem>>
        %dma_start3A_102 = tpu.memref_slice %arg12[%mul3A_95] : memref<10000xf32, #tpu.memory_space<vmem_shared>> -> memref<624xf32, #tpu.memory_space<vmem_shared>>
        %dma_start3A_103 = arith.constant 0 : i32
        %dma_start3A_104 = tpu.memref_slice %arg10[%dma_start3A_103] : memref<640xf32, #tpu.memory_space<vmem>> -> memref<624xf32, #tpu.memory_space<vmem>>
        %dma_start3A_105 = tpu.memref_slice %arg12[%mul3A_95] : memref<10000xf32, #tpu.memory_space<vmem_shared>> -> memref<624xf32, #tpu.memory_space<vmem_shared>>
        tpu.enqueue_dma source(%dma_start3A_105 : memref<624xf32, #tpu.memory_space<vmem_shared>>) target(%dma_start3A_104 : memref<624xf32, #tpu.memory_space<vmem>>) target_semaphore(%run_scoped3A : memref<!tpu.dma_semaphore, #tpu.memory_space<semaphore_mem>>)
        %dma_wait3A_106 = arith.constant 0 : i32
        %dma_wait3A_107 = tpu.memref_slice %arg10[%dma_wait3A_106] : memref<640xf32, #tpu.memory_space<vmem>> -> memref<624xf32, #tpu.memory_space<vmem>>
        %dma_wait3A_108 = tpu.memref_slice %arg12[%mul3A_95] : memref<10000xf32, #tpu.memory_space<vmem_shared>> -> memref<624xf32, #tpu.memory_space<vmem_shared>>
        %dma_wait3A_109 = arith.constant 0 : i32
        %dma_wait3A_110 = tpu.memref_slice %arg10[%dma_wait3A_109] : memref<640xf32, #tpu.memory_space<vmem>> -> memref<624xf32, #tpu.memory_space<vmem>>
        %dma_wait3A_111 = tpu.memref_slice %arg12[%mul3A_95] : memref<10000xf32, #tpu.memory_space<vmem_shared>> -> memref<624xf32, #tpu.memory_space<vmem_shared>>
        tpu.wait_dma2 semaphore(%run_scoped3A : memref<!tpu.dma_semaphore, #tpu.memory_space<semaphore_mem>>) src(%dma_wait3A_111 : memref<624xf32, #tpu.memory_space<vmem_shared>>) dst(%dma_wait3A_110 : memref<624xf32, #tpu.memory_space<vmem>>)
        tpu.yield
      }) : () -> ()
      %mul3A_96 = arith.constant 10000 : i32
      %mul3A_97 = arith.muli %arg0, %mul3A_96 : i32
      %mul3A_98 = arith.constant 624 : i32
      %mul3A_99 = arith.muli %arg1, %mul3A_98 : i32
      %add3A_100 = arith.addi %mul3A_97, %mul3A_99 : i32
      "tpu.region"() ({
        %run_scoped3A = tpu.sem_alloc : memref<!tpu.dma_semaphore, #tpu.memory_space<semaphore_mem>>
        %dma_start3A = arith.constant 0 : i32
        %dma_start3A_101 = tpu.memref_slice %arg10[%dma_start3A] : memref<640xf32, #tpu.memory_space<vmem>> -> memref<624xf32, #tpu.memory_space<vmem>>
        %dma_start3A_102 = tpu.memref_slice %arg6[%add3A_100] : memref<20000xf32, #tpu.memory_space<hbm>> -> memref<624xf32, #tpu.memory_space<hbm>>
        %dma_start3A_103 = tpu.memref_slice %arg6[%add3A_100] : memref<20000xf32, #tpu.memory_space<hbm>> -> memref<624xf32, #tpu.memory_space<hbm>>
        %dma_start3A_104 = arith.constant 0 : i32
        %dma_start3A_105 = tpu.memref_slice %arg10[%dma_start3A_104] : memref<640xf32, #tpu.memory_space<vmem>> -> memref<624xf32, #tpu.memory_space<vmem>>
        tpu.enqueue_dma source(%dma_start3A_105 : memref<624xf32, #tpu.memory_space<vmem>>) target(%dma_start3A_103 : memref<624xf32, #tpu.memory_space<hbm>>) target_semaphore(%run_scoped3A : memref<!tpu.dma_semaphore, #tpu.memory_space<semaphore_mem>>)
        %dma_wait3A_106 = arith.constant 0 : i32
        %dma_wait3A_107 = tpu.memref_slice %arg10[%dma_wait3A_106] : memref<640xf32, #tpu.memory_space<vmem>> -> memref<624xf32, #tpu.memory_space<vmem>>
        %dma_wait3A_108 = tpu.memref_slice %arg6[%add3A_100] : memref<20000xf32, #tpu.memory_space<hbm>> -> memref<624xf32, #tpu.memory_space<hbm>>
        %dma_wait3A_109 = tpu.memref_slice %arg6[%add3A_100] : memref<20000xf32, #tpu.memory_space<hbm>> -> memref<624xf32, #tpu.memory_space<hbm>>
        %dma_wait3A_110 = arith.constant 0 : i32
        %dma_wait3A_111 = tpu.memref_slice %arg10[%dma_wait3A_110] : memref<640xf32, #tpu.memory_space<vmem>> -> memref<624xf32, #tpu.memory_space<vmem>>
        tpu.wait_dma2 semaphore(%run_scoped3A : memref<!tpu.dma_semaphore, #tpu.memory_space<semaphore_mem>>) src(%dma_wait3A_111 : memref<624xf32, #tpu.memory_space<vmem>>) dst(%dma_wait3A_109 : memref<624xf32, #tpu.memory_space<hbm>>)
        tpu.yield
      }) : () -> ()
    } else {
    }
    %eq3A_82 = arith.constant 15 : i32
    %eq3A_83 = arith.cmpi eq, %arg1, %eq3A_82 : i32
    %convert_element_type3A_84 = arith.extui %eq3A_83 : i1 to i32
    %cond3A_85 = arith.constant 0 : i32
    %cond3A_86 = arith.cmpi ne, %convert_element_type3A_84, %cond3A_85 : i32
    scf.if %cond3A_86 {
      "tpu.region"() ({
        %run_scoped3A = tpu.sem_alloc : memref<!tpu.dma_semaphore, #tpu.memory_space<semaphore_mem>>
        %dma_start3A = arith.constant 9360 : i32
        %dma_start3A_95 = tpu.memref_slice %arg11[%dma_start3A] : memref<10000xf32, #tpu.memory_space<vmem_shared>> -> memref<640xf32, #tpu.memory_space<vmem_shared>>
        %dma_start3A_96 = arith.constant 9360 : i32
        %dma_start3A_97 = tpu.memref_slice %arg11[%dma_start3A_96] : memref<10000xf32, #tpu.memory_space<vmem_shared>> -> memref<640xf32, #tpu.memory_space<vmem_shared>>
        tpu.enqueue_dma source(%dma_start3A_97 : memref<640xf32, #tpu.memory_space<vmem_shared>>) target(%arg10 : memref<640xf32, #tpu.memory_space<vmem>>) target_semaphore(%run_scoped3A : memref<!tpu.dma_semaphore, #tpu.memory_space<semaphore_mem>>)
        %dma_wait3A_98 = arith.constant 9360 : i32
        %dma_wait3A_99 = tpu.memref_slice %arg11[%dma_wait3A_98] : memref<10000xf32, #tpu.memory_space<vmem_shared>> -> memref<640xf32, #tpu.memory_space<vmem_shared>>
        %dma_wait3A_100 = arith.constant 9360 : i32
        %dma_wait3A_101 = tpu.memref_slice %arg11[%dma_wait3A_100] : memref<10000xf32, #tpu.memory_space<vmem_shared>> -> memref<640xf32, #tpu.memory_space<vmem_shared>>
        tpu.wait_dma2 semaphore(%run_scoped3A : memref<!tpu.dma_semaphore, #tpu.memory_space<semaphore_mem>>) src(%dma_wait3A_101 : memref<640xf32, #tpu.memory_space<vmem_shared>>) dst(%arg10 : memref<640xf32, #tpu.memory_space<vmem>>)
        tpu.yield
      }) : () -> ()
      %mul3A_87 = arith.constant 10000 : i32
      %mul3A_88 = arith.muli %arg0, %mul3A_87 : i32
      %add3A_89 = arith.constant 9360 : i32
      %add3A_90 = arith.addi %mul3A_88, %add3A_89 : i32
      "tpu.region"() ({
        %run_scoped3A = tpu.sem_alloc : memref<!tpu.dma_semaphore, #tpu.memory_space<semaphore_mem>>
        %dma_start3A = tpu.memref_slice %arg5[%add3A_90] : memref<20000xf32, #tpu.memory_space<hbm>> -> memref<640xf32, #tpu.memory_space<hbm>>
        %dma_start3A_95 = tpu.memref_slice %arg5[%add3A_90] : memref<20000xf32, #tpu.memory_space<hbm>> -> memref<640xf32, #tpu.memory_space<hbm>>
        tpu.enqueue_dma source(%arg10 : memref<640xf32, #tpu.memory_space<vmem>>) target(%dma_start3A_95 : memref<640xf32, #tpu.memory_space<hbm>>) target_semaphore(%run_scoped3A : memref<!tpu.dma_semaphore, #tpu.memory_space<semaphore_mem>>)
        %dma_wait3A_96 = tpu.memref_slice %arg5[%add3A_90] : memref<20000xf32, #tpu.memory_space<hbm>> -> memref<640xf32, #tpu.memory_space<hbm>>
        %dma_wait3A_97 = tpu.memref_slice %arg5[%add3A_90] : memref<20000xf32, #tpu.memory_space<hbm>> -> memref<640xf32, #tpu.memory_space<hbm>>
        tpu.wait_dma2 semaphore(%run_scoped3A : memref<!tpu.dma_semaphore, #tpu.memory_space<semaphore_mem>>) src(%arg10 : memref<640xf32, #tpu.memory_space<vmem>>) dst(%dma_wait3A_97 : memref<640xf32, #tpu.memory_space<hbm>>)
        tpu.yield
      }) : () -> ()
      "tpu.region"() ({
        %run_scoped3A = tpu.sem_alloc : memref<!tpu.dma_semaphore, #tpu.memory_space<semaphore_mem>>
        %dma_start3A = arith.constant 9360 : i32
        %dma_start3A_95 = tpu.memref_slice %arg12[%dma_start3A] : memref<10000xf32, #tpu.memory_space<vmem_shared>> -> memref<640xf32, #tpu.memory_space<vmem_shared>>
        %dma_start3A_96 = arith.constant 9360 : i32
        %dma_start3A_97 = tpu.memref_slice %arg12[%dma_start3A_96] : memref<10000xf32, #tpu.memory_space<vmem_shared>> -> memref<640xf32, #tpu.memory_space<vmem_shared>>
        tpu.enqueue_dma source(%dma_start3A_97 : memref<640xf32, #tpu.memory_space<vmem_shared>>) target(%arg10 : memref<640xf32, #tpu.memory_space<vmem>>) target_semaphore(%run_scoped3A : memref<!tpu.dma_semaphore, #tpu.memory_space<semaphore_mem>>)
        %dma_wait3A_98 = arith.constant 9360 : i32
        %dma_wait3A_99 = tpu.memref_slice %arg12[%dma_wait3A_98] : memref<10000xf32, #tpu.memory_space<vmem_shared>> -> memref<640xf32, #tpu.memory_space<vmem_shared>>
        %dma_wait3A_100 = arith.constant 9360 : i32
        %dma_wait3A_101 = tpu.memref_slice %arg12[%dma_wait3A_100] : memref<10000xf32, #tpu.memory_space<vmem_shared>> -> memref<640xf32, #tpu.memory_space<vmem_shared>>
        tpu.wait_dma2 semaphore(%run_scoped3A : memref<!tpu.dma_semaphore, #tpu.memory_space<semaphore_mem>>) src(%dma_wait3A_101 : memref<640xf32, #tpu.memory_space<vmem_shared>>) dst(%arg10 : memref<640xf32, #tpu.memory_space<vmem>>)
        tpu.yield
      }) : () -> ()
      %mul3A_91 = arith.constant 10000 : i32
      %mul3A_92 = arith.muli %arg0, %mul3A_91 : i32
      %add3A_93 = arith.constant 9360 : i32
      %add3A_94 = arith.addi %mul3A_92, %add3A_93 : i32
      "tpu.region"() ({
        %run_scoped3A = tpu.sem_alloc : memref<!tpu.dma_semaphore, #tpu.memory_space<semaphore_mem>>
        %dma_start3A = tpu.memref_slice %arg6[%add3A_94] : memref<20000xf32, #tpu.memory_space<hbm>> -> memref<640xf32, #tpu.memory_space<hbm>>
        %dma_start3A_95 = tpu.memref_slice %arg6[%add3A_94] : memref<20000xf32, #tpu.memory_space<hbm>> -> memref<640xf32, #tpu.memory_space<hbm>>
        tpu.enqueue_dma source(%arg10 : memref<640xf32, #tpu.memory_space<vmem>>) target(%dma_start3A_95 : memref<640xf32, #tpu.memory_space<hbm>>) target_semaphore(%run_scoped3A : memref<!tpu.dma_semaphore, #tpu.memory_space<semaphore_mem>>)
        %dma_wait3A_96 = tpu.memref_slice %arg6[%add3A_94] : memref<20000xf32, #tpu.memory_space<hbm>> -> memref<640xf32, #tpu.memory_space<hbm>>
        %dma_wait3A_97 = tpu.memref_slice %arg6[%add3A_94] : memref<20000xf32, #tpu.memory_space<hbm>> -> memref<640xf32, #tpu.memory_space<hbm>>
        tpu.wait_dma2 semaphore(%run_scoped3A : memref<!tpu.dma_semaphore, #tpu.memory_space<semaphore_mem>>) src(%arg10 : memref<640xf32, #tpu.memory_space<vmem>>) dst(%dma_wait3A_97 : memref<640xf32, #tpu.memory_space<hbm>>)
        tpu.yield
      }) : () -> ()
    } else {
    }
    return
  }
}

module attributes {stable_mosaic.version = 14 : i64} {
  func.func @body(%arg0: i32, %arg1: memref<2000x128xf32, #tpu.memory_space<vmem>>, %arg2: memref<128x128xf32, #tpu.memory_space<vmem>>, %arg3: memref<2x2000x1xf32, #tpu.memory_space<vmem>>, %arg4: memref<2x2000x1xf32, #tpu.memory_space<vmem>>, %arg5: memref<2000x128xf32, #tpu.memory_space<vmem>>, %arg6: memref<2000x1xf32, #tpu.memory_space<vmem>>, %arg7: memref<2000x1xf32, #tpu.memory_space<vmem>>) attributes {dimension_semantics = [#tpu.dimension_semantics<arbitrary>], iteration_bounds = array<i64: 5>, scalar_prefetch = 0 : i64, scratch_operands = 0 : i64, tpu.core_type = #tpu.core_type<tc>, window_params = [{transform_indices = @transform_0, window_bounds = array<i64: 2000, 128>}, {pipeline_mode = #tpu.pipeline_mode<synchronous>, transform_indices = @transform_1, window_bounds = array<i64: 128, 128>}, {transform_indices = @transform_2, window_bounds = array<i64: 2, 2000, 1>}, {transform_indices = @transform_3, window_bounds = array<i64: 2, 2000, 1>}, {transform_indices = @transform_4, window_bounds = array<i64: 2000, 128>}, {transform_indices = @transform_5, window_bounds = array<i64: 2000, 1>}, {transform_indices = @transform_6, window_bounds = array<i64: 2000, 1>}]} {
    %get3A = arith.constant 0 : index
    %get3A_0 = arith.constant 0 : index
    %get3A_1 = arith.constant 0 : index
    %get3A_2 = vector.load %arg3[%get3A, %get3A_0, %get3A_1] : memref<2x2000x1xf32, #tpu.memory_space<vmem>>, vector<1x2000x1xf32>
    %get3A_3 = vector.shape_cast %get3A_2 : vector<1x2000x1xf32> to vector<2000x1xf32>
    %get3A_4 = arith.constant 1 : index
    %get3A_5 = arith.constant 0 : index
    %get3A_6 = arith.constant 0 : index
    %get3A_7 = vector.load %arg3[%get3A_4, %get3A_5, %get3A_6] : memref<2x2000x1xf32, #tpu.memory_space<vmem>>, vector<1x2000x1xf32>
    %get3A_8 = vector.shape_cast %get3A_7 : vector<1x2000x1xf32> to vector<2000x1xf32>
    %add3A = arith.addf %get3A_3, %get3A_8 : vector<2000x1xf32>
    %max3A = arith.constant 1.000000e+00 : f32
    %max3A_9 = vector.broadcast %max3A : f32 to vector<2000x1xf32>
    %max3A_10 = arith.maximumf %add3A, %max3A_9 : vector<2000x1xf32>
    %sqrt3A = math.sqrt %max3A_10 : vector<2000x1xf32>
    %div3A = arith.constant 1.000000e+00 : f32
    %div3A_11 = vector.broadcast %div3A : f32 to vector<2000x1xf32>
    %div3A_12 = arith.divf %div3A_11, %sqrt3A : vector<2000x1xf32>
    %get3A_13 = arith.constant 0 : index
    %get3A_14 = arith.constant 0 : index
    %get3A_15 = arith.constant 0 : index
    %get3A_16 = vector.load %arg4[%get3A_13, %get3A_14, %get3A_15] : memref<2x2000x1xf32, #tpu.memory_space<vmem>>, vector<1x2000x1xf32>
    %get3A_17 = vector.shape_cast %get3A_16 : vector<1x2000x1xf32> to vector<2000x1xf32>
    %get3A_18 = arith.constant 1 : index
    %get3A_19 = arith.constant 0 : index
    %get3A_20 = arith.constant 0 : index
    %get3A_21 = vector.load %arg4[%get3A_18, %get3A_19, %get3A_20] : memref<2x2000x1xf32, #tpu.memory_space<vmem>>, vector<1x2000x1xf32>
    %get3A_22 = vector.shape_cast %get3A_21 : vector<1x2000x1xf32> to vector<2000x1xf32>
    %add3A_23 = arith.addf %get3A_17, %get3A_22 : vector<2000x1xf32>
    %max3A_24 = arith.constant 1.000000e+00 : f32
    %max3A_25 = vector.broadcast %max3A_24 : f32 to vector<2000x1xf32>
    %max3A_26 = arith.maximumf %add3A_23, %max3A_25 : vector<2000x1xf32>
    %sqrt3A_27 = math.sqrt %max3A_26 : vector<2000x1xf32>
    %div3A_28 = arith.constant 1.000000e+00 : f32
    %div3A_29 = vector.broadcast %div3A_28 : f32 to vector<2000x1xf32>
    %div3A_30 = arith.divf %div3A_29, %sqrt3A_27 : vector<2000x1xf32>
    %swap3A = arith.constant 0 : index
    %swap3A_31 = arith.constant 0 : index
    %swap3A_32 = vector.load %arg6[%swap3A, %swap3A_31] : memref<2000x1xf32, #tpu.memory_space<vmem>>, vector<2000x1xf32>
    tpu.vector_store %arg6[%swap3A, %swap3A_31], %div3A_12 {strides = array<i32>} : memref<2000x1xf32, #tpu.memory_space<vmem>>, vector<2000x1xf32>,
    %swap3A_33 = arith.constant 0 : index
    %swap3A_34 = arith.constant 0 : index
    %swap3A_35 = vector.load %arg7[%swap3A_33, %swap3A_34] : memref<2000x1xf32, #tpu.memory_space<vmem>>, vector<2000x1xf32>
    tpu.vector_store %arg7[%swap3A_33, %swap3A_34], %div3A_30 {strides = array<i32>} : memref<2000x1xf32, #tpu.memory_space<vmem>>, vector<2000x1xf32>,
    %get3A_36 = arith.constant 0 : index
    %get3A_37 = arith.constant 0 : index
    %get3A_38 = vector.load %arg1[%get3A_36, %get3A_37] : memref<2000x128xf32, #tpu.memory_space<vmem>>, vector<2000x128xf32>
    %mul3A = vector.broadcast %div3A_12 : vector<2000x1xf32> to vector<2000x128xf32>
    %mul3A_39 = arith.mulf %get3A_38, %mul3A : vector<2000x128xf32>
    %get3A_40 = arith.constant 0 : index
    %get3A_41 = arith.constant 0 : index
    %get3A_42 = vector.load %arg2[%get3A_40, %get3A_41] : memref<128x128xf32, #tpu.memory_space<vmem>>, vector<128x128xf32>
    %dot_general3A = arith.constant dense<0.000000e+00> : vector<2000x128xf32>
    %dot_general3A_43 = tpu.matmul %mul3A_39, %get3A_42, %dot_general3A {dimension_numbers = #tpu.dot_dimension_numbers<[1], [0], [0], [1], [0, 0, 1, 1], [], []>, transpose_lhs_hint = false} : vector<2000x128xf32>, vector<128x128xf32>, vector<2000x128xf32> -> vector<2000x128xf32>
    %swap3A_44 = arith.constant 0 : index
    %swap3A_45 = arith.constant 0 : index
    %swap3A_46 = vector.load %arg5[%swap3A_44, %swap3A_45] : memref<2000x128xf32, #tpu.memory_space<vmem>>, vector<2000x128xf32>
    tpu.vector_store %arg5[%swap3A_44, %swap3A_45], %dot_general3A_43 {strides = array<i32>} : memref<2000x128xf32, #tpu.memory_space<vmem>>, vector<2000x128xf32>,
    return
  }
  func.func @transform_0(%arg0: i32) -> (i32, i32) {
    %c0_i32 = arith.constant 0 : i32
    %c0_i32_0 = arith.constant 0 : i32
    return %arg0, %c0_i32 : i32, i32
  }
  func.func @transform_1(%arg0: i32) -> (i32, i32) {
    %c0_i32 = arith.constant 0 : i32
    %c0_i32_0 = arith.constant 0 : i32
    %c0_i32_1 = arith.constant 0 : i32
    return %c0_i32, %c0_i32_0 : i32, i32
  }
  func.func @transform_2(%arg0: i32) -> (i32, i32, i32) {
    %c0_i32 = arith.constant 0 : i32
    %c0_i32_0 = arith.constant 0 : i32
    %c0_i32_1 = arith.constant 0 : i32
    return %c0_i32, %arg0, %c0_i32_0 : i32, i32, i32
  }
  func.func @transform_3(%arg0: i32) -> (i32, i32, i32) {
    %c0_i32 = arith.constant 0 : i32
    %c0_i32_0 = arith.constant 0 : i32
    %c0_i32_1 = arith.constant 0 : i32
    return %c0_i32, %arg0, %c0_i32_0 : i32, i32, i32
  }
  func.func @transform_4(%arg0: i32) -> (i32, i32) {
    %c0_i32 = arith.constant 0 : i32
    %c0_i32_0 = arith.constant 0 : i32
    return %arg0, %c0_i32 : i32, i32
  }
  func.func @transform_5(%arg0: i32) -> (i32, i32) {
    %c0_i32 = arith.constant 0 : i32
    %c0_i32_0 = arith.constant 0 : i32
    return %arg0, %c0_i32 : i32, i32
  }
  func.func @transform_6(%arg0: i32) -> (i32, i32) {
    %c0_i32 = arith.constant 0 : i32
    %c0_i32_0 = arith.constant 0 : i32
    return %arg0, %c0_i32 : i32, i32
  }
}

module attributes {stable_mosaic.version = 14 : i64} {
  func.func @body(%arg0: i32, %arg1: memref<2x2000x128xf32, #tpu.memory_space<vmem>>, %arg2: memref<2000x1xf32, #tpu.memory_space<vmem>>, %arg3: memref<1x128xf32, #tpu.memory_space<vmem>>, %arg4: memref<2000x1xf32, #tpu.memory_space<vmem>>, %arg5: memref<128x16xf32, #tpu.memory_space<vmem>>, %arg6: memref<2000x128xf32, #tpu.memory_space<vmem>>, %arg7: memref<2000x16xf32, #tpu.memory_space<vmem>>) attributes {dimension_semantics = [#tpu.dimension_semantics<arbitrary>], iteration_bounds = array<i64: 5>, scalar_prefetch = 0 : i64, scratch_operands = 0 : i64, tpu.core_type = #tpu.core_type<tc>, window_params = [{transform_indices = @transform_0, window_bounds = array<i64: 2, 2000, 128>}, {transform_indices = @transform_1, window_bounds = array<i64: 2000, 1>}, {pipeline_mode = #tpu.pipeline_mode<synchronous>, transform_indices = @transform_2, window_bounds = array<i64: 1, 128>}, {transform_indices = @transform_3, window_bounds = array<i64: 2000, 1>}, {pipeline_mode = #tpu.pipeline_mode<synchronous>, transform_indices = @transform_4, window_bounds = array<i64: 128, 16>}, {transform_indices = @transform_5, window_bounds = array<i64: 2000, 128>}, {transform_indices = @transform_6, window_bounds = array<i64: 2000, 16>}]} {
    %get3A = arith.constant 0 : index
    %get3A_0 = arith.constant 0 : index
    %get3A_1 = arith.constant 0 : index
    %get3A_2 = vector.load %arg1[%get3A, %get3A_0, %get3A_1] : memref<2x2000x128xf32, #tpu.memory_space<vmem>>, vector<1x2000x128xf32>
    %get3A_3 = vector.shape_cast %get3A_2 : vector<1x2000x128xf32> to vector<2000x128xf32>
    %get3A_4 = arith.constant 1 : index
    %get3A_5 = arith.constant 0 : index
    %get3A_6 = arith.constant 0 : index
    %get3A_7 = vector.load %arg1[%get3A_4, %get3A_5, %get3A_6] : memref<2x2000x128xf32, #tpu.memory_space<vmem>>, vector<1x2000x128xf32>
    %get3A_8 = vector.shape_cast %get3A_7 : vector<1x2000x128xf32> to vector<2000x128xf32>
    %add3A = arith.addf %get3A_3, %get3A_8 : vector<2000x128xf32>
    %get3A_9 = arith.constant 0 : index
    %get3A_10 = arith.constant 0 : index
    %get3A_11 = vector.load %arg2[%get3A_9, %get3A_10] : memref<2000x1xf32, #tpu.memory_space<vmem>>, vector<2000x1xf32>
    %mul3A = vector.broadcast %get3A_11 : vector<2000x1xf32> to vector<2000x128xf32>
    %mul3A_12 = arith.mulf %add3A, %mul3A : vector<2000x128xf32>
    %get3A_13 = arith.constant 0 : index
    %get3A_14 = arith.constant 0 : index
    %get3A_15 = vector.load %arg3[%get3A_13, %get3A_14] : memref<1x128xf32, #tpu.memory_space<vmem>>, vector<1x128xf32>
    %add3A_16 = vector.broadcast %get3A_15 : vector<1x128xf32> to vector<2000x128xf32>
    %add3A_17 = arith.addf %mul3A_12, %add3A_16 : vector<2000x128xf32>
    %max3A = arith.constant 0.000000e+00 : f32
    %max3A_18 = vector.broadcast %max3A : f32 to vector<2000x128xf32>
    %max3A_19 = arith.maximumf %add3A_17, %max3A_18 : vector<2000x128xf32>
    %swap3A = arith.constant 0 : index
    %swap3A_20 = arith.constant 0 : index
    %swap3A_21 = vector.load %arg6[%swap3A, %swap3A_20] : memref<2000x128xf32, #tpu.memory_space<vmem>>, vector<2000x128xf32>
    tpu.vector_store %arg6[%swap3A, %swap3A_20], %max3A_19 {strides = array<i32>} : memref<2000x128xf32, #tpu.memory_space<vmem>>, vector<2000x128xf32>,
    %get3A_22 = arith.constant 0 : index
    %get3A_23 = arith.constant 0 : index
    %get3A_24 = vector.load %arg4[%get3A_22, %get3A_23] : memref<2000x1xf32, #tpu.memory_space<vmem>>, vector<2000x1xf32>
    %mul3A_25 = vector.broadcast %get3A_24 : vector<2000x1xf32> to vector<2000x128xf32>
    %mul3A_26 = arith.mulf %max3A_19, %mul3A_25 : vector<2000x128xf32>
    %get3A_27 = arith.constant 0 : index
    %get3A_28 = arith.constant 0 : index
    %get3A_29 = vector.load %arg5[%get3A_27, %get3A_28] : memref<128x16xf32, #tpu.memory_space<vmem>>, vector<128x16xf32>
    %dot_general3A = arith.constant dense<0.000000e+00> : vector<2000x16xf32>
    %dot_general3A_30 = tpu.matmul %mul3A_26, %get3A_29, %dot_general3A {dimension_numbers = #tpu.dot_dimension_numbers<[1], [0], [0], [1], [0, 0, 1, 1], [], []>, transpose_lhs_hint = false} : vector<2000x128xf32>, vector<128x16xf32>, vector<2000x16xf32> -> vector<2000x16xf32>
    %swap3A_31 = arith.constant 0 : index
    %swap3A_32 = arith.constant 0 : index
    %swap3A_33 = vector.load %arg7[%swap3A_31, %swap3A_32] : memref<2000x16xf32, #tpu.memory_space<vmem>>, vector<2000x16xf32>
    tpu.vector_store %arg7[%swap3A_31, %swap3A_32], %dot_general3A_30 {strides = array<i32>} : memref<2000x16xf32, #tpu.memory_space<vmem>>, vector<2000x16xf32>,
    return
  }
  func.func @transform_0(%arg0: i32) -> (i32, i32, i32) {
    %c0_i32 = arith.constant 0 : i32
    %c0_i32_0 = arith.constant 0 : i32
    %c0_i32_1 = arith.constant 0 : i32
    return %c0_i32, %arg0, %c0_i32_0 : i32, i32, i32
  }
  func.func @transform_1(%arg0: i32) -> (i32, i32) {
    %c0_i32 = arith.constant 0 : i32
    %c0_i32_0 = arith.constant 0 : i32
    return %arg0, %c0_i32 : i32, i32
  }
  func.func @transform_2(%arg0: i32) -> (i32, i32) {
    %c0_i32 = arith.constant 0 : i32
    %c0_i32_0 = arith.constant 0 : i32
    %c0_i32_1 = arith.constant 0 : i32
    return %c0_i32, %c0_i32_0 : i32, i32
  }
  func.func @transform_3(%arg0: i32) -> (i32, i32) {
    %c0_i32 = arith.constant 0 : i32
    %c0_i32_0 = arith.constant 0 : i32
    return %arg0, %c0_i32 : i32, i32
  }
  func.func @transform_4(%arg0: i32) -> (i32, i32) {
    %c0_i32 = arith.constant 0 : i32
    %c0_i32_0 = arith.constant 0 : i32
    %c0_i32_1 = arith.constant 0 : i32
    return %c0_i32, %c0_i32_0 : i32, i32
  }
  func.func @transform_5(%arg0: i32) -> (i32, i32) {
    %c0_i32 = arith.constant 0 : i32
    %c0_i32_0 = arith.constant 0 : i32
    return %arg0, %c0_i32 : i32, i32
  }
  func.func @transform_6(%arg0: i32) -> (i32, i32) {
    %c0_i32 = arith.constant 0 : i32
    %c0_i32_0 = arith.constant 0 : i32
    return %arg0, %c0_i32 : i32, i32
  }
}

module attributes {stable_mosaic.version = 14 : i64} {
  func.func @body(%arg0: i32, %arg1: memref<2x2000x16xf32, #tpu.memory_space<vmem>>, %arg2: memref<2000x1xf32, #tpu.memory_space<vmem>>, %arg3: memref<1x16xf32, #tpu.memory_space<vmem>>, %arg4: memref<2000x16xf32, #tpu.memory_space<vmem>>) attributes {dimension_semantics = [#tpu.dimension_semantics<arbitrary>], iteration_bounds = array<i64: 5>, scalar_prefetch = 0 : i64, scratch_operands = 0 : i64, tpu.core_type = #tpu.core_type<tc>, window_params = [{transform_indices = @transform_0, window_bounds = array<i64: 2, 2000, 16>}, {transform_indices = @transform_1, window_bounds = array<i64: 2000, 1>}, {pipeline_mode = #tpu.pipeline_mode<synchronous>, transform_indices = @transform_2, window_bounds = array<i64: 1, 16>}, {transform_indices = @transform_3, window_bounds = array<i64: 2000, 16>}]} {
    %get3A = arith.constant 0 : index
    %get3A_0 = arith.constant 0 : index
    %get3A_1 = arith.constant 0 : index
    %get3A_2 = vector.load %arg1[%get3A, %get3A_0, %get3A_1] : memref<2x2000x16xf32, #tpu.memory_space<vmem>>, vector<1x2000x16xf32>
    %get3A_3 = vector.shape_cast %get3A_2 : vector<1x2000x16xf32> to vector<2000x16xf32>
    %get3A_4 = arith.constant 1 : index
    %get3A_5 = arith.constant 0 : index
    %get3A_6 = arith.constant 0 : index
    %get3A_7 = vector.load %arg1[%get3A_4, %get3A_5, %get3A_6] : memref<2x2000x16xf32, #tpu.memory_space<vmem>>, vector<1x2000x16xf32>
    %get3A_8 = vector.shape_cast %get3A_7 : vector<1x2000x16xf32> to vector<2000x16xf32>
    %add3A = arith.addf %get3A_3, %get3A_8 : vector<2000x16xf32>
    %get3A_9 = arith.constant 0 : index
    %get3A_10 = arith.constant 0 : index
    %get3A_11 = vector.load %arg2[%get3A_9, %get3A_10] : memref<2000x1xf32, #tpu.memory_space<vmem>>, vector<2000x1xf32>
    %mul3A = vector.broadcast %get3A_11 : vector<2000x1xf32> to vector<2000x16xf32>
    %mul3A_12 = arith.mulf %add3A, %mul3A : vector<2000x16xf32>
    %get3A_13 = arith.constant 0 : index
    %get3A_14 = arith.constant 0 : index
    %get3A_15 = vector.load %arg3[%get3A_13, %get3A_14] : memref<1x16xf32, #tpu.memory_space<vmem>>, vector<1x16xf32>
    %add3A_16 = vector.broadcast %get3A_15 : vector<1x16xf32> to vector<2000x16xf32>
    %add3A_17 = arith.addf %mul3A_12, %add3A_16 : vector<2000x16xf32>
    %swap3A = arith.constant 0 : index
    %swap3A_18 = arith.constant 0 : index
    %swap3A_19 = vector.load %arg4[%swap3A, %swap3A_18] : memref<2000x16xf32, #tpu.memory_space<vmem>>, vector<2000x16xf32>
    tpu.vector_store %arg4[%swap3A, %swap3A_18], %add3A_17 {strides = array<i32>} : memref<2000x16xf32, #tpu.memory_space<vmem>>, vector<2000x16xf32>,
    return
  }
  func.func @transform_0(%arg0: i32) -> (i32, i32, i32) {
    %c0_i32 = arith.constant 0 : i32
    %c0_i32_0 = arith.constant 0 : i32
    %c0_i32_1 = arith.constant 0 : i32
    return %c0_i32, %arg0, %c0_i32_0 : i32, i32, i32
  }
  func.func @transform_1(%arg0: i32) -> (i32, i32) {
    %c0_i32 = arith.constant 0 : i32
    %c0_i32_0 = arith.constant 0 : i32
    return %arg0, %c0_i32 : i32, i32
  }
  func.func @transform_2(%arg0: i32) -> (i32, i32) {
    %c0_i32 = arith.constant 0 : i32
    %c0_i32_0 = arith.constant 0 : i32
    %c0_i32_1 = arith.constant 0 : i32
    return %c0_i32, %c0_i32_0 : i32, i32
  }
  func.func @transform_3(%arg0: i32) -> (i32, i32) {
    %c0_i32 = arith.constant 0 : i32
    %c0_i32_0 = arith.constant 0 : i32
    return %arg0, %c0_i32 : i32, i32
  }
}

</mosaic_0001>

<sc_bundles>
// kernel: kernel.11.cloned.1.call-start
scs
__scs_entry_jumppad:
0x0: {  	(pc) =	sbr.rel $0x88, $3  }
0x1: {  	(tag) =	ssettag $0x0;
	lr =	simm.s32 $0x1  }
0x2: {  	[smem:$0x3F9B] =	sst lr;
	_ =	strace $0xD0000000  }
0x3: {  	_ = 	snop  }
0x4: {  	_ = 	snop  }
0x5: {  	_ = 	snop  }
0x6: {  	_ = 	snop  }
0x7: {  	_ = 	snop  }
__scs_overlays_trampoline_lowered:
0x8: {  	[smem:$0x3FAA] =	sst s0  }
0x9: {  	[smem:$0x3FAB] =	sst s1  }
0xa: {  	[smem:$0x3FAC] =	sst s2  }
0xb: {  	[smem:$0x3FAD] =	sst s3  }
0xc: {  	[smem:$0x3FAE] =	sst s4  }
0xd: {  	[smem:$0x3FAF] =	sst s5  }
0xe: {  	[smem:$0x3FB0] =	sst s6  }
0xf: {  	[smem:$0x3FB1] =	sst s7  }
0x10: {  	[smem:$0x3FB2] =	sst s8  }
0x11: {  	[smem:$0x3FB3] =	sst s9;
	s0 =	simm.s32 @!p0 $0x0  }
0x12: {  	s1 =	sld [smem:$0x3F99];
	s0 =	simm.s32 @p0 $0x1  }
0x13: {  	[smem:$0x3FB4] =	sst s0;
	s0 =	simm.s32 @!p1 $0x0  }
0x14: {  	s2 =	sld [smem:$0x3F98];
	s0 =	simm.s32 @p1 $0x1  }
0x15: {  	[smem:$0x3FB5] =	sst s0;
	s0 =	simm.s32 @!p2 $0x0  }
0x16: {  	s3 =	sld [smem:$0x3FDB];
	s0 =	simm.s32 @p2 $0x1  }
0x17: {  	s4 =	simm.s32 $0x1BF5;
	[smem:$0x3FB7] =	sst s0  }
0x18: {  	s0 =	sld [smem:$0x3F9A];
	_ =	swait.ge [sflag:s4], $0x0  }
0x19: {  	s7 =	sld [smem:$0x3F9B]  }
0x1a: {  	s8 =	sadd.s32 $0xFFFFE003, lr  }
0x1b: {  	s9 =	sadd.s32 $0xFFFFFEF7, lr;
	s5 =	simm.s32 $0xFFFFFFFF;
	p2 =	slt.u32 s8, $0xFFFFF086  }
0x1c: {  	p1 =	slt.u32 s9, $0xF7A;
	s5 =	simm.s32 @!p2 $0x0  }
0x1d: {  	s5 =	simm.s32 @p1 $0x1;
	p0 =	seq.s32 s7, s2  }
0x1e: {  	s7 =	smul.u32 @!p0 $0xF7A, s2;
	p2 =	seq.s32 @!p0 s5, $0x0  }
0x1f: {  	s9 =	smul.u32 $0xF7A, s1;
	s8 =	simm.s32 @!p0 $0x1BF5;
	p2 =	por !p2, p0  }
0x20: {  	[sflag:s8] =	ssyncset.s32 @!p0 $0xFFFFF086;
	s6 =	sadd.s32 @!p0 s3, s7;
	s7 =	simm.s32 @!p0 $0x108  }
0x21: {  	s3 =	sadd.s32 s3, s9;
	s6 =	sadd.s32 @!p0 $0x88, s6;
	s7 =	simm.s32 @p2 $0x1082  }
0x22: {  	[simem:s7], [sflag:s8] =	dma.local @!p0 [hbm:s6], $0xF7A  }
0x23: {  	s9 =	sor.u32 $0xD0000000, s2;
	s6 =	simm.s32 $0x108;
	_ =	swait.ge @!p0 [sflag:s8], $0x0  }
0x24: {  	s3 =	sadd.s32 $0x88, s3;
	s6 =	simm.s32 @!p1 $0x1082;
	[sflag:s4] =	ssyncset.s32 $0xFFFFF086  }
0x25: {  	[simem:s6], [sflag:s4] =	dma.local [hbm:s3], $0xF7A  }
0x26: {  	[smem:$0x3F9B] =	sst s1;
	(tag) =	ssettag s2;
	_ =	strace s9  }
0x27: {  	s1 =	sld [smem:$0x3FAB]  }
0x28: {  	s2 =	sld [smem:$0x3FAC]  }
0x29: {  	s4 =	sld [smem:$0x3FAE]  }
0x2a: {  	p0 =	seq.s32 s5, $0x0;
	s5 =	sld [smem:$0x3FAF]  }
0x2b: {  	s6 =	sld [smem:$0x3FB0]  }
0x2c: {  	s7 =	sld [smem:$0x3FB1]  }
0x2d: {  	s3 =	simm.s32 $0x108;
	s8 =	sld [smem:$0x3FB2]  }
0x2e: {  	s3 =	simm.s32 @!p0 $0x1082;
	s9 =	sld [smem:$0x3FB3]  }
0x2f: {  	lr =	sadd.s32 s0, s3;
	s0 =	sld [smem:$0x3FAA]  }
0x30: {  	s3 =	sld [smem:$0x3FAD]  }
0x31: {  	[smem:$0x3FB6] =	sst s10  }
0x32: {  	s10 =	sld [smem:$0x3FB4];
	_ =	sdelay $0x3  }
0x33: {  	p0 =	seq.s32 s10, $0x1;
	s10 =	sld [smem:$0x3FB6];
	_ =	sdelay $0x3  }
0x34: {  	[smem:$0x3FB6] =	sst s10  }
0x35: {  	s10 =	sld [smem:$0x3FB5];
	_ =	sdelay $0x3  }
0x36: {  	p1 =	seq.s32 s10, $0x1;
	s10 =	sld [smem:$0x3FB6];
	_ =	sdelay $0x3  }
0x37: {  	[smem:$0x3FB6] =	sst s10  }
0x38: {  	s10 =	sld [smem:$0x3FB7]  }
0x39: {  	_ = 	snop;
	(pc) =	sbr.ind lr, $3  }
0x3a: {  	_ = 	snop  }
0x3b: {  	_ = 	snop  }
0x3c: {  	p2 =	seq.s32 s10, $0x1;
	s10 =	sld [smem:$0x3FB6]  }
0x3d: {  	_ =	shalt  }
0x3e: {  	_ =	shalt  }
0x3f: {  	_ =	shalt  }
0x40: {  	_ =	shalt  }
0x41: {  	_ =	shalt  }
0x42: {  	_ =	shalt  }
0x43: {  	_ =	shalt  }
0x44: {  	_ =	shalt  }
0x45: {  	_ =	shalt  }
0x46: {  	_ =	shalt  }
0x47: {  	_ =	shalt  }
0x48: {  	_ =	shalt  }
0x49: {  	_ =	shalt  }
0x4a: {  	_ =	shalt  }
0x4b: {  	_ =	shalt  }
0x4c: {  	_ =	shalt  }
0x4d: {  	_ =	shalt  }
0x4e: {  	_ =	shalt  }
0x4f: {  	_ =	shalt  }
0x50: {  	_ =	shalt  }
0x51: {  	_ =	shalt  }
0x52: {  	_ =	shalt  }
0x53: {  	_ =	shalt  }
0x54: {  	_ =	shalt  }
0x55: {  	_ =	shalt  }
0x56: {  	_ =	shalt  }
0x57: {  	_ =	shalt  }
0x58: {  	_ =	shalt  }
0x59: {  	_ =	shalt  }
0x5a: {  	_ =	shalt  }
0x5b: {  	_ =	shalt  }
0x5c: {  	_ =	shalt  }
0x5d: {  	_ =	shalt  }
0x5e: {  	_ =	shalt  }
0x5f: {  	_ =	shalt  }
0x60: {  	_ =	shalt  }
0x61: {  	_ =	shalt  }
0x62: {  	_ =	shalt  }
0x63: {  	_ =	shalt  }
0x64: {  	_ =	shalt  }
0x65: {  	_ =	shalt  }
0x66: {  	_ =	shalt  }
0x67: {  	_ =	shalt  }
0x68: {  	_ =	shalt  }
0x69: {  	_ =	shalt  }
0x6a: {  	_ =	shalt  }
0x6b: {  	_ =	shalt  }
0x6c: {  	_ =	shalt  }
0x6d: {  	_ =	shalt  }
0x6e: {  	_ =	shalt  }
0x6f: {  	_ =	shalt  }
0x70: {  	_ =	shalt  }
0x71: {  	_ =	shalt  }
0x72: {  	_ =	shalt  }
0x73: {  	_ =	shalt  }
0x74: {  	_ =	shalt  }
0x75: {  	_ =	shalt  }
0x76: {  	_ =	shalt  }
0x77: {  	_ =	shalt  }
0x78: {  	_ =	shalt  }
0x79: {  	_ =	shalt  }
0x7a: {  	_ =	shalt  }
0x7b: {  	_ =	shalt  }
0x7c: {  	_ =	shalt  }
0x7d: {  	_ =	shalt  }
0x7e: {  	_ =	shalt  }
0x7f: {  	_ =	shalt  }
0x80: {  	_ =	shalt  }
0x81: {  	_ =	shalt  }
0x82: {  	_ =	shalt  }
0x83: {  	_ =	shalt  }
0x84: {  	_ =	shalt  }
0x85: {  	_ =	shalt  }
0x86: {  	_ =	shalt  }
0x87: {  	_ =	shalt  }
.Lfunc_end0:
.L_simem_size_0:
called_computation.1_lowered:
.L_overlay_start_0:
0x88: {  	s2 =	sld [smem:$0x3FD9]  }
0x89: {  	s3 =	sld [smem:$0x3FFE];
	_ =	sdelay $0x1  }
0x8a: {  	s1 =	srdreg.scid  }
0x8b: {  	s0 =	sand.u32 $0x1, s1  }
0x8c: {  	s14 =	sshll.u32 s0, $0xA;
	s2 =	sadd.s32 s3, s2  }
0x8d: {  	s2 =	sadd.s32 s2, s14  }
0x8e: {  	[smem:$0x3FC2] =	sst s2  }
0x8f: {  	_ = 	snop  }
0x90: {  	s2 =	sld [smem:$0x3FD0];
	_ =	sdelay $0x2  }
0x91: {  	s15 =	simm.s32 $0xA;
	s4 =	simm.s32 $0x10  }
0x92: {  	[smem:s4], [sflag:s15] =	dma.local [hbm:s2], $0x1  }
0x93: {  	_ =	swait.eq [sflag:s15], $0x1  }
0x94: {  	[sflag:s15] =	ssyncset.done $0x0  }
0x95: {  	s16 =	sld [smem:$0x11];
	[sflag:s15] =	ssyncadd.s32 $0xFFFFFFFF  }
0x96: {  	s17 =	sld [smem:$0x13];
	(tm) =	ssettm $0x1  }
0x97: {  	s18 =	sld [smem:$0x3FFB];
	_ =	sdelay $0x3  }
0x98: {  	_ =	strace s18  }
0x99: {  	s4 =	sld [smem:$0x3FFC];
	_ =	sdelay $0x3  }
0x9a: {  	_ =	strace s4  }
0x9b: {  	s4 =	sld [smem:$0x3FFD];
	_ =	sdelay $0x3  }
0x9c: {  	_ =	strace s4  }
0x9d: {  	_ =	strace $0x8FFFFFFF  }
0x9e: {  	s19 =	sld [smem:$0x3FDB];
	_ =	sdelay $0x1  }
0x9f: {  	s5 =	simm.s32 $_scs_section_size  }
0xa0: {  	s6 =	simm.s32 $_size__tile_overlayer_lowered;
	s7 =	simm.s32 $_tile_overlayer_lowered  }
0xa1: {  	s22 =	simm.s32 $0x1BFF;
	s21 =	sshll.u32 s7, $0x1;
	s4 =	sadd.s32 s5, s19  }
0xa2: {  	s8 =	simm.s32 $0x0;
	s20 =	sshll.u32 s6, $0x1;
	s6 =	sadd.s32 s21, s4  }
0xa3: {  	[timem:s8], [sflag:s22] =	dma.local [hbm:s6], s20  }
0xa4: {  	_ =	swait.ge [sflag:s22], s20  }
0xa5: {  	s5 =	ssub.s32 $0x0, s20;
	[sflag:s22] =	ssyncset.done $0x0  }
0xa6: {  	[sflag:s22] =	ssyncadd.s32 s5;
	_ =	sdelay $0x1  }
0xa7: {  	s23 =	simm.s32 $0x1B8B  }
0xa8: {  	_ =	swait.ge [sflag:s23], $0x1  }
0xa9: {  	[sflag:s23] =	ssyncset.done $0x0  }
0xaa: {  	s25 =	simm.s32 $0x1B8E;
	s24 =	sld [smem:$0x3FFE];
	[sflag:s23] =	ssyncadd.s32 $0xFFFFFFFF  }
0xab: {  	s26 =	simm.s32 $execute0_lowered;
	[smem:$0x3FD2] =	sst s25  }
0xac: {  	s6 =	sshll.u32 s26, $0x1;
	_ =	strace $0x80000049;
	[dreg:$0x1] =	wrdreg $0xFFFFFFFF  }
0xad: {  	s28 =	simm.s32 $_size_execute0_lowered;
	s4 =	sadd.s32 s4, s6;
	[dreg:$0x0] =	wrdreg $0x0  }
0xae: {  	s6 =	sshll.u32 s28, $0x1;
	[dreg:$0x2] =	wrdreg s4  }
0xaf: {  	[dreg:$0x3] =	wrdreg s6  }
0xb0: {  	[dreg:$0x4] =	wrdreg $0xC0  }
0xb1: {  	_ =	task [dreg:s8], $0x5FFFF  }
0xb2: {  	[dreg:$0x1] =	wrdreg $0xFFFFFFFF  }
0xb3: {  	[dreg:$0x0] =	wrdreg $0x60  }
0xb4: {  	[dreg:$0x2] =	wrdreg s16  }
0xb5: {  	[dreg:$0x3] =	wrdreg s24  }
0xb6: {  	[dreg:$0x4] =	wrdreg s17  }
0xb7: {  	[dreg:$0x5] =	wrdreg $0xC6000  }
0xb8: {  	[dreg:$0x6] =	wrdreg $0x9  }
0xb9: {  	_ =	task.clear_ibuf [dreg:s8], $0x7FFFF;
	_ =	strace $0x90000049  }
0xba: {  	s29 =	simm.s32 $0x9;
	_ =	strace $0x8000004B  }
0xbb: {  	_ =	swait.ge [sflag:s29], $0x1  }
0xbc: {  	[sflag:s29] =	ssyncadd.s32 $0xFFFFFFFF  }
0xbd: {  	_ =	strace $0x9000004B  }
0xbe: {  	_ =	sfence  }
0xbf: {  	s30 =	sld [smem:$0x0];
	_ =	sdelay $0x2  }
0xc0: {  	s31 =	sshll.u32 s1, $0xD;
	s1 =	sshrl.u32 s1, $0x2  }
0xc1: {  	s3 =	sand.u32 $0x4000, s31;
	s1 =	sadd.s32 s1, s30  }
0xc2: {  	s0 =	sor.u32 s3, s0;
	s1 =	sshll.u32 s1, $0x11  }
0xc3: {  	s0 =	sor.u32 s1, s0  }
0xc4: {  	s0 =	sadd.s32 $0x8F2B, s0  }
0xc5: {  	[sflag:s0] =	ssyncadd.remote.s32 $0x1  }
0xc6: {  	_ =	sfence.sel $0xFFFF  }
0xc7: {  	[dreg:$0x0] =	wrdreg $0xFFFFFFFF;
	(pc) =	sbr.abs _section_cstart, $3  }
0xc8: {  	[dreg:$0x1] =	wrdreg $0xFFFFFFFF  }
0xc9: {  	_ =	task.clear_ibuf [dreg:s8], $0x2FFFF;
	_ =	strace $0x9FFFFFFF  }
0xca: {  	(tm) =	ssettm $0x7FFFFFFF  }
0xcb: {  	_ =	shalt  }
tec
execute0_lowered:
.L_overlay_start_1:
0x0: {  	(tag) =	ssettag $0x1  }
0x1: {  	s1 =	rddreg [dreg:$0x0]  }
0x2: {  	s0 =	rddreg [dreg:$0x1]  }
0x3: {  	s3 =	rddreg [dreg:$0x3];
	s5 =	simm.s32 $0x0  }
0x4: {  	s2 =	srdreg.scid;
	s10 =	stileid.u32;
	s30 =	simm.s32 $0x4  }
0x5: {  	s31 =	simm.s32 $0x180;
	s28 =	simm.s32 $0x500;
	s29 =	simm.s32 $0x580  }
0x6: {  	[smem:$0x7FF] =	sst s5;
	s2 =	sand.u32 $0x1, s2;
	s4 =	sadd.s32 $0xC000, s0  }
0x7: {  	s7 =	smul.u32 $0x4E000, s10;
	s8 =	sadd.s32 $0x2200, s0;
	s0 =	sadd.s32 $0x15E00, s0  }
0x8: {  	s13 =	sshll.u32 s10, $0x1;
	s19 =	sadd.s32 $0x124800, s3;
	s20 =	sadd.s32 $0x128800, s3  }
0x9: {  	s25 =	smul.u32 $0x9C0, s10;
	p0 =	seq.s32 s10, $0xF;
	p1 =	sgt.u32 s10, $0x1  }
0xa: {  	_ =	strace $0x8000004A;
	s6 =	ssub.s32 $0x2, s2;
	s14 =	smul.u32 $0x138800, s2  }
0xb: {  	s12 =	sor.u32 s2, s13;
	s13 =	smul.u32 $0x270, s10;
	[dreg:$0x9] =	wrdreg s19  }
0xc: {  	[dreg:$0xa] =	wrdreg s20;
	s19 =	sadd.s32 $0x130800, s3;
	s20 =	sadd.s32 $0x134800, s3  }
0xd: {  	s9 =	sshrl.u32 s6, $0x1;
	s7 =	sshrl.u32 s7, $0x2;
	[dreg:$0x17] =	wrdreg s19  }
0xe: {  	[dreg:$0x18] =	wrdreg s20;
	s11 =	ssub.s32 s6, s9;
	s6 =	sadd.s32 s7, s3  }
0xf: {  	s20 =	simm.s32 $0x300;
	s19 =	simm.s32 $0x3;
	s15 =	sadd.s32 $0x4000, s6  }
0x10: {  	s7 =	sshrl.u32 s14, $0x3;
	s16 =	sadd.s32 $0x8000, s6;
	[dreg:$0x5] =	wrdreg s15  }
0x11: {  	s14 =	smul.u32 $0x2710, s2;
	s17 =	sadd.s32 $0xC000, s6;
	[dreg:$0x6] =	wrdreg s16  }
0x12: {  	s18 =	sadd.s32 $0x10000, s6;
	s7 =	sadd.s32 s0, s7;
	[dreg:$0x7] =	wrdreg s17  }
0x13: {  	s2 =	smul.u32 $0x4E0, s2;
	[dreg:$0x8] =	wrdreg s18;
	s21 =	sadd.s32 $0x24900, s7  }
0x14: {  	s15 =	sshll.u32 s12, $0x4;
	s22 =	sadd.s32 $0x25100, s7;
	[dreg:$0xb] =	wrdreg s21  }
0x15: {  	s13 =	sadd.s32 s13, s14;
	s14 =	sadd.s32 $0x25900, s7;
	[dreg:$0xc] =	wrdreg s22  }
0x16: {  	s12 =	smul.u32 $0x4E0, s12;
	s16 =	sadd.s32 $0x26900, s7;
	[dreg:$0x12] =	wrdreg s14  }
0x17: {  	s17 =	smax.u32 s11, $0x1;
	s18 =	sadd.s32 $0x12C800, s3;
	[dreg:$0x14] =	wrdreg s16  }
0x18: {  	s11 =	simm.s32 $0x6;
	s15 =	sor.u32 $0x9C00, s15;
	[dreg:$0x15] =	wrdreg s17  }
0x19: {  	s13 =	sshll.u32 s13, $0x4;
	[dreg:$0x16] =	wrdreg s18;
	s14 =	simm.s32 $0x7  }
0x1a: {  	s16 =	simm.s32 $0x1;
	s17 =	simm.s32 $0x5;
	s18 =	simm.s32 $0x200  }
0x1b: {  	s23 =	sadd.s32 s4, s15;
	s24 =	sadd.s32 s8, s15;
	s9 =	sadd.s32 s0, s13  }
0x1c: {  	s26 =	sadd.s32 s4, s12;
	s12 =	sadd.s32 s8, s12;
	[dreg:$0xd] =	wrdreg s23  }
0x1d: {  	s8 =	sadd.s32 s25, s8;
	s0 =	sadd.s32 s25, s4;
	[dreg:$0xe] =	wrdreg s24  }
0x1e: {  	s15 =	sadd.s32 $0x26100, s7;
	s13 =	simm.s32 $0x600;
	[dreg:$0x10] =	wrdreg s26  }
0x1f: {  	s4 =	simm.s32 $0x380;
	s7 =	simm.s32 $0x0;
	[dreg:$0x11] =	wrdreg s12  }
0x20: {  	s21 =	sadd.s32 s2, s8;
	s22 =	sadd.s32 s2, s0;
	[dreg:$0x13] =	wrdreg s15  }
0x21: {  	s23 =	sadd.s32 $0x800, s9;
	s24 =	sadd.s32 $0x1000, s9;
	[dreg:$0xf] =	wrdreg s9  }
.Ltmp0:
0x22: {  	s25 =	sadd.s32 $0x1800, s9;
	[dreg:$0x19] =	wrdreg s23;
	(pc) =	sbr.rel .LBB2_1-.Ltmp0, $4  }
0x23: {  	s26 =	sadd.s32 $0x2000, s9;
	s2 =	simm.s32 $0x100;
	[dreg:$0x1a] =	wrdreg s24  }
0x24: {  	s15 =	simm.s32 $0x8600;
	s0 =	simm.s32 $0x2;
	[dreg:$0x1b] =	wrdreg s25  }
0x25: {  	s12 =	simm.s32 $0x280;
	[dreg:$0x1c] =	wrdreg s26;
	s23 =	simm.s32 $0x80  }
0x26: {  	s24 =	simm.s32 $0x4600;
	s25 =	simm.s32 $0x400;
	s26 =	simm.s32 $0x480  }
.LBB2_7:
0x27: {  	s8 =	rddreg [dreg:$0x9]  }
0x28: {  	[tilespmem:s13], [sflag:$0x7] =	stream.linear.gather [spmem:s8], $0x4000, $0x38;
	[tilespmem:$0x1FE80] =	vst v63  }
0x29: {  	_ =	swait.ge [sflag:s14], $0x4000  }
0x2a: {  	[sflag:s14] =	ssyncset.done $0x0  }
0x2b: {  	s10 =	rddreg [dreg:$0xb];
	[sflag:s14] =	ssyncadd.s32 $0xFFFFC000  }
0x2c: {  	[hbm4b:s10+s5] =	stream.linear.scatter [tilespmem:s13], [sflag:$0x7], $0x4000, $0x38;
	[tilespmem:$0x1FE80] =	vst v63  }
0x2d: {  	_ =	swait.ge [sflag:s14], $0x4000  }
0x2e: {  	[sflag:s14] =	ssyncset.done $0x0  }
0x2f: {  	s9 =	rddreg [dreg:$0xa];
	[sflag:s14] =	ssyncadd.s32 $0xFFFFC000  }
0x30: {  	[tilespmem:s13], [sflag:$0x7] =	stream.linear.gather [spmem:s9], $0x4000, $0x38;
	[tilespmem:$0x1FE80] =	vst v63  }
0x31: {  	_ =	swait.ge [sflag:s14], $0x4000  }
0x32: {  	[sflag:s14] =	ssyncset.done $0x0  }
0x33: {  	s10 =	rddreg [dreg:$0xc];
	[sflag:s14] =	ssyncadd.s32 $0xFFFFC000  }
0x34: {  	[hbm4b:s10+s5] =	stream.linear.scatter [tilespmem:s13], [sflag:$0x7], $0x4000, $0x38;
	[tilespmem:$0x1FE80] =	vst v63  }
0x35: {  	_ =	swait.ge [sflag:s14], $0x4000  }
0x36: {  	[sflag:s14] =	ssyncset.done $0x0  }
0x37: {  	s9 =	rddreg [dreg:$0x16];
	[sflag:s14] =	ssyncadd.s32 $0xFFFFC000  }
0x38: {  	[tilespmem:s13], [sflag:$0x7] =	stream.linear.gather [spmem:s9], $0x4000, $0x38;
	[tilespmem:$0x1FE80] =	vst v63  }
0x39: {  	_ =	swait.ge [sflag:s14], $0x4000  }
0x3a: {  	[sflag:s14] =	ssyncset.done $0x0  }
0x3b: {  	s10 =	rddreg [dreg:$0x12];
	[sflag:s14] =	ssyncadd.s32 $0xFFFFC000  }
0x3c: {  	[hbm4b:s10+s5] =	stream.linear.scatter [tilespmem:s13], [sflag:$0x7], $0x4000, $0x38;
	[tilespmem:$0x1FE80] =	vst v63  }
0x3d: {  	_ =	swait.ge [sflag:s14], $0x4000  }
0x3e: {  	[sflag:s14] =	ssyncset.done $0x0  }
0x3f: {  	s9 =	rddreg [dreg:$0x17];
	[sflag:s14] =	ssyncadd.s32 $0xFFFFC000  }
0x40: {  	[tilespmem:s13], [sflag:$0x7] =	stream.linear.gather [spmem:s9], $0x4000, $0x38;
	[tilespmem:$0x1FE80] =	vst v63  }
0x41: {  	_ =	swait.ge [sflag:s14], $0x4000  }
0x42: {  	[sflag:s14] =	ssyncset.done $0x0  }
0x43: {  	s10 =	rddreg [dreg:$0x13];
	[sflag:s14] =	ssyncadd.s32 $0xFFFFC000  }
0x44: {  	[hbm4b:s10+s5] =	stream.linear.scatter [tilespmem:s13], [sflag:$0x7], $0x4000, $0x38;
	[tilespmem:$0x1FE80] =	vst v63  }
0x45: {  	_ =	swait.ge [sflag:s14], $0x4000  }
0x46: {  	[sflag:s14] =	ssyncset.done $0x0  }
0x47: {  	s9 =	rddreg [dreg:$0x18];
	[sflag:s14] =	ssyncadd.s32 $0xFFFFC000  }
0x48: {  	[tilespmem:s13], [sflag:$0x7] =	stream.linear.gather [spmem:s9], $0x4000, $0x38;
	[tilespmem:$0x1FE80] =	vst v63  }
0x49: {  	_ =	swait.ge [sflag:s14], $0x4000  }
0x4a: {  	[sflag:s14] =	ssyncset.done $0x0  }
0x4b: {  	s10 =	rddreg [dreg:$0x14];
	[sflag:s14] =	ssyncadd.s32 $0xFFFFC000  }
0x4c: {  	[hbm4b:s10+s5] =	stream.linear.scatter [tilespmem:s13], [sflag:$0x7], $0x4000, $0x38;
	[tilespmem:$0x1FE80] =	vst v63  }
0x4d: {  	_ =	swait.ge [sflag:s14], $0x4000  }
0x4e: {  	[sflag:s14] =	ssyncset.done $0x0  }
0x4f: {  	[sflag:s14] =	ssyncadd.s32 $0xFFFFC000  }
.LBB2_8:
0x50: {  	s7 =	sadd.s32 $0x1, s7;
	s8 =	rddreg [dreg:$0x15]  }
0x51: {  	p2 =	sne.s32 s7, s8  }
.Ltmp1:
0x52: {  	_ = 	snop;
	(pc) =	sbr.rel @!p2 .LBB2_9-.Ltmp1, $1  }
0x53: {  	_ =	sdelay $0x3  }
.LBB2_1:
0x54: {  	s8 =	rddreg [dreg:$0x2]  }
0x55: {  	[tilespmem:s13], [sflag:$0x7] =	stream.linear.gather [hbm4b:s8+s5], $0x4000, $0x38;
	[tilespmem:$0x1FE80] =	vst v63  }
0x56: {  	_ =	swait.ge [sflag:s14], $0x4000  }
0x57: {  	[sflag:s14] =	ssyncset.done $0x0  }
0x58: {  	s8 =	simm.s32 @p0 $0x600;
	s9 =	rddreg [dreg:$0x9];
	[sflag:s14] =	ssyncadd.s32 $0xFFFFC000  }
0x59: {  	[spmem:s9] =	stream.linear.scatter @p0 [tilespmem:s8], [sflag:$0x7], $0x4000, $0x38;
	[tilespmem:$0x1FE80] =	vst v63  }
0x5a: {  	s9 =	simm.s32 @p0 $0x7  }
0x5b: {  	_ =	swait.ge @p0 [sflag:s9], $0x4000  }
0x5c: {  	[sflag:s9] =	ssyncset.done @p0 $0x0  }
0x5d: {  	s10 =	rddreg [dreg:$0xa];
	[sflag:s9] =	ssyncadd.s32 @p0 $0xFFFFC000  }
0x5e: {  	[spmem:s10] =	stream.linear.scatter @p0 [tilespmem:s8], [sflag:$0x7], $0x4000, $0x38;
	[tilespmem:$0x1FE80] =	vst v63  }
0x5f: {  	_ =	swait.ge @p0 [sflag:s9], $0x4000  }
0x60: {  	[sflag:s9] =	ssyncset.done @p0 $0x0  }
0x61: {  	s10 =	rddreg [dreg:$0x16];
	[sflag:s9] =	ssyncadd.s32 @p0 $0xFFFFC000  }
0x62: {  	[spmem:s10] =	stream.linear.scatter @p0 [tilespmem:s8], [sflag:$0x7], $0x4000, $0x38;
	[tilespmem:$0x1FE80] =	vst v63  }
0x63: {  	_ =	swait.ge @p0 [sflag:s9], $0x4000  }
0x64: {  	[sflag:s9] =	ssyncset.done @p0 $0x0  }
0x65: {  	s10 =	rddreg [dreg:$0x17];
	[sflag:s9] =	ssyncadd.s32 @p0 $0xFFFFC000  }
0x66: {  	[spmem:s10] =	stream.linear.scatter @p0 [tilespmem:s8], [sflag:$0x7], $0x4000, $0x38;
	[tilespmem:$0x1FE80] =	vst v63  }
0x67: {  	_ =	swait.ge @p0 [sflag:s9], $0x4000  }
0x68: {  	[sflag:s9] =	ssyncset.done @p0 $0x0  }
0x69: {  	s10 =	rddreg [dreg:$0x18];
	[sflag:s9] =	ssyncadd.s32 @p0 $0xFFFFC000  }
0x6a: {  	[spmem:s10] =	stream.linear.scatter @p0 [tilespmem:s8], [sflag:$0x7], $0x4000, $0x38;
	[tilespmem:$0x1FE80] =	vst v63  }
0x6b: {  	_ =	swait.ge @p0 [sflag:s9], $0x4000  }
0x6c: {  	[sflag:s9] =	ssyncset.done @p0 $0x0  }
0x6d: {  	s8 =	simm.s32 @!p0 $0x600;
	[sflag:s9] =	ssyncadd.s32 @p0 $0xFFFFC000;
	s9 =	simm.s32 @!p0 $0x7  }
0x6e: {  	[spmem:s6] =	stream.linear.scatter @!p0 [tilespmem:s8], [sflag:$0x7], $0x4000, $0x38;
	[tilespmem:$0x1FE80] =	vst v63  }
0x6f: {  	_ =	swait.ge @!p0 [sflag:s9], $0x4000  }
0x70: {  	[sflag:s9] =	ssyncset.done @!p0 $0x0  }
0x71: {  	s10 =	rddreg [dreg:$0x5];
	[sflag:s9] =	ssyncadd.s32 @!p0 $0xFFFFC000  }
0x72: {  	[spmem:s10] =	stream.linear.scatter @!p0 [tilespmem:s8], [sflag:$0x7], $0x4000, $0x38;
	[tilespmem:$0x1FE80] =	vst v63  }
0x73: {  	_ =	swait.ge @!p0 [sflag:s9], $0x4000  }
0x74: {  	[sflag:s9] =	ssyncset.done @!p0 $0x0  }
0x75: {  	s10 =	rddreg [dreg:$0x6];
	[sflag:s9] =	ssyncadd.s32 @!p0 $0xFFFFC000  }
0x76: {  	[spmem:s10] =	stream.linear.scatter @!p0 [tilespmem:s8], [sflag:$0x7], $0x4000, $0x38;
	[tilespmem:$0x1FE80] =	vst v63  }
0x77: {  	_ =	swait.ge @!p0 [sflag:s9], $0x4000  }
0x78: {  	[sflag:s9] =	ssyncset.done @!p0 $0x0  }
0x79: {  	s10 =	rddreg [dreg:$0x7];
	[sflag:s9] =	ssyncadd.s32 @!p0 $0xFFFFC000  }
0x7a: {  	[spmem:s10] =	stream.linear.scatter @!p0 [tilespmem:s8], [sflag:$0x7], $0x4000, $0x38;
	[tilespmem:$0x1FE80] =	vst v63  }
0x7b: {  	_ =	swait.ge @!p0 [sflag:s9], $0x4000  }
0x7c: {  	[sflag:s9] =	ssyncset.done @!p0 $0x0  }
0x7d: {  	s10 =	rddreg [dreg:$0x8];
	[sflag:s9] =	ssyncadd.s32 @!p0 $0xFFFFC000  }
0x7e: {  	[spmem:s10] =	stream.linear.scatter @!p0 [tilespmem:s8], [sflag:$0x7], $0x3800, $0x38;
	[tilespmem:$0x1FE80] =	vst v63  }
0x7f: {  	_ =	swait.ge @!p0 [sflag:s9], $0x3800  }
0x80: {  	[sflag:s9] =	ssyncset.done @!p0 $0x0  }
0x81: {  	[sflag:s9] =	ssyncadd.s32 @!p0 $0xFFFFC800  }
0x82: {  	[bflag:$0x0] =	sbarrier.arrive $0xFFFF  }
0x83: {  	s9 =	rddreg [dreg:$0x10]  }
0x84: {  	[tilespmem:s5], [sflag:$0x7] =	stream.linear.gather [hbm4b:s9+s5], $0x300, $0x38;
	[tilespmem:$0x1FE80] =	vst v63  }
0x85: {  	_ =	swait.ge [sflag:s14], $0x300  }
0x86: {  	[sflag:s14] =	ssyncset.done $0x0  }
0x87: {  	s10 =	rddreg [dreg:$0x11];
	[sflag:s14] =	ssyncadd.s32 $0xFFFFFD00  }
0x88: {  	[tilespmem:s20], [sflag:$0x7] =	stream.linear.gather [hbm4b:s10+s5], $0x300, $0x38;
	[tilespmem:$0x1FE80] =	vst v63  }
0x89: {  	_ =	swait.ge [sflag:s14], $0x300  }
0x8a: {  	[sflag:s14] =	ssyncset.done $0x0  }
0x8b: {  	[sflag:s14] =	ssyncadd.s32 $0xFFFFFD00  }
0x8c: {  	[tilespmem:s13], [sflag:$0x1] =	stream.indirect.gather [hbm4b:s1+s23], $0x80, s5, s23, $0xb8;
	[tilespmem:$0x1FE80] =	vst v63  }
0x8d: {  	_ = 	snop  }
0x8e: {  	[tilespmem:s24], [sflag:$0x2] =	stream.indirect.gather [hbm4b:s1+s23], $0x80, s23, s23, $0xb8;
	[tilespmem:$0x1FE80] =	vst v63  }
0x8f: {  	_ = 	snop  }
0x90: {  	[tilespmem:s15], [sflag:$0x3] =	stream.indirect.gather [hbm4b:s1+s23], $0x80, s2, s23, $0xb8;
	[tilespmem:$0x1FE80] =	vst v63  }
0x91: {  	_ =	swait.ge [sflag:s16], $0x4000  }
0x92: {  	[sflag:s16] =	ssyncset.done $0x0  }
0x93: {  	[sflag:s16] =	ssyncadd.s32 $0xFFFFC000  }
0x94: {  	[spmem:s3] =	stream.indirect.scatter.add.f32 [tilespmem:s13], [sflag:$0x4], $0x80, s20, s23, $0xb8;
	[tilespmem:$0x1FE80] =	vst v63  }
0x95: {  	_ =	swait.ge [sflag:s30], $0x4000  }
0x96: {  	[sflag:s30] =	ssyncset.done $0x0  }
0x97: {  	[sflag:s30] =	ssyncadd.s32 $0xFFFFC000  }
0x98: {  	[tilespmem:s13], [sflag:$0x1] =	stream.indirect.gather [hbm4b:s1+s23], $0x80, s31, s23, $0xb8;
	[tilespmem:$0x1FE80] =	vst v63  }
0x99: {  	_ =	swait.ge [sflag:s0], $0x4000  }
0x9a: {  	[sflag:s0] =	ssyncset.done $0x0  }
0x9b: {  	[sflag:s0] =	ssyncadd.s32 $0xFFFFC000  }
0x9c: {  	[spmem:s3] =	stream.indirect.scatter.add.f32 [tilespmem:s24], [sflag:$0x5], $0x80, s4, s23, $0xb8;
	[tilespmem:$0x1FE80] =	vst v63  }
0x9d: {  	_ =	swait.ge [sflag:s17], $0x4000  }
0x9e: {  	[sflag:s17] =	ssyncset.done $0x0  }
0x9f: {  	[sflag:s17] =	ssyncadd.s32 $0xFFFFC000  }
0xa0: {  	[tilespmem:s24], [sflag:$0x2] =	stream.indirect.gather [hbm4b:s1+s23], $0x80, s18, s23, $0xb8;
	[tilespmem:$0x1FE80] =	vst v63  }
0xa1: {  	_ =	swait.ge [sflag:s19], $0x4000  }
0xa2: {  	[sflag:s19] =	ssyncset.done $0x0  }
0xa3: {  	[sflag:s19] =	ssyncadd.s32 $0xFFFFC000  }
0xa4: {  	[spmem:s3] =	stream.indirect.scatter.add.f32 [tilespmem:s15], [sflag:$0x6], $0x80, s25, s23, $0xb8;
	[tilespmem:$0x1FE80] =	vst v63  }
0xa5: {  	_ =	swait.ge [sflag:s11], $0x4000  }
0xa6: {  	[sflag:s11] =	ssyncset.done $0x0  }
0xa7: {  	[sflag:s11] =	ssyncadd.s32 $0xFFFFC000  }
0xa8: {  	[tilespmem:s15], [sflag:$0x3] =	stream.indirect.gather [hbm4b:s1+s23], $0x80, s12, s23, $0xb8;
	[tilespmem:$0x1FE80] =	vst v63  }
0xa9: {  	_ =	swait.ge [sflag:s16], $0x4000  }
0xaa: {  	[sflag:s16] =	ssyncset.done $0x0  }
0xab: {  	[sflag:s16] =	ssyncadd.s32 $0xFFFFC000  }
0xac: {  	[spmem:s3] =	stream.indirect.scatter.add.f32 [tilespmem:s13], [sflag:$0x4], $0x80, s26, s23, $0xb8;
	[tilespmem:$0x1FE80] =	vst v63  }
0xad: {  	_ =	swait.ge [sflag:s30], $0x4000  }
0xae: {  	[sflag:s30] =	ssyncset.done $0x0  }
0xaf: {  	[sflag:s30] =	ssyncadd.s32 $0xFFFFC000  }
0xb0: {  	_ =	swait.ge [sflag:s0], $0x4000  }
0xb1: {  	[sflag:s0] =	ssyncset.done $0x0  }
0xb2: {  	[sflag:s0] =	ssyncadd.s32 $0xFFFFC000  }
0xb3: {  	[spmem:s3] =	stream.indirect.scatter.add.f32 [tilespmem:s24], [sflag:$0x5], $0x80, s28, s23, $0xb8;
	[tilespmem:$0x1FE80] =	vst v63  }
0xb4: {  	_ =	swait.ge [sflag:s17], $0x4000  }
0xb5: {  	[sflag:s17] =	ssyncset.done $0x0  }
0xb6: {  	[sflag:s17] =	ssyncadd.s32 $0xFFFFC000  }
0xb7: {  	_ =	swait.ge [sflag:s19], $0x4000  }
0xb8: {  	[sflag:s19] =	ssyncset.done $0x0  }
0xb9: {  	[sflag:s19] =	ssyncadd.s32 $0xFFFFC000  }
0xba: {  	[spmem:s3] =	stream.indirect.scatter.add.f32 [tilespmem:s15], [sflag:$0x6], $0x80, s29, s23, $0xb8;
	[tilespmem:$0x1FE80] =	vst v63  }
0xbb: {  	_ =	swait.ge [sflag:s11], $0x4000  }
0xbc: {  	[sflag:s11] =	ssyncset.done $0x0  }
0xbd: {  	s9 =	sadd.s32 $0x60, s22;
	[sflag:s11] =	ssyncadd.s32 $0xFFFFC000  }
0xbe: {  	[tilespmem:s5], [sflag:$0x7] =	stream.linear.gather [hbm4b:s9+s5], $0x300, $0x38;
	[tilespmem:$0x1FE80] =	vst v63  }
0xbf: {  	_ =	swait.ge [sflag:s14], $0x300  }
0xc0: {  	[sflag:s14] =	ssyncset.done $0x0  }
0xc1: {  	s10 =	sadd.s32 $0x60, s21;
	[sflag:s14] =	ssyncadd.s32 $0xFFFFFD00  }
0xc2: {  	[tilespmem:s20], [sflag:$0x7] =	stream.linear.gather [hbm4b:s10+s5], $0x300, $0x38;
	[tilespmem:$0x1FE80] =	vst v63  }
0xc3: {  	_ =	swait.ge [sflag:s14], $0x300  }
0xc4: {  	[sflag:s14] =	ssyncset.done $0x0  }
0xc5: {  	[sflag:s14] =	ssyncadd.s32 $0xFFFFFD00  }
0xc6: {  	[tilespmem:s13], [sflag:$0x1] =	stream.indirect.gather [hbm4b:s1+s23], $0x80, s5, s23, $0xb8;
	[tilespmem:$0x1FE80] =	vst v63  }
0xc7: {  	_ = 	snop  }
0xc8: {  	[tilespmem:s24], [sflag:$0x2] =	stream.indirect.gather [hbm4b:s1+s23], $0x80, s23, s23, $0xb8;
	[tilespmem:$0x1FE80] =	vst v63  }
0xc9: {  	_ = 	snop  }
0xca: {  	[tilespmem:s15], [sflag:$0x3] =	stream.indirect.gather [hbm4b:s1+s23], $0x80, s2, s23, $0xb8;
	[tilespmem:$0x1FE80] =	vst v63  }
0xcb: {  	_ =	swait.ge [sflag:s16], $0x4000  }
0xcc: {  	[sflag:s16] =	ssyncset.done $0x0  }
0xcd: {  	[sflag:s16] =	ssyncadd.s32 $0xFFFFC000  }
0xce: {  	[spmem:s3] =	stream.indirect.scatter.add.f32 [tilespmem:s13], [sflag:$0x4], $0x80, s20, s23, $0xb8;
	[tilespmem:$0x1FE80] =	vst v63  }
0xcf: {  	_ =	swait.ge [sflag:s30], $0x4000  }
0xd0: {  	[sflag:s30] =	ssyncset.done $0x0  }
0xd1: {  	[sflag:s30] =	ssyncadd.s32 $0xFFFFC000  }
0xd2: {  	[tilespmem:s13], [sflag:$0x1] =	stream.indirect.gather [hbm4b:s1+s23], $0x80, s31, s23, $0xb8;
	[tilespmem:$0x1FE80] =	vst v63  }
0xd3: {  	_ =	swait.ge [sflag:s0], $0x4000  }
0xd4: {  	[sflag:s0] =	ssyncset.done $0x0  }
0xd5: {  	[sflag:s0] =	ssyncadd.s32 $0xFFFFC000  }
0xd6: {  	[spmem:s3] =	stream.indirect.scatter.add.f32 [tilespmem:s24], [sflag:$0x5], $0x80, s4, s23, $0xb8;
	[tilespmem:$0x1FE80] =	vst v63  }
0xd7: {  	_ =	swait.ge [sflag:s17], $0x4000  }
0xd8: {  	[sflag:s17] =	ssyncset.done $0x0  }
0xd9: {  	[sflag:s17] =	ssyncadd.s32 $0xFFFFC000  }
0xda: {  	[tilespmem:s24], [sflag:$0x2] =	stream.indirect.gather [hbm4b:s1+s23], $0x80, s18, s23, $0xb8;
	[tilespmem:$0x1FE80] =	vst v63  }
0xdb: {  	_ =	swait.ge [sflag:s19], $0x4000  }
0xdc: {  	[sflag:s19] =	ssyncset.done $0x0  }
0xdd: {  	[sflag:s19] =	ssyncadd.s32 $0xFFFFC000  }
0xde: {  	[spmem:s3] =	stream.indirect.scatter.add.f32 [tilespmem:s15], [sflag:$0x6], $0x80, s25, s23, $0xb8;
	[tilespmem:$0x1FE80] =	vst v63  }
0xdf: {  	_ =	swait.ge [sflag:s11], $0x4000  }
0xe0: {  	[sflag:s11] =	ssyncset.done $0x0  }
0xe1: {  	[sflag:s11] =	ssyncadd.s32 $0xFFFFC000  }
0xe2: {  	[tilespmem:s15], [sflag:$0x3] =	stream.indirect.gather [hbm4b:s1+s23], $0x80, s12, s23, $0xb8;
	[tilespmem:$0x1FE80] =	vst v63  }
0xe3: {  	_ =	swait.ge [sflag:s16], $0x4000  }
0xe4: {  	[sflag:s16] =	ssyncset.done $0x0  }
0xe5: {  	[sflag:s16] =	ssyncadd.s32 $0xFFFFC000  }
0xe6: {  	[spmem:s3] =	stream.indirect.scatter.add.f32 [tilespmem:s13], [sflag:$0x4], $0x80, s26, s23, $0xb8;
	[tilespmem:$0x1FE80] =	vst v63  }
0xe7: {  	_ =	swait.ge [sflag:s30], $0x4000  }
0xe8: {  	[sflag:s30] =	ssyncset.done $0x0  }
0xe9: {  	[sflag:s30] =	ssyncadd.s32 $0xFFFFC000  }
0xea: {  	_ =	swait.ge [sflag:s0], $0x4000  }
0xeb: {  	[sflag:s0] =	ssyncset.done $0x0  }
0xec: {  	[sflag:s0] =	ssyncadd.s32 $0xFFFFC000  }
0xed: {  	[spmem:s3] =	stream.indirect.scatter.add.f32 [tilespmem:s24], [sflag:$0x5], $0x80, s28, s23, $0xb8;
	[tilespmem:$0x1FE80] =	vst v63  }
0xee: {  	_ =	swait.ge [sflag:s17], $0x4000  }
0xef: {  	[sflag:s17] =	ssyncset.done $0x0  }
0xf0: {  	[sflag:s17] =	ssyncadd.s32 $0xFFFFC000  }
0xf1: {  	_ =	swait.ge [sflag:s19], $0x4000  }
0xf2: {  	[sflag:s19] =	ssyncset.done $0x0  }
0xf3: {  	s8 =	simm.s32 $0xC0;
	[sflag:s19] =	ssyncadd.s32 $0xFFFFC000  }
.LBB2_2:
0xf4: {  	[spmem:s3] =	stream.indirect.scatter.add.f32 [tilespmem:s15], [sflag:$0x6], $0x80, s29, s23, $0xb8;
	[tilespmem:$0x1FE80] =	vst v63  }
0xf5: {  	s9 =	smov.u32 s8  }
0xf6: {  	p2 =	sne.s32 s8, $0x480;
	s8 =	sadd.s32 $0x60, s8;
	_ =	swait.ge [sflag:s11], $0x4000  }
0xf7: {  	[sflag:s11] =	ssyncset.done $0x0  }
0xf8: {  	s10 =	sadd.s32 s9, s22;
	[sflag:s11] =	ssyncadd.s32 $0xFFFFC000  }
0xf9: {  	[tilespmem:s5], [sflag:$0x7] =	stream.linear.gather [hbm4b:s10+s5], $0x300, $0x38;
	[tilespmem:$0x1FE80] =	vst v63  }
0xfa: {  	_ =	swait.ge [sflag:s14], $0x300  }
0xfb: {  	[sflag:s14] =	ssyncset.done $0x0  }
0xfc: {  	s9 =	sadd.s32 s9, s21;
	[sflag:s14] =	ssyncadd.s32 $0xFFFFFD00  }
0xfd: {  	[tilespmem:s20], [sflag:$0x7] =	stream.linear.gather [hbm4b:s9+s5], $0x300, $0x38;
	[tilespmem:$0x1FE80] =	vst v63  }
0xfe: {  	_ =	swait.ge [sflag:s14], $0x300  }
0xff: {  	[sflag:s14] =	ssyncset.done $0x0  }
0x100: {  	[sflag:s14] =	ssyncadd.s32 $0xFFFFFD00  }
0x101: {  	[tilespmem:s13], [sflag:$0x1] =	stream.indirect.gather [hbm4b:s1+s23], $0x80, s5, s23, $0xb8;
	[tilespmem:$0x1FE80] =	vst v63  }
0x102: {  	_ = 	snop  }
0x103: {  	[tilespmem:s24], [sflag:$0x2] =	stream.indirect.gather [hbm4b:s1+s23], $0x80, s23, s23, $0xb8;
	[tilespmem:$0x1FE80] =	vst v63  }
0x104: {  	_ = 	snop  }
0x105: {  	[tilespmem:s15], [sflag:$0x3] =	stream.indirect.gather [hbm4b:s1+s23], $0x80, s2, s23, $0xb8;
	[tilespmem:$0x1FE80] =	vst v63  }
0x106: {  	_ =	swait.ge [sflag:s16], $0x4000  }
0x107: {  	[sflag:s16] =	ssyncset.done $0x0  }
0x108: {  	[sflag:s16] =	ssyncadd.s32 $0xFFFFC000  }
0x109: {  	[spmem:s3] =	stream.indirect.scatter.add.f32 [tilespmem:s13], [sflag:$0x4], $0x80, s20, s23, $0xb8;
	[tilespmem:$0x1FE80] =	vst v63  }
0x10a: {  	_ =	swait.ge [sflag:s30], $0x4000  }
0x10b: {  	[sflag:s30] =	ssyncset.done $0x0  }
0x10c: {  	[sflag:s30] =	ssyncadd.s32 $0xFFFFC000  }
0x10d: {  	[tilespmem:s13], [sflag:$0x1] =	stream.indirect.gather [hbm4b:s1+s23], $0x80, s31, s23, $0xb8;
	[tilespmem:$0x1FE80] =	vst v63  }
0x10e: {  	_ =	swait.ge [sflag:s0], $0x4000  }
0x10f: {  	[sflag:s0] =	ssyncset.done $0x0  }
0x110: {  	[sflag:s0] =	ssyncadd.s32 $0xFFFFC000  }
0x111: {  	[spmem:s3] =	stream.indirect.scatter.add.f32 [tilespmem:s24], [sflag:$0x5], $0x80, s4, s23, $0xb8;
	[tilespmem:$0x1FE80] =	vst v63  }
0x112: {  	_ =	swait.ge [sflag:s17], $0x4000  }
0x113: {  	[sflag:s17] =	ssyncset.done $0x0  }
0x114: {  	[sflag:s17] =	ssyncadd.s32 $0xFFFFC000  }
0x115: {  	[tilespmem:s24], [sflag:$0x2] =	stream.indirect.gather [hbm4b:s1+s23], $0x80, s18, s23, $0xb8;
	[tilespmem:$0x1FE80] =	vst v63  }
0x116: {  	_ =	swait.ge [sflag:s19], $0x4000  }
0x117: {  	[sflag:s19] =	ssyncset.done $0x0  }
0x118: {  	[sflag:s19] =	ssyncadd.s32 $0xFFFFC000  }
0x119: {  	[spmem:s3] =	stream.indirect.scatter.add.f32 [tilespmem:s15], [sflag:$0x6], $0x80, s25, s23, $0xb8;
	[tilespmem:$0x1FE80] =	vst v63  }
0x11a: {  	_ =	swait.ge [sflag:s11], $0x4000  }
0x11b: {  	[sflag:s11] =	ssyncset.done $0x0  }
0x11c: {  	[sflag:s11] =	ssyncadd.s32 $0xFFFFC000  }
0x11d: {  	[tilespmem:s15], [sflag:$0x3] =	stream.indirect.gather [hbm4b:s1+s23], $0x80, s12, s23, $0xb8;
	[tilespmem:$0x1FE80] =	vst v63  }
0x11e: {  	_ =	swait.ge [sflag:s16], $0x4000  }
0x11f: {  	[sflag:s16] =	ssyncset.done $0x0  }
0x120: {  	[sflag:s16] =	ssyncadd.s32 $0xFFFFC000  }
0x121: {  	[spmem:s3] =	stream.indirect.scatter.add.f32 [tilespmem:s13], [sflag:$0x4], $0x80, s26, s23, $0xb8;
	[tilespmem:$0x1FE80] =	vst v63  }
0x122: {  	_ =	swait.ge [sflag:s30], $0x4000  }
0x123: {  	[sflag:s30] =	ssyncset.done $0x0  }
0x124: {  	[sflag:s30] =	ssyncadd.s32 $0xFFFFC000  }
0x125: {  	_ =	swait.ge [sflag:s0], $0x4000  }
0x126: {  	[sflag:s0] =	ssyncset.done $0x0  }
0x127: {  	[sflag:s0] =	ssyncadd.s32 $0xFFFFC000  }
0x128: {  	[spmem:s3] =	stream.indirect.scatter.add.f32 [tilespmem:s24], [sflag:$0x5], $0x80, s28, s23, $0xb8;
	[tilespmem:$0x1FE80] =	vst v63  }
0x129: {  	_ =	swait.ge [sflag:s17], $0x4000  }
.Ltmp2:
0x12a: {  	[sflag:s17] =	ssyncset.done $0x0;
	(pc) =	sbr.rel @p2 .LBB2_2-.Ltmp2, $4  }
0x12b: {  	[sflag:s17] =	ssyncadd.s32 $0xFFFFC000  }
0x12c: {  	_ =	swait.ge [sflag:s19], $0x4000  }
0x12d: {  	[sflag:s19] =	ssyncset.done $0x0  }
0x12e: {  	[sflag:s19] =	ssyncadd.s32 $0xFFFFC000  }
.Ltmp3:
0x12f: {  	(pc) =	sbr.rel @p1 .LBB2_5-.Ltmp3, $4  }
0x130: {  	[spmem:s3] =	stream.indirect.scatter.add.f32 [tilespmem:s15], [sflag:$0x6], $0x80, s29, s23, $0xb8;
	[tilespmem:$0x1FE80] =	vst v63  }
0x131: {  	_ =	swait.ge [sflag:s11], $0x4000  }
0x132: {  	[sflag:s11] =	ssyncset.done $0x0  }
0x133: {  	[sflag:s11] =	ssyncadd.s32 $0xFFFFC000  }
0x134: {  	s8 =	rddreg [dreg:$0xd]  }
0x135: {  	[tilespmem:s5], [sflag:$0x7] =	stream.linear.gather [hbm4b:s8+s5], $0x80, $0x38;
	[tilespmem:$0x1FE80] =	vst v63  }
0x136: {  	_ =	swait.ge [sflag:s14], $0x80  }
0x137: {  	[sflag:s14] =	ssyncset.done $0x0  }
0x138: {  	s10 =	rddreg [dreg:$0xe];
	[sflag:s14] =	ssyncadd.s32 $0xFFFFFF80  }
0x139: {  	[tilespmem:s20], [sflag:$0x7] =	stream.linear.gather [hbm4b:s10+s5], $0x80, $0x38;
	[tilespmem:$0x1FE80] =	vst v63  }
0x13a: {  	_ =	swait.ge [sflag:s14], $0x80  }
0x13b: {  	[sflag:s14] =	ssyncset.done $0x0  }
0x13c: {  	[sflag:s14] =	ssyncadd.s32 $0xFFFFFF80  }
0x13d: {  	[tilespmem:s13], [sflag:$0x1] =	stream.indirect.gather [hbm4b:s1+s23], $0x80, s5, s23, $0xb8;
	[tilespmem:$0x1FE80] =	vst v63  }
0x13e: {  	_ =	swait.ge [sflag:s16], $0x4000  }
0x13f: {  	[sflag:s16] =	ssyncset.done $0x0  }
0x140: {  	[sflag:s16] =	ssyncadd.s32 $0xFFFFC000  }
0x141: {  	[spmem:s3] =	stream.indirect.scatter.add.f32 [tilespmem:s13], [sflag:$0x7], $0x80, s20, s23, $0xb8;
	[tilespmem:$0x1FE80] =	vst v63  }
.Ltmp4:
0x142: {  	_ =	swait.ge [sflag:s14], $0x4000;
	(pc) =	sbr.rel .LBB2_6-.Ltmp4, $3  }
0x143: {  	[sflag:s14] =	ssyncset.done $0x0  }
0x144: {  	[sflag:s14] =	ssyncadd.s32 $0xFFFFC000  }
0x145: {  	[bflag:$0x0] =	sbarrier.arrive $0xFFFF;
	_ =	sdelay $0x1  }
.LBB2_5:
.Ltmp5:
0x146: {  	(pc) =	sbr.rel @p0 .LBB2_7-.Ltmp5, $2  }
0x147: {  	_ =	sdelay $0x1  }
0x148: {  	[bflag:$0x0] =	sbarrier.arrive $0xFFFF;
	_ =	sdelay $0x1  }
.LBB2_6:
0x149: {  	[tilespmem:s13], [sflag:$0x7] =	stream.linear.gather [spmem:s6], $0x4000, $0x38;
	[tilespmem:$0x1FE80] =	vst v63  }
0x14a: {  	_ =	swait.ge [sflag:s14], $0x4000  }
0x14b: {  	[sflag:s14] =	ssyncset.done $0x0  }
0x14c: {  	s8 =	rddreg [dreg:$0xf];
	[sflag:s14] =	ssyncadd.s32 $0xFFFFC000  }
0x14d: {  	[hbm4b:s8+s5] =	stream.linear.scatter [tilespmem:s13], [sflag:$0x7], $0x4000, $0x38;
	[tilespmem:$0x1FE80] =	vst v63  }
0x14e: {  	_ =	swait.ge [sflag:s14], $0x4000  }
0x14f: {  	[sflag:s14] =	ssyncset.done $0x0  }
0x150: {  	s9 =	rddreg [dreg:$0x5];
	[sflag:s14] =	ssyncadd.s32 $0xFFFFC000  }
0x151: {  	[tilespmem:s13], [sflag:$0x7] =	stream.linear.gather [spmem:s9], $0x4000, $0x38;
	[tilespmem:$0x1FE80] =	vst v63  }
0x152: {  	_ =	swait.ge [sflag:s14], $0x4000  }
0x153: {  	[sflag:s14] =	ssyncset.done $0x0  }
0x154: {  	s10 =	rddreg [dreg:$0x19];
	[sflag:s14] =	ssyncadd.s32 $0xFFFFC000  }
0x155: {  	[hbm4b:s10+s5] =	stream.linear.scatter [tilespmem:s13], [sflag:$0x7], $0x4000, $0x38;
	[tilespmem:$0x1FE80] =	vst v63  }
0x156: {  	_ =	swait.ge [sflag:s14], $0x4000  }
0x157: {  	[sflag:s14] =	ssyncset.done $0x0  }
0x158: {  	s9 =	rddreg [dreg:$0x6];
	[sflag:s14] =	ssyncadd.s32 $0xFFFFC000  }
0x159: {  	[tilespmem:s13], [sflag:$0x7] =	stream.linear.gather [spmem:s9], $0x4000, $0x38;
	[tilespmem:$0x1FE80] =	vst v63  }
0x15a: {  	_ =	swait.ge [sflag:s14], $0x4000  }
0x15b: {  	[sflag:s14] =	ssyncset.done $0x0  }
0x15c: {  	s10 =	rddreg [dreg:$0x1a];
	[sflag:s14] =	ssyncadd.s32 $0xFFFFC000  }
0x15d: {  	[hbm4b:s10+s5] =	stream.linear.scatter [tilespmem:s13], [sflag:$0x7], $0x4000, $0x38;
	[tilespmem:$0x1FE80] =	vst v63  }
0x15e: {  	_ =	swait.ge [sflag:s14], $0x4000  }
0x15f: {  	[sflag:s14] =	ssyncset.done $0x0  }
0x160: {  	s9 =	rddreg [dreg:$0x7];
	[sflag:s14] =	ssyncadd.s32 $0xFFFFC000  }
0x161: {  	[tilespmem:s13], [sflag:$0x7] =	stream.linear.gather [spmem:s9], $0x4000, $0x38;
	[tilespmem:$0x1FE80] =	vst v63  }
0x162: {  	_ =	swait.ge [sflag:s14], $0x4000  }
0x163: {  	[sflag:s14] =	ssyncset.done $0x0  }
0x164: {  	s10 =	rddreg [dreg:$0x1b];
	[sflag:s14] =	ssyncadd.s32 $0xFFFFC000  }
0x165: {  	[hbm4b:s10+s5] =	stream.linear.scatter [tilespmem:s13], [sflag:$0x7], $0x4000, $0x38;
	[tilespmem:$0x1FE80] =	vst v63  }
0x166: {  	_ =	swait.ge [sflag:s14], $0x4000  }
0x167: {  	[sflag:s14] =	ssyncset.done $0x0  }
0x168: {  	s9 =	rddreg [dreg:$0x8];
	[sflag:s14] =	ssyncadd.s32 $0xFFFFC000  }
0x169: {  	[tilespmem:s13], [sflag:$0x7] =	stream.linear.gather [spmem:s9], $0x3800, $0x38;
	[tilespmem:$0x1FE80] =	vst v63  }
0x16a: {  	_ =	swait.ge [sflag:s14], $0x3800  }
0x16b: {  	[sflag:s14] =	ssyncset.done $0x0  }
.Ltmp6:
0x16c: {  	s10 =	rddreg [dreg:$0x1c];
	[sflag:s14] =	ssyncadd.s32 $0xFFFFC800;
	(pc) =	sbr.rel .LBB2_8-.Ltmp6, $4  }
0x16d: {  	[hbm4b:s10+s5] =	stream.linear.scatter [tilespmem:s13], [sflag:$0x7], $0x3800, $0x38;
	[tilespmem:$0x1FE80] =	vst v63  }
0x16e: {  	_ =	swait.ge [sflag:s14], $0x3800  }
0x16f: {  	[sflag:s14] =	ssyncset.done $0x0  }
0x170: {  	[sflag:s14] =	ssyncadd.s32 $0xFFFFC800  }
.LBB2_9:
0x171: {  	_ =	sfence.sel $0x180000  }
0x172: {  	[bflag:$0x0] =	sbarrier.arrive $0xFFFF  }
0x173: {  	_ =	strace $0x9000004A  }
0x174: {  	s0 =	stileid.u32;
	[bflag:$0x2] =	sbarrier.arrive $0xFFFF  }
0x175: {  	p0 =	sne.s32 s0, $0x0;
	s0 =	rddreg [dreg:$0x4]  }
0x176: {  	s0 =	sadd.s32 @!p0 $0x100000, s0  }
0x177: {  	[sflag:s0] =	ssyncadd.tile.s32 @!p0 $0x1;
	_ =	shalt  }
.Lfunc_end2:
_tile_overlayer_lowered:
.L_overlay_start_2:
0x178: {  	(tag) =	ssettag $0x2  }
0x179: {  	s0 =	rddreg [dreg:$0x0];
	s2 =	stileid.u32  }
0x17a: {  	s1 =	rddreg [dreg:$0x1];
	p0 =	sne.s32 s2, $0x0  }
0x17b: {  	s3 =	rddreg [dreg:$0x2];
	[bflag:$0x3] =	sbarrier.arrive $0xFFFF;
	s2 =	simm.s32 @!p0 $0x1C07  }
0x17c: {  	[timem:s3], [sflag:s2] =	dma.local @!p0 [hbm:s0], s1  }
0x17d: {  	s0 =	simm.s32 @!p0 $0x7  }
0x17e: {  	_ =	swait.ge @!p0 [sflag:s0], s1  }
0x17f: {  	s1 =	ssub.s32 @!p0 $0x0, s1;
	[sflag:s0] =	ssyncset.done @!p0 $0x0  }
0x180: {  	[sflag:s0] =	ssyncadd.s32 @!p0 s1  }
0x181: {  	[bflag:$0x3] =	sbarrier.arrive $0xFFFF  }
0x182: {  	_ =	shalt  }

// kernel: kernel.14.cloned.1.call-start
scs
__scs_entry_jumppad:
0x0: {  	(pc) =	sbr.rel $0x88, $3  }
0x1: {  	(tag) =	ssettag $0x0;
	lr =	simm.s32 $0x1  }
0x2: {  	[smem:$0x3F9B] =	sst lr;
	_ =	strace $0xD0000000  }
0x3: {  	_ = 	snop  }
0x4: {  	_ = 	snop  }
0x5: {  	_ = 	snop  }
0x6: {  	_ = 	snop  }
0x7: {  	_ = 	snop  }
__scs_overlays_trampoline_lowered:
0x8: {  	[smem:$0x3FAA] =	sst s0  }
0x9: {  	[smem:$0x3FAB] =	sst s1  }
0xa: {  	[smem:$0x3FAC] =	sst s2  }
0xb: {  	[smem:$0x3FAD] =	sst s3  }
0xc: {  	[smem:$0x3FAE] =	sst s4  }
0xd: {  	[smem:$0x3FAF] =	sst s5  }
0xe: {  	[smem:$0x3FB0] =	sst s6  }
0xf: {  	[smem:$0x3FB1] =	sst s7  }
0x10: {  	[smem:$0x3FB2] =	sst s8  }
0x11: {  	[smem:$0x3FB3] =	sst s9;
	s0 =	simm.s32 @!p0 $0x0  }
0x12: {  	s1 =	sld [smem:$0x3F99];
	s0 =	simm.s32 @p0 $0x1  }
0x13: {  	[smem:$0x3FB4] =	sst s0;
	s0 =	simm.s32 @!p1 $0x0  }
0x14: {  	s2 =	sld [smem:$0x3F98];
	s0 =	simm.s32 @p1 $0x1  }
0x15: {  	[smem:$0x3FB5] =	sst s0;
	s0 =	simm.s32 @!p2 $0x0  }
0x16: {  	s3 =	sld [smem:$0x3FDB];
	s0 =	simm.s32 @p2 $0x1  }
0x17: {  	s4 =	simm.s32 $0x1BF5;
	[smem:$0x3FB7] =	sst s0  }
0x18: {  	s0 =	sld [smem:$0x3F9A];
	_ =	swait.ge [sflag:s4], $0x0  }
0x19: {  	s7 =	sld [smem:$0x3F9B]  }
0x1a: {  	s8 =	sadd.s32 $0xFFFFE003, lr  }
0x1b: {  	s9 =	sadd.s32 $0xFFFFFEF7, lr;
	s5 =	simm.s32 $0xFFFFFFFF;
	p2 =	slt.u32 s8, $0xFFFFF086  }
0x1c: {  	p1 =	slt.u32 s9, $0xF7A;
	s5 =	simm.s32 @!p2 $0x0  }
0x1d: {  	s5 =	simm.s32 @p1 $0x1;
	p0 =	seq.s32 s7, s2  }
0x1e: {  	s7 =	smul.u32 @!p0 $0xF7A, s2;
	p2 =	seq.s32 @!p0 s5, $0x0  }
0x1f: {  	s9 =	smul.u32 $0xF7A, s1;
	s8 =	simm.s32 @!p0 $0x1BF5;
	p2 =	por !p2, p0  }
0x20: {  	[sflag:s8] =	ssyncset.s32 @!p0 $0xFFFFF086;
	s6 =	sadd.s32 @!p0 s3, s7;
	s7 =	simm.s32 @!p0 $0x108  }
0x21: {  	s3 =	sadd.s32 s3, s9;
	s6 =	sadd.s32 @!p0 $0x88, s6;
	s7 =	simm.s32 @p2 $0x1082  }
0x22: {  	[simem:s7], [sflag:s8] =	dma.local @!p0 [hbm:s6], $0xF7A  }
0x23: {  	s9 =	sor.u32 $0xD0000000, s2;
	s6 =	simm.s32 $0x108;
	_ =	swait.ge @!p0 [sflag:s8], $0x0  }
0x24: {  	s3 =	sadd.s32 $0x88, s3;
	s6 =	simm.s32 @!p1 $0x1082;
	[sflag:s4] =	ssyncset.s32 $0xFFFFF086  }
0x25: {  	[simem:s6], [sflag:s4] =	dma.local [hbm:s3], $0xF7A  }
0x26: {  	[smem:$0x3F9B] =	sst s1;
	(tag) =	ssettag s2;
	_ =	strace s9  }
0x27: {  	s1 =	sld [smem:$0x3FAB]  }
0x28: {  	s2 =	sld [smem:$0x3FAC]  }
0x29: {  	s4 =	sld [smem:$0x3FAE]  }
0x2a: {  	p0 =	seq.s32 s5, $0x0;
	s5 =	sld [smem:$0x3FAF]  }
0x2b: {  	s6 =	sld [smem:$0x3FB0]  }
0x2c: {  	s7 =	sld [smem:$0x3FB1]  }
0x2d: {  	s3 =	simm.s32 $0x108;
	s8 =	sld [smem:$0x3FB2]  }
0x2e: {  	s3 =	simm.s32 @!p0 $0x1082;
	s9 =	sld [smem:$0x3FB3]  }
0x2f: {  	lr =	sadd.s32 s0, s3;
	s0 =	sld [smem:$0x3FAA]  }
0x30: {  	s3 =	sld [smem:$0x3FAD]  }
0x31: {  	[smem:$0x3FB6] =	sst s10  }
0x32: {  	s10 =	sld [smem:$0x3FB4];
	_ =	sdelay $0x3  }
0x33: {  	p0 =	seq.s32 s10, $0x1;
	s10 =	sld [smem:$0x3FB6];
	_ =	sdelay $0x3  }
0x34: {  	[smem:$0x3FB6] =	sst s10  }
0x35: {  	s10 =	sld [smem:$0x3FB5];
	_ =	sdelay $0x3  }
0x36: {  	p1 =	seq.s32 s10, $0x1;
	s10 =	sld [smem:$0x3FB6];
	_ =	sdelay $0x3  }
0x37: {  	[smem:$0x3FB6] =	sst s10  }
0x38: {  	s10 =	sld [smem:$0x3FB7]  }
0x39: {  	_ = 	snop;
	(pc) =	sbr.ind lr, $3  }
0x3a: {  	_ = 	snop  }
0x3b: {  	_ = 	snop  }
0x3c: {  	p2 =	seq.s32 s10, $0x1;
	s10 =	sld [smem:$0x3FB6]  }
0x3d: {  	_ =	shalt  }
0x3e: {  	_ =	shalt  }
0x3f: {  	_ =	shalt  }
0x40: {  	_ =	shalt  }
0x41: {  	_ =	shalt  }
0x42: {  	_ =	shalt  }
0x43: {  	_ =	shalt  }
0x44: {  	_ =	shalt  }
0x45: {  	_ =	shalt  }
0x46: {  	_ =	shalt  }
0x47: {  	_ =	shalt  }
0x48: {  	_ =	shalt  }
0x49: {  	_ =	shalt  }
0x4a: {  	_ =	shalt  }
0x4b: {  	_ =	shalt  }
0x4c: {  	_ =	shalt  }
0x4d: {  	_ =	shalt  }
0x4e: {  	_ =	shalt  }
0x4f: {  	_ =	shalt  }
0x50: {  	_ =	shalt  }
0x51: {  	_ =	shalt  }
0x52: {  	_ =	shalt  }
0x53: {  	_ =	shalt  }
0x54: {  	_ =	shalt  }
0x55: {  	_ =	shalt  }
0x56: {  	_ =	shalt  }
0x57: {  	_ =	shalt  }
0x58: {  	_ =	shalt  }
0x59: {  	_ =	shalt  }
0x5a: {  	_ =	shalt  }
0x5b: {  	_ =	shalt  }
0x5c: {  	_ =	shalt  }
0x5d: {  	_ =	shalt  }
0x5e: {  	_ =	shalt  }
0x5f: {  	_ =	shalt  }
0x60: {  	_ =	shalt  }
0x61: {  	_ =	shalt  }
0x62: {  	_ =	shalt  }
0x63: {  	_ =	shalt  }
0x64: {  	_ =	shalt  }
0x65: {  	_ =	shalt  }
0x66: {  	_ =	shalt  }
0x67: {  	_ =	shalt  }
0x68: {  	_ =	shalt  }
0x69: {  	_ =	shalt  }
0x6a: {  	_ =	shalt  }
0x6b: {  	_ =	shalt  }
0x6c: {  	_ =	shalt  }
0x6d: {  	_ =	shalt  }
0x6e: {  	_ =	shalt  }
0x6f: {  	_ =	shalt  }
0x70: {  	_ =	shalt  }
0x71: {  	_ =	shalt  }
0x72: {  	_ =	shalt  }
0x73: {  	_ =	shalt  }
0x74: {  	_ =	shalt  }
0x75: {  	_ =	shalt  }
0x76: {  	_ =	shalt  }
0x77: {  	_ =	shalt  }
0x78: {  	_ =	shalt  }
0x79: {  	_ =	shalt  }
0x7a: {  	_ =	shalt  }
0x7b: {  	_ =	shalt  }
0x7c: {  	_ =	shalt  }
0x7d: {  	_ =	shalt  }
0x7e: {  	_ =	shalt  }
0x7f: {  	_ =	shalt  }
0x80: {  	_ =	shalt  }
0x81: {  	_ =	shalt  }
0x82: {  	_ =	shalt  }
0x83: {  	_ =	shalt  }
0x84: {  	_ =	shalt  }
0x85: {  	_ =	shalt  }
0x86: {  	_ =	shalt  }
0x87: {  	_ =	shalt  }
.Lfunc_end0:
.L_simem_size_0:
called_computation.2_lowered:
.L_overlay_start_0:
0x88: {  	s2 =	sld [smem:$0x3FD9]  }
0x89: {  	s3 =	sld [smem:$0x3FFE];
	_ =	sdelay $0x1  }
0x8a: {  	s1 =	srdreg.scid  }
0x8b: {  	s0 =	sand.u32 $0x1, s1  }
0x8c: {  	s14 =	sshll.u32 s0, $0xA;
	s2 =	sadd.s32 s3, s2  }
0x8d: {  	s2 =	sadd.s32 s2, s14  }
0x8e: {  	[smem:$0x3FC2] =	sst s2  }
0x8f: {  	_ = 	snop  }
0x90: {  	s2 =	sld [smem:$0x3FD0];
	_ =	sdelay $0x2  }
0x91: {  	s15 =	simm.s32 $0xA;
	s4 =	simm.s32 $0x10  }
0x92: {  	[smem:s4], [sflag:s15] =	dma.local [hbm:s2], $0x1  }
0x93: {  	_ =	swait.eq [sflag:s15], $0x1  }
0x94: {  	s16 =	sld [smem:$0x10];
	[sflag:s15] =	ssyncset.done $0x0  }
0x95: {  	s17 =	sld [smem:$0x11];
	[sflag:s15] =	ssyncadd.s32 $0xFFFFFFFF  }
0x96: {  	s18 =	sld [smem:$0x13];
	(tm) =	ssettm $0x1  }
0x97: {  	s5 =	sld [smem:$0x3FFB];
	_ =	sdelay $0x3  }
0x98: {  	_ =	strace s5  }
0x99: {  	s5 =	sld [smem:$0x3FFC];
	_ =	sdelay $0x3  }
0x9a: {  	_ =	strace s5  }
0x9b: {  	s5 =	sld [smem:$0x3FFD];
	_ =	sdelay $0x3  }
0x9c: {  	_ =	strace s5  }
0x9d: {  	_ =	strace $0x8FFFFFFF  }
0x9e: {  	s19 =	sld [smem:$0x3FDB];
	_ =	sdelay $0x1  }
0x9f: {  	s6 =	simm.s32 $_scs_section_size  }
0xa0: {  	s7 =	simm.s32 $_size__tile_overlayer_lowered;
	s8 =	simm.s32 $_tile_overlayer_lowered  }
0xa1: {  	s22 =	simm.s32 $0x1BFF;
	s21 =	sshll.u32 s8, $0x1;
	s5 =	sadd.s32 s6, s19  }
0xa2: {  	s9 =	simm.s32 $0x0;
	s20 =	sshll.u32 s7, $0x1;
	s7 =	sadd.s32 s21, s5  }
0xa3: {  	[timem:s9], [sflag:s22] =	dma.local [hbm:s7], s20  }
0xa4: {  	_ =	swait.ge [sflag:s22], s20  }
0xa5: {  	s6 =	ssub.s32 $0x0, s20;
	[sflag:s22] =	ssyncset.done $0x0  }
0xa6: {  	[sflag:s22] =	ssyncadd.s32 s6;
	_ =	sdelay $0x1  }
0xa7: {  	s23 =	simm.s32 $0x1B8B  }
0xa8: {  	_ =	swait.ge [sflag:s23], $0x1  }
0xa9: {  	[sflag:s23] =	ssyncset.done $0x0  }
0xaa: {  	s25 =	simm.s32 $0x1B8E;
	s24 =	sld [smem:$0x3FFE];
	[sflag:s23] =	ssyncadd.s32 $0xFFFFFFFF  }
0xab: {  	s26 =	simm.s32 $execute0_lowered;
	[smem:$0x3FD2] =	sst s25  }
0xac: {  	s7 =	sshll.u32 s26, $0x1;
	_ =	strace $0x8000004C;
	[dreg:$0x1] =	wrdreg $0xFFFFFFFF  }
0xad: {  	s28 =	simm.s32 $_size_execute0_lowered;
	s5 =	sadd.s32 s5, s7;
	[dreg:$0x0] =	wrdreg $0x0  }
0xae: {  	s7 =	sshll.u32 s28, $0x1;
	[dreg:$0x2] =	wrdreg s5  }
0xaf: {  	[dreg:$0x3] =	wrdreg s7  }
0xb0: {  	[dreg:$0x4] =	wrdreg $0xC0  }
0xb1: {  	_ =	task [dreg:s9], $0x5FFFF  }
0xb2: {  	[dreg:$0x1] =	wrdreg $0xFFFFFFFF  }
0xb3: {  	[dreg:$0x0] =	wrdreg $0x60  }
0xb4: {  	[dreg:$0x2] =	wrdreg s18  }
0xb5: {  	[dreg:$0x3] =	wrdreg s24  }
0xb6: {  	[dreg:$0x4] =	wrdreg s16  }
0xb7: {  	[dreg:$0x5] =	wrdreg s17  }
0xb8: {  	[dreg:$0x6] =	wrdreg $0x1E000  }
0xb9: {  	[dreg:$0x7] =	wrdreg $0x9  }
0xba: {  	_ =	task.clear_ibuf [dreg:s9], $0x8FFFF;
	_ =	strace $0x9000004C  }
0xbb: {  	s29 =	simm.s32 $0x9;
	_ =	strace $0x8000004E  }
0xbc: {  	_ =	swait.ge [sflag:s29], $0x1  }
0xbd: {  	[sflag:s29] =	ssyncadd.s32 $0xFFFFFFFF  }
0xbe: {  	_ =	strace $0x9000004E  }
0xbf: {  	_ =	sfence  }
0xc0: {  	s30 =	sld [smem:$0x0];
	_ =	sdelay $0x2  }
0xc1: {  	s31 =	sshll.u32 s1, $0xD;
	s1 =	sshrl.u32 s1, $0x2  }
0xc2: {  	s3 =	sand.u32 $0x4000, s31;
	s1 =	sadd.s32 s1, s30  }
0xc3: {  	s0 =	sor.u32 s3, s0;
	s1 =	sshll.u32 s1, $0x11  }
0xc4: {  	s0 =	sor.u32 s1, s0  }
0xc5: {  	s0 =	sadd.s32 $0x8F2B, s0  }
0xc6: {  	[sflag:s0] =	ssyncadd.remote.s32 $0x1  }
0xc7: {  	_ =	sfence.sel $0xFFFF  }
0xc8: {  	[dreg:$0x0] =	wrdreg $0xFFFFFFFF;
	(pc) =	sbr.abs _section_cstart, $3  }
0xc9: {  	[dreg:$0x1] =	wrdreg $0xFFFFFFFF  }
0xca: {  	_ =	task.clear_ibuf [dreg:s9], $0x2FFFF;
	_ =	strace $0x9FFFFFFF  }
0xcb: {  	(tm) =	ssettm $0x7FFFFFFF  }
tec
execute0_lowered:
.L_overlay_start_1:
0x0: {  	(tag) =	ssettag $0x1  }
0x1: {  	s1 =	rddreg [dreg:$0x0]  }
0x2: {  	s0 =	rddreg [dreg:$0x1]  }
0x3: {  	s2 =	rddreg [dreg:$0x3]  }
0x4: {  	s3 =	rddreg [dreg:$0x4]  }
0x5: {  	s5 =	simm.s32 $0x0;
	s4 =	srdreg.scid;
	s10 =	stileid.u32  }
0x6: {  	s30 =	simm.s32 $0x4;
	s31 =	simm.s32 $0x180;
	s28 =	simm.s32 $0x500  }
0x7: {  	s29 =	simm.s32 $0x580;
	[smem:$0x7FF] =	sst s5;
	s4 =	sand.u32 $0x1, s4  }
0x8: {  	s7 =	smul.u32 $0x9C00, s10;
	s8 =	sadd.s32 $0xC000, s0;
	s0 =	sadd.s32 $0x2200, s0  }
0x9: {  	s13 =	sshll.u32 s10, $0x1;
	s19 =	sadd.s32 $0x24900, s3;
	s20 =	sadd.s32 $0x25100, s3  }
0xa: {  	s25 =	smul.u32 $0x9C0, s10;
	p0 =	seq.s32 s10, $0xF;
	p1 =	sgt.u32 s10, $0x1  }
0xb: {  	_ =	strace $0x8000004D;
	s6 =	ssub.s32 $0x2, s4;
	s14 =	smul.u32 $0x27100, s4  }
0xc: {  	s12 =	sor.u32 s4, s13;
	s13 =	smul.u32 $0x270, s10;
	[dreg:$0xa] =	wrdreg s19  }
0xd: {  	[dreg:$0xb] =	wrdreg s20;
	s19 =	sadd.s32 $0x26100, s3;
	s20 =	sadd.s32 $0x26900, s3  }
0xe: {  	s9 =	sshrl.u32 s6, $0x1;
	s7 =	sshrl.u32 s7, $0x2;
	[dreg:$0x18] =	wrdreg s19  }
0xf: {  	[dreg:$0x19] =	wrdreg s20;
	s11 =	ssub.s32 s6, s9;
	s6 =	sadd.s32 s7, s3  }
0x10: {  	s20 =	simm.s32 $0x300;
	s19 =	simm.s32 $0x3;
	s15 =	sadd.s32 $0x800, s6  }
0x11: {  	s7 =	sshrl.u32 s14, $0x3;
	s16 =	sadd.s32 $0x1000, s6;
	[dreg:$0x6] =	wrdreg s15  }
0x12: {  	s14 =	smul.u32 $0x2710, s4;
	s17 =	sadd.s32 $0x1800, s6;
	[dreg:$0x7] =	wrdreg s16  }
0x13: {  	s18 =	sadd.s32 $0x2000, s6;
	s7 =	sadd.s32 s2, s7;
	[dreg:$0x8] =	wrdreg s17  }
0x14: {  	s4 =	smul.u32 $0x4E0, s4;
	[dreg:$0x9] =	wrdreg s18;
	s21 =	sadd.s32 $0x4920, s7  }
0x15: {  	s15 =	sshll.u32 s12, $0x4;
	s22 =	sadd.s32 $0x4A20, s7;
	[dreg:$0xc] =	wrdreg s21  }
0x16: {  	s13 =	sadd.s32 s13, s14;
	s14 =	sadd.s32 $0x4B20, s7;
	[dreg:$0xd] =	wrdreg s22  }
0x17: {  	s12 =	smul.u32 $0x4E0, s12;
	s16 =	sadd.s32 $0x4D20, s7;
	[dreg:$0x13] =	wrdreg s14  }
0x18: {  	s17 =	smax.u32 s11, $0x1;
	s18 =	sadd.s32 $0x25900, s3;
	[dreg:$0x15] =	wrdreg s16  }
0x19: {  	s11 =	simm.s32 $0x6;
	s15 =	sor.u32 $0x9C00, s15;
	[dreg:$0x16] =	wrdreg s17  }
0x1a: {  	s13 =	sshll.u32 s13, $0x1;
	[dreg:$0x17] =	wrdreg s18;
	s14 =	simm.s32 $0x7  }
0x1b: {  	s16 =	simm.s32 $0x1;
	s17 =	simm.s32 $0x5;
	s18 =	simm.s32 $0x200  }
0x1c: {  	s23 =	sadd.s32 s8, s15;
	s24 =	sadd.s32 s0, s15;
	s9 =	sadd.s32 s2, s13  }
0x1d: {  	s26 =	sadd.s32 s8, s12;
	s12 =	sadd.s32 s0, s12;
	[dreg:$0xe] =	wrdreg s23  }
0x1e: {  	s0 =	sadd.s32 s25, s0;
	s2 =	sadd.s32 s25, s8;
	[dreg:$0xf] =	wrdreg s24  }
0x1f: {  	s15 =	sadd.s32 $0x4C20, s7;
	s13 =	simm.s32 $0x600;
	[dreg:$0x11] =	wrdreg s26  }
0x20: {  	s7 =	simm.s32 $0x0;
	[dreg:$0x12] =	wrdreg s12;
	s21 =	sadd.s32 s4, s0  }
0x21: {  	s22 =	sadd.s32 s4, s2;
	[dreg:$0x14] =	wrdreg s15;
	s23 =	sadd.s32 $0x100, s9  }
0x22: {  	s24 =	sadd.s32 $0x200, s9;
	s25 =	sadd.s32 $0x300, s9;
	[dreg:$0x10] =	wrdreg s9  }
.Ltmp0:
0x23: {  	s26 =	sadd.s32 $0x400, s9;
	[dreg:$0x1a] =	wrdreg s23;
	(pc) =	sbr.rel .LBB2_1-.Ltmp0, $4  }
0x24: {  	s2 =	simm.s32 $0x100;
	s15 =	simm.s32 $0x1600;
	[dreg:$0x1b] =	wrdreg s24  }
0x25: {  	s0 =	simm.s32 $0x2;
	s4 =	simm.s32 $0x380;
	[dreg:$0x1c] =	wrdreg s25  }
0x26: {  	s12 =	simm.s32 $0x280;
	[dreg:$0x1d] =	wrdreg s26;
	s23 =	simm.s32 $0x80  }
0x27: {  	s24 =	simm.s32 $0xE00;
	s25 =	simm.s32 $0x400;
	s26 =	simm.s32 $0x480  }
.LBB2_7:
0x28: {  	s8 =	rddreg [dreg:$0xa]  }
0x29: {  	[tilespmem:s13], [sflag:$0x7] =	stream.linear.gather [spmem:s8], $0x800, $0x38;
	[tilespmem:$0x4510] =	vst v63  }
0x2a: {  	_ =	swait.ge [sflag:s14], $0x800  }
0x2b: {  	[sflag:s14] =	ssyncset.done $0x0  }
0x2c: {  	s10 =	rddreg [dreg:$0xc];
	[sflag:s14] =	ssyncadd.s32 $0xFFFFF800  }
0x2d: {  	[hbm4b:s10+s5] =	stream.linear.scatter [tilespmem:s13], [sflag:$0x7], $0x800, $0x38;
	[tilespmem:$0x4510] =	vst v63  }
0x2e: {  	_ =	swait.ge [sflag:s14], $0x800  }
0x2f: {  	[sflag:s14] =	ssyncset.done $0x0  }
0x30: {  	s9 =	rddreg [dreg:$0xb];
	[sflag:s14] =	ssyncadd.s32 $0xFFFFF800  }
0x31: {  	[tilespmem:s13], [sflag:$0x7] =	stream.linear.gather [spmem:s9], $0x800, $0x38;
	[tilespmem:$0x4510] =	vst v63  }
0x32: {  	_ =	swait.ge [sflag:s14], $0x800  }
0x33: {  	[sflag:s14] =	ssyncset.done $0x0  }
0x34: {  	s10 =	rddreg [dreg:$0xd];
	[sflag:s14] =	ssyncadd.s32 $0xFFFFF800  }
0x35: {  	[hbm4b:s10+s5] =	stream.linear.scatter [tilespmem:s13], [sflag:$0x7], $0x800, $0x38;
	[tilespmem:$0x4510] =	vst v63  }
0x36: {  	_ =	swait.ge [sflag:s14], $0x800  }
0x37: {  	[sflag:s14] =	ssyncset.done $0x0  }
0x38: {  	s9 =	rddreg [dreg:$0x17];
	[sflag:s14] =	ssyncadd.s32 $0xFFFFF800  }
0x39: {  	[tilespmem:s13], [sflag:$0x7] =	stream.linear.gather [spmem:s9], $0x800, $0x38;
	[tilespmem:$0x4510] =	vst v63  }
0x3a: {  	_ =	swait.ge [sflag:s14], $0x800  }
0x3b: {  	[sflag:s14] =	ssyncset.done $0x0  }
0x3c: {  	s10 =	rddreg [dreg:$0x13];
	[sflag:s14] =	ssyncadd.s32 $0xFFFFF800  }
0x3d: {  	[hbm4b:s10+s5] =	stream.linear.scatter [tilespmem:s13], [sflag:$0x7], $0x800, $0x38;
	[tilespmem:$0x4510] =	vst v63  }
0x3e: {  	_ =	swait.ge [sflag:s14], $0x800  }
0x3f: {  	[sflag:s14] =	ssyncset.done $0x0  }
0x40: {  	s9 =	rddreg [dreg:$0x18];
	[sflag:s14] =	ssyncadd.s32 $0xFFFFF800  }
0x41: {  	[tilespmem:s13], [sflag:$0x7] =	stream.linear.gather [spmem:s9], $0x800, $0x38;
	[tilespmem:$0x4510] =	vst v63  }
0x42: {  	_ =	swait.ge [sflag:s14], $0x800  }
0x43: {  	[sflag:s14] =	ssyncset.done $0x0  }
0x44: {  	s10 =	rddreg [dreg:$0x14];
	[sflag:s14] =	ssyncadd.s32 $0xFFFFF800  }
0x45: {  	[hbm4b:s10+s5] =	stream.linear.scatter [tilespmem:s13], [sflag:$0x7], $0x800, $0x38;
	[tilespmem:$0x4510] =	vst v63  }
0x46: {  	_ =	swait.ge [sflag:s14], $0x800  }
0x47: {  	[sflag:s14] =	ssyncset.done $0x0  }
0x48: {  	s9 =	rddreg [dreg:$0x19];
	[sflag:s14] =	ssyncadd.s32 $0xFFFFF800  }
0x49: {  	[tilespmem:s13], [sflag:$0x7] =	stream.linear.gather [spmem:s9], $0x800, $0x38;
	[tilespmem:$0x4510] =	vst v63  }
0x4a: {  	_ =	swait.ge [sflag:s14], $0x800  }
0x4b: {  	[sflag:s14] =	ssyncset.done $0x0  }
0x4c: {  	s10 =	rddreg [dreg:$0x15];
	[sflag:s14] =	ssyncadd.s32 $0xFFFFF800  }
0x4d: {  	[hbm4b:s10+s5] =	stream.linear.scatter [tilespmem:s13], [sflag:$0x7], $0x800, $0x38;
	[tilespmem:$0x4510] =	vst v63  }
0x4e: {  	_ =	swait.ge [sflag:s14], $0x800  }
0x4f: {  	[sflag:s14] =	ssyncset.done $0x0  }
0x50: {  	[sflag:s14] =	ssyncadd.s32 $0xFFFFF800  }
.LBB2_8:
0x51: {  	s7 =	sadd.s32 $0x1, s7;
	s8 =	rddreg [dreg:$0x16]  }
0x52: {  	p2 =	sne.s32 s7, s8  }
.Ltmp1:
0x53: {  	_ = 	snop;
	(pc) =	sbr.rel @!p2 .LBB2_9-.Ltmp1, $1  }
0x54: {  	_ =	sdelay $0x3  }
.LBB2_1:
0x55: {  	s8 =	rddreg [dreg:$0x2]  }
0x56: {  	[tilespmem:s13], [sflag:$0x7] =	stream.linear.gather [hbm4b:s8+s5], $0x800, $0x38;
	[tilespmem:$0x4510] =	vst v63  }
0x57: {  	_ =	swait.ge [sflag:s14], $0x800  }
0x58: {  	[sflag:s14] =	ssyncset.done $0x0  }
0x59: {  	s8 =	simm.s32 @p0 $0x600;
	s9 =	rddreg [dreg:$0xa];
	[sflag:s14] =	ssyncadd.s32 $0xFFFFF800  }
0x5a: {  	[spmem:s9] =	stream.linear.scatter @p0 [tilespmem:s8], [sflag:$0x7], $0x800, $0x38;
	[tilespmem:$0x4510] =	vst v63  }
0x5b: {  	s9 =	simm.s32 @p0 $0x7  }
0x5c: {  	_ =	swait.ge @p0 [sflag:s9], $0x800  }
0x5d: {  	[sflag:s9] =	ssyncset.done @p0 $0x0  }
0x5e: {  	s10 =	rddreg [dreg:$0xb];
	[sflag:s9] =	ssyncadd.s32 @p0 $0xFFFFF800  }
0x5f: {  	[spmem:s10] =	stream.linear.scatter @p0 [tilespmem:s8], [sflag:$0x7], $0x800, $0x38;
	[tilespmem:$0x4510] =	vst v63  }
0x60: {  	_ =	swait.ge @p0 [sflag:s9], $0x800  }
0x61: {  	[sflag:s9] =	ssyncset.done @p0 $0x0  }
0x62: {  	s10 =	rddreg [dreg:$0x17];
	[sflag:s9] =	ssyncadd.s32 @p0 $0xFFFFF800  }
0x63: {  	[spmem:s10] =	stream.linear.scatter @p0 [tilespmem:s8], [sflag:$0x7], $0x800, $0x38;
	[tilespmem:$0x4510] =	vst v63  }
0x64: {  	_ =	swait.ge @p0 [sflag:s9], $0x800  }
0x65: {  	[sflag:s9] =	ssyncset.done @p0 $0x0  }
0x66: {  	s10 =	rddreg [dreg:$0x18];
	[sflag:s9] =	ssyncadd.s32 @p0 $0xFFFFF800  }
0x67: {  	[spmem:s10] =	stream.linear.scatter @p0 [tilespmem:s8], [sflag:$0x7], $0x800, $0x38;
	[tilespmem:$0x4510] =	vst v63  }
0x68: {  	_ =	swait.ge @p0 [sflag:s9], $0x800  }
0x69: {  	[sflag:s9] =	ssyncset.done @p0 $0x0  }
0x6a: {  	s10 =	rddreg [dreg:$0x19];
	[sflag:s9] =	ssyncadd.s32 @p0 $0xFFFFF800  }
0x6b: {  	[spmem:s10] =	stream.linear.scatter @p0 [tilespmem:s8], [sflag:$0x7], $0x800, $0x38;
	[tilespmem:$0x4510] =	vst v63  }
0x6c: {  	_ =	swait.ge @p0 [sflag:s9], $0x800  }
0x6d: {  	[sflag:s9] =	ssyncset.done @p0 $0x0  }
0x6e: {  	s8 =	simm.s32 @!p0 $0x600;
	[sflag:s9] =	ssyncadd.s32 @p0 $0xFFFFF800;
	s9 =	simm.s32 @!p0 $0x7  }
0x6f: {  	[spmem:s6] =	stream.linear.scatter @!p0 [tilespmem:s8], [sflag:$0x7], $0x800, $0x38;
	[tilespmem:$0x4510] =	vst v63  }
0x70: {  	_ =	swait.ge @!p0 [sflag:s9], $0x800  }
0x71: {  	[sflag:s9] =	ssyncset.done @!p0 $0x0  }
0x72: {  	s10 =	rddreg [dreg:$0x6];
	[sflag:s9] =	ssyncadd.s32 @!p0 $0xFFFFF800  }
0x73: {  	[spmem:s10] =	stream.linear.scatter @!p0 [tilespmem:s8], [sflag:$0x7], $0x800, $0x38;
	[tilespmem:$0x4510] =	vst v63  }
0x74: {  	_ =	swait.ge @!p0 [sflag:s9], $0x800  }
0x75: {  	[sflag:s9] =	ssyncset.done @!p0 $0x0  }
0x76: {  	s10 =	rddreg [dreg:$0x7];
	[sflag:s9] =	ssyncadd.s32 @!p0 $0xFFFFF800  }
0x77: {  	[spmem:s10] =	stream.linear.scatter @!p0 [tilespmem:s8], [sflag:$0x7], $0x800, $0x38;
	[tilespmem:$0x4510] =	vst v63  }
0x78: {  	_ =	swait.ge @!p0 [sflag:s9], $0x800  }
0x79: {  	[sflag:s9] =	ssyncset.done @!p0 $0x0  }
0x7a: {  	s10 =	rddreg [dreg:$0x8];
	[sflag:s9] =	ssyncadd.s32 @!p0 $0xFFFFF800  }
0x7b: {  	[spmem:s10] =	stream.linear.scatter @!p0 [tilespmem:s8], [sflag:$0x7], $0x800, $0x38;
	[tilespmem:$0x4510] =	vst v63  }
0x7c: {  	_ =	swait.ge @!p0 [sflag:s9], $0x800  }
0x7d: {  	[sflag:s9] =	ssyncset.done @!p0 $0x0  }
0x7e: {  	s10 =	rddreg [dreg:$0x9];
	[sflag:s9] =	ssyncadd.s32 @!p0 $0xFFFFF800  }
0x7f: {  	[spmem:s10] =	stream.linear.scatter @!p0 [tilespmem:s8], [sflag:$0x7], $0x700, $0x38;
	[tilespmem:$0x4510] =	vst v63  }
0x80: {  	_ =	swait.ge @!p0 [sflag:s9], $0x700  }
0x81: {  	[sflag:s9] =	ssyncset.done @!p0 $0x0  }
0x82: {  	[sflag:s9] =	ssyncadd.s32 @!p0 $0xFFFFF900  }
0x83: {  	[bflag:$0x0] =	sbarrier.arrive $0xFFFF  }
0x84: {  	s9 =	rddreg [dreg:$0x11]  }
0x85: {  	[tilespmem:s5], [sflag:$0x7] =	stream.linear.gather [hbm4b:s9+s5], $0x300, $0x38;
	[tilespmem:$0x4510] =	vst v63  }
0x86: {  	_ =	swait.ge [sflag:s14], $0x300  }
0x87: {  	[sflag:s14] =	ssyncset.done $0x0  }
0x88: {  	s10 =	rddreg [dreg:$0x12];
	[sflag:s14] =	ssyncadd.s32 $0xFFFFFD00  }
0x89: {  	[tilespmem:s20], [sflag:$0x7] =	stream.linear.gather [hbm4b:s10+s5], $0x300, $0x38;
	[tilespmem:$0x4510] =	vst v63  }
0x8a: {  	_ =	swait.ge [sflag:s14], $0x300  }
0x8b: {  	[sflag:s14] =	ssyncset.done $0x0  }
0x8c: {  	[sflag:s14] =	ssyncadd.s32 $0xFFFFFD00  }
0x8d: {  	[tilespmem:s13], [sflag:$0x1] =	stream.indirect.gather [hbm4b:s1+s23], $0x10, s5, s23, $0xb8;
	[tilespmem:$0x4510] =	vst v63  }
0x8e: {  	_ = 	snop  }
0x8f: {  	[tilespmem:s24], [sflag:$0x2] =	stream.indirect.gather [hbm4b:s1+s23], $0x10, s23, s23, $0xb8;
	[tilespmem:$0x4510] =	vst v63  }
0x90: {  	_ = 	snop  }
0x91: {  	[tilespmem:s15], [sflag:$0x3] =	stream.indirect.gather [hbm4b:s1+s23], $0x10, s2, s23, $0xb8;
	[tilespmem:$0x4510] =	vst v63  }
0x92: {  	_ =	swait.ge [sflag:s16], $0x800  }
0x93: {  	[sflag:s16] =	ssyncset.done $0x0  }
0x94: {  	[sflag:s16] =	ssyncadd.s32 $0xFFFFF800  }
0x95: {  	[spmem:s3] =	stream.indirect.scatter.add.f32 [tilespmem:s13], [sflag:$0x4], $0x10, s20, s23, $0xb8;
	[tilespmem:$0x4510] =	vst v63  }
0x96: {  	_ =	swait.ge [sflag:s30], $0x800  }
0x97: {  	[sflag:s30] =	ssyncset.done $0x0  }
0x98: {  	[sflag:s30] =	ssyncadd.s32 $0xFFFFF800  }
0x99: {  	[tilespmem:s13], [sflag:$0x1] =	stream.indirect.gather [hbm4b:s1+s23], $0x10, s31, s23, $0xb8;
	[tilespmem:$0x4510] =	vst v63  }
0x9a: {  	_ =	swait.ge [sflag:s0], $0x800  }
0x9b: {  	[sflag:s0] =	ssyncset.done $0x0  }
0x9c: {  	[sflag:s0] =	ssyncadd.s32 $0xFFFFF800  }
0x9d: {  	[spmem:s3] =	stream.indirect.scatter.add.f32 [tilespmem:s24], [sflag:$0x5], $0x10, s4, s23, $0xb8;
	[tilespmem:$0x4510] =	vst v63  }
0x9e: {  	_ =	swait.ge [sflag:s17], $0x800  }
0x9f: {  	[sflag:s17] =	ssyncset.done $0x0  }
0xa0: {  	[sflag:s17] =	ssyncadd.s32 $0xFFFFF800  }
0xa1: {  	[tilespmem:s24], [sflag:$0x2] =	stream.indirect.gather [hbm4b:s1+s23], $0x10, s18, s23, $0xb8;
	[tilespmem:$0x4510] =	vst v63  }
0xa2: {  	_ =	swait.ge [sflag:s19], $0x800  }
0xa3: {  	[sflag:s19] =	ssyncset.done $0x0  }
0xa4: {  	[sflag:s19] =	ssyncadd.s32 $0xFFFFF800  }
0xa5: {  	[spmem:s3] =	stream.indirect.scatter.add.f32 [tilespmem:s15], [sflag:$0x6], $0x10, s25, s23, $0xb8;
	[tilespmem:$0x4510] =	vst v63  }
0xa6: {  	_ =	swait.ge [sflag:s11], $0x800  }
0xa7: {  	[sflag:s11] =	ssyncset.done $0x0  }
0xa8: {  	[sflag:s11] =	ssyncadd.s32 $0xFFFFF800  }
0xa9: {  	[tilespmem:s15], [sflag:$0x3] =	stream.indirect.gather [hbm4b:s1+s23], $0x10, s12, s23, $0xb8;
	[tilespmem:$0x4510] =	vst v63  }
0xaa: {  	_ =	swait.ge [sflag:s16], $0x800  }
0xab: {  	[sflag:s16] =	ssyncset.done $0x0  }
0xac: {  	[sflag:s16] =	ssyncadd.s32 $0xFFFFF800  }
0xad: {  	[spmem:s3] =	stream.indirect.scatter.add.f32 [tilespmem:s13], [sflag:$0x4], $0x10, s26, s23, $0xb8;
	[tilespmem:$0x4510] =	vst v63  }
0xae: {  	_ =	swait.ge [sflag:s30], $0x800  }
0xaf: {  	[sflag:s30] =	ssyncset.done $0x0  }
0xb0: {  	[sflag:s30] =	ssyncadd.s32 $0xFFFFF800  }
0xb1: {  	_ =	swait.ge [sflag:s0], $0x800  }
0xb2: {  	[sflag:s0] =	ssyncset.done $0x0  }
0xb3: {  	[sflag:s0] =	ssyncadd.s32 $0xFFFFF800  }
0xb4: {  	[spmem:s3] =	stream.indirect.scatter.add.f32 [tilespmem:s24], [sflag:$0x5], $0x10, s28, s23, $0xb8;
	[tilespmem:$0x4510] =	vst v63  }
0xb5: {  	_ =	swait.ge [sflag:s17], $0x800  }
0xb6: {  	[sflag:s17] =	ssyncset.done $0x0  }
0xb7: {  	[sflag:s17] =	ssyncadd.s32 $0xFFFFF800  }
0xb8: {  	_ =	swait.ge [sflag:s19], $0x800  }
0xb9: {  	[sflag:s19] =	ssyncset.done $0x0  }
0xba: {  	[sflag:s19] =	ssyncadd.s32 $0xFFFFF800  }
0xbb: {  	[spmem:s3] =	stream.indirect.scatter.add.f32 [tilespmem:s15], [sflag:$0x6], $0x10, s29, s23, $0xb8;
	[tilespmem:$0x4510] =	vst v63  }
0xbc: {  	_ =	swait.ge [sflag:s11], $0x800  }
0xbd: {  	[sflag:s11] =	ssyncset.done $0x0  }
0xbe: {  	s9 =	sadd.s32 $0x60, s22;
	[sflag:s11] =	ssyncadd.s32 $0xFFFFF800  }
0xbf: {  	[tilespmem:s5], [sflag:$0x7] =	stream.linear.gather [hbm4b:s9+s5], $0x300, $0x38;
	[tilespmem:$0x4510] =	vst v63  }
0xc0: {  	_ =	swait.ge [sflag:s14], $0x300  }
0xc1: {  	[sflag:s14] =	ssyncset.done $0x0  }
0xc2: {  	s10 =	sadd.s32 $0x60, s21;
	[sflag:s14] =	ssyncadd.s32 $0xFFFFFD00  }
0xc3: {  	[tilespmem:s20], [sflag:$0x7] =	stream.linear.gather [hbm4b:s10+s5], $0x300, $0x38;
	[tilespmem:$0x4510] =	vst v63  }
0xc4: {  	_ =	swait.ge [sflag:s14], $0x300  }
0xc5: {  	[sflag:s14] =	ssyncset.done $0x0  }
0xc6: {  	[sflag:s14] =	ssyncadd.s32 $0xFFFFFD00  }
0xc7: {  	[tilespmem:s13], [sflag:$0x1] =	stream.indirect.gather [hbm4b:s1+s23], $0x10, s5, s23, $0xb8;
	[tilespmem:$0x4510] =	vst v63  }
0xc8: {  	_ = 	snop  }
0xc9: {  	[tilespmem:s24], [sflag:$0x2] =	stream.indirect.gather [hbm4b:s1+s23], $0x10, s23, s23, $0xb8;
	[tilespmem:$0x4510] =	vst v63  }
0xca: {  	_ = 	snop  }
0xcb: {  	[tilespmem:s15], [sflag:$0x3] =	stream.indirect.gather [hbm4b:s1+s23], $0x10, s2, s23, $0xb8;
	[tilespmem:$0x4510] =	vst v63  }
0xcc: {  	_ =	swait.ge [sflag:s16], $0x800  }
0xcd: {  	[sflag:s16] =	ssyncset.done $0x0  }
0xce: {  	[sflag:s16] =	ssyncadd.s32 $0xFFFFF800  }
0xcf: {  	[spmem:s3] =	stream.indirect.scatter.add.f32 [tilespmem:s13], [sflag:$0x4], $0x10, s20, s23, $0xb8;
	[tilespmem:$0x4510] =	vst v63  }
0xd0: {  	_ =	swait.ge [sflag:s30], $0x800  }
0xd1: {  	[sflag:s30] =	ssyncset.done $0x0  }
0xd2: {  	[sflag:s30] =	ssyncadd.s32 $0xFFFFF800  }
0xd3: {  	[tilespmem:s13], [sflag:$0x1] =	stream.indirect.gather [hbm4b:s1+s23], $0x10, s31, s23, $0xb8;
	[tilespmem:$0x4510] =	vst v63  }
0xd4: {  	_ =	swait.ge [sflag:s0], $0x800  }
0xd5: {  	[sflag:s0] =	ssyncset.done $0x0  }
0xd6: {  	[sflag:s0] =	ssyncadd.s32 $0xFFFFF800  }
0xd7: {  	[spmem:s3] =	stream.indirect.scatter.add.f32 [tilespmem:s24], [sflag:$0x5], $0x10, s4, s23, $0xb8;
	[tilespmem:$0x4510] =	vst v63  }
0xd8: {  	_ =	swait.ge [sflag:s17], $0x800  }
0xd9: {  	[sflag:s17] =	ssyncset.done $0x0  }
0xda: {  	[sflag:s17] =	ssyncadd.s32 $0xFFFFF800  }
0xdb: {  	[tilespmem:s24], [sflag:$0x2] =	stream.indirect.gather [hbm4b:s1+s23], $0x10, s18, s23, $0xb8;
	[tilespmem:$0x4510] =	vst v63  }
0xdc: {  	_ =	swait.ge [sflag:s19], $0x800  }
0xdd: {  	[sflag:s19] =	ssyncset.done $0x0  }
0xde: {  	[sflag:s19] =	ssyncadd.s32 $0xFFFFF800  }
0xdf: {  	[spmem:s3] =	stream.indirect.scatter.add.f32 [tilespmem:s15], [sflag:$0x6], $0x10, s25, s23, $0xb8;
	[tilespmem:$0x4510] =	vst v63  }
0xe0: {  	_ =	swait.ge [sflag:s11], $0x800  }
0xe1: {  	[sflag:s11] =	ssyncset.done $0x0  }
0xe2: {  	[sflag:s11] =	ssyncadd.s32 $0xFFFFF800  }
0xe3: {  	[tilespmem:s15], [sflag:$0x3] =	stream.indirect.gather [hbm4b:s1+s23], $0x10, s12, s23, $0xb8;
	[tilespmem:$0x4510] =	vst v63  }
0xe4: {  	_ =	swait.ge [sflag:s16], $0x800  }
0xe5: {  	[sflag:s16] =	ssyncset.done $0x0  }
0xe6: {  	[sflag:s16] =	ssyncadd.s32 $0xFFFFF800  }
0xe7: {  	[spmem:s3] =	stream.indirect.scatter.add.f32 [tilespmem:s13], [sflag:$0x4], $0x10, s26, s23, $0xb8;
	[tilespmem:$0x4510] =	vst v63  }
0xe8: {  	_ =	swait.ge [sflag:s30], $0x800  }
0xe9: {  	[sflag:s30] =	ssyncset.done $0x0  }
0xea: {  	[sflag:s30] =	ssyncadd.s32 $0xFFFFF800  }
0xeb: {  	_ =	swait.ge [sflag:s0], $0x800  }
0xec: {  	[sflag:s0] =	ssyncset.done $0x0  }
0xed: {  	[sflag:s0] =	ssyncadd.s32 $0xFFFFF800  }
0xee: {  	[spmem:s3] =	stream.indirect.scatter.add.f32 [tilespmem:s24], [sflag:$0x5], $0x10, s28, s23, $0xb8;
	[tilespmem:$0x4510] =	vst v63  }
0xef: {  	_ =	swait.ge [sflag:s17], $0x800  }
0xf0: {  	[sflag:s17] =	ssyncset.done $0x0  }
0xf1: {  	[sflag:s17] =	ssyncadd.s32 $0xFFFFF800  }
0xf2: {  	_ =	swait.ge [sflag:s19], $0x800  }
0xf3: {  	[sflag:s19] =	ssyncset.done $0x0  }
0xf4: {  	s8 =	simm.s32 $0xC0;
	[sflag:s19] =	ssyncadd.s32 $0xFFFFF800  }
.LBB2_2:
0xf5: {  	[spmem:s3] =	stream.indirect.scatter.add.f32 [tilespmem:s15], [sflag:$0x6], $0x10, s29, s23, $0xb8;
	[tilespmem:$0x4510] =	vst v63  }
0xf6: {  	s9 =	smov.u32 s8  }
0xf7: {  	p2 =	sne.s32 s8, $0x480;
	s8 =	sadd.s32 $0x60, s8;
	_ =	swait.ge [sflag:s11], $0x800  }
0xf8: {  	[sflag:s11] =	ssyncset.done $0x0  }
0xf9: {  	s10 =	sadd.s32 s9, s22;
	[sflag:s11] =	ssyncadd.s32 $0xFFFFF800  }
0xfa: {  	[tilespmem:s5], [sflag:$0x7] =	stream.linear.gather [hbm4b:s10+s5], $0x300, $0x38;
	[tilespmem:$0x4510] =	vst v63  }
0xfb: {  	_ =	swait.ge [sflag:s14], $0x300  }
0xfc: {  	[sflag:s14] =	ssyncset.done $0x0  }
0xfd: {  	s9 =	sadd.s32 s9, s21;
	[sflag:s14] =	ssyncadd.s32 $0xFFFFFD00  }
0xfe: {  	[tilespmem:s20], [sflag:$0x7] =	stream.linear.gather [hbm4b:s9+s5], $0x300, $0x38;
	[tilespmem:$0x4510] =	vst v63  }
0xff: {  	_ =	swait.ge [sflag:s14], $0x300  }
0x100: {  	[sflag:s14] =	ssyncset.done $0x0  }
0x101: {  	[sflag:s14] =	ssyncadd.s32 $0xFFFFFD00  }
0x102: {  	[tilespmem:s13], [sflag:$0x1] =	stream.indirect.gather [hbm4b:s1+s23], $0x10, s5, s23, $0xb8;
	[tilespmem:$0x4510] =	vst v63  }
0x103: {  	_ = 	snop  }
0x104: {  	[tilespmem:s24], [sflag:$0x2] =	stream.indirect.gather [hbm4b:s1+s23], $0x10, s23, s23, $0xb8;
	[tilespmem:$0x4510] =	vst v63  }
0x105: {  	_ = 	snop  }
0x106: {  	[tilespmem:s15], [sflag:$0x3] =	stream.indirect.gather [hbm4b:s1+s23], $0x10, s2, s23, $0xb8;
	[tilespmem:$0x4510] =	vst v63  }
0x107: {  	_ =	swait.ge [sflag:s16], $0x800  }
0x108: {  	[sflag:s16] =	ssyncset.done $0x0  }
0x109: {  	[sflag:s16] =	ssyncadd.s32 $0xFFFFF800  }
0x10a: {  	[spmem:s3] =	stream.indirect.scatter.add.f32 [tilespmem:s13], [sflag:$0x4], $0x10, s20, s23, $0xb8;
	[tilespmem:$0x4510] =	vst v63  }
0x10b: {  	_ =	swait.ge [sflag:s30], $0x800  }
0x10c: {  	[sflag:s30] =	ssyncset.done $0x0  }
0x10d: {  	[sflag:s30] =	ssyncadd.s32 $0xFFFFF800  }
0x10e: {  	[tilespmem:s13], [sflag:$0x1] =	stream.indirect.gather [hbm4b:s1+s23], $0x10, s31, s23, $0xb8;
	[tilespmem:$0x4510] =	vst v63  }
0x10f: {  	_ =	swait.ge [sflag:s0], $0x800  }
0x110: {  	[sflag:s0] =	ssyncset.done $0x0  }
0x111: {  	[sflag:s0] =	ssyncadd.s32 $0xFFFFF800  }
0x112: {  	[spmem:s3] =	stream.indirect.scatter.add.f32 [tilespmem:s24], [sflag:$0x5], $0x10, s4, s23, $0xb8;
	[tilespmem:$0x4510] =	vst v63  }
0x113: {  	_ =	swait.ge [sflag:s17], $0x800  }
0x114: {  	[sflag:s17] =	ssyncset.done $0x0  }
0x115: {  	[sflag:s17] =	ssyncadd.s32 $0xFFFFF800  }
0x116: {  	[tilespmem:s24], [sflag:$0x2] =	stream.indirect.gather [hbm4b:s1+s23], $0x10, s18, s23, $0xb8;
	[tilespmem:$0x4510] =	vst v63  }
0x117: {  	_ =	swait.ge [sflag:s19], $0x800  }
0x118: {  	[sflag:s19] =	ssyncset.done $0x0  }
0x119: {  	[sflag:s19] =	ssyncadd.s32 $0xFFFFF800  }
0x11a: {  	[spmem:s3] =	stream.indirect.scatter.add.f32 [tilespmem:s15], [sflag:$0x6], $0x10, s25, s23, $0xb8;
	[tilespmem:$0x4510] =	vst v63  }
0x11b: {  	_ =	swait.ge [sflag:s11], $0x800  }
0x11c: {  	[sflag:s11] =	ssyncset.done $0x0  }
0x11d: {  	[sflag:s11] =	ssyncadd.s32 $0xFFFFF800  }
0x11e: {  	[tilespmem:s15], [sflag:$0x3] =	stream.indirect.gather [hbm4b:s1+s23], $0x10, s12, s23, $0xb8;
	[tilespmem:$0x4510] =	vst v63  }
0x11f: {  	_ =	swait.ge [sflag:s16], $0x800  }
0x120: {  	[sflag:s16] =	ssyncset.done $0x0  }
0x121: {  	[sflag:s16] =	ssyncadd.s32 $0xFFFFF800  }
0x122: {  	[spmem:s3] =	stream.indirect.scatter.add.f32 [tilespmem:s13], [sflag:$0x4], $0x10, s26, s23, $0xb8;
	[tilespmem:$0x4510] =	vst v63  }
0x123: {  	_ =	swait.ge [sflag:s30], $0x800  }
0x124: {  	[sflag:s30] =	ssyncset.done $0x0  }
0x125: {  	[sflag:s30] =	ssyncadd.s32 $0xFFFFF800  }
0x126: {  	_ =	swait.ge [sflag:s0], $0x800  }
0x127: {  	[sflag:s0] =	ssyncset.done $0x0  }
0x128: {  	[sflag:s0] =	ssyncadd.s32 $0xFFFFF800  }
0x129: {  	[spmem:s3] =	stream.indirect.scatter.add.f32 [tilespmem:s24], [sflag:$0x5], $0x10, s28, s23, $0xb8;
	[tilespmem:$0x4510] =	vst v63  }
0x12a: {  	_ =	swait.ge [sflag:s17], $0x800  }
.Ltmp2:
0x12b: {  	[sflag:s17] =	ssyncset.done $0x0;
	(pc) =	sbr.rel @p2 .LBB2_2-.Ltmp2, $4  }
0x12c: {  	[sflag:s17] =	ssyncadd.s32 $0xFFFFF800  }
0x12d: {  	_ =	swait.ge [sflag:s19], $0x800  }
0x12e: {  	[sflag:s19] =	ssyncset.done $0x0  }
0x12f: {  	[sflag:s19] =	ssyncadd.s32 $0xFFFFF800  }
.Ltmp3:
0x130: {  	(pc) =	sbr.rel @p1 .LBB2_5-.Ltmp3, $4  }
0x131: {  	[spmem:s3] =	stream.indirect.scatter.add.f32 [tilespmem:s15], [sflag:$0x6], $0x10, s29, s23, $0xb8;
	[tilespmem:$0x4510] =	vst v63  }
0x132: {  	_ =	swait.ge [sflag:s11], $0x800  }
0x133: {  	[sflag:s11] =	ssyncset.done $0x0  }
0x134: {  	[sflag:s11] =	ssyncadd.s32 $0xFFFFF800  }
0x135: {  	s8 =	rddreg [dreg:$0xe]  }
0x136: {  	[tilespmem:s5], [sflag:$0x7] =	stream.linear.gather [hbm4b:s8+s5], $0x80, $0x38;
	[tilespmem:$0x4510] =	vst v63  }
0x137: {  	_ =	swait.ge [sflag:s14], $0x80  }
0x138: {  	[sflag:s14] =	ssyncset.done $0x0  }
0x139: {  	s10 =	rddreg [dreg:$0xf];
	[sflag:s14] =	ssyncadd.s32 $0xFFFFFF80  }
0x13a: {  	[tilespmem:s20], [sflag:$0x7] =	stream.linear.gather [hbm4b:s10+s5], $0x80, $0x38;
	[tilespmem:$0x4510] =	vst v63  }
0x13b: {  	_ =	swait.ge [sflag:s14], $0x80  }
0x13c: {  	[sflag:s14] =	ssyncset.done $0x0  }
0x13d: {  	[sflag:s14] =	ssyncadd.s32 $0xFFFFFF80  }
0x13e: {  	[tilespmem:s13], [sflag:$0x1] =	stream.indirect.gather [hbm4b:s1+s23], $0x10, s5, s23, $0xb8;
	[tilespmem:$0x4510] =	vst v63  }
0x13f: {  	_ =	swait.ge [sflag:s16], $0x800  }
0x140: {  	[sflag:s16] =	ssyncset.done $0x0  }
0x141: {  	[sflag:s16] =	ssyncadd.s32 $0xFFFFF800  }
0x142: {  	[spmem:s3] =	stream.indirect.scatter.add.f32 [tilespmem:s13], [sflag:$0x7], $0x10, s20, s23, $0xb8;
	[tilespmem:$0x4510] =	vst v63  }
.Ltmp4:
0x143: {  	_ =	swait.ge [sflag:s14], $0x800;
	(pc) =	sbr.rel .LBB2_6-.Ltmp4, $3  }
0x144: {  	[sflag:s14] =	ssyncset.done $0x0  }
0x145: {  	[sflag:s14] =	ssyncadd.s32 $0xFFFFF800  }
0x146: {  	[bflag:$0x0] =	sbarrier.arrive $0xFFFF;
	_ =	sdelay $0x1  }
.LBB2_5:
.Ltmp5:
0x147: {  	(pc) =	sbr.rel @p0 .LBB2_7-.Ltmp5, $2  }
0x148: {  	_ =	sdelay $0x1  }
0x149: {  	[bflag:$0x0] =	sbarrier.arrive $0xFFFF;
	_ =	sdelay $0x1  }
.LBB2_6:
0x14a: {  	[tilespmem:s13], [sflag:$0x7] =	stream.linear.gather [spmem:s6], $0x800, $0x38;
	[tilespmem:$0x4510] =	vst v63  }
0x14b: {  	_ =	swait.ge [sflag:s14], $0x800  }
0x14c: {  	[sflag:s14] =	ssyncset.done $0x0  }
0x14d: {  	s8 =	rddreg [dreg:$0x10];
	[sflag:s14] =	ssyncadd.s32 $0xFFFFF800  }
0x14e: {  	[hbm4b:s8+s5] =	stream.linear.scatter [tilespmem:s13], [sflag:$0x7], $0x800, $0x38;
	[tilespmem:$0x4510] =	vst v63  }
0x14f: {  	_ =	swait.ge [sflag:s14], $0x800  }
0x150: {  	[sflag:s14] =	ssyncset.done $0x0  }
0x151: {  	s9 =	rddreg [dreg:$0x6];
	[sflag:s14] =	ssyncadd.s32 $0xFFFFF800  }
0x152: {  	[tilespmem:s13], [sflag:$0x7] =	stream.linear.gather [spmem:s9], $0x800, $0x38;
	[tilespmem:$0x4510] =	vst v63  }
0x153: {  	_ =	swait.ge [sflag:s14], $0x800  }
0x154: {  	[sflag:s14] =	ssyncset.done $0x0  }
0x155: {  	s10 =	rddreg [dreg:$0x1a];
	[sflag:s14] =	ssyncadd.s32 $0xFFFFF800  }
0x156: {  	[hbm4b:s10+s5] =	stream.linear.scatter [tilespmem:s13], [sflag:$0x7], $0x800, $0x38;
	[tilespmem:$0x4510] =	vst v63  }
0x157: {  	_ =	swait.ge [sflag:s14], $0x800  }
0x158: {  	[sflag:s14] =	ssyncset.done $0x0  }
0x159: {  	s9 =	rddreg [dreg:$0x7];
	[sflag:s14] =	ssyncadd.s32 $0xFFFFF800  }
0x15a: {  	[tilespmem:s13], [sflag:$0x7] =	stream.linear.gather [spmem:s9], $0x800, $0x38;
	[tilespmem:$0x4510] =	vst v63  }
0x15b: {  	_ =	swait.ge [sflag:s14], $0x800  }
0x15c: {  	[sflag:s14] =	ssyncset.done $0x0  }
0x15d: {  	s10 =	rddreg [dreg:$0x1b];
	[sflag:s14] =	ssyncadd.s32 $0xFFFFF800  }
0x15e: {  	[hbm4b:s10+s5] =	stream.linear.scatter [tilespmem:s13], [sflag:$0x7], $0x800, $0x38;
	[tilespmem:$0x4510] =	vst v63  }
0x15f: {  	_ =	swait.ge [sflag:s14], $0x800  }
0x160: {  	[sflag:s14] =	ssyncset.done $0x0  }
0x161: {  	s9 =	rddreg [dreg:$0x8];
	[sflag:s14] =	ssyncadd.s32 $0xFFFFF800  }
0x162: {  	[tilespmem:s13], [sflag:$0x7] =	stream.linear.gather [spmem:s9], $0x800, $0x38;
	[tilespmem:$0x4510] =	vst v63  }
0x163: {  	_ =	swait.ge [sflag:s14], $0x800  }
0x164: {  	[sflag:s14] =	ssyncset.done $0x0  }
0x165: {  	s10 =	rddreg [dreg:$0x1c];
	[sflag:s14] =	ssyncadd.s32 $0xFFFFF800  }
0x166: {  	[hbm4b:s10+s5] =	stream.linear.scatter [tilespmem:s13], [sflag:$0x7], $0x800, $0x38;
	[tilespmem:$0x4510] =	vst v63  }
0x167: {  	_ =	swait.ge [sflag:s14], $0x800  }
0x168: {  	[sflag:s14] =	ssyncset.done $0x0  }
0x169: {  	s9 =	rddreg [dreg:$0x9];
	[sflag:s14] =	ssyncadd.s32 $0xFFFFF800  }
0x16a: {  	[tilespmem:s13], [sflag:$0x7] =	stream.linear.gather [spmem:s9], $0x700, $0x38;
	[tilespmem:$0x4510] =	vst v63  }
0x16b: {  	_ =	swait.ge [sflag:s14], $0x700  }
0x16c: {  	[sflag:s14] =	ssyncset.done $0x0  }
.Ltmp6:
0x16d: {  	s10 =	rddreg [dreg:$0x1d];
	[sflag:s14] =	ssyncadd.s32 $0xFFFFF900;
	(pc) =	sbr.rel .LBB2_8-.Ltmp6, $4  }
0x16e: {  	[hbm4b:s10+s5] =	stream.linear.scatter [tilespmem:s13], [sflag:$0x7], $0x700, $0x38;
	[tilespmem:$0x4510] =	vst v63  }
0x16f: {  	_ =	swait.ge [sflag:s14], $0x700  }
0x170: {  	[sflag:s14] =	ssyncset.done $0x0  }
0x171: {  	[sflag:s14] =	ssyncadd.s32 $0xFFFFF900  }
.LBB2_9:
0x172: {  	_ =	sfence.sel $0x180000  }
0x173: {  	[bflag:$0x0] =	sbarrier.arrive $0xFFFF  }
0x174: {  	_ =	strace $0x9000004D  }
0x175: {  	s0 =	stileid.u32;
	[bflag:$0x2] =	sbarrier.arrive $0xFFFF  }
0x176: {  	p0 =	sne.s32 s0, $0x0;
	s0 =	rddreg [dreg:$0x5]  }
0x177: {  	s0 =	sadd.s32 @!p0 $0x100000, s0  }
0x178: {  	[sflag:s0] =	ssyncadd.tile.s32 @!p0 $0x1;
	_ =	shalt  }
.Lfunc_end2:
_tile_overlayer_lowered:
.L_overlay_start_2:
0x179: {  	(tag) =	ssettag $0x2  }
0x17a: {  	s0 =	rddreg [dreg:$0x0];
	s2 =	stileid.u32  }
0x17b: {  	s1 =	rddreg [dreg:$0x1];
	p0 =	sne.s32 s2, $0x0  }
0x17c: {  	s3 =	rddreg [dreg:$0x2];
	[bflag:$0x3] =	sbarrier.arrive $0xFFFF;
	s2 =	simm.s32 @!p0 $0x1C07  }
0x17d: {  	[timem:s3], [sflag:s2] =	dma.local @!p0 [hbm:s0], s1  }
0x17e: {  	s0 =	simm.s32 @!p0 $0x7  }
0x17f: {  	_ =	swait.ge @!p0 [sflag:s0], s1  }
0x180: {  	s1 =	ssub.s32 @!p0 $0x0, s1;
	[sflag:s0] =	ssyncset.done @!p0 $0x0  }
0x181: {  	[sflag:s0] =	ssyncadd.s32 @!p0 s1  }
0x182: {  	[bflag:$0x3] =	sbarrier.arrive $0xFFFF  }
0x183: {  	_ =	shalt  }

// kernel: kernel.8.cloned.1.call-start
scs
__scs_entry_jumppad:
0x0: {  	(pc) =	sbr.rel $0x88, $3  }
0x1: {  	(tag) =	ssettag $0x0;
	lr =	simm.s32 $0x1  }
0x2: {  	[smem:$0x3F9B] =	sst lr;
	_ =	strace $0xD0000000  }
0x3: {  	_ = 	snop  }
0x4: {  	_ = 	snop  }
0x5: {  	_ = 	snop  }
0x6: {  	_ = 	snop  }
0x7: {  	_ = 	snop  }
__scs_overlays_trampoline_lowered:
0x8: {  	[smem:$0x3FAA] =	sst s0  }
0x9: {  	[smem:$0x3FAB] =	sst s1  }
0xa: {  	[smem:$0x3FAC] =	sst s2  }
0xb: {  	[smem:$0x3FAD] =	sst s3  }
0xc: {  	[smem:$0x3FAE] =	sst s4  }
0xd: {  	[smem:$0x3FAF] =	sst s5  }
0xe: {  	[smem:$0x3FB0] =	sst s6  }
0xf: {  	[smem:$0x3FB1] =	sst s7  }
0x10: {  	[smem:$0x3FB2] =	sst s8  }
0x11: {  	[smem:$0x3FB3] =	sst s9;
	s0 =	simm.s32 @!p0 $0x0  }
0x12: {  	s1 =	sld [smem:$0x3F99];
	s0 =	simm.s32 @p0 $0x1  }
0x13: {  	[smem:$0x3FB4] =	sst s0;
	s0 =	simm.s32 @!p1 $0x0  }
0x14: {  	s2 =	sld [smem:$0x3F98];
	s0 =	simm.s32 @p1 $0x1  }
0x15: {  	[smem:$0x3FB5] =	sst s0;
	s0 =	simm.s32 @!p2 $0x0  }
0x16: {  	s3 =	sld [smem:$0x3FDB];
	s0 =	simm.s32 @p2 $0x1  }
0x17: {  	s4 =	simm.s32 $0x1BF5;
	[smem:$0x3FB7] =	sst s0  }
0x18: {  	s0 =	sld [smem:$0x3F9A];
	_ =	swait.ge [sflag:s4], $0x0  }
0x19: {  	s7 =	sld [smem:$0x3F9B]  }
0x1a: {  	s8 =	sadd.s32 $0xFFFFE003, lr  }
0x1b: {  	s9 =	sadd.s32 $0xFFFFFEF7, lr;
	s5 =	simm.s32 $0xFFFFFFFF;
	p2 =	slt.u32 s8, $0xFFFFF086  }
0x1c: {  	p1 =	slt.u32 s9, $0xF7A;
	s5 =	simm.s32 @!p2 $0x0  }
0x1d: {  	s5 =	simm.s32 @p1 $0x1;
	p0 =	seq.s32 s7, s2  }
0x1e: {  	s7 =	smul.u32 @!p0 $0xF7A, s2;
	p2 =	seq.s32 @!p0 s5, $0x0  }
0x1f: {  	s9 =	smul.u32 $0xF7A, s1;
	s8 =	simm.s32 @!p0 $0x1BF5;
	p2 =	por !p2, p0  }
0x20: {  	[sflag:s8] =	ssyncset.s32 @!p0 $0xFFFFF086;
	s6 =	sadd.s32 @!p0 s3, s7;
	s7 =	simm.s32 @!p0 $0x108  }
0x21: {  	s3 =	sadd.s32 s3, s9;
	s6 =	sadd.s32 @!p0 $0x88, s6;
	s7 =	simm.s32 @p2 $0x1082  }
0x22: {  	[simem:s7], [sflag:s8] =	dma.local @!p0 [hbm:s6], $0xF7A  }
0x23: {  	s9 =	sor.u32 $0xD0000000, s2;
	s6 =	simm.s32 $0x108;
	_ =	swait.ge @!p0 [sflag:s8], $0x0  }
0x24: {  	s3 =	sadd.s32 $0x88, s3;
	s6 =	simm.s32 @!p1 $0x1082;
	[sflag:s4] =	ssyncset.s32 $0xFFFFF086  }
0x25: {  	[simem:s6], [sflag:s4] =	dma.local [hbm:s3], $0xF7A  }
0x26: {  	[smem:$0x3F9B] =	sst s1;
	(tag) =	ssettag s2;
	_ =	strace s9  }
0x27: {  	s1 =	sld [smem:$0x3FAB]  }
0x28: {  	s2 =	sld [smem:$0x3FAC]  }
0x29: {  	s4 =	sld [smem:$0x3FAE]  }
0x2a: {  	p0 =	seq.s32 s5, $0x0;
	s5 =	sld [smem:$0x3FAF]  }
0x2b: {  	s6 =	sld [smem:$0x3FB0]  }
0x2c: {  	s7 =	sld [smem:$0x3FB1]  }
0x2d: {  	s3 =	simm.s32 $0x108;
	s8 =	sld [smem:$0x3FB2]  }
0x2e: {  	s3 =	simm.s32 @!p0 $0x1082;
	s9 =	sld [smem:$0x3FB3]  }
0x2f: {  	lr =	sadd.s32 s0, s3;
	s0 =	sld [smem:$0x3FAA]  }
0x30: {  	s3 =	sld [smem:$0x3FAD]  }
0x31: {  	[smem:$0x3FB6] =	sst s10  }
0x32: {  	s10 =	sld [smem:$0x3FB4];
	_ =	sdelay $0x3  }
0x33: {  	p0 =	seq.s32 s10, $0x1;
	s10 =	sld [smem:$0x3FB6];
	_ =	sdelay $0x3  }
0x34: {  	[smem:$0x3FB6] =	sst s10  }
0x35: {  	s10 =	sld [smem:$0x3FB5];
	_ =	sdelay $0x3  }
0x36: {  	p1 =	seq.s32 s10, $0x1;
	s10 =	sld [smem:$0x3FB6];
	_ =	sdelay $0x3  }
0x37: {  	[smem:$0x3FB6] =	sst s10  }
0x38: {  	s10 =	sld [smem:$0x3FB7]  }
0x39: {  	_ = 	snop;
	(pc) =	sbr.ind lr, $3  }
0x3a: {  	_ = 	snop  }
0x3b: {  	_ = 	snop  }
0x3c: {  	p2 =	seq.s32 s10, $0x1;
	s10 =	sld [smem:$0x3FB6]  }
0x3d: {  	_ =	shalt  }
0x3e: {  	_ =	shalt  }
0x3f: {  	_ =	shalt  }
0x40: {  	_ =	shalt  }
0x41: {  	_ =	shalt  }
0x42: {  	_ =	shalt  }
0x43: {  	_ =	shalt  }
0x44: {  	_ =	shalt  }
0x45: {  	_ =	shalt  }
0x46: {  	_ =	shalt  }
0x47: {  	_ =	shalt  }
0x48: {  	_ =	shalt  }
0x49: {  	_ =	shalt  }
0x4a: {  	_ =	shalt  }
0x4b: {  	_ =	shalt  }
0x4c: {  	_ =	shalt  }
0x4d: {  	_ =	shalt  }
0x4e: {  	_ =	shalt  }
0x4f: {  	_ =	shalt  }
0x50: {  	_ =	shalt  }
0x51: {  	_ =	shalt  }
0x52: {  	_ =	shalt  }
0x53: {  	_ =	shalt  }
0x54: {  	_ =	shalt  }
0x55: {  	_ =	shalt  }
0x56: {  	_ =	shalt  }
0x57: {  	_ =	shalt  }
0x58: {  	_ =	shalt  }
0x59: {  	_ =	shalt  }
0x5a: {  	_ =	shalt  }
0x5b: {  	_ =	shalt  }
0x5c: {  	_ =	shalt  }
0x5d: {  	_ =	shalt  }
0x5e: {  	_ =	shalt  }
0x5f: {  	_ =	shalt  }
0x60: {  	_ =	shalt  }
0x61: {  	_ =	shalt  }
0x62: {  	_ =	shalt  }
0x63: {  	_ =	shalt  }
0x64: {  	_ =	shalt  }
0x65: {  	_ =	shalt  }
0x66: {  	_ =	shalt  }
0x67: {  	_ =	shalt  }
0x68: {  	_ =	shalt  }
0x69: {  	_ =	shalt  }
0x6a: {  	_ =	shalt  }
0x6b: {  	_ =	shalt  }
0x6c: {  	_ =	shalt  }
0x6d: {  	_ =	shalt  }
0x6e: {  	_ =	shalt  }
0x6f: {  	_ =	shalt  }
0x70: {  	_ =	shalt  }
0x71: {  	_ =	shalt  }
0x72: {  	_ =	shalt  }
0x73: {  	_ =	shalt  }
0x74: {  	_ =	shalt  }
0x75: {  	_ =	shalt  }
0x76: {  	_ =	shalt  }
0x77: {  	_ =	shalt  }
0x78: {  	_ =	shalt  }
0x79: {  	_ =	shalt  }
0x7a: {  	_ =	shalt  }
0x7b: {  	_ =	shalt  }
0x7c: {  	_ =	shalt  }
0x7d: {  	_ =	shalt  }
0x7e: {  	_ =	shalt  }
0x7f: {  	_ =	shalt  }
0x80: {  	_ =	shalt  }
0x81: {  	_ =	shalt  }
0x82: {  	_ =	shalt  }
0x83: {  	_ =	shalt  }
0x84: {  	_ =	shalt  }
0x85: {  	_ =	shalt  }
0x86: {  	_ =	shalt  }
0x87: {  	_ =	shalt  }
.Lfunc_end0:
.L_simem_size_0:
called_computation_lowered:
.L_overlay_start_0:
0x88: {  	s2 =	sld [smem:$0x3FD9]  }
0x89: {  	s3 =	sld [smem:$0x3FFE];
	_ =	sdelay $0x1  }
0x8a: {  	s1 =	srdreg.scid  }
0x8b: {  	s0 =	sand.u32 $0x1, s1  }
0x8c: {  	s14 =	sshll.u32 s0, $0xA;
	s2 =	sadd.s32 s3, s2  }
0x8d: {  	s2 =	sadd.s32 s2, s14  }
0x8e: {  	[smem:$0x3FC2] =	sst s2  }
0x8f: {  	_ = 	snop  }
0x90: {  	s2 =	sld [smem:$0x3FD0];
	_ =	sdelay $0x2  }
0x91: {  	s15 =	simm.s32 $0xA;
	s4 =	simm.s32 $0x10  }
0x92: {  	[smem:s4], [sflag:s15] =	dma.local [hbm:s2], $0x1  }
0x93: {  	_ =	swait.eq [sflag:s15], $0x1  }
0x94: {  	s16 =	sld [smem:$0x10];
	[sflag:s15] =	ssyncset.done $0x0  }
0x95: {  	s17 =	sld [smem:$0x11];
	[sflag:s15] =	ssyncadd.s32 $0xFFFFFFFF  }
0x96: {  	s18 =	sld [smem:$0x13];
	(tm) =	ssettm $0x1  }
0x97: {  	s5 =	sld [smem:$0x3FFB];
	_ =	sdelay $0x3  }
0x98: {  	_ =	strace s5  }
0x99: {  	s5 =	sld [smem:$0x3FFC];
	_ =	sdelay $0x3  }
0x9a: {  	_ =	strace s5  }
0x9b: {  	s5 =	sld [smem:$0x3FFD];
	_ =	sdelay $0x3  }
0x9c: {  	_ =	strace s5  }
0x9d: {  	_ =	strace $0x8FFFFFFF  }
0x9e: {  	s19 =	sld [smem:$0x3FDB];
	_ =	sdelay $0x1  }
0x9f: {  	s6 =	simm.s32 $_scs_section_size  }
0xa0: {  	s7 =	simm.s32 $_size__tile_overlayer_lowered;
	s8 =	simm.s32 $_tile_overlayer_lowered  }
0xa1: {  	s22 =	simm.s32 $0x1BFF;
	s21 =	sshll.u32 s8, $0x1;
	s5 =	sadd.s32 s6, s19  }
0xa2: {  	s9 =	simm.s32 $0x0;
	s20 =	sshll.u32 s7, $0x1;
	s7 =	sadd.s32 s21, s5  }
0xa3: {  	[timem:s9], [sflag:s22] =	dma.local [hbm:s7], s20  }
0xa4: {  	_ =	swait.ge [sflag:s22], s20  }
0xa5: {  	s6 =	ssub.s32 $0x0, s20;
	[sflag:s22] =	ssyncset.done $0x0  }
0xa6: {  	[sflag:s22] =	ssyncadd.s32 s6;
	_ =	sdelay $0x1  }
0xa7: {  	s23 =	simm.s32 $0x1B8B  }
0xa8: {  	_ =	swait.ge [sflag:s23], $0x1  }
0xa9: {  	[sflag:s23] =	ssyncset.done $0x0  }
0xaa: {  	s25 =	simm.s32 $0x1B8E;
	s24 =	sld [smem:$0x3FFE];
	[sflag:s23] =	ssyncadd.s32 $0xFFFFFFFF  }
0xab: {  	s26 =	simm.s32 $execute0_lowered;
	[smem:$0x3FD2] =	sst s25  }
0xac: {  	s7 =	sshll.u32 s26, $0x1;
	_ =	strace $0x80000046;
	[dreg:$0x1] =	wrdreg $0xFFFFFFFF  }
0xad: {  	s28 =	simm.s32 $_size_execute0_lowered;
	s5 =	sadd.s32 s5, s7;
	[dreg:$0x0] =	wrdreg $0x0  }
0xae: {  	s7 =	sshll.u32 s28, $0x1;
	[dreg:$0x2] =	wrdreg s5  }
0xaf: {  	[dreg:$0x3] =	wrdreg s7  }
0xb0: {  	[dreg:$0x4] =	wrdreg $0xC0  }
0xb1: {  	_ =	task [dreg:s9], $0x5FFFF  }
0xb2: {  	[dreg:$0x1] =	wrdreg $0xFFFFFFFF  }
0xb3: {  	[dreg:$0x0] =	wrdreg $0x60  }
0xb4: {  	[dreg:$0x2] =	wrdreg s24  }
0xb5: {  	[dreg:$0x3] =	wrdreg s17  }
0xb6: {  	[dreg:$0x4] =	wrdreg s18  }
0xb7: {  	[dreg:$0x5] =	wrdreg s16  }
0xb8: {  	[dreg:$0x6] =	wrdreg $0x9000  }
0xb9: {  	[dreg:$0x7] =	wrdreg $0xB780  }
0xba: {  	[dreg:$0x8] =	wrdreg $0x9  }
0xbb: {  	_ =	task.clear_ibuf [dreg:s9], $0x9FFFF;
	_ =	strace $0x90000046  }
0xbc: {  	s29 =	simm.s32 $0x9;
	_ =	strace $0x80000048  }
0xbd: {  	_ =	swait.ge [sflag:s29], $0x1  }
0xbe: {  	[sflag:s29] =	ssyncadd.s32 $0xFFFFFFFF  }
0xbf: {  	_ =	strace $0x90000048  }
0xc0: {  	_ =	sfence  }
0xc1: {  	s30 =	sld [smem:$0x0];
	_ =	sdelay $0x2  }
0xc2: {  	s31 =	sshll.u32 s1, $0xD;
	s1 =	sshrl.u32 s1, $0x2  }
0xc3: {  	s3 =	sand.u32 $0x4000, s31;
	s1 =	sadd.s32 s1, s30  }
0xc4: {  	s0 =	sor.u32 s3, s0;
	s1 =	sshll.u32 s1, $0x11  }
0xc5: {  	s0 =	sor.u32 s1, s0  }
0xc6: {  	s0 =	sadd.s32 $0x8F2B, s0  }
0xc7: {  	[sflag:s0] =	ssyncadd.remote.s32 $0x1  }
0xc8: {  	_ =	sfence.sel $0xFFFF  }
0xc9: {  	[dreg:$0x0] =	wrdreg $0xFFFFFFFF;
	(pc) =	sbr.abs _section_cstart, $3  }
0xca: {  	[dreg:$0x1] =	wrdreg $0xFFFFFFFF  }
0xcb: {  	_ =	task.clear_ibuf [dreg:s9], $0x2FFFF;
	_ =	strace $0x9FFFFFFF  }
0xcc: {  	(tm) =	ssettm $0x7FFFFFFF  }
0xcd: {  	_ =	shalt  }
tec
execute0_lowered:
.L_overlay_start_1:
0x0: {  	(tag) =	ssettag $0x1  }
0x1: {  	s0 =	rddreg [dreg:$0x0]  }
0x2: {  	s1 =	rddreg [dreg:$0x2]  }
0x3: {  	s4 =	rddreg [dreg:$0x3]  }
0x4: {  	s2 =	rddreg [dreg:$0x4]  }
0x5: {  	s3 =	rddreg [dreg:$0x5];
	s5 =	simm.s32 $0x0;
	s6 =	srdreg.scid  }
0x6: {  	s26 =	stileid.u32;
	s28 =	simm.s32 $0x2;
	s29 =	simm.s32 $0x380  }
0x7: {  	s30 =	simm.s32 $0x100;
	s31 =	simm.s32 $0x400;
	[smem:$0x7FF] =	sst s5  }
0x8: {  	s10 =	sand.u32 $0x1, s6;
	s11 =	sadd.s32 $0xC000, s0;
	s12 =	smul.u32 $0x270, s26  }
0x9: {  	s8 =	sshll.u32 s26, $0x1;
	s0 =	sadd.s32 $0x2200, s0;
	s23 =	smul.u32 $0x9C0, s26  }
0xa: {  	p0 =	seq.s32 s26, $0xF;
	p1 =	sgt.u32 s26, $0x1;
	s26 =	simm.s32 $0x1  }
0xb: {  	_ =	strace $0x80000047;
	s6 =	ssub.s32 $0x2, s10;
	s13 =	smul.u32 $0x2710, s10  }
0xc: {  	s15 =	sor.u32 s10, s8;
	s8 =	sadd.s32 $0x2490, s2;
	s25 =	smul.u32 $0x4E0, s10  }
0xd: {  	s10 =	simm.s32 $0x200;
	s7 =	sshrl.u32 s6, $0x1;
	s17 =	sshll.u32 s15, $0x4  }
0xe: {  	s21 =	smul.u32 $0x4E0, s15;
	s14 =	ssub.s32 s6, s7;
	s6 =	sadd.s32 s12, s2  }
0xf: {  	s7 =	sadd.s32 s12, s3;
	s9 =	sshrl.u32 s13, $0x3;
	s17 =	sor.u32 $0x9C00, s17  }
0x10: {  	s12 =	sadd.s32 s12, s13;
	s13 =	simm.s32 $0x0;
	s19 =	sadd.s32 s11, s17  }
0x11: {  	s16 =	sadd.s32 $0x492, s9;
	s20 =	sadd.s32 s0, s17;
	[dreg:$0x9] =	wrdreg s19  }
0x12: {  	s9 =	sadd.s32 $0x2490, s3;
	s24 =	smax.u32 s14, $0x1;
	[dreg:$0xa] =	wrdreg s20  }
0x13: {  	s12 =	sshrl.u32 s12, $0x3;
	s18 =	sadd.s32 s1, s16;
	[dreg:$0xd] =	wrdreg s24  }
0x14: {  	s17 =	sadd.s32 s11, s21;
	s16 =	sadd.s32 s4, s16;
	[dreg:$0x7] =	wrdreg s18  }
0x15: {  	s1 =	sadd.s32 s1, s12;
	s22 =	sadd.s32 s4, s12;
	[dreg:$0x8] =	wrdreg s16  }
0x16: {  	s24 =	simm.s32 $0x80;
	s4 =	simm.s32 $0x480;
	[dreg:$0xb] =	wrdreg s1  }
.Ltmp0:
0x17: {  	s12 =	simm.s32 $0x580;
	[dreg:$0xc] =	wrdreg s22;
	(pc) =	sbr.rel .LBB2_1-.Ltmp0, $4  }
0x18: {  	s18 =	sadd.s32 s0, s21;
	s0 =	sadd.s32 s23, s0;
	s1 =	sadd.s32 s23, s11  }
0x19: {  	s21 =	simm.s32 $0x680;
	s22 =	simm.s32 $0x3;
	s23 =	simm.s32 $0x300  }
0x1a: {  	s11 =	simm.s32 $0x500;
	s19 =	sadd.s32 s25, s0;
	s20 =	sadd.s32 s25, s1  }
0x1b: {  	v0 =	vimm.f32 $1.000000000e+00;
	s25 =	simm.s32 $0x600;
	s0 =	simm.s32 $0x180;
	s1 =	simm.s32 $0x280  }
.LBB2_7:
0x1c: {  	[tilespmem:s21], [sflag:$0x3] =	stream.linear.gather [spmem:s8], $0x280, $0x38;
	[tilespmem:$0xDF0] =	vst v63  }
0x1d: {  	_ =	swait.ge [sflag:s22], $0x280  }
0x1e: {  	[sflag:s22] =	ssyncset.done $0x0  }
0x1f: {  	s14 =	rddreg [dreg:$0x7];
	[sflag:s22] =	ssyncadd.s32 $0xFFFFFD80  }
0x20: {  	[hbm4b:s14+s5] =	stream.linear.scatter [tilespmem:s21], [sflag:$0x3], $0x280, $0x38;
	[tilespmem:$0xDF0] =	vst v63  }
0x21: {  	_ =	swait.ge [sflag:s22], $0x280  }
0x22: {  	[sflag:s22] =	ssyncset.done $0x0  }
0x23: {  	[sflag:s22] =	ssyncadd.s32 $0xFFFFFD80  }
0x24: {  	[tilespmem:s21], [sflag:$0x3] =	stream.linear.gather [spmem:s9], $0x280, $0x38;
	[tilespmem:$0xDF0] =	vst v63  }
0x25: {  	_ =	swait.ge [sflag:s22], $0x280  }
0x26: {  	[sflag:s22] =	ssyncset.done $0x0  }
0x27: {  	s16 =	rddreg [dreg:$0x8];
	[sflag:s22] =	ssyncadd.s32 $0xFFFFFD80  }
0x28: {  	[hbm4b:s16+s5] =	stream.linear.scatter [tilespmem:s21], [sflag:$0x3], $0x280, $0x38;
	[tilespmem:$0xDF0] =	vst v63  }
0x29: {  	_ =	swait.ge [sflag:s22], $0x280  }
0x2a: {  	[sflag:s22] =	ssyncset.done $0x0  }
0x2b: {  	[sflag:s22] =	ssyncadd.s32 $0xFFFFFD80  }
.LBB2_8:
0x2c: {  	s13 =	sadd.s32 $0x1, s13;
	s14 =	rddreg [dreg:$0xd]  }
0x2d: {  	p2 =	sne.s32 s13, s14  }
.Ltmp1:
0x2e: {  	_ = 	snop;
	(pc) =	sbr.rel @!p2 .LBB2_9-.Ltmp1, $1  }
0x2f: {  	_ =	sdelay $0x3  }
.LBB2_1:
0x30: {  	[tilespmem:$0x600] =	vst v0  }
0x31: {  	[tilespmem:$0x610] =	vst v0  }
0x32: {  	[tilespmem:$0x620] =	vst v0  }
0x33: {  	[tilespmem:$0x630] =	vst v0  }
0x34: {  	[tilespmem:$0x640] =	vst v0  }
0x35: {  	[tilespmem:$0x650] =	vst v0  }
0x36: {  	[tilespmem:$0x660] =	vst v0  }
0x37: {  	[tilespmem:$0x670] =	vst v0;
	s14 =	rddreg [dreg:$0x1]  }
0x38: {  	[tilespmem:s21], [sflag:$0x3] =	stream.linear.gather [hbm4b:s14+s5], $0x280, $0x38;
	[tilespmem:$0xDF0] =	vst v63  }
0x39: {  	_ =	swait.ge [sflag:s22], $0x280  }
0x3a: {  	[sflag:s22] =	ssyncset.done $0x0  }
0x3b: {  	s15 =	simm.s32 @p0 $0x3;
	s14 =	simm.s32 @p0 $0x680;
	[sflag:s22] =	ssyncadd.s32 $0xFFFFFD80  }
0x3c: {  	[spmem:s8] =	stream.linear.scatter @p0 [tilespmem:s14], [sflag:$0x3], $0x280, $0x38;
	[tilespmem:$0xDF0] =	vst v63  }
0x3d: {  	_ =	swait.ge @p0 [sflag:s15], $0x280  }
0x3e: {  	[sflag:s15] =	ssyncset.done @p0 $0x0  }
0x3f: {  	[sflag:s15] =	ssyncadd.s32 @p0 $0xFFFFFD80  }
0x40: {  	[spmem:s9] =	stream.linear.scatter @p0 [tilespmem:s14], [sflag:$0x3], $0x280, $0x38;
	[tilespmem:$0xDF0] =	vst v63  }
0x41: {  	_ =	swait.ge @p0 [sflag:s15], $0x280  }
0x42: {  	[sflag:s15] =	ssyncset.done @p0 $0x0  }
0x43: {  	s14 =	simm.s32 @!p0 $0x680;
	[sflag:s15] =	ssyncadd.s32 @p0 $0xFFFFFD80;
	s15 =	simm.s32 @!p0 $0x3  }
0x44: {  	[spmem:s6] =	stream.linear.scatter @!p0 [tilespmem:s14], [sflag:$0x3], $0x270, $0x38;
	[tilespmem:$0xDF0] =	vst v63  }
0x45: {  	_ =	swait.ge @!p0 [sflag:s15], $0x270  }
0x46: {  	[sflag:s15] =	ssyncset.done @!p0 $0x0  }
0x47: {  	[sflag:s15] =	ssyncadd.s32 @!p0 $0xFFFFFD90  }
0x48: {  	[spmem:s7] =	stream.linear.scatter @!p0 [tilespmem:s14], [sflag:$0x3], $0x270, $0x38;
	[tilespmem:$0xDF0] =	vst v63  }
0x49: {  	_ =	swait.ge @!p0 [sflag:s15], $0x270  }
0x4a: {  	[sflag:s15] =	ssyncset.done @!p0 $0x0  }
0x4b: {  	[sflag:s15] =	ssyncadd.s32 @!p0 $0xFFFFFD90  }
0x4c: {  	[bflag:$0x0] =	sbarrier.arrive $0xFFFF  }
0x4d: {  	[tilespmem:s5], [sflag:$0x3] =	stream.linear.gather [hbm4b:s17+s5], $0x300, $0x38;
	[tilespmem:$0xDF0] =	vst v63  }
0x4e: {  	_ =	swait.ge [sflag:s22], $0x300  }
0x4f: {  	[sflag:s22] =	ssyncset.done $0x0  }
0x50: {  	[sflag:s22] =	ssyncadd.s32 $0xFFFFFD00  }
0x51: {  	[tilespmem:s23], [sflag:$0x3] =	stream.linear.gather [hbm4b:s18+s5], $0x300, $0x38;
	[tilespmem:$0xDF0] =	vst v63  }
0x52: {  	_ =	swait.ge [sflag:s22], $0x300  }
0x53: {  	[sflag:s22] =	ssyncset.done $0x0  }
0x54: {  	[sflag:s22] =	ssyncadd.s32 $0xFFFFFD00  }
0x55: {  	[spmem:s2] =	stream.indirect.scatter.add.f32 [tilespmem:s25], [sflag:$0x1], $0x1, s5, s24, $0xb8;
	[tilespmem:$0xDF0] =	vst v63  }
0x56: {  	_ = 	snop  }
0x57: {  	[spmem:s3] =	stream.indirect.scatter.add.f32 [tilespmem:s25], [sflag:$0x2], $0x1, s23, s24, $0xb8;
	[tilespmem:$0xDF0] =	vst v63  }
0x58: {  	_ =	swait.ge [sflag:s26], $0x80  }
0x59: {  	[sflag:s26] =	ssyncset.done $0x0  }
0x5a: {  	[sflag:s26] =	ssyncadd.s32 $0xFFFFFF80  }
0x5b: {  	_ =	swait.ge [sflag:s28], $0x80  }
0x5c: {  	[sflag:s28] =	ssyncset.done $0x0  }
0x5d: {  	[sflag:s28] =	ssyncadd.s32 $0xFFFFFF80  }
0x5e: {  	[spmem:s2] =	stream.indirect.scatter.add.f32 [tilespmem:s25], [sflag:$0x1], $0x1, s24, s24, $0xb8;
	[tilespmem:$0xDF0] =	vst v63  }
0x5f: {  	_ = 	snop  }
0x60: {  	[spmem:s3] =	stream.indirect.scatter.add.f32 [tilespmem:s25], [sflag:$0x2], $0x1, s29, s24, $0xb8;
	[tilespmem:$0xDF0] =	vst v63  }
0x61: {  	_ =	swait.ge [sflag:s26], $0x80  }
0x62: {  	[sflag:s26] =	ssyncset.done $0x0  }
0x63: {  	[sflag:s26] =	ssyncadd.s32 $0xFFFFFF80  }
0x64: {  	_ =	swait.ge [sflag:s28], $0x80  }
0x65: {  	[sflag:s28] =	ssyncset.done $0x0  }
0x66: {  	[sflag:s28] =	ssyncadd.s32 $0xFFFFFF80  }
0x67: {  	[spmem:s2] =	stream.indirect.scatter.add.f32 [tilespmem:s25], [sflag:$0x1], $0x1, s30, s24, $0xb8;
	[tilespmem:$0xDF0] =	vst v63  }
0x68: {  	_ = 	snop  }
0x69: {  	[spmem:s3] =	stream.indirect.scatter.add.f32 [tilespmem:s25], [sflag:$0x2], $0x1, s31, s24, $0xb8;
	[tilespmem:$0xDF0] =	vst v63  }
0x6a: {  	_ =	swait.ge [sflag:s26], $0x80  }
0x6b: {  	[sflag:s26] =	ssyncset.done $0x0  }
0x6c: {  	[sflag:s26] =	ssyncadd.s32 $0xFFFFFF80  }
0x6d: {  	_ =	swait.ge [sflag:s28], $0x80  }
0x6e: {  	[sflag:s28] =	ssyncset.done $0x0  }
0x6f: {  	[sflag:s28] =	ssyncadd.s32 $0xFFFFFF80  }
0x70: {  	[spmem:s2] =	stream.indirect.scatter.add.f32 [tilespmem:s25], [sflag:$0x1], $0x1, s0, s24, $0xb8;
	[tilespmem:$0xDF0] =	vst v63  }
0x71: {  	_ = 	snop  }
0x72: {  	[spmem:s3] =	stream.indirect.scatter.add.f32 [tilespmem:s25], [sflag:$0x2], $0x1, s4, s24, $0xb8;
	[tilespmem:$0xDF0] =	vst v63  }
0x73: {  	_ =	swait.ge [sflag:s26], $0x80  }
0x74: {  	[sflag:s26] =	ssyncset.done $0x0  }
0x75: {  	[sflag:s26] =	ssyncadd.s32 $0xFFFFFF80  }
0x76: {  	_ =	swait.ge [sflag:s28], $0x80  }
0x77: {  	[sflag:s28] =	ssyncset.done $0x0  }
0x78: {  	[sflag:s28] =	ssyncadd.s32 $0xFFFFFF80  }
0x79: {  	[spmem:s2] =	stream.indirect.scatter.add.f32 [tilespmem:s25], [sflag:$0x1], $0x1, s10, s24, $0xb8;
	[tilespmem:$0xDF0] =	vst v63  }
0x7a: {  	_ = 	snop  }
0x7b: {  	[spmem:s3] =	stream.indirect.scatter.add.f32 [tilespmem:s25], [sflag:$0x2], $0x1, s11, s24, $0xb8;
	[tilespmem:$0xDF0] =	vst v63  }
0x7c: {  	_ =	swait.ge [sflag:s26], $0x80  }
0x7d: {  	[sflag:s26] =	ssyncset.done $0x0  }
0x7e: {  	[sflag:s26] =	ssyncadd.s32 $0xFFFFFF80  }
0x7f: {  	_ =	swait.ge [sflag:s28], $0x80  }
0x80: {  	[sflag:s28] =	ssyncset.done $0x0  }
0x81: {  	[sflag:s28] =	ssyncadd.s32 $0xFFFFFF80  }
0x82: {  	[spmem:s2] =	stream.indirect.scatter.add.f32 [tilespmem:s25], [sflag:$0x1], $0x1, s1, s24, $0xb8;
	[tilespmem:$0xDF0] =	vst v63  }
0x83: {  	_ = 	snop  }
0x84: {  	[spmem:s3] =	stream.indirect.scatter.add.f32 [tilespmem:s25], [sflag:$0x2], $0x1, s12, s24, $0xb8;
	[tilespmem:$0xDF0] =	vst v63  }
0x85: {  	_ =	swait.ge [sflag:s26], $0x80  }
0x86: {  	[sflag:s26] =	ssyncset.done $0x0  }
0x87: {  	[sflag:s26] =	ssyncadd.s32 $0xFFFFFF80  }
0x88: {  	_ =	swait.ge [sflag:s28], $0x80  }
0x89: {  	[sflag:s28] =	ssyncset.done $0x0  }
0x8a: {  	s15 =	sadd.s32 $0x60, s20;
	[sflag:s28] =	ssyncadd.s32 $0xFFFFFF80  }
0x8b: {  	[tilespmem:s5], [sflag:$0x3] =	stream.linear.gather [hbm4b:s15+s5], $0x300, $0x38;
	[tilespmem:$0xDF0] =	vst v63  }
0x8c: {  	_ =	swait.ge [sflag:s22], $0x300  }
0x8d: {  	[sflag:s22] =	ssyncset.done $0x0  }
0x8e: {  	s16 =	sadd.s32 $0x60, s19;
	[sflag:s22] =	ssyncadd.s32 $0xFFFFFD00  }
0x8f: {  	[tilespmem:s23], [sflag:$0x3] =	stream.linear.gather [hbm4b:s16+s5], $0x300, $0x38;
	[tilespmem:$0xDF0] =	vst v63  }
0x90: {  	_ =	swait.ge [sflag:s22], $0x300  }
0x91: {  	[sflag:s22] =	ssyncset.done $0x0  }
0x92: {  	[sflag:s22] =	ssyncadd.s32 $0xFFFFFD00  }
0x93: {  	[spmem:s2] =	stream.indirect.scatter.add.f32 [tilespmem:s25], [sflag:$0x1], $0x1, s5, s24, $0xb8;
	[tilespmem:$0xDF0] =	vst v63  }
0x94: {  	_ = 	snop  }
0x95: {  	[spmem:s3] =	stream.indirect.scatter.add.f32 [tilespmem:s25], [sflag:$0x2], $0x1, s23, s24, $0xb8;
	[tilespmem:$0xDF0] =	vst v63  }
0x96: {  	_ =	swait.ge [sflag:s26], $0x80  }
0x97: {  	[sflag:s26] =	ssyncset.done $0x0  }
0x98: {  	[sflag:s26] =	ssyncadd.s32 $0xFFFFFF80  }
0x99: {  	_ =	swait.ge [sflag:s28], $0x80  }
0x9a: {  	[sflag:s28] =	ssyncset.done $0x0  }
0x9b: {  	[sflag:s28] =	ssyncadd.s32 $0xFFFFFF80  }
0x9c: {  	[spmem:s2] =	stream.indirect.scatter.add.f32 [tilespmem:s25], [sflag:$0x1], $0x1, s24, s24, $0xb8;
	[tilespmem:$0xDF0] =	vst v63  }
0x9d: {  	_ = 	snop  }
0x9e: {  	[spmem:s3] =	stream.indirect.scatter.add.f32 [tilespmem:s25], [sflag:$0x2], $0x1, s29, s24, $0xb8;
	[tilespmem:$0xDF0] =	vst v63  }
0x9f: {  	_ =	swait.ge [sflag:s26], $0x80  }
0xa0: {  	[sflag:s26] =	ssyncset.done $0x0  }
0xa1: {  	[sflag:s26] =	ssyncadd.s32 $0xFFFFFF80  }
0xa2: {  	_ =	swait.ge [sflag:s28], $0x80  }
0xa3: {  	[sflag:s28] =	ssyncset.done $0x0  }
0xa4: {  	[sflag:s28] =	ssyncadd.s32 $0xFFFFFF80  }
0xa5: {  	[spmem:s2] =	stream.indirect.scatter.add.f32 [tilespmem:s25], [sflag:$0x1], $0x1, s30, s24, $0xb8;
	[tilespmem:$0xDF0] =	vst v63  }
0xa6: {  	_ = 	snop  }
0xa7: {  	[spmem:s3] =	stream.indirect.scatter.add.f32 [tilespmem:s25], [sflag:$0x2], $0x1, s31, s24, $0xb8;
	[tilespmem:$0xDF0] =	vst v63  }
0xa8: {  	_ =	swait.ge [sflag:s26], $0x80  }
0xa9: {  	[sflag:s26] =	ssyncset.done $0x0  }
0xaa: {  	[sflag:s26] =	ssyncadd.s32 $0xFFFFFF80  }
0xab: {  	_ =	swait.ge [sflag:s28], $0x80  }
0xac: {  	[sflag:s28] =	ssyncset.done $0x0  }
0xad: {  	[sflag:s28] =	ssyncadd.s32 $0xFFFFFF80  }
0xae: {  	[spmem:s2] =	stream.indirect.scatter.add.f32 [tilespmem:s25], [sflag:$0x1], $0x1, s0, s24, $0xb8;
	[tilespmem:$0xDF0] =	vst v63  }
0xaf: {  	_ = 	snop  }
0xb0: {  	[spmem:s3] =	stream.indirect.scatter.add.f32 [tilespmem:s25], [sflag:$0x2], $0x1, s4, s24, $0xb8;
	[tilespmem:$0xDF0] =	vst v63  }
0xb1: {  	_ =	swait.ge [sflag:s26], $0x80  }
0xb2: {  	[sflag:s26] =	ssyncset.done $0x0  }
0xb3: {  	[sflag:s26] =	ssyncadd.s32 $0xFFFFFF80  }
0xb4: {  	_ =	swait.ge [sflag:s28], $0x80  }
0xb5: {  	[sflag:s28] =	ssyncset.done $0x0  }
0xb6: {  	[sflag:s28] =	ssyncadd.s32 $0xFFFFFF80  }
0xb7: {  	[spmem:s2] =	stream.indirect.scatter.add.f32 [tilespmem:s25], [sflag:$0x1], $0x1, s10, s24, $0xb8;
	[tilespmem:$0xDF0] =	vst v63  }
0xb8: {  	_ = 	snop  }
0xb9: {  	[spmem:s3] =	stream.indirect.scatter.add.f32 [tilespmem:s25], [sflag:$0x2], $0x1, s11, s24, $0xb8;
	[tilespmem:$0xDF0] =	vst v63  }
0xba: {  	_ =	swait.ge [sflag:s26], $0x80  }
0xbb: {  	[sflag:s26] =	ssyncset.done $0x0  }
0xbc: {  	[sflag:s26] =	ssyncadd.s32 $0xFFFFFF80  }
0xbd: {  	_ =	swait.ge [sflag:s28], $0x80  }
0xbe: {  	[sflag:s28] =	ssyncset.done $0x0  }
0xbf: {  	s14 =	simm.s32 $0xC0;
	[sflag:s28] =	ssyncadd.s32 $0xFFFFFF80  }
0xc0: {  	[spmem:s2] =	stream.indirect.scatter.add.f32 [tilespmem:s25], [sflag:$0x1], $0x1, s1, s24, $0xb8;
	[tilespmem:$0xDF0] =	vst v63  }
.LBB2_2:
0xc1: {  	[spmem:s3] =	stream.indirect.scatter.add.f32 [tilespmem:s25], [sflag:$0x2], $0x1, s12, s24, $0xb8;
	[tilespmem:$0xDF0] =	vst v63  }
0xc2: {  	s15 =	smov.u32 s14  }
0xc3: {  	p2 =	sne.s32 s14, $0x480;
	s14 =	sadd.s32 $0x60, s14;
	_ =	swait.ge [sflag:s26], $0x80  }
0xc4: {  	[sflag:s26] =	ssyncset.done $0x0  }
0xc5: {  	[sflag:s26] =	ssyncadd.s32 $0xFFFFFF80  }
0xc6: {  	_ =	swait.ge [sflag:s28], $0x80  }
0xc7: {  	[sflag:s28] =	ssyncset.done $0x0  }
0xc8: {  	s16 =	sadd.s32 s15, s20;
	[sflag:s28] =	ssyncadd.s32 $0xFFFFFF80  }
0xc9: {  	[tilespmem:s5], [sflag:$0x3] =	stream.linear.gather [hbm4b:s16+s5], $0x300, $0x38;
	[tilespmem:$0xDF0] =	vst v63  }
0xca: {  	_ =	swait.ge [sflag:s22], $0x300  }
0xcb: {  	[sflag:s22] =	ssyncset.done $0x0  }
0xcc: {  	s15 =	sadd.s32 s15, s19;
	[sflag:s22] =	ssyncadd.s32 $0xFFFFFD00  }
0xcd: {  	[tilespmem:s23], [sflag:$0x3] =	stream.linear.gather [hbm4b:s15+s5], $0x300, $0x38;
	[tilespmem:$0xDF0] =	vst v63  }
0xce: {  	_ =	swait.ge [sflag:s22], $0x300  }
0xcf: {  	[sflag:s22] =	ssyncset.done $0x0  }
0xd0: {  	[sflag:s22] =	ssyncadd.s32 $0xFFFFFD00  }
0xd1: {  	[spmem:s2] =	stream.indirect.scatter.add.f32 [tilespmem:s25], [sflag:$0x1], $0x1, s5, s24, $0xb8;
	[tilespmem:$0xDF0] =	vst v63  }
0xd2: {  	_ = 	snop  }
0xd3: {  	[spmem:s3] =	stream.indirect.scatter.add.f32 [tilespmem:s25], [sflag:$0x2], $0x1, s23, s24, $0xb8;
	[tilespmem:$0xDF0] =	vst v63  }
0xd4: {  	_ =	swait.ge [sflag:s26], $0x80  }
0xd5: {  	[sflag:s26] =	ssyncset.done $0x0  }
0xd6: {  	[sflag:s26] =	ssyncadd.s32 $0xFFFFFF80  }
0xd7: {  	_ =	swait.ge [sflag:s28], $0x80  }
0xd8: {  	[sflag:s28] =	ssyncset.done $0x0  }
0xd9: {  	[sflag:s28] =	ssyncadd.s32 $0xFFFFFF80  }
0xda: {  	[spmem:s2] =	stream.indirect.scatter.add.f32 [tilespmem:s25], [sflag:$0x1], $0x1, s24, s24, $0xb8;
	[tilespmem:$0xDF0] =	vst v63  }
0xdb: {  	_ = 	snop  }
0xdc: {  	[spmem:s3] =	stream.indirect.scatter.add.f32 [tilespmem:s25], [sflag:$0x2], $0x1, s29, s24, $0xb8;
	[tilespmem:$0xDF0] =	vst v63  }
0xdd: {  	_ =	swait.ge [sflag:s26], $0x80  }
0xde: {  	[sflag:s26] =	ssyncset.done $0x0  }
0xdf: {  	[sflag:s26] =	ssyncadd.s32 $0xFFFFFF80  }
0xe0: {  	_ =	swait.ge [sflag:s28], $0x80  }
0xe1: {  	[sflag:s28] =	ssyncset.done $0x0  }
0xe2: {  	[sflag:s28] =	ssyncadd.s32 $0xFFFFFF80  }
0xe3: {  	[spmem:s2] =	stream.indirect.scatter.add.f32 [tilespmem:s25], [sflag:$0x1], $0x1, s30, s24, $0xb8;
	[tilespmem:$0xDF0] =	vst v63  }
0xe4: {  	_ = 	snop  }
0xe5: {  	[spmem:s3] =	stream.indirect.scatter.add.f32 [tilespmem:s25], [sflag:$0x2], $0x1, s31, s24, $0xb8;
	[tilespmem:$0xDF0] =	vst v63  }
0xe6: {  	_ =	swait.ge [sflag:s26], $0x80  }
0xe7: {  	[sflag:s26] =	ssyncset.done $0x0  }
0xe8: {  	[sflag:s26] =	ssyncadd.s32 $0xFFFFFF80  }
0xe9: {  	_ =	swait.ge [sflag:s28], $0x80  }
0xea: {  	[sflag:s28] =	ssyncset.done $0x0  }
0xeb: {  	[sflag:s28] =	ssyncadd.s32 $0xFFFFFF80  }
0xec: {  	[spmem:s2] =	stream.indirect.scatter.add.f32 [tilespmem:s25], [sflag:$0x1], $0x1, s0, s24, $0xb8;
	[tilespmem:$0xDF0] =	vst v63  }
0xed: {  	_ = 	snop  }
0xee: {  	[spmem:s3] =	stream.indirect.scatter.add.f32 [tilespmem:s25], [sflag:$0x2], $0x1, s4, s24, $0xb8;
	[tilespmem:$0xDF0] =	vst v63  }
0xef: {  	_ =	swait.ge [sflag:s26], $0x80  }
0xf0: {  	[sflag:s26] =	ssyncset.done $0x0  }
0xf1: {  	[sflag:s26] =	ssyncadd.s32 $0xFFFFFF80  }
0xf2: {  	_ =	swait.ge [sflag:s28], $0x80  }
0xf3: {  	[sflag:s28] =	ssyncset.done $0x0  }
0xf4: {  	[sflag:s28] =	ssyncadd.s32 $0xFFFFFF80  }
0xf5: {  	[spmem:s2] =	stream.indirect.scatter.add.f32 [tilespmem:s25], [sflag:$0x1], $0x1, s10, s24, $0xb8;
	[tilespmem:$0xDF0] =	vst v63  }
0xf6: {  	_ = 	snop  }
0xf7: {  	[spmem:s3] =	stream.indirect.scatter.add.f32 [tilespmem:s25], [sflag:$0x2], $0x1, s11, s24, $0xb8;
	[tilespmem:$0xDF0] =	vst v63  }
0xf8: {  	_ =	swait.ge [sflag:s26], $0x80  }
0xf9: {  	[sflag:s26] =	ssyncset.done $0x0  }
.Ltmp2:
0xfa: {  	[sflag:s26] =	ssyncadd.s32 $0xFFFFFF80;
	(pc) =	sbr.rel @p2 .LBB2_2-.Ltmp2, $4  }
0xfb: {  	_ =	swait.ge [sflag:s28], $0x80  }
0xfc: {  	[sflag:s28] =	ssyncset.done $0x0  }
0xfd: {  	[sflag:s28] =	ssyncadd.s32 $0xFFFFFF80  }
0xfe: {  	[spmem:s2] =	stream.indirect.scatter.add.f32 [tilespmem:s25], [sflag:$0x1], $0x1, s1, s24, $0xb8;
	[tilespmem:$0xDF0] =	vst v63  }
0xff: {  	[spmem:s3] =	stream.indirect.scatter.add.f32 [tilespmem:s25], [sflag:$0x2], $0x1, s12, s24, $0xb8;
	[tilespmem:$0xDF0] =	vst v63  }
0x100: {  	_ =	swait.ge [sflag:s26], $0x80  }
.Ltmp3:
0x101: {  	[sflag:s26] =	ssyncset.done $0x0;
	(pc) =	sbr.rel @p1 .LBB2_5-.Ltmp3, $4  }
0x102: {  	[sflag:s26] =	ssyncadd.s32 $0xFFFFFF80  }
0x103: {  	_ =	swait.ge [sflag:s28], $0x80  }
0x104: {  	[sflag:s28] =	ssyncset.done $0x0  }
0x105: {  	[sflag:s28] =	ssyncadd.s32 $0xFFFFFF80  }
0x106: {  	s14 =	rddreg [dreg:$0x9]  }
0x107: {  	[tilespmem:s5], [sflag:$0x3] =	stream.linear.gather [hbm4b:s14+s5], $0x80, $0x38;
	[tilespmem:$0xDF0] =	vst v63  }
0x108: {  	_ =	swait.ge [sflag:s22], $0x80  }
0x109: {  	[sflag:s22] =	ssyncset.done $0x0  }
0x10a: {  	s16 =	rddreg [dreg:$0xa];
	[sflag:s22] =	ssyncadd.s32 $0xFFFFFF80  }
0x10b: {  	[tilespmem:s23], [sflag:$0x3] =	stream.linear.gather [hbm4b:s16+s5], $0x80, $0x38;
	[tilespmem:$0xDF0] =	vst v63  }
0x10c: {  	_ =	swait.ge [sflag:s22], $0x80  }
0x10d: {  	[sflag:s22] =	ssyncset.done $0x0  }
0x10e: {  	[sflag:s22] =	ssyncadd.s32 $0xFFFFFF80  }
0x10f: {  	[spmem:s2] =	stream.indirect.scatter.add.f32 [tilespmem:s25], [sflag:$0x3], $0x1, s5, s24, $0xb8;
	[tilespmem:$0xDF0] =	vst v63  }
0x110: {  	_ =	swait.ge [sflag:s22], $0x80  }
0x111: {  	[sflag:s22] =	ssyncset.done $0x0  }
0x112: {  	[sflag:s22] =	ssyncadd.s32 $0xFFFFFF80  }
0x113: {  	[spmem:s3] =	stream.indirect.scatter.add.f32 [tilespmem:s25], [sflag:$0x3], $0x1, s23, s24, $0xb8;
	[tilespmem:$0xDF0] =	vst v63  }
.Ltmp4:
0x114: {  	_ =	swait.ge [sflag:s22], $0x80;
	(pc) =	sbr.rel .LBB2_6-.Ltmp4, $3  }
0x115: {  	[sflag:s22] =	ssyncset.done $0x0  }
0x116: {  	[sflag:s22] =	ssyncadd.s32 $0xFFFFFF80  }
0x117: {  	[bflag:$0x0] =	sbarrier.arrive $0xFFFF;
	_ =	sdelay $0x1  }
.LBB2_5:
.Ltmp5:
0x118: {  	(pc) =	sbr.rel @p0 .LBB2_7-.Ltmp5, $2  }
0x119: {  	_ =	sdelay $0x1  }
0x11a: {  	[bflag:$0x0] =	sbarrier.arrive $0xFFFF;
	_ =	sdelay $0x1  }
.LBB2_6:
0x11b: {  	[tilespmem:s21], [sflag:$0x3] =	stream.linear.gather [spmem:s6], $0x270, $0x38;
	[tilespmem:$0xDF0] =	vst v63  }
0x11c: {  	_ =	swait.ge [sflag:s22], $0x270  }
0x11d: {  	[sflag:s22] =	ssyncset.done $0x0  }
0x11e: {  	s14 =	rddreg [dreg:$0xb];
	[sflag:s22] =	ssyncadd.s32 $0xFFFFFD90  }
0x11f: {  	[hbm4b:s14+s5] =	stream.linear.scatter [tilespmem:s21], [sflag:$0x3], $0x270, $0x38;
	[tilespmem:$0xDF0] =	vst v63  }
0x120: {  	_ =	swait.ge [sflag:s22], $0x270  }
0x121: {  	[sflag:s22] =	ssyncset.done $0x0  }
0x122: {  	[sflag:s22] =	ssyncadd.s32 $0xFFFFFD90  }
0x123: {  	[tilespmem:s21], [sflag:$0x3] =	stream.linear.gather [spmem:s7], $0x270, $0x38;
	[tilespmem:$0xDF0] =	vst v63  }
0x124: {  	_ =	swait.ge [sflag:s22], $0x270  }
0x125: {  	[sflag:s22] =	ssyncset.done $0x0  }
.Ltmp6:
0x126: {  	s16 =	rddreg [dreg:$0xc];
	[sflag:s22] =	ssyncadd.s32 $0xFFFFFD90;
	(pc) =	sbr.rel .LBB2_8-.Ltmp6, $4  }
0x127: {  	[hbm4b:s16+s5] =	stream.linear.scatter [tilespmem:s21], [sflag:$0x3], $0x270, $0x38;
	[tilespmem:$0xDF0] =	vst v63  }
0x128: {  	_ =	swait.ge [sflag:s22], $0x270  }
0x129: {  	[sflag:s22] =	ssyncset.done $0x0  }
0x12a: {  	[sflag:s22] =	ssyncadd.s32 $0xFFFFFD90  }
.LBB2_9:
0x12b: {  	_ =	sfence.sel $0x180000  }
0x12c: {  	[bflag:$0x0] =	sbarrier.arrive $0xFFFF  }
0x12d: {  	_ =	strace $0x90000047  }
0x12e: {  	s0 =	stileid.u32;
	[bflag:$0x2] =	sbarrier.arrive $0xFFFF  }
0x12f: {  	p0 =	sne.s32 s0, $0x0;
	s0 =	rddreg [dreg:$0x6]  }
0x130: {  	s0 =	sadd.s32 @!p0 $0x100000, s0  }
0x131: {  	[sflag:s0] =	ssyncadd.tile.s32 @!p0 $0x1;
	_ =	shalt  }
.Lfunc_end2:
_tile_overlayer_lowered:
.L_overlay_start_2:
0x132: {  	(tag) =	ssettag $0x2  }
0x133: {  	s0 =	rddreg [dreg:$0x0];
	s2 =	stileid.u32  }
0x134: {  	s1 =	rddreg [dreg:$0x1];
	p0 =	sne.s32 s2, $0x0  }
0x135: {  	s3 =	rddreg [dreg:$0x2];
	[bflag:$0x3] =	sbarrier.arrive $0xFFFF;
	s2 =	simm.s32 @!p0 $0x1C03  }
0x136: {  	[timem:s3], [sflag:s2] =	dma.local @!p0 [hbm:s0], s1  }
0x137: {  	s0 =	simm.s32 @!p0 $0x3  }
0x138: {  	_ =	swait.ge @!p0 [sflag:s0], s1  }
0x139: {  	s1 =	ssub.s32 @!p0 $0x0, s1;
	[sflag:s0] =	ssyncset.done @!p0 $0x0  }
0x13a: {  	[sflag:s0] =	ssyncadd.s32 @!p0 s1  }
0x13b: {  	[bflag:$0x3] =	sbarrier.arrive $0xFFFF  }
0x13c: {  	_ =	shalt  }

</sc_bundles>
